<compile_context>
chip_gen: v7x
topology: tpu7x:2x2x1
jax: 0.10.2.dev20260603
libtpu: 0.0.44.dev20260713+nightly
codegen_flags: <defaults>
</compile_context>

<pallas_src>
import functools

import jax
import jax.numpy as jnp
from jax import lax
from jax.experimental import pallas as pl
from jax.experimental.pallas import tpu as pltpu
from jax.experimental.pallas import tpu_sc as plsc

NC = 2
NS = 16
NW = NC * NS
CH = 80
RB = 80


def _sc_aggregate(support, e4, zblk, nbuf, out_d=None, n_rows=None,
                  src_scale=1):
    sup_rows, d = support.shape
    n_nodes = n_rows or sup_rows
    out_d = out_d or d
    cpw = e4.shape[2]
    NBUF = nbuf
    assert cpw > NBUF and n_nodes % RB == 0
    chunks_n = n_nodes // RB
    per_sub = -(-chunks_n // NS)

    mesh = plsc.VectorSubcoreMesh(core_axis_name="c", subcore_axis_name="s")

    @functools.partial(
        pl.kernel,
        out_type=jax.ShapeDtypeStruct((NC, n_nodes, out_d), jnp.float32),
        mesh=mesh,
        compiler_params=pltpu.CompilerParams(use_tc_tiling_on_sc=False),
        scratch_types=[
            pltpu.VMEM((cpw, CH), jnp.int32),
            pltpu.VMEM((cpw, CH), jnp.int32),
            pltpu.VMEM((NBUF, CH, d), jnp.float32),
            pltpu.VMEM_SHARED((n_nodes, d), jnp.float32),
            [pltpu.SemaphoreType.DMA] * NBUF,
            [pltpu.SemaphoreType.DMA] * NBUF,
            pltpu.SemaphoreType.DMA,
            pltpu.SemaphoreType.DMA,
        ],
    )
    def agg_kernel(support_hbm, e_hbm, zblk_hbm, out_hbm,
                   srcv, dstv, rows, acc_sh, gsems, ssems, isem, zsem):
        cid = lax.axis_index("c")
        sid = lax.axis_index("s")
        wid = sid * NC + cid

        pltpu.async_copy(e_hbm.at[0, wid], srcv, isem)
        pltpu.async_copy(e_hbm.at[1, wid], dstv, isem)

        @pl.loop(0, per_sub)
        def _(j):
            chunk = sid + j * NS

            @pl.when(chunk < chunks_n)
            def _():
                pltpu.async_copy(zblk_hbm, acc_sh.at[pl.ds(chunk * RB, RB)],
                                 zsem)

        pltpu.make_async_copy(e_hbm.at[0, wid], srcv, isem).wait()
        pltpu.make_async_copy(e_hbm.at[1, wid], dstv, isem).wait()

        def scale_src(c):
            if src_scale != 1:
                for i in range(CH // 16):
                    srcv[c, pl.ds(i * 16, 16)] = (
                        srcv[c, pl.ds(i * 16, 16)] * src_scale)

        def start_gather(c, b):
            pltpu.async_copy(support_hbm.at[srcv.at[c]], rows.at[b], gsems[b])

        def wait_gather(c, b):
            pltpu.make_async_copy(
                support_hbm.at[srcv.at[c]], rows.at[b], gsems[b]).wait()

        def start_scatter(c, b):
            pltpu.async_copy(rows.at[b], acc_sh.at[dstv.at[c]], ssems[b],
                             add=True)

        def wait_scatter(c, b):
            pltpu.make_async_copy(
                rows.at[b], acc_sh.at[dstv.at[c]], ssems[b]).wait()

        for b in range(NBUF):
            scale_src(b)
            start_gather(b, b)

        @pl.loop(0, per_sub)
        def _(j):
            chunk = sid + j * NS

            @pl.when(chunk < chunks_n)
            def _():
                pltpu.make_async_copy(
                    zblk_hbm, acc_sh.at[pl.ds(chunk * RB, RB)], zsem).wait()

        plsc.subcore_barrier()

        n_outer = -(-cpw // NBUF)

        @pl.loop(0, n_outer)
        def _(j):
            for b in range(NBUF):
                c = j * NBUF + b
                prev = (b - 1) % NBUF

                @pl.when(c < cpw)
                def _():
                    wait_gather(c, b)
                    start_scatter(c, b)
                    nxt = c + NBUF - 1

                    @pl.when((c >= 1) & (nxt < cpw))
                    def _():
                        wait_scatter(c - 1, prev)
                        scale_src(nxt)
                        start_gather(nxt, prev)

        for b in range(NBUF):
            c_last = ((cpw - 1 - b) // NBUF) * NBUF + b
            wait_scatter(c_last, b)

        plsc.subcore_barrier()

        def out_dst(chunk):
            if out_d == d:
                return out_hbm.at[cid, pl.ds(chunk * RB, RB)]
            return out_hbm.at[cid, pl.ds(chunk * RB, RB), pl.ds(0, d)]

        @pl.loop(0, per_sub)
        def _(j):
            chunk = sid + j * NS

            @pl.when(chunk < chunks_n)
            def _():
                pltpu.async_copy(acc_sh.at[pl.ds(chunk * RB, RB)],
                                 out_dst(chunk), zsem)

        @pl.loop(0, per_sub)
        def _(j):
            chunk = sid + j * NS

            @pl.when(chunk < chunks_n)
            def _():
                pltpu.make_async_copy(
                    acc_sh.at[pl.ds(chunk * RB, RB)],
                    out_dst(chunk), zsem).wait()

    return agg_kernel(support, e4, zblk)


_BM = 2000


def _tc_matmul(x, w):
    m, k = x.shape
    n = w.shape[1]

    def body(x_ref, w_ref, o_ref):
        o_ref[...] = jnp.dot(x_ref[...], w_ref[...],
                             preferred_element_type=jnp.float32)

    return pl.pallas_call(
        body,
        grid=(m // _BM,),
        in_specs=[pl.BlockSpec((_BM, k), lambda i: (i, 0)),
                  pl.BlockSpec((k, n), lambda i: (0, 0))],
        out_specs=pl.BlockSpec((_BM, n), lambda i: (i, 0)),
        out_shape=jax.ShapeDtypeStruct((m, n), jnp.float32),
    )(x, w)


def _tc_relu_matmul(p, b, w):
    m, k = p.shape[1:]
    n = w.shape[1]

    def body(p0_ref, p1_ref, b_ref, w_ref, o_ref):
        h = jnp.maximum(p0_ref[0] + p1_ref[0] + b_ref[...], 0.0)
        o_ref[:, :n] = jnp.dot(h, w_ref[...],
                               preferred_element_type=jnp.float32)

    return pl.pallas_call(
        body,
        grid=(m // _BM,),
        in_specs=[pl.BlockSpec((1, _BM, k), lambda i: (0, i, 0)),
                  pl.BlockSpec((1, _BM, k), lambda i: (1, i, 0)),
                  pl.BlockSpec((1, k), lambda i: (0, 0)),
                  pl.BlockSpec((k, n), lambda i: (0, 0))],
        out_specs=pl.BlockSpec((_BM, 2 * n), lambda i: (i, 0)),
        out_shape=jax.ShapeDtypeStruct((m, 2 * n), jnp.float32),
    )(p, p, b.reshape(1, k), w)


def _tc_log_softmax(p, b):
    m, dpad = p.shape[1:]
    n = b.shape[0]

    def body(p0_ref, p1_ref, b_ref, o_ref):
        z = p0_ref[0, :, :n] + p1_ref[0, :, :n] + b_ref[...]
        zs = z - jnp.max(z, axis=1, keepdims=True)
        o_ref[...] = zs - jnp.log(jnp.sum(jnp.exp(zs), axis=1, keepdims=True))

    return pl.pallas_call(
        body,
        grid=(m // _BM,),
        in_specs=[pl.BlockSpec((1, _BM, dpad), lambda i: (0, i, 0)),
                  pl.BlockSpec((1, _BM, dpad), lambda i: (1, i, 0)),
                  pl.BlockSpec((1, n), lambda i: (0, 0))],
        out_specs=pl.BlockSpec((_BM, n), lambda i: (i, 0)),
        out_shape=jax.ShapeDtypeStruct((m, n), jnp.float32),
    )(p, p, b.reshape(1, n))


def kernel(x, edge_index, W1, b1, W2, b2):
    n_nodes = x.shape[0]
    n_edges = edge_index.shape[1]
    cpw = n_edges // (NW * CH)
    assert cpw * NW * CH == n_edges
    e4 = edge_index.reshape(2, NW, cpw, CH)
    z1 = jnp.zeros((RB, W1.shape[1]), jnp.float32)
    z2 = jnp.zeros((RB, W2.shape[1]), jnp.float32)
    s1 = _tc_matmul(x, W1)
    p1 = _sc_aggregate(s1, e4, z1, 3)
    s2p = _tc_relu_matmul(p1, b1, W2)
    s2 = s2p.reshape(2 * n_nodes, W2.shape[1])
    p2 = _sc_aggregate(s2, e4, z2, 8, out_d=128,
                       n_rows=n_nodes, src_scale=2)
    return _tc_log_softmax(p2, b2)

# --- scband reference (transcript-rebuilt; emitter-appended) ---
"""Pipeline reference for scband-gcn-4483945857156 (READ-ONLY COPY).

The authoritative reference and input builder live on the scoring server;
editing this copy changes nothing except your own understanding.
"""

import jax, jax.numpy as jnp
import numpy as np

N_NODES = 10000
N_EDGES = 320000
D_IN = 128
D_HID = 128
D_CLASS = 64

def setup_inputs(seed: int = 0) -> dict:
    key = jax.random.key(seed)
    kx, ke, kw1, kb1, kw2, kb2 = jax.random.split(key, 6)
    x = jax.random.normal(kx, (N_NODES, D_IN), dtype=jnp.float32)
    edge_index = jax.random.randint(ke, (2, N_EDGES), 0, N_NODES, dtype=jnp.int32)
    # gcn_layer parameters (Glorot-style init)
    W1 = jax.random.normal(kw1, (D_IN, D_HID), dtype=jnp.float32) * (1.0 / np.sqrt(D_IN))
    b1 = jnp.zeros((D_HID,), dtype=jnp.float32)
    W2 = jax.random.normal(kw2, (D_HID, D_CLASS), dtype=jnp.float32) * (1.0 / np.sqrt(D_HID))
    b2 = jnp.zeros((D_CLASS,), dtype=jnp.float32)
    return {"x": x, "edge_index": edge_index, "W1": W1, "b1": b1, "W2": W2, "b2": b2}

def _gcn_layer(x, W, b, src, dst, n_nodes):
    # equivalent of: support = x @ W ; out = adj @ support + b
    support = x @ W
    msg = jnp.take(support, src, axis=0)           # gather along edges
    agg = jax.ops.segment_sum(msg, dst, num_segments=n_nodes)  # scatter-add
    return agg + b

def reference(x, edge_index, W1, b1, W2, b2):
    src = edge_index[0]
    dst = edge_index[1]
    h = jax.nn.relu(_gcn_layer(x, W1, b1, src, dst, N_NODES))
    # dropout is identity in eval mode
    h = _gcn_layer(h, W2, b2, src, dst, N_NODES)
    return jax.nn.log_softmax(h, axis=1)

if __name__ == "__main__":
    import jax
    _d = setup_inputs()
    print(jax.jit(kernel)(*tuple(_d.values())))

</pallas_src>

<mosaic_0001>
#map = affine_map<(d0, d1) -> (0, 0)>
#map1 = affine_map<(d0, d1) -> (0, 0, 0, 0)>
#map2 = affine_map<(d0, d1) -> (0, 0, 0)>
module attributes {stable_mosaic.version = 14 : i64} {
  func.func @agg_kernel(%arg0: i32, %arg1: i32, %arg2: memref<10000x128xf32, #tpu.memory_space<hbm>>, %arg3: memref<2x32x125x80xi32, #tpu.memory_space<hbm>>, %arg4: memref<80x128xf32, #tpu.memory_space<hbm>>, %arg5: memref<2x10000x128xf32, #tpu.memory_space<hbm>>, %arg6: memref<125x80xi32, #tpu.memory_space<vmem>>, %arg7: memref<125x80xi32, #tpu.memory_space<vmem>>, %arg8: memref<3x80x128xf32, #tpu.memory_space<vmem>>, %arg9: memref<10000x128xf32, #tpu.memory_space<vmem_shared>>, %arg10: memref<!tpu.dma_semaphore, #tpu.memory_space<semaphore_mem>>, %arg11: memref<!tpu.dma_semaphore, #tpu.memory_space<semaphore_mem>>, %arg12: memref<!tpu.dma_semaphore, #tpu.memory_space<semaphore_mem>>, %arg13: memref<!tpu.dma_semaphore, #tpu.memory_space<semaphore_mem>>, %arg14: memref<!tpu.dma_semaphore, #tpu.memory_space<semaphore_mem>>, %arg15: memref<!tpu.dma_semaphore, #tpu.memory_space<semaphore_mem>>, %arg16: memref<!tpu.dma_semaphore, #tpu.memory_space<semaphore_mem>>, %arg17: memref<!tpu.dma_semaphore, #tpu.memory_space<semaphore_mem>>) attributes {dimension_semantics = [#tpu.dimension_semantics<core_parallel>, #tpu.dimension_semantics<subcore_parallel>], iteration_bounds = array<i64: 2, 16>, scalar_prefetch = 0 : i64, scratch_operands = 12 : i64, tpu.core_type = #tpu.core_type<sc_vector_subcore>, window_params = [{transform_indices = #map}, {transform_indices = #map1}, {transform_indices = #map}, {transform_indices = #map2}]} {
    %mul3A = arith.constant 2 : i32
    %mul3A_0 = arith.muli %arg1, %mul3A : i32
    %add3A = arith.addi %mul3A_0, %arg0 : i32
    %dma_start3A = arith.constant 0 : i32
    %dma_start3A_1 = arith.constant 0 : i32
    %dma_start3A_2 = arith.constant 0 : i32
    %dma_start3A_3 = tpu.memref_slice %arg3[%dma_start3A, %add3A, %dma_start3A_1, %dma_start3A_2] : memref<2x32x125x80xi32, #tpu.memory_space<hbm>> -> memref<1x1x125x80xi32, #tpu.memory_space<hbm>>
    %dma_start3A_4 = tpu.memref_squeeze %dma_start3A_3 : memref<1x1x125x80xi32, #tpu.memory_space<hbm>> -> memref<125x80xi32, #tpu.memory_space<hbm>>
    %dma_start3A_5 = arith.constant 0 : i32
    %dma_start3A_6 = arith.constant 0 : i32
    %dma_start3A_7 = tpu.memref_slice %arg3[%dma_start3A, %add3A, %dma_start3A_5, %dma_start3A_6] : memref<2x32x125x80xi32, #tpu.memory_space<hbm>> -> memref<1x1x125x80xi32, #tpu.memory_space<hbm>>
    %dma_start3A_8 = tpu.memref_squeeze %dma_start3A_7 : memref<1x1x125x80xi32, #tpu.memory_space<hbm>> -> memref<125x80xi32, #tpu.memory_space<hbm>>
    tpu.enqueue_dma source(%dma_start3A_8 : memref<125x80xi32, #tpu.memory_space<hbm>>) target(%arg6 : memref<125x80xi32, #tpu.memory_space<vmem>>) target_semaphore(%arg16 : memref<!tpu.dma_semaphore, #tpu.memory_space<semaphore_mem>>)
    %dma_start3A_9 = arith.constant 1 : i32
    %dma_start3A_10 = arith.constant 0 : i32
    %dma_start3A_11 = arith.constant 0 : i32
    %dma_start3A_12 = tpu.memref_slice %arg3[%dma_start3A_9, %add3A, %dma_start3A_10, %dma_start3A_11] : memref<2x32x125x80xi32, #tpu.memory_space<hbm>> -> memref<1x1x125x80xi32, #tpu.memory_space<hbm>>
    %dma_start3A_13 = tpu.memref_squeeze %dma_start3A_12 : memref<1x1x125x80xi32, #tpu.memory_space<hbm>> -> memref<125x80xi32, #tpu.memory_space<hbm>>
    %dma_start3A_14 = arith.constant 0 : i32
    %dma_start3A_15 = arith.constant 0 : i32
    %dma_start3A_16 = tpu.memref_slice %arg3[%dma_start3A_9, %add3A, %dma_start3A_14, %dma_start3A_15] : memref<2x32x125x80xi32, #tpu.memory_space<hbm>> -> memref<1x1x125x80xi32, #tpu.memory_space<hbm>>
    %dma_start3A_17 = tpu.memref_squeeze %dma_start3A_16 : memref<1x1x125x80xi32, #tpu.memory_space<hbm>> -> memref<125x80xi32, #tpu.memory_space<hbm>>
    tpu.enqueue_dma source(%dma_start3A_17 : memref<125x80xi32, #tpu.memory_space<hbm>>) target(%arg7 : memref<125x80xi32, #tpu.memory_space<vmem>>) target_semaphore(%arg16 : memref<!tpu.dma_semaphore, #tpu.memory_space<semaphore_mem>>)
    %scan3A = arith.constant 0 : i32
    %scan3A_18 = arith.constant 8 : i32
    %scan3A_19 = arith.addi %scan3A, %scan3A_18 : i32
    %scan3A_20 = arith.constant 1 : i32
    scf.for %scan3A_132 = %scan3A to %scan3A_19 step %scan3A_20  : i32 {
      %mul3A_133 = arith.constant 1 : i32
      %mul3A_134 = arith.muli %scan3A_132, %mul3A_133 : i32
      %add3A_135 = arith.constant 0 : i32
      %add3A_136 = arith.addi %add3A_135, %mul3A_134 : i32
      %mul3A_137 = arith.constant 16 : i32
      %mul3A_138 = arith.muli %add3A_136, %mul3A_137 : i32
      %add3A_139 = arith.addi %arg1, %mul3A_138 : i32
      %lt3A = arith.constant 125 : i32
      %lt3A_140 = arith.cmpi slt, %add3A_139, %lt3A : i32
      %convert_element_type3A = arith.extui %lt3A_140 : i1 to i32
      %cond3A = arith.constant 0 : i32
      %cond3A_141 = arith.cmpi ne, %convert_element_type3A, %cond3A : i32
      scf.if %cond3A_141 {
        %mul3A_142 = arith.constant 80 : i32
        %mul3A_143 = arith.muli %add3A_139, %mul3A_142 : i32
        %dma_start3A_144 = arith.constant 0 : i32
        %dma_start3A_145 = tpu.memref_slice %arg9[%mul3A_143, %dma_start3A_144] : memref<10000x128xf32, #tpu.memory_space<vmem_shared>> -> memref<80x128xf32, #tpu.memory_space<vmem_shared>>
        tpu.enqueue_dma source(%arg4 : memref<80x128xf32, #tpu.memory_space<hbm>>) target(%dma_start3A_145 : memref<80x128xf32, #tpu.memory_space<vmem_shared>>) target_semaphore(%arg17 : memref<!tpu.dma_semaphore, #tpu.memory_space<semaphore_mem>>)
      } else {
      }
    }
    %scan3A_21 = arith.constant 8 : i32
    %dma_wait3A = arith.constant 0 : i32
    %dma_wait3A_22 = arith.constant 0 : i32
    %dma_wait3A_23 = arith.constant 0 : i32
    %dma_wait3A_24 = tpu.memref_slice %arg3[%dma_wait3A, %add3A, %dma_wait3A_22, %dma_wait3A_23] : memref<2x32x125x80xi32, #tpu.memory_space<hbm>> -> memref<1x1x125x80xi32, #tpu.memory_space<hbm>>
    %dma_wait3A_25 = tpu.memref_squeeze %dma_wait3A_24 : memref<1x1x125x80xi32, #tpu.memory_space<hbm>> -> memref<125x80xi32, #tpu.memory_space<hbm>>
    %dma_wait3A_26 = arith.constant 0 : i32
    %dma_wait3A_27 = arith.constant 0 : i32
    %dma_wait3A_28 = tpu.memref_slice %arg3[%dma_wait3A, %add3A, %dma_wait3A_26, %dma_wait3A_27] : memref<2x32x125x80xi32, #tpu.memory_space<hbm>> -> memref<1x1x125x80xi32, #tpu.memory_space<hbm>>
    %dma_wait3A_29 = tpu.memref_squeeze %dma_wait3A_28 : memref<1x1x125x80xi32, #tpu.memory_space<hbm>> -> memref<125x80xi32, #tpu.memory_space<hbm>>
    tpu.wait_dma2 semaphore(%arg16 : memref<!tpu.dma_semaphore, #tpu.memory_space<semaphore_mem>>) src(%dma_wait3A_29 : memref<125x80xi32, #tpu.memory_space<hbm>>) dst(%arg6 : memref<125x80xi32, #tpu.memory_space<vmem>>)
    %dma_wait3A_30 = arith.constant 1 : i32
    %dma_wait3A_31 = arith.constant 0 : i32
    %dma_wait3A_32 = arith.constant 0 : i32
    %dma_wait3A_33 = tpu.memref_slice %arg3[%dma_wait3A_30, %add3A, %dma_wait3A_31, %dma_wait3A_32] : memref<2x32x125x80xi32, #tpu.memory_space<hbm>> -> memref<1x1x125x80xi32, #tpu.memory_space<hbm>>
    %dma_wait3A_34 = tpu.memref_squeeze %dma_wait3A_33 : memref<1x1x125x80xi32, #tpu.memory_space<hbm>> -> memref<125x80xi32, #tpu.memory_space<hbm>>
    %dma_wait3A_35 = arith.constant 0 : i32
    %dma_wait3A_36 = arith.constant 0 : i32
    %dma_wait3A_37 = tpu.memref_slice %arg3[%dma_wait3A_30, %add3A, %dma_wait3A_35, %dma_wait3A_36] : memref<2x32x125x80xi32, #tpu.memory_space<hbm>> -> memref<1x1x125x80xi32, #tpu.memory_space<hbm>>
    %dma_wait3A_38 = tpu.memref_squeeze %dma_wait3A_37 : memref<1x1x125x80xi32, #tpu.memory_space<hbm>> -> memref<125x80xi32, #tpu.memory_space<hbm>>
    tpu.wait_dma2 semaphore(%arg16 : memref<!tpu.dma_semaphore, #tpu.memory_space<semaphore_mem>>) src(%dma_wait3A_38 : memref<125x80xi32, #tpu.memory_space<hbm>>) dst(%arg7 : memref<125x80xi32, #tpu.memory_space<vmem>>)
    %dma_start3A_39 = arith.constant 0 : i32
    %dma_start3A_40 = arith.constant 0 : i32
    %dma_start3A_41 = arith.constant 0 : i32
    %dma_start3A_42 = arith.constant 0 : i32
    %dma_start3A_43 = tpu.memref_slice %arg8[%dma_start3A_40, %dma_start3A_41, %dma_start3A_42] : memref<3x80x128xf32, #tpu.memory_space<vmem>> -> memref<1x80x128xf32, #tpu.memory_space<vmem>>
    %dma_start3A_44 = tpu.memref_squeeze %dma_start3A_43 : memref<1x80x128xf32, #tpu.memory_space<vmem>> -> memref<80x128xf32, #tpu.memory_space<vmem>>
    %dma_start3A_45 = arith.constant 0 : i32
    %dma_start3A_46 = tpu.memref_slice %arg6[%dma_start3A_39, %dma_start3A_45] : memref<125x80xi32, #tpu.memory_space<vmem>> -> memref<1x80xi32, #tpu.memory_space<vmem>>
    %dma_start3A_47 = tpu.memref_squeeze %dma_start3A_46 : memref<1x80xi32, #tpu.memory_space<vmem>> -> memref<80xi32, #tpu.memory_space<vmem>>
    %dma_start3A_48 = arith.constant 0 : i32
    %dma_start3A_49 = arith.constant 0 : i32
    %dma_start3A_50 = tpu.memref_slice %arg2[%dma_start3A_48, %dma_start3A_49] : memref<10000x128xf32, #tpu.memory_space<hbm>> -> memref<10000x128xf32, #tpu.memory_space<hbm>>
    tpu.enqueue_indirect_dma source(%dma_start3A_50 : memref<10000x128xf32, #tpu.memory_space<hbm>>) target(%dma_start3A_44 : memref<80x128xf32, #tpu.memory_space<vmem>>) offsets(%dma_start3A_47 : memref<80xi32, #tpu.memory_space<vmem>>) semaphore(%arg10 : memref<!tpu.dma_semaphore, #tpu.memory_space<semaphore_mem>>)
    %dma_start3A_51 = arith.constant 1 : i32
    %dma_start3A_52 = arith.constant 1 : i32
    %dma_start3A_53 = arith.constant 0 : i32
    %dma_start3A_54 = arith.constant 0 : i32
    %dma_start3A_55 = tpu.memref_slice %arg8[%dma_start3A_52, %dma_start3A_53, %dma_start3A_54] : memref<3x80x128xf32, #tpu.memory_space<vmem>> -> memref<1x80x128xf32, #tpu.memory_space<vmem>>
    %dma_start3A_56 = tpu.memref_squeeze %dma_start3A_55 : memref<1x80x128xf32, #tpu.memory_space<vmem>> -> memref<80x128xf32, #tpu.memory_space<vmem>>
    %dma_start3A_57 = arith.constant 0 : i32
    %dma_start3A_58 = tpu.memref_slice %arg6[%dma_start3A_51, %dma_start3A_57] : memref<125x80xi32, #tpu.memory_space<vmem>> -> memref<1x80xi32, #tpu.memory_space<vmem>>
    %dma_start3A_59 = tpu.memref_squeeze %dma_start3A_58 : memref<1x80xi32, #tpu.memory_space<vmem>> -> memref<80xi32, #tpu.memory_space<vmem>>
    %dma_start3A_60 = arith.constant 0 : i32
    %dma_start3A_61 = arith.constant 0 : i32
    %dma_start3A_62 = tpu.memref_slice %arg2[%dma_start3A_60, %dma_start3A_61] : memref<10000x128xf32, #tpu.memory_space<hbm>> -> memref<10000x128xf32, #tpu.memory_space<hbm>>
    tpu.enqueue_indirect_dma source(%dma_start3A_62 : memref<10000x128xf32, #tpu.memory_space<hbm>>) target(%dma_start3A_56 : memref<80x128xf32, #tpu.memory_space<vmem>>) offsets(%dma_start3A_59 : memref<80xi32, #tpu.memory_space<vmem>>) semaphore(%arg11 : memref<!tpu.dma_semaphore, #tpu.memory_space<semaphore_mem>>)
    %dma_start3A_63 = arith.constant 2 : i32
    %dma_start3A_64 = arith.constant 2 : i32
    %dma_start3A_65 = arith.constant 0 : i32
    %dma_start3A_66 = arith.constant 0 : i32
    %dma_start3A_67 = tpu.memref_slice %arg8[%dma_start3A_64, %dma_start3A_65, %dma_start3A_66] : memref<3x80x128xf32, #tpu.memory_space<vmem>> -> memref<1x80x128xf32, #tpu.memory_space<vmem>>
    %dma_start3A_68 = tpu.memref_squeeze %dma_start3A_67 : memref<1x80x128xf32, #tpu.memory_space<vmem>> -> memref<80x128xf32, #tpu.memory_space<vmem>>
    %dma_start3A_69 = arith.constant 0 : i32
    %dma_start3A_70 = tpu.memref_slice %arg6[%dma_start3A_63, %dma_start3A_69] : memref<125x80xi32, #tpu.memory_space<vmem>> -> memref<1x80xi32, #tpu.memory_space<vmem>>
    %dma_start3A_71 = tpu.memref_squeeze %dma_start3A_70 : memref<1x80xi32, #tpu.memory_space<vmem>> -> memref<80xi32, #tpu.memory_space<vmem>>
    %dma_start3A_72 = arith.constant 0 : i32
    %dma_start3A_73 = arith.constant 0 : i32
    %dma_start3A_74 = tpu.memref_slice %arg2[%dma_start3A_72, %dma_start3A_73] : memref<10000x128xf32, #tpu.memory_space<hbm>> -> memref<10000x128xf32, #tpu.memory_space<hbm>>
    tpu.enqueue_indirect_dma source(%dma_start3A_74 : memref<10000x128xf32, #tpu.memory_space<hbm>>) target(%dma_start3A_68 : memref<80x128xf32, #tpu.memory_space<vmem>>) offsets(%dma_start3A_71 : memref<80xi32, #tpu.memory_space<vmem>>) semaphore(%arg12 : memref<!tpu.dma_semaphore, #tpu.memory_space<semaphore_mem>>)
    %scan3A_75 = arith.constant 0 : i32
    %scan3A_76 = arith.constant 8 : i32
    %scan3A_77 = arith.addi %scan3A_75, %scan3A_76 : i32
    %scan3A_78 = arith.constant 1 : i32
    scf.for %scan3A_132 = %scan3A_75 to %scan3A_77 step %scan3A_78  : i32 {
      %mul3A_133 = arith.constant 1 : i32
      %mul3A_134 = arith.muli %scan3A_132, %mul3A_133 : i32
      %add3A_135 = arith.constant 0 : i32
      %add3A_136 = arith.addi %add3A_135, %mul3A_134 : i32
      %mul3A_137 = arith.constant 16 : i32
      %mul3A_138 = arith.muli %add3A_136, %mul3A_137 : i32
      %add3A_139 = arith.addi %arg1, %mul3A_138 : i32
      %lt3A = arith.constant 125 : i32
      %lt3A_140 = arith.cmpi slt, %add3A_139, %lt3A : i32
      %convert_element_type3A = arith.extui %lt3A_140 : i1 to i32
      %cond3A = arith.constant 0 : i32
      %cond3A_141 = arith.cmpi ne, %convert_element_type3A, %cond3A : i32
      scf.if %cond3A_141 {
        %mul3A_142 = arith.constant 80 : i32
        %mul3A_143 = arith.muli %add3A_139, %mul3A_142 : i32
        %dma_wait3A_144 = arith.constant 0 : i32
        %dma_wait3A_145 = tpu.memref_slice %arg9[%mul3A_143, %dma_wait3A_144] : memref<10000x128xf32, #tpu.memory_space<vmem_shared>> -> memref<80x128xf32, #tpu.memory_space<vmem_shared>>
        tpu.wait_dma2 semaphore(%arg17 : memref<!tpu.dma_semaphore, #tpu.memory_space<semaphore_mem>>) src(%arg4 : memref<80x128xf32, #tpu.memory_space<hbm>>) dst(%dma_wait3A_145 : memref<80x128xf32, #tpu.memory_space<vmem_shared>>)
      } else {
      }
    }
    %scan3A_79 = arith.constant 8 : i32
    %barrier3A = arith.constant 0 : index
    tpu.barrier barrier_id(%barrier3A)
    %scan3A_80 = arith.constant 0 : i32
    %scan3A_81 = arith.constant 42 : i32
    %scan3A_82 = arith.addi %scan3A_80, %scan3A_81 : i32
    %scan3A_83 = arith.constant 1 : i32
    scf.for %scan3A_132 = %scan3A_80 to %scan3A_82 step %scan3A_83  : i32 {
      %mul3A_133 = arith.constant 1 : i32
      %mul3A_134 = arith.muli %scan3A_132, %mul3A_133 : i32
      %add3A_135 = arith.constant 0 : i32
      %add3A_136 = arith.addi %add3A_135, %mul3A_134 : i32
      %mul3A_137 = arith.constant 3 : i32
      %mul3A_138 = arith.muli %add3A_136, %mul3A_137 : i32
      %add3A_139 = arith.constant 0 : i32
      %add3A_140 = arith.addi %mul3A_138, %add3A_139 : i32
      %lt3A = arith.constant 125 : i32
      %lt3A_141 = arith.cmpi slt, %add3A_140, %lt3A : i32
      %convert_element_type3A = arith.extui %lt3A_141 : i1 to i32
      %cond3A = arith.constant 0 : i32
      %cond3A_142 = arith.cmpi ne, %convert_element_type3A, %cond3A : i32
      scf.if %cond3A_142 {
        %dma_wait3A_161 = arith.constant 0 : i32
        %dma_wait3A_162 = arith.constant 0 : i32
        %dma_wait3A_163 = arith.constant 0 : i32
        %dma_wait3A_164 = tpu.memref_slice %arg8[%dma_wait3A_161, %dma_wait3A_162, %dma_wait3A_163] : memref<3x80x128xf32, #tpu.memory_space<vmem>> -> memref<1x80x128xf32, #tpu.memory_space<vmem>>
        %dma_wait3A_165 = tpu.memref_squeeze %dma_wait3A_164 : memref<1x80x128xf32, #tpu.memory_space<vmem>> -> memref<80x128xf32, #tpu.memory_space<vmem>>
        %dma_wait3A_166 = arith.constant 0 : i32
        %dma_wait3A_167 = tpu.memref_slice %arg6[%add3A_140, %dma_wait3A_166] : memref<125x80xi32, #tpu.memory_space<vmem>> -> memref<1x80xi32, #tpu.memory_space<vmem>>
        %dma_wait3A_168 = tpu.memref_squeeze %dma_wait3A_167 : memref<1x80xi32, #tpu.memory_space<vmem>> -> memref<80xi32, #tpu.memory_space<vmem>>
        %dma_wait3A_169 = arith.constant 0 : i32
        %dma_wait3A_170 = arith.constant 0 : i32
        %dma_wait3A_171 = tpu.memref_slice %arg2[%dma_wait3A_169, %dma_wait3A_170] : memref<10000x128xf32, #tpu.memory_space<hbm>> -> memref<10000x128xf32, #tpu.memory_space<hbm>>
        tpu.wait_indirect_dma semaphore(%arg10 : memref<!tpu.dma_semaphore, #tpu.memory_space<semaphore_mem>>) src(%dma_wait3A_171 : memref<10000x128xf32, #tpu.memory_space<hbm>>) dst(%dma_wait3A_165 : memref<80x128xf32, #tpu.memory_space<vmem>>)
        %dma_start3A_172 = arith.constant 0 : i32
        %dma_start3A_173 = arith.constant 0 : i32
        %dma_start3A_174 = arith.constant 0 : i32
        %dma_start3A_175 = tpu.memref_slice %arg8[%dma_start3A_172, %dma_start3A_173, %dma_start3A_174] : memref<3x80x128xf32, #tpu.memory_space<vmem>> -> memref<1x80x128xf32, #tpu.memory_space<vmem>>
        %dma_start3A_176 = tpu.memref_squeeze %dma_start3A_175 : memref<1x80x128xf32, #tpu.memory_space<vmem>> -> memref<80x128xf32, #tpu.memory_space<vmem>>
        %dma_start3A_177 = arith.constant 0 : i32
        %dma_start3A_178 = tpu.memref_slice %arg7[%add3A_140, %dma_start3A_177] : memref<125x80xi32, #tpu.memory_space<vmem>> -> memref<1x80xi32, #tpu.memory_space<vmem>>
        %dma_start3A_179 = tpu.memref_squeeze %dma_start3A_178 : memref<1x80xi32, #tpu.memory_space<vmem>> -> memref<80xi32, #tpu.memory_space<vmem>>
        %dma_start3A_180 = arith.constant 0 : i32
        %dma_start3A_181 = arith.constant 0 : i32
        %dma_start3A_182 = tpu.memref_slice %arg9[%dma_start3A_180, %dma_start3A_181] : memref<10000x128xf32, #tpu.memory_space<vmem_shared>> -> memref<10000x128xf32, #tpu.memory_space<vmem_shared>>
        tpu.enqueue_indirect_dma source(%dma_start3A_176 : memref<80x128xf32, #tpu.memory_space<vmem>>) target(%dma_start3A_182 : memref<10000x128xf32, #tpu.memory_space<vmem_shared>>) offsets(%dma_start3A_179 : memref<80xi32, #tpu.memory_space<vmem>>) semaphore(%arg13 : memref<!tpu.dma_semaphore, #tpu.memory_space<semaphore_mem>>) {add = true}
        %add3A_183 = arith.constant 3 : i32
        %add3A_184 = arith.addi %add3A_140, %add3A_183 : i32
        %sub3A = arith.constant 1 : i32
        %sub3A_185 = arith.subi %add3A_184, %sub3A : i32
        %ge3A = arith.constant 1 : i32
        %ge3A_186 = arith.cmpi sge, %add3A_140, %ge3A : i32
        %lt3A_187 = arith.constant 125 : i32
        %lt3A_188 = arith.cmpi slt, %sub3A_185, %lt3A_187 : i32
        %and3A = arith.andi %ge3A_186, %lt3A_188 : i1
        %convert_element_type3A_189 = arith.extui %and3A : i1 to i32
        %cond3A_190 = arith.constant 0 : i32
        %cond3A_191 = arith.cmpi ne, %convert_element_type3A_189, %cond3A_190 : i32
        scf.if %cond3A_191 {
          %sub3A_192 = arith.constant 1 : i32
          %sub3A_193 = arith.subi %add3A_140, %sub3A_192 : i32
          %dma_wait3A_194 = arith.constant 2 : i32
          %dma_wait3A_195 = arith.constant 0 : i32
          %dma_wait3A_196 = arith.constant 0 : i32
          %dma_wait3A_197 = tpu.memref_slice %arg8[%dma_wait3A_194, %dma_wait3A_195, %dma_wait3A_196] : memref<3x80x128xf32, #tpu.memory_space<vmem>> -> memref<1x80x128xf32, #tpu.memory_space<vmem>>
          %dma_wait3A_198 = tpu.memref_squeeze %dma_wait3A_197 : memref<1x80x128xf32, #tpu.memory_space<vmem>> -> memref<80x128xf32, #tpu.memory_space<vmem>>
          %dma_wait3A_199 = arith.constant 0 : i32
          %dma_wait3A_200 = tpu.memref_slice %arg7[%sub3A_193, %dma_wait3A_199] : memref<125x80xi32, #tpu.memory_space<vmem>> -> memref<1x80xi32, #tpu.memory_space<vmem>>
          %dma_wait3A_201 = tpu.memref_squeeze %dma_wait3A_200 : memref<1x80xi32, #tpu.memory_space<vmem>> -> memref<80xi32, #tpu.memory_space<vmem>>
          %dma_wait3A_202 = arith.constant 0 : i32
          %dma_wait3A_203 = arith.constant 0 : i32
          %dma_wait3A_204 = tpu.memref_slice %arg9[%dma_wait3A_202, %dma_wait3A_203] : memref<10000x128xf32, #tpu.memory_space<vmem_shared>> -> memref<10000x128xf32, #tpu.memory_space<vmem_shared>>
          tpu.wait_indirect_dma semaphore(%arg15 : memref<!tpu.dma_semaphore, #tpu.memory_space<semaphore_mem>>) src(%dma_wait3A_198 : memref<80x128xf32, #tpu.memory_space<vmem>>) dst(%dma_wait3A_204 : memref<10000x128xf32, #tpu.memory_space<vmem_shared>>)
          %dma_start3A_205 = arith.constant 2 : i32
          %dma_start3A_206 = arith.constant 0 : i32
          %dma_start3A_207 = arith.constant 0 : i32
          %dma_start3A_208 = tpu.memref_slice %arg8[%dma_start3A_205, %dma_start3A_206, %dma_start3A_207] : memref<3x80x128xf32, #tpu.memory_space<vmem>> -> memref<1x80x128xf32, #tpu.memory_space<vmem>>
          %dma_start3A_209 = tpu.memref_squeeze %dma_start3A_208 : memref<1x80x128xf32, #tpu.memory_space<vmem>> -> memref<80x128xf32, #tpu.memory_space<vmem>>
          %dma_start3A_210 = arith.constant 0 : i32
          %dma_start3A_211 = tpu.memref_slice %arg6[%sub3A_185, %dma_start3A_210] : memref<125x80xi32, #tpu.memory_space<vmem>> -> memref<1x80xi32, #tpu.memory_space<vmem>>
          %dma_start3A_212 = tpu.memref_squeeze %dma_start3A_211 : memref<1x80xi32, #tpu.memory_space<vmem>> -> memref<80xi32, #tpu.memory_space<vmem>>
          %dma_start3A_213 = arith.constant 0 : i32
          %dma_start3A_214 = arith.constant 0 : i32
          %dma_start3A_215 = tpu.memref_slice %arg2[%dma_start3A_213, %dma_start3A_214] : memref<10000x128xf32, #tpu.memory_space<hbm>> -> memref<10000x128xf32, #tpu.memory_space<hbm>>
          tpu.enqueue_indirect_dma source(%dma_start3A_215 : memref<10000x128xf32, #tpu.memory_space<hbm>>) target(%dma_start3A_209 : memref<80x128xf32, #tpu.memory_space<vmem>>) offsets(%dma_start3A_212 : memref<80xi32, #tpu.memory_space<vmem>>) semaphore(%arg12 : memref<!tpu.dma_semaphore, #tpu.memory_space<semaphore_mem>>)
        } else {
        }
      } else {
      }
      %mul3A_143 = arith.constant 3 : i32
      %mul3A_144 = arith.muli %add3A_136, %mul3A_143 : i32
      %add3A_145 = arith.constant 1 : i32
      %add3A_146 = arith.addi %mul3A_144, %add3A_145 : i32
      %lt3A_147 = arith.constant 125 : i32
      %lt3A_148 = arith.cmpi slt, %add3A_146, %lt3A_147 : i32
      %convert_element_type3A_149 = arith.extui %lt3A_148 : i1 to i32
      %cond3A_150 = arith.constant 0 : i32
      %cond3A_151 = arith.cmpi ne, %convert_element_type3A_149, %cond3A_150 : i32
      scf.if %cond3A_151 {
        %dma_wait3A_161 = arith.constant 1 : i32
        %dma_wait3A_162 = arith.constant 0 : i32
        %dma_wait3A_163 = arith.constant 0 : i32
        %dma_wait3A_164 = tpu.memref_slice %arg8[%dma_wait3A_161, %dma_wait3A_162, %dma_wait3A_163] : memref<3x80x128xf32, #tpu.memory_space<vmem>> -> memref<1x80x128xf32, #tpu.memory_space<vmem>>
        %dma_wait3A_165 = tpu.memref_squeeze %dma_wait3A_164 : memref<1x80x128xf32, #tpu.memory_space<vmem>> -> memref<80x128xf32, #tpu.memory_space<vmem>>
        %dma_wait3A_166 = arith.constant 0 : i32
        %dma_wait3A_167 = tpu.memref_slice %arg6[%add3A_146, %dma_wait3A_166] : memref<125x80xi32, #tpu.memory_space<vmem>> -> memref<1x80xi32, #tpu.memory_space<vmem>>
        %dma_wait3A_168 = tpu.memref_squeeze %dma_wait3A_167 : memref<1x80xi32, #tpu.memory_space<vmem>> -> memref<80xi32, #tpu.memory_space<vmem>>
        %dma_wait3A_169 = arith.constant 0 : i32
        %dma_wait3A_170 = arith.constant 0 : i32
        %dma_wait3A_171 = tpu.memref_slice %arg2[%dma_wait3A_169, %dma_wait3A_170] : memref<10000x128xf32, #tpu.memory_space<hbm>> -> memref<10000x128xf32, #tpu.memory_space<hbm>>
        tpu.wait_indirect_dma semaphore(%arg11 : memref<!tpu.dma_semaphore, #tpu.memory_space<semaphore_mem>>) src(%dma_wait3A_171 : memref<10000x128xf32, #tpu.memory_space<hbm>>) dst(%dma_wait3A_165 : memref<80x128xf32, #tpu.memory_space<vmem>>)
        %dma_start3A_172 = arith.constant 1 : i32
        %dma_start3A_173 = arith.constant 0 : i32
        %dma_start3A_174 = arith.constant 0 : i32
        %dma_start3A_175 = tpu.memref_slice %arg8[%dma_start3A_172, %dma_start3A_173, %dma_start3A_174] : memref<3x80x128xf32, #tpu.memory_space<vmem>> -> memref<1x80x128xf32, #tpu.memory_space<vmem>>
        %dma_start3A_176 = tpu.memref_squeeze %dma_start3A_175 : memref<1x80x128xf32, #tpu.memory_space<vmem>> -> memref<80x128xf32, #tpu.memory_space<vmem>>
        %dma_start3A_177 = arith.constant 0 : i32
        %dma_start3A_178 = tpu.memref_slice %arg7[%add3A_146, %dma_start3A_177] : memref<125x80xi32, #tpu.memory_space<vmem>> -> memref<1x80xi32, #tpu.memory_space<vmem>>
        %dma_start3A_179 = tpu.memref_squeeze %dma_start3A_178 : memref<1x80xi32, #tpu.memory_space<vmem>> -> memref<80xi32, #tpu.memory_space<vmem>>
        %dma_start3A_180 = arith.constant 0 : i32
        %dma_start3A_181 = arith.constant 0 : i32
        %dma_start3A_182 = tpu.memref_slice %arg9[%dma_start3A_180, %dma_start3A_181] : memref<10000x128xf32, #tpu.memory_space<vmem_shared>> -> memref<10000x128xf32, #tpu.memory_space<vmem_shared>>
        tpu.enqueue_indirect_dma source(%dma_start3A_176 : memref<80x128xf32, #tpu.memory_space<vmem>>) target(%dma_start3A_182 : memref<10000x128xf32, #tpu.memory_space<vmem_shared>>) offsets(%dma_start3A_179 : memref<80xi32, #tpu.memory_space<vmem>>) semaphore(%arg14 : memref<!tpu.dma_semaphore, #tpu.memory_space<semaphore_mem>>) {add = true}
        %add3A_183 = arith.constant 3 : i32
        %add3A_184 = arith.addi %add3A_146, %add3A_183 : i32
        %sub3A = arith.constant 1 : i32
        %sub3A_185 = arith.subi %add3A_184, %sub3A : i32
        %ge3A = arith.constant 1 : i32
        %ge3A_186 = arith.cmpi sge, %add3A_146, %ge3A : i32
        %lt3A_187 = arith.constant 125 : i32
        %lt3A_188 = arith.cmpi slt, %sub3A_185, %lt3A_187 : i32
        %and3A = arith.andi %ge3A_186, %lt3A_188 : i1
        %convert_element_type3A_189 = arith.extui %and3A : i1 to i32
        %cond3A_190 = arith.constant 0 : i32
        %cond3A_191 = arith.cmpi ne, %convert_element_type3A_189, %cond3A_190 : i32
        scf.if %cond3A_191 {
          %sub3A_192 = arith.constant 1 : i32
          %sub3A_193 = arith.subi %add3A_146, %sub3A_192 : i32
          %dma_wait3A_194 = arith.constant 0 : i32
          %dma_wait3A_195 = arith.constant 0 : i32
          %dma_wait3A_196 = arith.constant 0 : i32
          %dma_wait3A_197 = tpu.memref_slice %arg8[%dma_wait3A_194, %dma_wait3A_195, %dma_wait3A_196] : memref<3x80x128xf32, #tpu.memory_space<vmem>> -> memref<1x80x128xf32, #tpu.memory_space<vmem>>
          %dma_wait3A_198 = tpu.memref_squeeze %dma_wait3A_197 : memref<1x80x128xf32, #tpu.memory_space<vmem>> -> memref<80x128xf32, #tpu.memory_space<vmem>>
          %dma_wait3A_199 = arith.constant 0 : i32
          %dma_wait3A_200 = tpu.memref_slice %arg7[%sub3A_193, %dma_wait3A_199] : memref<125x80xi32, #tpu.memory_space<vmem>> -> memref<1x80xi32, #tpu.memory_space<vmem>>
          %dma_wait3A_201 = tpu.memref_squeeze %dma_wait3A_200 : memref<1x80xi32, #tpu.memory_space<vmem>> -> memref<80xi32, #tpu.memory_space<vmem>>
          %dma_wait3A_202 = arith.constant 0 : i32
          %dma_wait3A_203 = arith.constant 0 : i32
          %dma_wait3A_204 = tpu.memref_slice %arg9[%dma_wait3A_202, %dma_wait3A_203] : memref<10000x128xf32, #tpu.memory_space<vmem_shared>> -> memref<10000x128xf32, #tpu.memory_space<vmem_shared>>
          tpu.wait_indirect_dma semaphore(%arg13 : memref<!tpu.dma_semaphore, #tpu.memory_space<semaphore_mem>>) src(%dma_wait3A_198 : memref<80x128xf32, #tpu.memory_space<vmem>>) dst(%dma_wait3A_204 : memref<10000x128xf32, #tpu.memory_space<vmem_shared>>)
          %dma_start3A_205 = arith.constant 0 : i32
          %dma_start3A_206 = arith.constant 0 : i32
          %dma_start3A_207 = arith.constant 0 : i32
          %dma_start3A_208 = tpu.memref_slice %arg8[%dma_start3A_205, %dma_start3A_206, %dma_start3A_207] : memref<3x80x128xf32, #tpu.memory_space<vmem>> -> memref<1x80x128xf32, #tpu.memory_space<vmem>>
          %dma_start3A_209 = tpu.memref_squeeze %dma_start3A_208 : memref<1x80x128xf32, #tpu.memory_space<vmem>> -> memref<80x128xf32, #tpu.memory_space<vmem>>
          %dma_start3A_210 = arith.constant 0 : i32
          %dma_start3A_211 = tpu.memref_slice %arg6[%sub3A_185, %dma_start3A_210] : memref<125x80xi32, #tpu.memory_space<vmem>> -> memref<1x80xi32, #tpu.memory_space<vmem>>
          %dma_start3A_212 = tpu.memref_squeeze %dma_start3A_211 : memref<1x80xi32, #tpu.memory_space<vmem>> -> memref<80xi32, #tpu.memory_space<vmem>>
          %dma_start3A_213 = arith.constant 0 : i32
          %dma_start3A_214 = arith.constant 0 : i32
          %dma_start3A_215 = tpu.memref_slice %arg2[%dma_start3A_213, %dma_start3A_214] : memref<10000x128xf32, #tpu.memory_space<hbm>> -> memref<10000x128xf32, #tpu.memory_space<hbm>>
          tpu.enqueue_indirect_dma source(%dma_start3A_215 : memref<10000x128xf32, #tpu.memory_space<hbm>>) target(%dma_start3A_209 : memref<80x128xf32, #tpu.memory_space<vmem>>) offsets(%dma_start3A_212 : memref<80xi32, #tpu.memory_space<vmem>>) semaphore(%arg10 : memref<!tpu.dma_semaphore, #tpu.memory_space<semaphore_mem>>)
        } else {
        }
      } else {
      }
      %mul3A_152 = arith.constant 3 : i32
      %mul3A_153 = arith.muli %add3A_136, %mul3A_152 : i32
      %add3A_154 = arith.constant 2 : i32
      %add3A_155 = arith.addi %mul3A_153, %add3A_154 : i32
      %lt3A_156 = arith.constant 125 : i32
      %lt3A_157 = arith.cmpi slt, %add3A_155, %lt3A_156 : i32
      %convert_element_type3A_158 = arith.extui %lt3A_157 : i1 to i32
      %cond3A_159 = arith.constant 0 : i32
      %cond3A_160 = arith.cmpi ne, %convert_element_type3A_158, %cond3A_159 : i32
      scf.if %cond3A_160 {
        %dma_wait3A_161 = arith.constant 2 : i32
        %dma_wait3A_162 = arith.constant 0 : i32
        %dma_wait3A_163 = arith.constant 0 : i32
        %dma_wait3A_164 = tpu.memref_slice %arg8[%dma_wait3A_161, %dma_wait3A_162, %dma_wait3A_163] : memref<3x80x128xf32, #tpu.memory_space<vmem>> -> memref<1x80x128xf32, #tpu.memory_space<vmem>>
        %dma_wait3A_165 = tpu.memref_squeeze %dma_wait3A_164 : memref<1x80x128xf32, #tpu.memory_space<vmem>> -> memref<80x128xf32, #tpu.memory_space<vmem>>
        %dma_wait3A_166 = arith.constant 0 : i32
        %dma_wait3A_167 = tpu.memref_slice %arg6[%add3A_155, %dma_wait3A_166] : memref<125x80xi32, #tpu.memory_space<vmem>> -> memref<1x80xi32, #tpu.memory_space<vmem>>
        %dma_wait3A_168 = tpu.memref_squeeze %dma_wait3A_167 : memref<1x80xi32, #tpu.memory_space<vmem>> -> memref<80xi32, #tpu.memory_space<vmem>>
        %dma_wait3A_169 = arith.constant 0 : i32
        %dma_wait3A_170 = arith.constant 0 : i32
        %dma_wait3A_171 = tpu.memref_slice %arg2[%dma_wait3A_169, %dma_wait3A_170] : memref<10000x128xf32, #tpu.memory_space<hbm>> -> memref<10000x128xf32, #tpu.memory_space<hbm>>
        tpu.wait_indirect_dma semaphore(%arg12 : memref<!tpu.dma_semaphore, #tpu.memory_space<semaphore_mem>>) src(%dma_wait3A_171 : memref<10000x128xf32, #tpu.memory_space<hbm>>) dst(%dma_wait3A_165 : memref<80x128xf32, #tpu.memory_space<vmem>>)
        %dma_start3A_172 = arith.constant 2 : i32
        %dma_start3A_173 = arith.constant 0 : i32
        %dma_start3A_174 = arith.constant 0 : i32
        %dma_start3A_175 = tpu.memref_slice %arg8[%dma_start3A_172, %dma_start3A_173, %dma_start3A_174] : memref<3x80x128xf32, #tpu.memory_space<vmem>> -> memref<1x80x128xf32, #tpu.memory_space<vmem>>
        %dma_start3A_176 = tpu.memref_squeeze %dma_start3A_175 : memref<1x80x128xf32, #tpu.memory_space<vmem>> -> memref<80x128xf32, #tpu.memory_space<vmem>>
        %dma_start3A_177 = arith.constant 0 : i32
        %dma_start3A_178 = tpu.memref_slice %arg7[%add3A_155, %dma_start3A_177] : memref<125x80xi32, #tpu.memory_space<vmem>> -> memref<1x80xi32, #tpu.memory_space<vmem>>
        %dma_start3A_179 = tpu.memref_squeeze %dma_start3A_178 : memref<1x80xi32, #tpu.memory_space<vmem>> -> memref<80xi32, #tpu.memory_space<vmem>>
        %dma_start3A_180 = arith.constant 0 : i32
        %dma_start3A_181 = arith.constant 0 : i32
        %dma_start3A_182 = tpu.memref_slice %arg9[%dma_start3A_180, %dma_start3A_181] : memref<10000x128xf32, #tpu.memory_space<vmem_shared>> -> memref<10000x128xf32, #tpu.memory_space<vmem_shared>>
        tpu.enqueue_indirect_dma source(%dma_start3A_176 : memref<80x128xf32, #tpu.memory_space<vmem>>) target(%dma_start3A_182 : memref<10000x128xf32, #tpu.memory_space<vmem_shared>>) offsets(%dma_start3A_179 : memref<80xi32, #tpu.memory_space<vmem>>) semaphore(%arg15 : memref<!tpu.dma_semaphore, #tpu.memory_space<semaphore_mem>>) {add = true}
        %add3A_183 = arith.constant 3 : i32
        %add3A_184 = arith.addi %add3A_155, %add3A_183 : i32
        %sub3A = arith.constant 1 : i32
        %sub3A_185 = arith.subi %add3A_184, %sub3A : i32
        %ge3A = arith.constant 1 : i32
        %ge3A_186 = arith.cmpi sge, %add3A_155, %ge3A : i32
        %lt3A_187 = arith.constant 125 : i32
        %lt3A_188 = arith.cmpi slt, %sub3A_185, %lt3A_187 : i32
        %and3A = arith.andi %ge3A_186, %lt3A_188 : i1
        %convert_element_type3A_189 = arith.extui %and3A : i1 to i32
        %cond3A_190 = arith.constant 0 : i32
        %cond3A_191 = arith.cmpi ne, %convert_element_type3A_189, %cond3A_190 : i32
        scf.if %cond3A_191 {
          %sub3A_192 = arith.constant 1 : i32
          %sub3A_193 = arith.subi %add3A_155, %sub3A_192 : i32
          %dma_wait3A_194 = arith.constant 1 : i32
          %dma_wait3A_195 = arith.constant 0 : i32
          %dma_wait3A_196 = arith.constant 0 : i32
          %dma_wait3A_197 = tpu.memref_slice %arg8[%dma_wait3A_194, %dma_wait3A_195, %dma_wait3A_196] : memref<3x80x128xf32, #tpu.memory_space<vmem>> -> memref<1x80x128xf32, #tpu.memory_space<vmem>>
          %dma_wait3A_198 = tpu.memref_squeeze %dma_wait3A_197 : memref<1x80x128xf32, #tpu.memory_space<vmem>> -> memref<80x128xf32, #tpu.memory_space<vmem>>
          %dma_wait3A_199 = arith.constant 0 : i32
          %dma_wait3A_200 = tpu.memref_slice %arg7[%sub3A_193, %dma_wait3A_199] : memref<125x80xi32, #tpu.memory_space<vmem>> -> memref<1x80xi32, #tpu.memory_space<vmem>>
          %dma_wait3A_201 = tpu.memref_squeeze %dma_wait3A_200 : memref<1x80xi32, #tpu.memory_space<vmem>> -> memref<80xi32, #tpu.memory_space<vmem>>
          %dma_wait3A_202 = arith.constant 0 : i32
          %dma_wait3A_203 = arith.constant 0 : i32
          %dma_wait3A_204 = tpu.memref_slice %arg9[%dma_wait3A_202, %dma_wait3A_203] : memref<10000x128xf32, #tpu.memory_space<vmem_shared>> -> memref<10000x128xf32, #tpu.memory_space<vmem_shared>>
          tpu.wait_indirect_dma semaphore(%arg14 : memref<!tpu.dma_semaphore, #tpu.memory_space<semaphore_mem>>) src(%dma_wait3A_198 : memref<80x128xf32, #tpu.memory_space<vmem>>) dst(%dma_wait3A_204 : memref<10000x128xf32, #tpu.memory_space<vmem_shared>>)
          %dma_start3A_205 = arith.constant 1 : i32
          %dma_start3A_206 = arith.constant 0 : i32
          %dma_start3A_207 = arith.constant 0 : i32
          %dma_start3A_208 = tpu.memref_slice %arg8[%dma_start3A_205, %dma_start3A_206, %dma_start3A_207] : memref<3x80x128xf32, #tpu.memory_space<vmem>> -> memref<1x80x128xf32, #tpu.memory_space<vmem>>
          %dma_start3A_209 = tpu.memref_squeeze %dma_start3A_208 : memref<1x80x128xf32, #tpu.memory_space<vmem>> -> memref<80x128xf32, #tpu.memory_space<vmem>>
          %dma_start3A_210 = arith.constant 0 : i32
          %dma_start3A_211 = tpu.memref_slice %arg6[%sub3A_185, %dma_start3A_210] : memref<125x80xi32, #tpu.memory_space<vmem>> -> memref<1x80xi32, #tpu.memory_space<vmem>>
          %dma_start3A_212 = tpu.memref_squeeze %dma_start3A_211 : memref<1x80xi32, #tpu.memory_space<vmem>> -> memref<80xi32, #tpu.memory_space<vmem>>
          %dma_start3A_213 = arith.constant 0 : i32
          %dma_start3A_214 = arith.constant 0 : i32
          %dma_start3A_215 = tpu.memref_slice %arg2[%dma_start3A_213, %dma_start3A_214] : memref<10000x128xf32, #tpu.memory_space<hbm>> -> memref<10000x128xf32, #tpu.memory_space<hbm>>
          tpu.enqueue_indirect_dma source(%dma_start3A_215 : memref<10000x128xf32, #tpu.memory_space<hbm>>) target(%dma_start3A_209 : memref<80x128xf32, #tpu.memory_space<vmem>>) offsets(%dma_start3A_212 : memref<80xi32, #tpu.memory_space<vmem>>) semaphore(%arg11 : memref<!tpu.dma_semaphore, #tpu.memory_space<semaphore_mem>>)
        } else {
        }
      } else {
      }
    }
    %scan3A_84 = arith.constant 42 : i32
    %dma_wait3A_85 = arith.constant 0 : i32
    %dma_wait3A_86 = arith.constant 123 : i32
    %dma_wait3A_87 = arith.constant 0 : i32
    %dma_wait3A_88 = arith.constant 0 : i32
    %dma_wait3A_89 = tpu.memref_slice %arg8[%dma_wait3A_85, %dma_wait3A_87, %dma_wait3A_88] : memref<3x80x128xf32, #tpu.memory_space<vmem>> -> memref<1x80x128xf32, #tpu.memory_space<vmem>>
    %dma_wait3A_90 = tpu.memref_squeeze %dma_wait3A_89 : memref<1x80x128xf32, #tpu.memory_space<vmem>> -> memref<80x128xf32, #tpu.memory_space<vmem>>
    %dma_wait3A_91 = arith.constant 0 : i32
    %dma_wait3A_92 = tpu.memref_slice %arg7[%dma_wait3A_86, %dma_wait3A_91] : memref<125x80xi32, #tpu.memory_space<vmem>> -> memref<1x80xi32, #tpu.memory_space<vmem>>
    %dma_wait3A_93 = tpu.memref_squeeze %dma_wait3A_92 : memref<1x80xi32, #tpu.memory_space<vmem>> -> memref<80xi32, #tpu.memory_space<vmem>>
    %dma_wait3A_94 = arith.constant 0 : i32
    %dma_wait3A_95 = arith.constant 0 : i32
    %dma_wait3A_96 = tpu.memref_slice %arg9[%dma_wait3A_94, %dma_wait3A_95] : memref<10000x128xf32, #tpu.memory_space<vmem_shared>> -> memref<10000x128xf32, #tpu.memory_space<vmem_shared>>
    tpu.wait_indirect_dma semaphore(%arg13 : memref<!tpu.dma_semaphore, #tpu.memory_space<semaphore_mem>>) src(%dma_wait3A_90 : memref<80x128xf32, #tpu.memory_space<vmem>>) dst(%dma_wait3A_96 : memref<10000x128xf32, #tpu.memory_space<vmem_shared>>)
    %dma_wait3A_97 = arith.constant 1 : i32
    %dma_wait3A_98 = arith.constant 124 : i32
    %dma_wait3A_99 = arith.constant 0 : i32
    %dma_wait3A_100 = arith.constant 0 : i32
    %dma_wait3A_101 = tpu.memref_slice %arg8[%dma_wait3A_97, %dma_wait3A_99, %dma_wait3A_100] : memref<3x80x128xf32, #tpu.memory_space<vmem>> -> memref<1x80x128xf32, #tpu.memory_space<vmem>>
    %dma_wait3A_102 = tpu.memref_squeeze %dma_wait3A_101 : memref<1x80x128xf32, #tpu.memory_space<vmem>> -> memref<80x128xf32, #tpu.memory_space<vmem>>
    %dma_wait3A_103 = arith.constant 0 : i32
    %dma_wait3A_104 = tpu.memref_slice %arg7[%dma_wait3A_98, %dma_wait3A_103] : memref<125x80xi32, #tpu.memory_space<vmem>> -> memref<1x80xi32, #tpu.memory_space<vmem>>
    %dma_wait3A_105 = tpu.memref_squeeze %dma_wait3A_104 : memref<1x80xi32, #tpu.memory_space<vmem>> -> memref<80xi32, #tpu.memory_space<vmem>>
    %dma_wait3A_106 = arith.constant 0 : i32
    %dma_wait3A_107 = arith.constant 0 : i32
    %dma_wait3A_108 = tpu.memref_slice %arg9[%dma_wait3A_106, %dma_wait3A_107] : memref<10000x128xf32, #tpu.memory_space<vmem_shared>> -> memref<10000x128xf32, #tpu.memory_space<vmem_shared>>
    tpu.wait_indirect_dma semaphore(%arg14 : memref<!tpu.dma_semaphore, #tpu.memory_space<semaphore_mem>>) src(%dma_wait3A_102 : memref<80x128xf32, #tpu.memory_space<vmem>>) dst(%dma_wait3A_108 : memref<10000x128xf32, #tpu.memory_space<vmem_shared>>)
    %dma_wait3A_109 = arith.constant 2 : i32
    %dma_wait3A_110 = arith.constant 122 : i32
    %dma_wait3A_111 = arith.constant 0 : i32
    %dma_wait3A_112 = arith.constant 0 : i32
    %dma_wait3A_113 = tpu.memref_slice %arg8[%dma_wait3A_109, %dma_wait3A_111, %dma_wait3A_112] : memref<3x80x128xf32, #tpu.memory_space<vmem>> -> memref<1x80x128xf32, #tpu.memory_space<vmem>>
    %dma_wait3A_114 = tpu.memref_squeeze %dma_wait3A_113 : memref<1x80x128xf32, #tpu.memory_space<vmem>> -> memref<80x128xf32, #tpu.memory_space<vmem>>
    %dma_wait3A_115 = arith.constant 0 : i32
    %dma_wait3A_116 = tpu.memref_slice %arg7[%dma_wait3A_110, %dma_wait3A_115] : memref<125x80xi32, #tpu.memory_space<vmem>> -> memref<1x80xi32, #tpu.memory_space<vmem>>
    %dma_wait3A_117 = tpu.memref_squeeze %dma_wait3A_116 : memref<1x80xi32, #tpu.memory_space<vmem>> -> memref<80xi32, #tpu.memory_space<vmem>>
    %dma_wait3A_118 = arith.constant 0 : i32
    %dma_wait3A_119 = arith.constant 0 : i32
    %dma_wait3A_120 = tpu.memref_slice %arg9[%dma_wait3A_118, %dma_wait3A_119] : memref<10000x128xf32, #tpu.memory_space<vmem_shared>> -> memref<10000x128xf32, #tpu.memory_space<vmem_shared>>
    tpu.wait_indirect_dma semaphore(%arg15 : memref<!tpu.dma_semaphore, #tpu.memory_space<semaphore_mem>>) src(%dma_wait3A_114 : memref<80x128xf32, #tpu.memory_space<vmem>>) dst(%dma_wait3A_120 : memref<10000x128xf32, #tpu.memory_space<vmem_shared>>)
    %barrier3A_121 = arith.constant 0 : index
    tpu.barrier barrier_id(%barrier3A_121)
    %scan3A_122 = arith.constant 0 : i32
    %scan3A_123 = arith.constant 8 : i32
    %scan3A_124 = arith.addi %scan3A_122, %scan3A_123 : i32
    %scan3A_125 = arith.constant 1 : i32
    scf.for %scan3A_132 = %scan3A_122 to %scan3A_124 step %scan3A_125  : i32 {
      %mul3A_133 = arith.constant 1 : i32
      %mul3A_134 = arith.muli %scan3A_132, %mul3A_133 : i32
      %add3A_135 = arith.constant 0 : i32
      %add3A_136 = arith.addi %add3A_135, %mul3A_134 : i32
      %mul3A_137 = arith.constant 16 : i32
      %mul3A_138 = arith.muli %add3A_136, %mul3A_137 : i32
      %add3A_139 = arith.addi %arg1, %mul3A_138 : i32
      %lt3A = arith.constant 125 : i32
      %lt3A_140 = arith.cmpi slt, %add3A_139, %lt3A : i32
      %convert_element_type3A = arith.extui %lt3A_140 : i1 to i32
      %cond3A = arith.constant 0 : i32
      %cond3A_141 = arith.cmpi ne, %convert_element_type3A, %cond3A : i32
      scf.if %cond3A_141 {
        %mul3A_142 = arith.constant 80 : i32
        %mul3A_143 = arith.muli %add3A_139, %mul3A_142 : i32
        %mul3A_144 = arith.constant 80 : i32
        %mul3A_145 = arith.muli %add3A_139, %mul3A_144 : i32
        %dma_start3A_146 = arith.constant 0 : i32
        %dma_start3A_147 = tpu.memref_slice %arg5[%arg0, %mul3A_145, %dma_start3A_146] : memref<2x10000x128xf32, #tpu.memory_space<hbm>> -> memref<1x80x128xf32, #tpu.memory_space<hbm>>
        %dma_start3A_148 = tpu.memref_squeeze %dma_start3A_147 : memref<1x80x128xf32, #tpu.memory_space<hbm>> -> memref<80x128xf32, #tpu.memory_space<hbm>>
        %dma_start3A_149 = arith.constant 0 : i32
        %dma_start3A_150 = tpu.memref_slice %arg9[%mul3A_143, %dma_start3A_149] : memref<10000x128xf32, #tpu.memory_space<vmem_shared>> -> memref<80x128xf32, #tpu.memory_space<vmem_shared>>
        tpu.enqueue_dma source(%dma_start3A_150 : memref<80x128xf32, #tpu.memory_space<vmem_shared>>) target(%dma_start3A_148 : memref<80x128xf32, #tpu.memory_space<hbm>>) target_semaphore(%arg17 : memref<!tpu.dma_semaphore, #tpu.memory_space<semaphore_mem>>)
      } else {
      }
    }
    %scan3A_126 = arith.constant 8 : i32
    %scan3A_127 = arith.constant 0 : i32
    %scan3A_128 = arith.constant 8 : i32
    %scan3A_129 = arith.addi %scan3A_127, %scan3A_128 : i32
    %scan3A_130 = arith.constant 1 : i32
    scf.for %scan3A_132 = %scan3A_127 to %scan3A_129 step %scan3A_130  : i32 {
      %mul3A_133 = arith.constant 1 : i32
      %mul3A_134 = arith.muli %scan3A_132, %mul3A_133 : i32
      %add3A_135 = arith.constant 0 : i32
      %add3A_136 = arith.addi %add3A_135, %mul3A_134 : i32
      %mul3A_137 = arith.constant 16 : i32
      %mul3A_138 = arith.muli %add3A_136, %mul3A_137 : i32
      %add3A_139 = arith.addi %arg1, %mul3A_138 : i32
      %lt3A = arith.constant 125 : i32
      %lt3A_140 = arith.cmpi slt, %add3A_139, %lt3A : i32
      %convert_element_type3A = arith.extui %lt3A_140 : i1 to i32
      %cond3A = arith.constant 0 : i32
      %cond3A_141 = arith.cmpi ne, %convert_element_type3A, %cond3A : i32
      scf.if %cond3A_141 {
        %mul3A_142 = arith.constant 80 : i32
        %mul3A_143 = arith.muli %add3A_139, %mul3A_142 : i32
        %mul3A_144 = arith.constant 80 : i32
        %mul3A_145 = arith.muli %add3A_139, %mul3A_144 : i32
        %dma_wait3A_146 = arith.constant 0 : i32
        %dma_wait3A_147 = tpu.memref_slice %arg5[%arg0, %mul3A_145, %dma_wait3A_146] : memref<2x10000x128xf32, #tpu.memory_space<hbm>> -> memref<1x80x128xf32, #tpu.memory_space<hbm>>
        %dma_wait3A_148 = tpu.memref_squeeze %dma_wait3A_147 : memref<1x80x128xf32, #tpu.memory_space<hbm>> -> memref<80x128xf32, #tpu.memory_space<hbm>>
        %dma_wait3A_149 = arith.constant 0 : i32
        %dma_wait3A_150 = tpu.memref_slice %arg9[%mul3A_143, %dma_wait3A_149] : memref<10000x128xf32, #tpu.memory_space<vmem_shared>> -> memref<80x128xf32, #tpu.memory_space<vmem_shared>>
        tpu.wait_dma2 semaphore(%arg17 : memref<!tpu.dma_semaphore, #tpu.memory_space<semaphore_mem>>) src(%dma_wait3A_150 : memref<80x128xf32, #tpu.memory_space<vmem_shared>>) dst(%dma_wait3A_148 : memref<80x128xf32, #tpu.memory_space<hbm>>)
      } else {
      }
    }
    %scan3A_131 = arith.constant 8 : i32
    return
  }
}

#map = affine_map<(d0, d1) -> (0, 0)>
#map1 = affine_map<(d0, d1) -> (0, 0, 0, 0)>
#map2 = affine_map<(d0, d1) -> (0, 0, 0)>
module attributes {stable_mosaic.version = 14 : i64} {
  func.func @agg_kernel(%arg0: i32, %arg1: i32, %arg2: memref<20000x64xf32, #tpu.memory_space<hbm>>, %arg3: memref<2x32x125x80xi32, #tpu.memory_space<hbm>>, %arg4: memref<80x64xf32, #tpu.memory_space<hbm>>, %arg5: memref<2x10000x128xf32, #tpu.memory_space<hbm>>, %arg6: memref<125x80xi32, #tpu.memory_space<vmem>>, %arg7: memref<125x80xi32, #tpu.memory_space<vmem>>, %arg8: memref<8x80x64xf32, #tpu.memory_space<vmem>>, %arg9: memref<10000x64xf32, #tpu.memory_space<vmem_shared>>, %arg10: memref<!tpu.dma_semaphore, #tpu.memory_space<semaphore_mem>>, %arg11: memref<!tpu.dma_semaphore, #tpu.memory_space<semaphore_mem>>, %arg12: memref<!tpu.dma_semaphore, #tpu.memory_space<semaphore_mem>>, %arg13: memref<!tpu.dma_semaphore, #tpu.memory_space<semaphore_mem>>, %arg14: memref<!tpu.dma_semaphore, #tpu.memory_space<semaphore_mem>>, %arg15: memref<!tpu.dma_semaphore, #tpu.memory_space<semaphore_mem>>, %arg16: memref<!tpu.dma_semaphore, #tpu.memory_space<semaphore_mem>>, %arg17: memref<!tpu.dma_semaphore, #tpu.memory_space<semaphore_mem>>, %arg18: memref<!tpu.dma_semaphore, #tpu.memory_space<semaphore_mem>>, %arg19: memref<!tpu.dma_semaphore, #tpu.memory_space<semaphore_mem>>, %arg20: memref<!tpu.dma_semaphore, #tpu.memory_space<semaphore_mem>>, %arg21: memref<!tpu.dma_semaphore, #tpu.memory_space<semaphore_mem>>, %arg22: memref<!tpu.dma_semaphore, #tpu.memory_space<semaphore_mem>>, %arg23: memref<!tpu.dma_semaphore, #tpu.memory_space<semaphore_mem>>, %arg24: memref<!tpu.dma_semaphore, #tpu.memory_space<semaphore_mem>>, %arg25: memref<!tpu.dma_semaphore, #tpu.memory_space<semaphore_mem>>, %arg26: memref<!tpu.dma_semaphore, #tpu.memory_space<semaphore_mem>>, %arg27: memref<!tpu.dma_semaphore, #tpu.memory_space<semaphore_mem>>) attributes {dimension_semantics = [#tpu.dimension_semantics<core_parallel>, #tpu.dimension_semantics<subcore_parallel>], iteration_bounds = array<i64: 2, 16>, scalar_prefetch = 0 : i64, scratch_operands = 22 : i64, tpu.core_type = #tpu.core_type<sc_vector_subcore>, window_params = [{transform_indices = #map}, {transform_indices = #map1}, {transform_indices = #map}, {transform_indices = #map2}]} {
    %mul3A = arith.constant 2 : i32
    %mul3A_0 = arith.muli %arg1, %mul3A : i32
    %add3A = arith.addi %mul3A_0, %arg0 : i32
    %dma_start3A = arith.constant 0 : i32
    %dma_start3A_1 = arith.constant 0 : i32
    %dma_start3A_2 = arith.constant 0 : i32
    %dma_start3A_3 = tpu.memref_slice %arg3[%dma_start3A, %add3A, %dma_start3A_1, %dma_start3A_2] : memref<2x32x125x80xi32, #tpu.memory_space<hbm>> -> memref<1x1x125x80xi32, #tpu.memory_space<hbm>>
    %dma_start3A_4 = tpu.memref_squeeze %dma_start3A_3 : memref<1x1x125x80xi32, #tpu.memory_space<hbm>> -> memref<125x80xi32, #tpu.memory_space<hbm>>
    %dma_start3A_5 = arith.constant 0 : i32
    %dma_start3A_6 = arith.constant 0 : i32
    %dma_start3A_7 = tpu.memref_slice %arg3[%dma_start3A, %add3A, %dma_start3A_5, %dma_start3A_6] : memref<2x32x125x80xi32, #tpu.memory_space<hbm>> -> memref<1x1x125x80xi32, #tpu.memory_space<hbm>>
    %dma_start3A_8 = tpu.memref_squeeze %dma_start3A_7 : memref<1x1x125x80xi32, #tpu.memory_space<hbm>> -> memref<125x80xi32, #tpu.memory_space<hbm>>
    tpu.enqueue_dma source(%dma_start3A_8 : memref<125x80xi32, #tpu.memory_space<hbm>>) target(%arg6 : memref<125x80xi32, #tpu.memory_space<vmem>>) target_semaphore(%arg26 : memref<!tpu.dma_semaphore, #tpu.memory_space<semaphore_mem>>)
    %dma_start3A_9 = arith.constant 1 : i32
    %dma_start3A_10 = arith.constant 0 : i32
    %dma_start3A_11 = arith.constant 0 : i32
    %dma_start3A_12 = tpu.memref_slice %arg3[%dma_start3A_9, %add3A, %dma_start3A_10, %dma_start3A_11] : memref<2x32x125x80xi32, #tpu.memory_space<hbm>> -> memref<1x1x125x80xi32, #tpu.memory_space<hbm>>
    %dma_start3A_13 = tpu.memref_squeeze %dma_start3A_12 : memref<1x1x125x80xi32, #tpu.memory_space<hbm>> -> memref<125x80xi32, #tpu.memory_space<hbm>>
    %dma_start3A_14 = arith.constant 0 : i32
    %dma_start3A_15 = arith.constant 0 : i32
    %dma_start3A_16 = tpu.memref_slice %arg3[%dma_start3A_9, %add3A, %dma_start3A_14, %dma_start3A_15] : memref<2x32x125x80xi32, #tpu.memory_space<hbm>> -> memref<1x1x125x80xi32, #tpu.memory_space<hbm>>
    %dma_start3A_17 = tpu.memref_squeeze %dma_start3A_16 : memref<1x1x125x80xi32, #tpu.memory_space<hbm>> -> memref<125x80xi32, #tpu.memory_space<hbm>>
    tpu.enqueue_dma source(%dma_start3A_17 : memref<125x80xi32, #tpu.memory_space<hbm>>) target(%arg7 : memref<125x80xi32, #tpu.memory_space<vmem>>) target_semaphore(%arg26 : memref<!tpu.dma_semaphore, #tpu.memory_space<semaphore_mem>>)
    %scan3A = arith.constant 0 : i32
    %scan3A_18 = arith.constant 8 : i32
    %scan3A_19 = arith.addi %scan3A, %scan3A_18 : i32
    %scan3A_20 = arith.constant 1 : i32
    scf.for %scan3A_810 = %scan3A to %scan3A_19 step %scan3A_20  : i32 {
      %mul3A_811 = arith.constant 1 : i32
      %mul3A_812 = arith.muli %scan3A_810, %mul3A_811 : i32
      %add3A_813 = arith.constant 0 : i32
      %add3A_814 = arith.addi %add3A_813, %mul3A_812 : i32
      %mul3A_815 = arith.constant 16 : i32
      %mul3A_816 = arith.muli %add3A_814, %mul3A_815 : i32
      %add3A_817 = arith.addi %arg1, %mul3A_816 : i32
      %lt3A = arith.constant 125 : i32
      %lt3A_818 = arith.cmpi slt, %add3A_817, %lt3A : i32
      %convert_element_type3A = arith.extui %lt3A_818 : i1 to i32
      %cond3A = arith.constant 0 : i32
      %cond3A_819 = arith.cmpi ne, %convert_element_type3A, %cond3A : i32
      scf.if %cond3A_819 {
        %mul3A_820 = arith.constant 80 : i32
        %mul3A_821 = arith.muli %add3A_817, %mul3A_820 : i32
        %dma_start3A_822 = arith.constant 0 : i32
        %dma_start3A_823 = tpu.memref_slice %arg9[%mul3A_821, %dma_start3A_822] : memref<10000x64xf32, #tpu.memory_space<vmem_shared>> -> memref<80x64xf32, #tpu.memory_space<vmem_shared>>
        tpu.enqueue_dma source(%arg4 : memref<80x64xf32, #tpu.memory_space<hbm>>) target(%dma_start3A_823 : memref<80x64xf32, #tpu.memory_space<vmem_shared>>) target_semaphore(%arg27 : memref<!tpu.dma_semaphore, #tpu.memory_space<semaphore_mem>>)
      } else {
      }
    }
    %scan3A_21 = arith.constant 8 : i32
    %dma_wait3A = arith.constant 0 : i32
    %dma_wait3A_22 = arith.constant 0 : i32
    %dma_wait3A_23 = arith.constant 0 : i32
    %dma_wait3A_24 = tpu.memref_slice %arg3[%dma_wait3A, %add3A, %dma_wait3A_22, %dma_wait3A_23] : memref<2x32x125x80xi32, #tpu.memory_space<hbm>> -> memref<1x1x125x80xi32, #tpu.memory_space<hbm>>
    %dma_wait3A_25 = tpu.memref_squeeze %dma_wait3A_24 : memref<1x1x125x80xi32, #tpu.memory_space<hbm>> -> memref<125x80xi32, #tpu.memory_space<hbm>>
    %dma_wait3A_26 = arith.constant 0 : i32
    %dma_wait3A_27 = arith.constant 0 : i32
    %dma_wait3A_28 = tpu.memref_slice %arg3[%dma_wait3A, %add3A, %dma_wait3A_26, %dma_wait3A_27] : memref<2x32x125x80xi32, #tpu.memory_space<hbm>> -> memref<1x1x125x80xi32, #tpu.memory_space<hbm>>
    %dma_wait3A_29 = tpu.memref_squeeze %dma_wait3A_28 : memref<1x1x125x80xi32, #tpu.memory_space<hbm>> -> memref<125x80xi32, #tpu.memory_space<hbm>>
    tpu.wait_dma2 semaphore(%arg26 : memref<!tpu.dma_semaphore, #tpu.memory_space<semaphore_mem>>) src(%dma_wait3A_29 : memref<125x80xi32, #tpu.memory_space<hbm>>) dst(%arg6 : memref<125x80xi32, #tpu.memory_space<vmem>>)
    %dma_wait3A_30 = arith.constant 1 : i32
    %dma_wait3A_31 = arith.constant 0 : i32
    %dma_wait3A_32 = arith.constant 0 : i32
    %dma_wait3A_33 = tpu.memref_slice %arg3[%dma_wait3A_30, %add3A, %dma_wait3A_31, %dma_wait3A_32] : memref<2x32x125x80xi32, #tpu.memory_space<hbm>> -> memref<1x1x125x80xi32, #tpu.memory_space<hbm>>
    %dma_wait3A_34 = tpu.memref_squeeze %dma_wait3A_33 : memref<1x1x125x80xi32, #tpu.memory_space<hbm>> -> memref<125x80xi32, #tpu.memory_space<hbm>>
    %dma_wait3A_35 = arith.constant 0 : i32
    %dma_wait3A_36 = arith.constant 0 : i32
    %dma_wait3A_37 = tpu.memref_slice %arg3[%dma_wait3A_30, %add3A, %dma_wait3A_35, %dma_wait3A_36] : memref<2x32x125x80xi32, #tpu.memory_space<hbm>> -> memref<1x1x125x80xi32, #tpu.memory_space<hbm>>
    %dma_wait3A_38 = tpu.memref_squeeze %dma_wait3A_37 : memref<1x1x125x80xi32, #tpu.memory_space<hbm>> -> memref<125x80xi32, #tpu.memory_space<hbm>>
    tpu.wait_dma2 semaphore(%arg26 : memref<!tpu.dma_semaphore, #tpu.memory_space<semaphore_mem>>) src(%dma_wait3A_38 : memref<125x80xi32, #tpu.memory_space<hbm>>) dst(%arg7 : memref<125x80xi32, #tpu.memory_space<vmem>>)
    %get3A = arith.constant 0 : i32
    %get3A_39 = arith.index_cast %get3A : i32 to index
    %get3A_40 = arith.constant 0 : index
    %get3A_41 = tpu.vector_load %arg6[%get3A_39, %get3A_40] {strides = array<i32>} : memref<125x80xi32, #tpu.memory_space<vmem>>, vector<1x16xi32>,
    %get3A_42 = vector.shape_cast %get3A_41 : vector<1x16xi32> to vector<16xi32>
    %mul3A_43 = arith.constant 2 : i32
    %mul3A_44 = vector.broadcast %mul3A_43 : i32 to vector<16xi32>
    %mul3A_45 = arith.muli %get3A_42, %mul3A_44 : vector<16xi32>
    %swap3A = arith.constant 0 : i32
    %swap3A_46 = arith.index_cast %swap3A : i32 to index
    %swap3A_47 = arith.constant 0 : index
    %swap3A_48 = tpu.vector_load %arg6[%swap3A_46, %swap3A_47] {strides = array<i32>} : memref<125x80xi32, #tpu.memory_space<vmem>>, vector<1x16xi32>,
    %swap3A_49 = vector.shape_cast %swap3A_48 : vector<1x16xi32> to vector<16xi32>
    %swap3A_50 = vector.shape_cast %mul3A_45 : vector<16xi32> to vector<1x16xi32>
    tpu.vector_store %arg6[%swap3A_46, %swap3A_47], %swap3A_50 {strides = array<i32>} : memref<125x80xi32, #tpu.memory_space<vmem>>, vector<1x16xi32>,
    %get3A_51 = arith.constant 0 : i32
    %get3A_52 = arith.index_cast %get3A_51 : i32 to index
    %get3A_53 = arith.constant 16 : index
    %get3A_54 = tpu.vector_load %arg6[%get3A_52, %get3A_53] {strides = array<i32>} : memref<125x80xi32, #tpu.memory_space<vmem>>, vector<1x16xi32>,
    %get3A_55 = vector.shape_cast %get3A_54 : vector<1x16xi32> to vector<16xi32>
    %mul3A_56 = arith.constant 2 : i32
    %mul3A_57 = vector.broadcast %mul3A_56 : i32 to vector<16xi32>
    %mul3A_58 = arith.muli %get3A_55, %mul3A_57 : vector<16xi32>
    %swap3A_59 = arith.constant 0 : i32
    %swap3A_60 = arith.index_cast %swap3A_59 : i32 to index
    %swap3A_61 = arith.constant 16 : index
    %swap3A_62 = tpu.vector_load %arg6[%swap3A_60, %swap3A_61] {strides = array<i32>} : memref<125x80xi32, #tpu.memory_space<vmem>>, vector<1x16xi32>,
    %swap3A_63 = vector.shape_cast %swap3A_62 : vector<1x16xi32> to vector<16xi32>
    %swap3A_64 = vector.shape_cast %mul3A_58 : vector<16xi32> to vector<1x16xi32>
    tpu.vector_store %arg6[%swap3A_60, %swap3A_61], %swap3A_64 {strides = array<i32>} : memref<125x80xi32, #tpu.memory_space<vmem>>, vector<1x16xi32>,
    %get3A_65 = arith.constant 0 : i32
    %get3A_66 = arith.index_cast %get3A_65 : i32 to index
    %get3A_67 = arith.constant 32 : index
    %get3A_68 = tpu.vector_load %arg6[%get3A_66, %get3A_67] {strides = array<i32>} : memref<125x80xi32, #tpu.memory_space<vmem>>, vector<1x16xi32>,
    %get3A_69 = vector.shape_cast %get3A_68 : vector<1x16xi32> to vector<16xi32>
    %mul3A_70 = arith.constant 2 : i32
    %mul3A_71 = vector.broadcast %mul3A_70 : i32 to vector<16xi32>
    %mul3A_72 = arith.muli %get3A_69, %mul3A_71 : vector<16xi32>
    %swap3A_73 = arith.constant 0 : i32
    %swap3A_74 = arith.index_cast %swap3A_73 : i32 to index
    %swap3A_75 = arith.constant 32 : index
    %swap3A_76 = tpu.vector_load %arg6[%swap3A_74, %swap3A_75] {strides = array<i32>} : memref<125x80xi32, #tpu.memory_space<vmem>>, vector<1x16xi32>,
    %swap3A_77 = vector.shape_cast %swap3A_76 : vector<1x16xi32> to vector<16xi32>
    %swap3A_78 = vector.shape_cast %mul3A_72 : vector<16xi32> to vector<1x16xi32>
    tpu.vector_store %arg6[%swap3A_74, %swap3A_75], %swap3A_78 {strides = array<i32>} : memref<125x80xi32, #tpu.memory_space<vmem>>, vector<1x16xi32>,
    %get3A_79 = arith.constant 0 : i32
    %get3A_80 = arith.index_cast %get3A_79 : i32 to index
    %get3A_81 = arith.constant 48 : index
    %get3A_82 = tpu.vector_load %arg6[%get3A_80, %get3A_81] {strides = array<i32>} : memref<125x80xi32, #tpu.memory_space<vmem>>, vector<1x16xi32>,
    %get3A_83 = vector.shape_cast %get3A_82 : vector<1x16xi32> to vector<16xi32>
    %mul3A_84 = arith.constant 2 : i32
    %mul3A_85 = vector.broadcast %mul3A_84 : i32 to vector<16xi32>
    %mul3A_86 = arith.muli %get3A_83, %mul3A_85 : vector<16xi32>
    %swap3A_87 = arith.constant 0 : i32
    %swap3A_88 = arith.index_cast %swap3A_87 : i32 to index
    %swap3A_89 = arith.constant 48 : index
    %swap3A_90 = tpu.vector_load %arg6[%swap3A_88, %swap3A_89] {strides = array<i32>} : memref<125x80xi32, #tpu.memory_space<vmem>>, vector<1x16xi32>,
    %swap3A_91 = vector.shape_cast %swap3A_90 : vector<1x16xi32> to vector<16xi32>
    %swap3A_92 = vector.shape_cast %mul3A_86 : vector<16xi32> to vector<1x16xi32>
    tpu.vector_store %arg6[%swap3A_88, %swap3A_89], %swap3A_92 {strides = array<i32>} : memref<125x80xi32, #tpu.memory_space<vmem>>, vector<1x16xi32>,
    %get3A_93 = arith.constant 0 : i32
    %get3A_94 = arith.index_cast %get3A_93 : i32 to index
    %get3A_95 = arith.constant 64 : index
    %get3A_96 = tpu.vector_load %arg6[%get3A_94, %get3A_95] {strides = array<i32>} : memref<125x80xi32, #tpu.memory_space<vmem>>, vector<1x16xi32>,
    %get3A_97 = vector.shape_cast %get3A_96 : vector<1x16xi32> to vector<16xi32>
    %mul3A_98 = arith.constant 2 : i32
    %mul3A_99 = vector.broadcast %mul3A_98 : i32 to vector<16xi32>
    %mul3A_100 = arith.muli %get3A_97, %mul3A_99 : vector<16xi32>
    %swap3A_101 = arith.constant 0 : i32
    %swap3A_102 = arith.index_cast %swap3A_101 : i32 to index
    %swap3A_103 = arith.constant 64 : index
    %swap3A_104 = tpu.vector_load %arg6[%swap3A_102, %swap3A_103] {strides = array<i32>} : memref<125x80xi32, #tpu.memory_space<vmem>>, vector<1x16xi32>,
    %swap3A_105 = vector.shape_cast %swap3A_104 : vector<1x16xi32> to vector<16xi32>
    %swap3A_106 = vector.shape_cast %mul3A_100 : vector<16xi32> to vector<1x16xi32>
    tpu.vector_store %arg6[%swap3A_102, %swap3A_103], %swap3A_106 {strides = array<i32>} : memref<125x80xi32, #tpu.memory_space<vmem>>, vector<1x16xi32>,
    %dma_start3A_107 = arith.constant 0 : i32
    %dma_start3A_108 = arith.constant 0 : i32
    %dma_start3A_109 = arith.constant 0 : i32
    %dma_start3A_110 = arith.constant 0 : i32
    %dma_start3A_111 = tpu.memref_slice %arg8[%dma_start3A_108, %dma_start3A_109, %dma_start3A_110] : memref<8x80x64xf32, #tpu.memory_space<vmem>> -> memref<1x80x64xf32, #tpu.memory_space<vmem>>
    %dma_start3A_112 = tpu.memref_squeeze %dma_start3A_111 : memref<1x80x64xf32, #tpu.memory_space<vmem>> -> memref<80x64xf32, #tpu.memory_space<vmem>>
    %dma_start3A_113 = arith.constant 0 : i32
    %dma_start3A_114 = tpu.memref_slice %arg6[%dma_start3A_107, %dma_start3A_113] : memref<125x80xi32, #tpu.memory_space<vmem>> -> memref<1x80xi32, #tpu.memory_space<vmem>>
    %dma_start3A_115 = tpu.memref_squeeze %dma_start3A_114 : memref<1x80xi32, #tpu.memory_space<vmem>> -> memref<80xi32, #tpu.memory_space<vmem>>
    %dma_start3A_116 = arith.constant 0 : i32
    %dma_start3A_117 = arith.constant 0 : i32
    %dma_start3A_118 = tpu.memref_slice %arg2[%dma_start3A_116, %dma_start3A_117] : memref<20000x64xf32, #tpu.memory_space<hbm>> -> memref<20000x64xf32, #tpu.memory_space<hbm>>
    tpu.enqueue_indirect_dma source(%dma_start3A_118 : memref<20000x64xf32, #tpu.memory_space<hbm>>) target(%dma_start3A_112 : memref<80x64xf32, #tpu.memory_space<vmem>>) offsets(%dma_start3A_115 : memref<80xi32, #tpu.memory_space<vmem>>) semaphore(%arg10 : memref<!tpu.dma_semaphore, #tpu.memory_space<semaphore_mem>>)
    %get3A_119 = arith.constant 1 : i32
    %get3A_120 = arith.index_cast %get3A_119 : i32 to index
    %get3A_121 = arith.constant 0 : index
    %get3A_122 = tpu.vector_load %arg6[%get3A_120, %get3A_121] {strides = array<i32>} : memref<125x80xi32, #tpu.memory_space<vmem>>, vector<1x16xi32>,
    %get3A_123 = vector.shape_cast %get3A_122 : vector<1x16xi32> to vector<16xi32>
    %mul3A_124 = arith.constant 2 : i32
    %mul3A_125 = vector.broadcast %mul3A_124 : i32 to vector<16xi32>
    %mul3A_126 = arith.muli %get3A_123, %mul3A_125 : vector<16xi32>
    %swap3A_127 = arith.constant 1 : i32
    %swap3A_128 = arith.index_cast %swap3A_127 : i32 to index
    %swap3A_129 = arith.constant 0 : index
    %swap3A_130 = tpu.vector_load %arg6[%swap3A_128, %swap3A_129] {strides = array<i32>} : memref<125x80xi32, #tpu.memory_space<vmem>>, vector<1x16xi32>,
    %swap3A_131 = vector.shape_cast %swap3A_130 : vector<1x16xi32> to vector<16xi32>
    %swap3A_132 = vector.shape_cast %mul3A_126 : vector<16xi32> to vector<1x16xi32>
    tpu.vector_store %arg6[%swap3A_128, %swap3A_129], %swap3A_132 {strides = array<i32>} : memref<125x80xi32, #tpu.memory_space<vmem>>, vector<1x16xi32>,
    %get3A_133 = arith.constant 1 : i32
    %get3A_134 = arith.index_cast %get3A_133 : i32 to index
    %get3A_135 = arith.constant 16 : index
    %get3A_136 = tpu.vector_load %arg6[%get3A_134, %get3A_135] {strides = array<i32>} : memref<125x80xi32, #tpu.memory_space<vmem>>, vector<1x16xi32>,
    %get3A_137 = vector.shape_cast %get3A_136 : vector<1x16xi32> to vector<16xi32>
    %mul3A_138 = arith.constant 2 : i32
    %mul3A_139 = vector.broadcast %mul3A_138 : i32 to vector<16xi32>
    %mul3A_140 = arith.muli %get3A_137, %mul3A_139 : vector<16xi32>
    %swap3A_141 = arith.constant 1 : i32
    %swap3A_142 = arith.index_cast %swap3A_141 : i32 to index
    %swap3A_143 = arith.constant 16 : index
    %swap3A_144 = tpu.vector_load %arg6[%swap3A_142, %swap3A_143] {strides = array<i32>} : memref<125x80xi32, #tpu.memory_space<vmem>>, vector<1x16xi32>,
    %swap3A_145 = vector.shape_cast %swap3A_144 : vector<1x16xi32> to vector<16xi32>
    %swap3A_146 = vector.shape_cast %mul3A_140 : vector<16xi32> to vector<1x16xi32>
    tpu.vector_store %arg6[%swap3A_142, %swap3A_143], %swap3A_146 {strides = array<i32>} : memref<125x80xi32, #tpu.memory_space<vmem>>, vector<1x16xi32>,
    %get3A_147 = arith.constant 1 : i32
    %get3A_148 = arith.index_cast %get3A_147 : i32 to index
    %get3A_149 = arith.constant 32 : index
    %get3A_150 = tpu.vector_load %arg6[%get3A_148, %get3A_149] {strides = array<i32>} : memref<125x80xi32, #tpu.memory_space<vmem>>, vector<1x16xi32>,
    %get3A_151 = vector.shape_cast %get3A_150 : vector<1x16xi32> to vector<16xi32>
    %mul3A_152 = arith.constant 2 : i32
    %mul3A_153 = vector.broadcast %mul3A_152 : i32 to vector<16xi32>
    %mul3A_154 = arith.muli %get3A_151, %mul3A_153 : vector<16xi32>
    %swap3A_155 = arith.constant 1 : i32
    %swap3A_156 = arith.index_cast %swap3A_155 : i32 to index
    %swap3A_157 = arith.constant 32 : index
    %swap3A_158 = tpu.vector_load %arg6[%swap3A_156, %swap3A_157] {strides = array<i32>} : memref<125x80xi32, #tpu.memory_space<vmem>>, vector<1x16xi32>,
    %swap3A_159 = vector.shape_cast %swap3A_158 : vector<1x16xi32> to vector<16xi32>
    %swap3A_160 = vector.shape_cast %mul3A_154 : vector<16xi32> to vector<1x16xi32>
    tpu.vector_store %arg6[%swap3A_156, %swap3A_157], %swap3A_160 {strides = array<i32>} : memref<125x80xi32, #tpu.memory_space<vmem>>, vector<1x16xi32>,
    %get3A_161 = arith.constant 1 : i32
    %get3A_162 = arith.index_cast %get3A_161 : i32 to index
    %get3A_163 = arith.constant 48 : index
    %get3A_164 = tpu.vector_load %arg6[%get3A_162, %get3A_163] {strides = array<i32>} : memref<125x80xi32, #tpu.memory_space<vmem>>, vector<1x16xi32>,
    %get3A_165 = vector.shape_cast %get3A_164 : vector<1x16xi32> to vector<16xi32>
    %mul3A_166 = arith.constant 2 : i32
    %mul3A_167 = vector.broadcast %mul3A_166 : i32 to vector<16xi32>
    %mul3A_168 = arith.muli %get3A_165, %mul3A_167 : vector<16xi32>
    %swap3A_169 = arith.constant 1 : i32
    %swap3A_170 = arith.index_cast %swap3A_169 : i32 to index
    %swap3A_171 = arith.constant 48 : index
    %swap3A_172 = tpu.vector_load %arg6[%swap3A_170, %swap3A_171] {strides = array<i32>} : memref<125x80xi32, #tpu.memory_space<vmem>>, vector<1x16xi32>,
    %swap3A_173 = vector.shape_cast %swap3A_172 : vector<1x16xi32> to vector<16xi32>
    %swap3A_174 = vector.shape_cast %mul3A_168 : vector<16xi32> to vector<1x16xi32>
    tpu.vector_store %arg6[%swap3A_170, %swap3A_171], %swap3A_174 {strides = array<i32>} : memref<125x80xi32, #tpu.memory_space<vmem>>, vector<1x16xi32>,
    %get3A_175 = arith.constant 1 : i32
    %get3A_176 = arith.index_cast %get3A_175 : i32 to index
    %get3A_177 = arith.constant 64 : index
    %get3A_178 = tpu.vector_load %arg6[%get3A_176, %get3A_177] {strides = array<i32>} : memref<125x80xi32, #tpu.memory_space<vmem>>, vector<1x16xi32>,
    %get3A_179 = vector.shape_cast %get3A_178 : vector<1x16xi32> to vector<16xi32>
    %mul3A_180 = arith.constant 2 : i32
    %mul3A_181 = vector.broadcast %mul3A_180 : i32 to vector<16xi32>
    %mul3A_182 = arith.muli %get3A_179, %mul3A_181 : vector<16xi32>
    %swap3A_183 = arith.constant 1 : i32
    %swap3A_184 = arith.index_cast %swap3A_183 : i32 to index
    %swap3A_185 = arith.constant 64 : index
    %swap3A_186 = tpu.vector_load %arg6[%swap3A_184, %swap3A_185] {strides = array<i32>} : memref<125x80xi32, #tpu.memory_space<vmem>>, vector<1x16xi32>,
    %swap3A_187 = vector.shape_cast %swap3A_186 : vector<1x16xi32> to vector<16xi32>
    %swap3A_188 = vector.shape_cast %mul3A_182 : vector<16xi32> to vector<1x16xi32>
    tpu.vector_store %arg6[%swap3A_184, %swap3A_185], %swap3A_188 {strides = array<i32>} : memref<125x80xi32, #tpu.memory_space<vmem>>, vector<1x16xi32>,
    %dma_start3A_189 = arith.constant 1 : i32
    %dma_start3A_190 = arith.constant 1 : i32
    %dma_start3A_191 = arith.constant 0 : i32
    %dma_start3A_192 = arith.constant 0 : i32
    %dma_start3A_193 = tpu.memref_slice %arg8[%dma_start3A_190, %dma_start3A_191, %dma_start3A_192] : memref<8x80x64xf32, #tpu.memory_space<vmem>> -> memref<1x80x64xf32, #tpu.memory_space<vmem>>
    %dma_start3A_194 = tpu.memref_squeeze %dma_start3A_193 : memref<1x80x64xf32, #tpu.memory_space<vmem>> -> memref<80x64xf32, #tpu.memory_space<vmem>>
    %dma_start3A_195 = arith.constant 0 : i32
    %dma_start3A_196 = tpu.memref_slice %arg6[%dma_start3A_189, %dma_start3A_195] : memref<125x80xi32, #tpu.memory_space<vmem>> -> memref<1x80xi32, #tpu.memory_space<vmem>>
    %dma_start3A_197 = tpu.memref_squeeze %dma_start3A_196 : memref<1x80xi32, #tpu.memory_space<vmem>> -> memref<80xi32, #tpu.memory_space<vmem>>
    %dma_start3A_198 = arith.constant 0 : i32
    %dma_start3A_199 = arith.constant 0 : i32
    %dma_start3A_200 = tpu.memref_slice %arg2[%dma_start3A_198, %dma_start3A_199] : memref<20000x64xf32, #tpu.memory_space<hbm>> -> memref<20000x64xf32, #tpu.memory_space<hbm>>
    tpu.enqueue_indirect_dma source(%dma_start3A_200 : memref<20000x64xf32, #tpu.memory_space<hbm>>) target(%dma_start3A_194 : memref<80x64xf32, #tpu.memory_space<vmem>>) offsets(%dma_start3A_197 : memref<80xi32, #tpu.memory_space<vmem>>) semaphore(%arg11 : memref<!tpu.dma_semaphore, #tpu.memory_space<semaphore_mem>>)
    %get3A_201 = arith.constant 2 : i32
    %get3A_202 = arith.index_cast %get3A_201 : i32 to index
    %get3A_203 = arith.constant 0 : index
    %get3A_204 = tpu.vector_load %arg6[%get3A_202, %get3A_203] {strides = array<i32>} : memref<125x80xi32, #tpu.memory_space<vmem>>, vector<1x16xi32>,
    %get3A_205 = vector.shape_cast %get3A_204 : vector<1x16xi32> to vector<16xi32>
    %mul3A_206 = arith.constant 2 : i32
    %mul3A_207 = vector.broadcast %mul3A_206 : i32 to vector<16xi32>
    %mul3A_208 = arith.muli %get3A_205, %mul3A_207 : vector<16xi32>
    %swap3A_209 = arith.constant 2 : i32
    %swap3A_210 = arith.index_cast %swap3A_209 : i32 to index
    %swap3A_211 = arith.constant 0 : index
    %swap3A_212 = tpu.vector_load %arg6[%swap3A_210, %swap3A_211] {strides = array<i32>} : memref<125x80xi32, #tpu.memory_space<vmem>>, vector<1x16xi32>,
    %swap3A_213 = vector.shape_cast %swap3A_212 : vector<1x16xi32> to vector<16xi32>
    %swap3A_214 = vector.shape_cast %mul3A_208 : vector<16xi32> to vector<1x16xi32>
    tpu.vector_store %arg6[%swap3A_210, %swap3A_211], %swap3A_214 {strides = array<i32>} : memref<125x80xi32, #tpu.memory_space<vmem>>, vector<1x16xi32>,
    %get3A_215 = arith.constant 2 : i32
    %get3A_216 = arith.index_cast %get3A_215 : i32 to index
    %get3A_217 = arith.constant 16 : index
    %get3A_218 = tpu.vector_load %arg6[%get3A_216, %get3A_217] {strides = array<i32>} : memref<125x80xi32, #tpu.memory_space<vmem>>, vector<1x16xi32>,
    %get3A_219 = vector.shape_cast %get3A_218 : vector<1x16xi32> to vector<16xi32>
    %mul3A_220 = arith.constant 2 : i32
    %mul3A_221 = vector.broadcast %mul3A_220 : i32 to vector<16xi32>
    %mul3A_222 = arith.muli %get3A_219, %mul3A_221 : vector<16xi32>
    %swap3A_223 = arith.constant 2 : i32
    %swap3A_224 = arith.index_cast %swap3A_223 : i32 to index
    %swap3A_225 = arith.constant 16 : index
    %swap3A_226 = tpu.vector_load %arg6[%swap3A_224, %swap3A_225] {strides = array<i32>} : memref<125x80xi32, #tpu.memory_space<vmem>>, vector<1x16xi32>,
    %swap3A_227 = vector.shape_cast %swap3A_226 : vector<1x16xi32> to vector<16xi32>
    %swap3A_228 = vector.shape_cast %mul3A_222 : vector<16xi32> to vector<1x16xi32>
    tpu.vector_store %arg6[%swap3A_224, %swap3A_225], %swap3A_228 {strides = array<i32>} : memref<125x80xi32, #tpu.memory_space<vmem>>, vector<1x16xi32>,
    %get3A_229 = arith.constant 2 : i32
    %get3A_230 = arith.index_cast %get3A_229 : i32 to index
    %get3A_231 = arith.constant 32 : index
    %get3A_232 = tpu.vector_load %arg6[%get3A_230, %get3A_231] {strides = array<i32>} : memref<125x80xi32, #tpu.memory_space<vmem>>, vector<1x16xi32>,
    %get3A_233 = vector.shape_cast %get3A_232 : vector<1x16xi32> to vector<16xi32>
    %mul3A_234 = arith.constant 2 : i32
    %mul3A_235 = vector.broadcast %mul3A_234 : i32 to vector<16xi32>
    %mul3A_236 = arith.muli %get3A_233, %mul3A_235 : vector<16xi32>
    %swap3A_237 = arith.constant 2 : i32
    %swap3A_238 = arith.index_cast %swap3A_237 : i32 to index
    %swap3A_239 = arith.constant 32 : index
    %swap3A_240 = tpu.vector_load %arg6[%swap3A_238, %swap3A_239] {strides = array<i32>} : memref<125x80xi32, #tpu.memory_space<vmem>>, vector<1x16xi32>,
    %swap3A_241 = vector.shape_cast %swap3A_240 : vector<1x16xi32> to vector<16xi32>
    %swap3A_242 = vector.shape_cast %mul3A_236 : vector<16xi32> to vector<1x16xi32>
    tpu.vector_store %arg6[%swap3A_238, %swap3A_239], %swap3A_242 {strides = array<i32>} : memref<125x80xi32, #tpu.memory_space<vmem>>, vector<1x16xi32>,
    %get3A_243 = arith.constant 2 : i32
    %get3A_244 = arith.index_cast %get3A_243 : i32 to index
    %get3A_245 = arith.constant 48 : index
    %get3A_246 = tpu.vector_load %arg6[%get3A_244, %get3A_245] {strides = array<i32>} : memref<125x80xi32, #tpu.memory_space<vmem>>, vector<1x16xi32>,
    %get3A_247 = vector.shape_cast %get3A_246 : vector<1x16xi32> to vector<16xi32>
    %mul3A_248 = arith.constant 2 : i32
    %mul3A_249 = vector.broadcast %mul3A_248 : i32 to vector<16xi32>
    %mul3A_250 = arith.muli %get3A_247, %mul3A_249 : vector<16xi32>
    %swap3A_251 = arith.constant 2 : i32
    %swap3A_252 = arith.index_cast %swap3A_251 : i32 to index
    %swap3A_253 = arith.constant 48 : index
    %swap3A_254 = tpu.vector_load %arg6[%swap3A_252, %swap3A_253] {strides = array<i32>} : memref<125x80xi32, #tpu.memory_space<vmem>>, vector<1x16xi32>,
    %swap3A_255 = vector.shape_cast %swap3A_254 : vector<1x16xi32> to vector<16xi32>
    %swap3A_256 = vector.shape_cast %mul3A_250 : vector<16xi32> to vector<1x16xi32>
    tpu.vector_store %arg6[%swap3A_252, %swap3A_253], %swap3A_256 {strides = array<i32>} : memref<125x80xi32, #tpu.memory_space<vmem>>, vector<1x16xi32>,
    %get3A_257 = arith.constant 2 : i32
    %get3A_258 = arith.index_cast %get3A_257 : i32 to index
    %get3A_259 = arith.constant 64 : index
    %get3A_260 = tpu.vector_load %arg6[%get3A_258, %get3A_259] {strides = array<i32>} : memref<125x80xi32, #tpu.memory_space<vmem>>, vector<1x16xi32>,
    %get3A_261 = vector.shape_cast %get3A_260 : vector<1x16xi32> to vector<16xi32>
    %mul3A_262 = arith.constant 2 : i32
    %mul3A_263 = vector.broadcast %mul3A_262 : i32 to vector<16xi32>
    %mul3A_264 = arith.muli %get3A_261, %mul3A_263 : vector<16xi32>
    %swap3A_265 = arith.constant 2 : i32
    %swap3A_266 = arith.index_cast %swap3A_265 : i32 to index
    %swap3A_267 = arith.constant 64 : index
    %swap3A_268 = tpu.vector_load %arg6[%swap3A_266, %swap3A_267] {strides = array<i32>} : memref<125x80xi32, #tpu.memory_space<vmem>>, vector<1x16xi32>,
    %swap3A_269 = vector.shape_cast %swap3A_268 : vector<1x16xi32> to vector<16xi32>
    %swap3A_270 = vector.shape_cast %mul3A_264 : vector<16xi32> to vector<1x16xi32>
    tpu.vector_store %arg6[%swap3A_266, %swap3A_267], %swap3A_270 {strides = array<i32>} : memref<125x80xi32, #tpu.memory_space<vmem>>, vector<1x16xi32>,
    %dma_start3A_271 = arith.constant 2 : i32
    %dma_start3A_272 = arith.constant 2 : i32
    %dma_start3A_273 = arith.constant 0 : i32
    %dma_start3A_274 = arith.constant 0 : i32
    %dma_start3A_275 = tpu.memref_slice %arg8[%dma_start3A_272, %dma_start3A_273, %dma_start3A_274] : memref<8x80x64xf32, #tpu.memory_space<vmem>> -> memref<1x80x64xf32, #tpu.memory_space<vmem>>
    %dma_start3A_276 = tpu.memref_squeeze %dma_start3A_275 : memref<1x80x64xf32, #tpu.memory_space<vmem>> -> memref<80x64xf32, #tpu.memory_space<vmem>>
    %dma_start3A_277 = arith.constant 0 : i32
    %dma_start3A_278 = tpu.memref_slice %arg6[%dma_start3A_271, %dma_start3A_277] : memref<125x80xi32, #tpu.memory_space<vmem>> -> memref<1x80xi32, #tpu.memory_space<vmem>>
    %dma_start3A_279 = tpu.memref_squeeze %dma_start3A_278 : memref<1x80xi32, #tpu.memory_space<vmem>> -> memref<80xi32, #tpu.memory_space<vmem>>
    %dma_start3A_280 = arith.constant 0 : i32
    %dma_start3A_281 = arith.constant 0 : i32
    %dma_start3A_282 = tpu.memref_slice %arg2[%dma_start3A_280, %dma_start3A_281] : memref<20000x64xf32, #tpu.memory_space<hbm>> -> memref<20000x64xf32, #tpu.memory_space<hbm>>
    tpu.enqueue_indirect_dma source(%dma_start3A_282 : memref<20000x64xf32, #tpu.memory_space<hbm>>) target(%dma_start3A_276 : memref<80x64xf32, #tpu.memory_space<vmem>>) offsets(%dma_start3A_279 : memref<80xi32, #tpu.memory_space<vmem>>) semaphore(%arg12 : memref<!tpu.dma_semaphore, #tpu.memory_space<semaphore_mem>>)
    %get3A_283 = arith.constant 3 : i32
    %get3A_284 = arith.index_cast %get3A_283 : i32 to index
    %get3A_285 = arith.constant 0 : index
    %get3A_286 = tpu.vector_load %arg6[%get3A_284, %get3A_285] {strides = array<i32>} : memref<125x80xi32, #tpu.memory_space<vmem>>, vector<1x16xi32>,
    %get3A_287 = vector.shape_cast %get3A_286 : vector<1x16xi32> to vector<16xi32>
    %mul3A_288 = arith.constant 2 : i32
    %mul3A_289 = vector.broadcast %mul3A_288 : i32 to vector<16xi32>
    %mul3A_290 = arith.muli %get3A_287, %mul3A_289 : vector<16xi32>
    %swap3A_291 = arith.constant 3 : i32
    %swap3A_292 = arith.index_cast %swap3A_291 : i32 to index
    %swap3A_293 = arith.constant 0 : index
    %swap3A_294 = tpu.vector_load %arg6[%swap3A_292, %swap3A_293] {strides = array<i32>} : memref<125x80xi32, #tpu.memory_space<vmem>>, vector<1x16xi32>,
    %swap3A_295 = vector.shape_cast %swap3A_294 : vector<1x16xi32> to vector<16xi32>
    %swap3A_296 = vector.shape_cast %mul3A_290 : vector<16xi32> to vector<1x16xi32>
    tpu.vector_store %arg6[%swap3A_292, %swap3A_293], %swap3A_296 {strides = array<i32>} : memref<125x80xi32, #tpu.memory_space<vmem>>, vector<1x16xi32>,
    %get3A_297 = arith.constant 3 : i32
    %get3A_298 = arith.index_cast %get3A_297 : i32 to index
    %get3A_299 = arith.constant 16 : index
    %get3A_300 = tpu.vector_load %arg6[%get3A_298, %get3A_299] {strides = array<i32>} : memref<125x80xi32, #tpu.memory_space<vmem>>, vector<1x16xi32>,
    %get3A_301 = vector.shape_cast %get3A_300 : vector<1x16xi32> to vector<16xi32>
    %mul3A_302 = arith.constant 2 : i32
    %mul3A_303 = vector.broadcast %mul3A_302 : i32 to vector<16xi32>
    %mul3A_304 = arith.muli %get3A_301, %mul3A_303 : vector<16xi32>
    %swap3A_305 = arith.constant 3 : i32
    %swap3A_306 = arith.index_cast %swap3A_305 : i32 to index
    %swap3A_307 = arith.constant 16 : index
    %swap3A_308 = tpu.vector_load %arg6[%swap3A_306, %swap3A_307] {strides = array<i32>} : memref<125x80xi32, #tpu.memory_space<vmem>>, vector<1x16xi32>,
    %swap3A_309 = vector.shape_cast %swap3A_308 : vector<1x16xi32> to vector<16xi32>
    %swap3A_310 = vector.shape_cast %mul3A_304 : vector<16xi32> to vector<1x16xi32>
    tpu.vector_store %arg6[%swap3A_306, %swap3A_307], %swap3A_310 {strides = array<i32>} : memref<125x80xi32, #tpu.memory_space<vmem>>, vector<1x16xi32>,
    %get3A_311 = arith.constant 3 : i32
    %get3A_312 = arith.index_cast %get3A_311 : i32 to index
    %get3A_313 = arith.constant 32 : index
    %get3A_314 = tpu.vector_load %arg6[%get3A_312, %get3A_313] {strides = array<i32>} : memref<125x80xi32, #tpu.memory_space<vmem>>, vector<1x16xi32>,
    %get3A_315 = vector.shape_cast %get3A_314 : vector<1x16xi32> to vector<16xi32>
    %mul3A_316 = arith.constant 2 : i32
    %mul3A_317 = vector.broadcast %mul3A_316 : i32 to vector<16xi32>
    %mul3A_318 = arith.muli %get3A_315, %mul3A_317 : vector<16xi32>
    %swap3A_319 = arith.constant 3 : i32
    %swap3A_320 = arith.index_cast %swap3A_319 : i32 to index
    %swap3A_321 = arith.constant 32 : index
    %swap3A_322 = tpu.vector_load %arg6[%swap3A_320, %swap3A_321] {strides = array<i32>} : memref<125x80xi32, #tpu.memory_space<vmem>>, vector<1x16xi32>,
    %swap3A_323 = vector.shape_cast %swap3A_322 : vector<1x16xi32> to vector<16xi32>
    %swap3A_324 = vector.shape_cast %mul3A_318 : vector<16xi32> to vector<1x16xi32>
    tpu.vector_store %arg6[%swap3A_320, %swap3A_321], %swap3A_324 {strides = array<i32>} : memref<125x80xi32, #tpu.memory_space<vmem>>, vector<1x16xi32>,
    %get3A_325 = arith.constant 3 : i32
    %get3A_326 = arith.index_cast %get3A_325 : i32 to index
    %get3A_327 = arith.constant 48 : index
    %get3A_328 = tpu.vector_load %arg6[%get3A_326, %get3A_327] {strides = array<i32>} : memref<125x80xi32, #tpu.memory_space<vmem>>, vector<1x16xi32>,
    %get3A_329 = vector.shape_cast %get3A_328 : vector<1x16xi32> to vector<16xi32>
    %mul3A_330 = arith.constant 2 : i32
    %mul3A_331 = vector.broadcast %mul3A_330 : i32 to vector<16xi32>
    %mul3A_332 = arith.muli %get3A_329, %mul3A_331 : vector<16xi32>
    %swap3A_333 = arith.constant 3 : i32
    %swap3A_334 = arith.index_cast %swap3A_333 : i32 to index
    %swap3A_335 = arith.constant 48 : index
    %swap3A_336 = tpu.vector_load %arg6[%swap3A_334, %swap3A_335] {strides = array<i32>} : memref<125x80xi32, #tpu.memory_space<vmem>>, vector<1x16xi32>,
    %swap3A_337 = vector.shape_cast %swap3A_336 : vector<1x16xi32> to vector<16xi32>
    %swap3A_338 = vector.shape_cast %mul3A_332 : vector<16xi32> to vector<1x16xi32>
    tpu.vector_store %arg6[%swap3A_334, %swap3A_335], %swap3A_338 {strides = array<i32>} : memref<125x80xi32, #tpu.memory_space<vmem>>, vector<1x16xi32>,
    %get3A_339 = arith.constant 3 : i32
    %get3A_340 = arith.index_cast %get3A_339 : i32 to index
    %get3A_341 = arith.constant 64 : index
    %get3A_342 = tpu.vector_load %arg6[%get3A_340, %get3A_341] {strides = array<i32>} : memref<125x80xi32, #tpu.memory_space<vmem>>, vector<1x16xi32>,
    %get3A_343 = vector.shape_cast %get3A_342 : vector<1x16xi32> to vector<16xi32>
    %mul3A_344 = arith.constant 2 : i32
    %mul3A_345 = vector.broadcast %mul3A_344 : i32 to vector<16xi32>
    %mul3A_346 = arith.muli %get3A_343, %mul3A_345 : vector<16xi32>
    %swap3A_347 = arith.constant 3 : i32
    %swap3A_348 = arith.index_cast %swap3A_347 : i32 to index
    %swap3A_349 = arith.constant 64 : index
    %swap3A_350 = tpu.vector_load %arg6[%swap3A_348, %swap3A_349] {strides = array<i32>} : memref<125x80xi32, #tpu.memory_space<vmem>>, vector<1x16xi32>,
    %swap3A_351 = vector.shape_cast %swap3A_350 : vector<1x16xi32> to vector<16xi32>
    %swap3A_352 = vector.shape_cast %mul3A_346 : vector<16xi32> to vector<1x16xi32>
    tpu.vector_store %arg6[%swap3A_348, %swap3A_349], %swap3A_352 {strides = array<i32>} : memref<125x80xi32, #tpu.memory_space<vmem>>, vector<1x16xi32>,
    %dma_start3A_353 = arith.constant 3 : i32
    %dma_start3A_354 = arith.constant 3 : i32
    %dma_start3A_355 = arith.constant 0 : i32
    %dma_start3A_356 = arith.constant 0 : i32
    %dma_start3A_357 = tpu.memref_slice %arg8[%dma_start3A_354, %dma_start3A_355, %dma_start3A_356] : memref<8x80x64xf32, #tpu.memory_space<vmem>> -> memref<1x80x64xf32, #tpu.memory_space<vmem>>
    %dma_start3A_358 = tpu.memref_squeeze %dma_start3A_357 : memref<1x80x64xf32, #tpu.memory_space<vmem>> -> memref<80x64xf32, #tpu.memory_space<vmem>>
    %dma_start3A_359 = arith.constant 0 : i32
    %dma_start3A_360 = tpu.memref_slice %arg6[%dma_start3A_353, %dma_start3A_359] : memref<125x80xi32, #tpu.memory_space<vmem>> -> memref<1x80xi32, #tpu.memory_space<vmem>>
    %dma_start3A_361 = tpu.memref_squeeze %dma_start3A_360 : memref<1x80xi32, #tpu.memory_space<vmem>> -> memref<80xi32, #tpu.memory_space<vmem>>
    %dma_start3A_362 = arith.constant 0 : i32
    %dma_start3A_363 = arith.constant 0 : i32
    %dma_start3A_364 = tpu.memref_slice %arg2[%dma_start3A_362, %dma_start3A_363] : memref<20000x64xf32, #tpu.memory_space<hbm>> -> memref<20000x64xf32, #tpu.memory_space<hbm>>
    tpu.enqueue_indirect_dma source(%dma_start3A_364 : memref<20000x64xf32, #tpu.memory_space<hbm>>) target(%dma_start3A_358 : memref<80x64xf32, #tpu.memory_space<vmem>>) offsets(%dma_start3A_361 : memref<80xi32, #tpu.memory_space<vmem>>) semaphore(%arg13 : memref<!tpu.dma_semaphore, #tpu.memory_space<semaphore_mem>>)
    %get3A_365 = arith.constant 4 : i32
    %get3A_366 = arith.index_cast %get3A_365 : i32 to index
    %get3A_367 = arith.constant 0 : index
    %get3A_368 = tpu.vector_load %arg6[%get3A_366, %get3A_367] {strides = array<i32>} : memref<125x80xi32, #tpu.memory_space<vmem>>, vector<1x16xi32>,
    %get3A_369 = vector.shape_cast %get3A_368 : vector<1x16xi32> to vector<16xi32>
    %mul3A_370 = arith.constant 2 : i32
    %mul3A_371 = vector.broadcast %mul3A_370 : i32 to vector<16xi32>
    %mul3A_372 = arith.muli %get3A_369, %mul3A_371 : vector<16xi32>
    %swap3A_373 = arith.constant 4 : i32
    %swap3A_374 = arith.index_cast %swap3A_373 : i32 to index
    %swap3A_375 = arith.constant 0 : index
    %swap3A_376 = tpu.vector_load %arg6[%swap3A_374, %swap3A_375] {strides = array<i32>} : memref<125x80xi32, #tpu.memory_space<vmem>>, vector<1x16xi32>,
    %swap3A_377 = vector.shape_cast %swap3A_376 : vector<1x16xi32> to vector<16xi32>
    %swap3A_378 = vector.shape_cast %mul3A_372 : vector<16xi32> to vector<1x16xi32>
    tpu.vector_store %arg6[%swap3A_374, %swap3A_375], %swap3A_378 {strides = array<i32>} : memref<125x80xi32, #tpu.memory_space<vmem>>, vector<1x16xi32>,
    %get3A_379 = arith.constant 4 : i32
    %get3A_380 = arith.index_cast %get3A_379 : i32 to index
    %get3A_381 = arith.constant 16 : index
    %get3A_382 = tpu.vector_load %arg6[%get3A_380, %get3A_381] {strides = array<i32>} : memref<125x80xi32, #tpu.memory_space<vmem>>, vector<1x16xi32>,
    %get3A_383 = vector.shape_cast %get3A_382 : vector<1x16xi32> to vector<16xi32>
    %mul3A_384 = arith.constant 2 : i32
    %mul3A_385 = vector.broadcast %mul3A_384 : i32 to vector<16xi32>
    %mul3A_386 = arith.muli %get3A_383, %mul3A_385 : vector<16xi32>
    %swap3A_387 = arith.constant 4 : i32
    %swap3A_388 = arith.index_cast %swap3A_387 : i32 to index
    %swap3A_389 = arith.constant 16 : index
    %swap3A_390 = tpu.vector_load %arg6[%swap3A_388, %swap3A_389] {strides = array<i32>} : memref<125x80xi32, #tpu.memory_space<vmem>>, vector<1x16xi32>,
    %swap3A_391 = vector.shape_cast %swap3A_390 : vector<1x16xi32> to vector<16xi32>
    %swap3A_392 = vector.shape_cast %mul3A_386 : vector<16xi32> to vector<1x16xi32>
    tpu.vector_store %arg6[%swap3A_388, %swap3A_389], %swap3A_392 {strides = array<i32>} : memref<125x80xi32, #tpu.memory_space<vmem>>, vector<1x16xi32>,
    %get3A_393 = arith.constant 4 : i32
    %get3A_394 = arith.index_cast %get3A_393 : i32 to index
    %get3A_395 = arith.constant 32 : index
    %get3A_396 = tpu.vector_load %arg6[%get3A_394, %get3A_395] {strides = array<i32>} : memref<125x80xi32, #tpu.memory_space<vmem>>, vector<1x16xi32>,
    %get3A_397 = vector.shape_cast %get3A_396 : vector<1x16xi32> to vector<16xi32>
    %mul3A_398 = arith.constant 2 : i32
    %mul3A_399 = vector.broadcast %mul3A_398 : i32 to vector<16xi32>
    %mul3A_400 = arith.muli %get3A_397, %mul3A_399 : vector<16xi32>
    %swap3A_401 = arith.constant 4 : i32
    %swap3A_402 = arith.index_cast %swap3A_401 : i32 to index
    %swap3A_403 = arith.constant 32 : index
    %swap3A_404 = tpu.vector_load %arg6[%swap3A_402, %swap3A_403] {strides = array<i32>} : memref<125x80xi32, #tpu.memory_space<vmem>>, vector<1x16xi32>,
    %swap3A_405 = vector.shape_cast %swap3A_404 : vector<1x16xi32> to vector<16xi32>
    %swap3A_406 = vector.shape_cast %mul3A_400 : vector<16xi32> to vector<1x16xi32>
    tpu.vector_store %arg6[%swap3A_402, %swap3A_403], %swap3A_406 {strides = array<i32>} : memref<125x80xi32, #tpu.memory_space<vmem>>, vector<1x16xi32>,
    %get3A_407 = arith.constant 4 : i32
    %get3A_408 = arith.index_cast %get3A_407 : i32 to index
    %get3A_409 = arith.constant 48 : index
    %get3A_410 = tpu.vector_load %arg6[%get3A_408, %get3A_409] {strides = array<i32>} : memref<125x80xi32, #tpu.memory_space<vmem>>, vector<1x16xi32>,
    %get3A_411 = vector.shape_cast %get3A_410 : vector<1x16xi32> to vector<16xi32>
    %mul3A_412 = arith.constant 2 : i32
    %mul3A_413 = vector.broadcast %mul3A_412 : i32 to vector<16xi32>
    %mul3A_414 = arith.muli %get3A_411, %mul3A_413 : vector<16xi32>
    %swap3A_415 = arith.constant 4 : i32
    %swap3A_416 = arith.index_cast %swap3A_415 : i32 to index
    %swap3A_417 = arith.constant 48 : index
    %swap3A_418 = tpu.vector_load %arg6[%swap3A_416, %swap3A_417] {strides = array<i32>} : memref<125x80xi32, #tpu.memory_space<vmem>>, vector<1x16xi32>,
    %swap3A_419 = vector.shape_cast %swap3A_418 : vector<1x16xi32> to vector<16xi32>
    %swap3A_420 = vector.shape_cast %mul3A_414 : vector<16xi32> to vector<1x16xi32>
    tpu.vector_store %arg6[%swap3A_416, %swap3A_417], %swap3A_420 {strides = array<i32>} : memref<125x80xi32, #tpu.memory_space<vmem>>, vector<1x16xi32>,
    %get3A_421 = arith.constant 4 : i32
    %get3A_422 = arith.index_cast %get3A_421 : i32 to index
    %get3A_423 = arith.constant 64 : index
    %get3A_424 = tpu.vector_load %arg6[%get3A_422, %get3A_423] {strides = array<i32>} : memref<125x80xi32, #tpu.memory_space<vmem>>, vector<1x16xi32>,
    %get3A_425 = vector.shape_cast %get3A_424 : vector<1x16xi32> to vector<16xi32>
    %mul3A_426 = arith.constant 2 : i32
    %mul3A_427 = vector.broadcast %mul3A_426 : i32 to vector<16xi32>
    %mul3A_428 = arith.muli %get3A_425, %mul3A_427 : vector<16xi32>
    %swap3A_429 = arith.constant 4 : i32
    %swap3A_430 = arith.index_cast %swap3A_429 : i32 to index
    %swap3A_431 = arith.constant 64 : index
    %swap3A_432 = tpu.vector_load %arg6[%swap3A_430, %swap3A_431] {strides = array<i32>} : memref<125x80xi32, #tpu.memory_space<vmem>>, vector<1x16xi32>,
    %swap3A_433 = vector.shape_cast %swap3A_432 : vector<1x16xi32> to vector<16xi32>
    %swap3A_434 = vector.shape_cast %mul3A_428 : vector<16xi32> to vector<1x16xi32>
    tpu.vector_store %arg6[%swap3A_430, %swap3A_431], %swap3A_434 {strides = array<i32>} : memref<125x80xi32, #tpu.memory_space<vmem>>, vector<1x16xi32>,
    %dma_start3A_435 = arith.constant 4 : i32
    %dma_start3A_436 = arith.constant 4 : i32
    %dma_start3A_437 = arith.constant 0 : i32
    %dma_start3A_438 = arith.constant 0 : i32
    %dma_start3A_439 = tpu.memref_slice %arg8[%dma_start3A_436, %dma_start3A_437, %dma_start3A_438] : memref<8x80x64xf32, #tpu.memory_space<vmem>> -> memref<1x80x64xf32, #tpu.memory_space<vmem>>
    %dma_start3A_440 = tpu.memref_squeeze %dma_start3A_439 : memref<1x80x64xf32, #tpu.memory_space<vmem>> -> memref<80x64xf32, #tpu.memory_space<vmem>>
    %dma_start3A_441 = arith.constant 0 : i32
    %dma_start3A_442 = tpu.memref_slice %arg6[%dma_start3A_435, %dma_start3A_441] : memref<125x80xi32, #tpu.memory_space<vmem>> -> memref<1x80xi32, #tpu.memory_space<vmem>>
    %dma_start3A_443 = tpu.memref_squeeze %dma_start3A_442 : memref<1x80xi32, #tpu.memory_space<vmem>> -> memref<80xi32, #tpu.memory_space<vmem>>
    %dma_start3A_444 = arith.constant 0 : i32
    %dma_start3A_445 = arith.constant 0 : i32
    %dma_start3A_446 = tpu.memref_slice %arg2[%dma_start3A_444, %dma_start3A_445] : memref<20000x64xf32, #tpu.memory_space<hbm>> -> memref<20000x64xf32, #tpu.memory_space<hbm>>
    tpu.enqueue_indirect_dma source(%dma_start3A_446 : memref<20000x64xf32, #tpu.memory_space<hbm>>) target(%dma_start3A_440 : memref<80x64xf32, #tpu.memory_space<vmem>>) offsets(%dma_start3A_443 : memref<80xi32, #tpu.memory_space<vmem>>) semaphore(%arg14 : memref<!tpu.dma_semaphore, #tpu.memory_space<semaphore_mem>>)
    %get3A_447 = arith.constant 5 : i32
    %get3A_448 = arith.index_cast %get3A_447 : i32 to index
    %get3A_449 = arith.constant 0 : index
    %get3A_450 = tpu.vector_load %arg6[%get3A_448, %get3A_449] {strides = array<i32>} : memref<125x80xi32, #tpu.memory_space<vmem>>, vector<1x16xi32>,
    %get3A_451 = vector.shape_cast %get3A_450 : vector<1x16xi32> to vector<16xi32>
    %mul3A_452 = arith.constant 2 : i32
    %mul3A_453 = vector.broadcast %mul3A_452 : i32 to vector<16xi32>
    %mul3A_454 = arith.muli %get3A_451, %mul3A_453 : vector<16xi32>
    %swap3A_455 = arith.constant 5 : i32
    %swap3A_456 = arith.index_cast %swap3A_455 : i32 to index
    %swap3A_457 = arith.constant 0 : index
    %swap3A_458 = tpu.vector_load %arg6[%swap3A_456, %swap3A_457] {strides = array<i32>} : memref<125x80xi32, #tpu.memory_space<vmem>>, vector<1x16xi32>,
    %swap3A_459 = vector.shape_cast %swap3A_458 : vector<1x16xi32> to vector<16xi32>
    %swap3A_460 = vector.shape_cast %mul3A_454 : vector<16xi32> to vector<1x16xi32>
    tpu.vector_store %arg6[%swap3A_456, %swap3A_457], %swap3A_460 {strides = array<i32>} : memref<125x80xi32, #tpu.memory_space<vmem>>, vector<1x16xi32>,
    %get3A_461 = arith.constant 5 : i32
    %get3A_462 = arith.index_cast %get3A_461 : i32 to index
    %get3A_463 = arith.constant 16 : index
    %get3A_464 = tpu.vector_load %arg6[%get3A_462, %get3A_463] {strides = array<i32>} : memref<125x80xi32, #tpu.memory_space<vmem>>, vector<1x16xi32>,
    %get3A_465 = vector.shape_cast %get3A_464 : vector<1x16xi32> to vector<16xi32>
    %mul3A_466 = arith.constant 2 : i32
    %mul3A_467 = vector.broadcast %mul3A_466 : i32 to vector<16xi32>
    %mul3A_468 = arith.muli %get3A_465, %mul3A_467 : vector<16xi32>
    %swap3A_469 = arith.constant 5 : i32
    %swap3A_470 = arith.index_cast %swap3A_469 : i32 to index
    %swap3A_471 = arith.constant 16 : index
    %swap3A_472 = tpu.vector_load %arg6[%swap3A_470, %swap3A_471] {strides = array<i32>} : memref<125x80xi32, #tpu.memory_space<vmem>>, vector<1x16xi32>,
    %swap3A_473 = vector.shape_cast %swap3A_472 : vector<1x16xi32> to vector<16xi32>
    %swap3A_474 = vector.shape_cast %mul3A_468 : vector<16xi32> to vector<1x16xi32>
    tpu.vector_store %arg6[%swap3A_470, %swap3A_471], %swap3A_474 {strides = array<i32>} : memref<125x80xi32, #tpu.memory_space<vmem>>, vector<1x16xi32>,
    %get3A_475 = arith.constant 5 : i32
    %get3A_476 = arith.index_cast %get3A_475 : i32 to index
    %get3A_477 = arith.constant 32 : index
    %get3A_478 = tpu.vector_load %arg6[%get3A_476, %get3A_477] {strides = array<i32>} : memref<125x80xi32, #tpu.memory_space<vmem>>, vector<1x16xi32>,
    %get3A_479 = vector.shape_cast %get3A_478 : vector<1x16xi32> to vector<16xi32>
    %mul3A_480 = arith.constant 2 : i32
    %mul3A_481 = vector.broadcast %mul3A_480 : i32 to vector<16xi32>
    %mul3A_482 = arith.muli %get3A_479, %mul3A_481 : vector<16xi32>
    %swap3A_483 = arith.constant 5 : i32
    %swap3A_484 = arith.index_cast %swap3A_483 : i32 to index
    %swap3A_485 = arith.constant 32 : index
    %swap3A_486 = tpu.vector_load %arg6[%swap3A_484, %swap3A_485] {strides = array<i32>} : memref<125x80xi32, #tpu.memory_space<vmem>>, vector<1x16xi32>,
    %swap3A_487 = vector.shape_cast %swap3A_486 : vector<1x16xi32> to vector<16xi32>
    %swap3A_488 = vector.shape_cast %mul3A_482 : vector<16xi32> to vector<1x16xi32>
    tpu.vector_store %arg6[%swap3A_484, %swap3A_485], %swap3A_488 {strides = array<i32>} : memref<125x80xi32, #tpu.memory_space<vmem>>, vector<1x16xi32>,
    %get3A_489 = arith.constant 5 : i32
    %get3A_490 = arith.index_cast %get3A_489 : i32 to index
    %get3A_491 = arith.constant 48 : index
    %get3A_492 = tpu.vector_load %arg6[%get3A_490, %get3A_491] {strides = array<i32>} : memref<125x80xi32, #tpu.memory_space<vmem>>, vector<1x16xi32>,
    %get3A_493 = vector.shape_cast %get3A_492 : vector<1x16xi32> to vector<16xi32>
    %mul3A_494 = arith.constant 2 : i32
    %mul3A_495 = vector.broadcast %mul3A_494 : i32 to vector<16xi32>
    %mul3A_496 = arith.muli %get3A_493, %mul3A_495 : vector<16xi32>
    %swap3A_497 = arith.constant 5 : i32
    %swap3A_498 = arith.index_cast %swap3A_497 : i32 to index
    %swap3A_499 = arith.constant 48 : index
    %swap3A_500 = tpu.vector_load %arg6[%swap3A_498, %swap3A_499] {strides = array<i32>} : memref<125x80xi32, #tpu.memory_space<vmem>>, vector<1x16xi32>,
    %swap3A_501 = vector.shape_cast %swap3A_500 : vector<1x16xi32> to vector<16xi32>
    %swap3A_502 = vector.shape_cast %mul3A_496 : vector<16xi32> to vector<1x16xi32>
    tpu.vector_store %arg6[%swap3A_498, %swap3A_499], %swap3A_502 {strides = array<i32>} : memref<125x80xi32, #tpu.memory_space<vmem>>, vector<1x16xi32>,
    %get3A_503 = arith.constant 5 : i32
    %get3A_504 = arith.index_cast %get3A_503 : i32 to index
    %get3A_505 = arith.constant 64 : index
    %get3A_506 = tpu.vector_load %arg6[%get3A_504, %get3A_505] {strides = array<i32>} : memref<125x80xi32, #tpu.memory_space<vmem>>, vector<1x16xi32>,
    %get3A_507 = vector.shape_cast %get3A_506 : vector<1x16xi32> to vector<16xi32>
    %mul3A_508 = arith.constant 2 : i32
    %mul3A_509 = vector.broadcast %mul3A_508 : i32 to vector<16xi32>
    %mul3A_510 = arith.muli %get3A_507, %mul3A_509 : vector<16xi32>
    %swap3A_511 = arith.constant 5 : i32
    %swap3A_512 = arith.index_cast %swap3A_511 : i32 to index
    %swap3A_513 = arith.constant 64 : index
    %swap3A_514 = tpu.vector_load %arg6[%swap3A_512, %swap3A_513] {strides = array<i32>} : memref<125x80xi32, #tpu.memory_space<vmem>>, vector<1x16xi32>,
    %swap3A_515 = vector.shape_cast %swap3A_514 : vector<1x16xi32> to vector<16xi32>
    %swap3A_516 = vector.shape_cast %mul3A_510 : vector<16xi32> to vector<1x16xi32>
    tpu.vector_store %arg6[%swap3A_512, %swap3A_513], %swap3A_516 {strides = array<i32>} : memref<125x80xi32, #tpu.memory_space<vmem>>, vector<1x16xi32>,
    %dma_start3A_517 = arith.constant 5 : i32
    %dma_start3A_518 = arith.constant 5 : i32
    %dma_start3A_519 = arith.constant 0 : i32
    %dma_start3A_520 = arith.constant 0 : i32
    %dma_start3A_521 = tpu.memref_slice %arg8[%dma_start3A_518, %dma_start3A_519, %dma_start3A_520] : memref<8x80x64xf32, #tpu.memory_space<vmem>> -> memref<1x80x64xf32, #tpu.memory_space<vmem>>
    %dma_start3A_522 = tpu.memref_squeeze %dma_start3A_521 : memref<1x80x64xf32, #tpu.memory_space<vmem>> -> memref<80x64xf32, #tpu.memory_space<vmem>>
    %dma_start3A_523 = arith.constant 0 : i32
    %dma_start3A_524 = tpu.memref_slice %arg6[%dma_start3A_517, %dma_start3A_523] : memref<125x80xi32, #tpu.memory_space<vmem>> -> memref<1x80xi32, #tpu.memory_space<vmem>>
    %dma_start3A_525 = tpu.memref_squeeze %dma_start3A_524 : memref<1x80xi32, #tpu.memory_space<vmem>> -> memref<80xi32, #tpu.memory_space<vmem>>
    %dma_start3A_526 = arith.constant 0 : i32
    %dma_start3A_527 = arith.constant 0 : i32
    %dma_start3A_528 = tpu.memref_slice %arg2[%dma_start3A_526, %dma_start3A_527] : memref<20000x64xf32, #tpu.memory_space<hbm>> -> memref<20000x64xf32, #tpu.memory_space<hbm>>
    tpu.enqueue_indirect_dma source(%dma_start3A_528 : memref<20000x64xf32, #tpu.memory_space<hbm>>) target(%dma_start3A_522 : memref<80x64xf32, #tpu.memory_space<vmem>>) offsets(%dma_start3A_525 : memref<80xi32, #tpu.memory_space<vmem>>) semaphore(%arg15 : memref<!tpu.dma_semaphore, #tpu.memory_space<semaphore_mem>>)
    %get3A_529 = arith.constant 6 : i32
    %get3A_530 = arith.index_cast %get3A_529 : i32 to index
    %get3A_531 = arith.constant 0 : index
    %get3A_532 = tpu.vector_load %arg6[%get3A_530, %get3A_531] {strides = array<i32>} : memref<125x80xi32, #tpu.memory_space<vmem>>, vector<1x16xi32>,
    %get3A_533 = vector.shape_cast %get3A_532 : vector<1x16xi32> to vector<16xi32>
    %mul3A_534 = arith.constant 2 : i32
    %mul3A_535 = vector.broadcast %mul3A_534 : i32 to vector<16xi32>
    %mul3A_536 = arith.muli %get3A_533, %mul3A_535 : vector<16xi32>
    %swap3A_537 = arith.constant 6 : i32
    %swap3A_538 = arith.index_cast %swap3A_537 : i32 to index
    %swap3A_539 = arith.constant 0 : index
    %swap3A_540 = tpu.vector_load %arg6[%swap3A_538, %swap3A_539] {strides = array<i32>} : memref<125x80xi32, #tpu.memory_space<vmem>>, vector<1x16xi32>,
    %swap3A_541 = vector.shape_cast %swap3A_540 : vector<1x16xi32> to vector<16xi32>
    %swap3A_542 = vector.shape_cast %mul3A_536 : vector<16xi32> to vector<1x16xi32>
    tpu.vector_store %arg6[%swap3A_538, %swap3A_539], %swap3A_542 {strides = array<i32>} : memref<125x80xi32, #tpu.memory_space<vmem>>, vector<1x16xi32>,
    %get3A_543 = arith.constant 6 : i32
    %get3A_544 = arith.index_cast %get3A_543 : i32 to index
    %get3A_545 = arith.constant 16 : index
    %get3A_546 = tpu.vector_load %arg6[%get3A_544, %get3A_545] {strides = array<i32>} : memref<125x80xi32, #tpu.memory_space<vmem>>, vector<1x16xi32>,
    %get3A_547 = vector.shape_cast %get3A_546 : vector<1x16xi32> to vector<16xi32>
    %mul3A_548 = arith.constant 2 : i32
    %mul3A_549 = vector.broadcast %mul3A_548 : i32 to vector<16xi32>
    %mul3A_550 = arith.muli %get3A_547, %mul3A_549 : vector<16xi32>
    %swap3A_551 = arith.constant 6 : i32
    %swap3A_552 = arith.index_cast %swap3A_551 : i32 to index
    %swap3A_553 = arith.constant 16 : index
    %swap3A_554 = tpu.vector_load %arg6[%swap3A_552, %swap3A_553] {strides = array<i32>} : memref<125x80xi32, #tpu.memory_space<vmem>>, vector<1x16xi32>,
    %swap3A_555 = vector.shape_cast %swap3A_554 : vector<1x16xi32> to vector<16xi32>
    %swap3A_556 = vector.shape_cast %mul3A_550 : vector<16xi32> to vector<1x16xi32>
    tpu.vector_store %arg6[%swap3A_552, %swap3A_553], %swap3A_556 {strides = array<i32>} : memref<125x80xi32, #tpu.memory_space<vmem>>, vector<1x16xi32>,
    %get3A_557 = arith.constant 6 : i32
    %get3A_558 = arith.index_cast %get3A_557 : i32 to index
    %get3A_559 = arith.constant 32 : index
    %get3A_560 = tpu.vector_load %arg6[%get3A_558, %get3A_559] {strides = array<i32>} : memref<125x80xi32, #tpu.memory_space<vmem>>, vector<1x16xi32>,
    %get3A_561 = vector.shape_cast %get3A_560 : vector<1x16xi32> to vector<16xi32>
    %mul3A_562 = arith.constant 2 : i32
    %mul3A_563 = vector.broadcast %mul3A_562 : i32 to vector<16xi32>
    %mul3A_564 = arith.muli %get3A_561, %mul3A_563 : vector<16xi32>
    %swap3A_565 = arith.constant 6 : i32
    %swap3A_566 = arith.index_cast %swap3A_565 : i32 to index
    %swap3A_567 = arith.constant 32 : index
    %swap3A_568 = tpu.vector_load %arg6[%swap3A_566, %swap3A_567] {strides = array<i32>} : memref<125x80xi32, #tpu.memory_space<vmem>>, vector<1x16xi32>,
    %swap3A_569 = vector.shape_cast %swap3A_568 : vector<1x16xi32> to vector<16xi32>
    %swap3A_570 = vector.shape_cast %mul3A_564 : vector<16xi32> to vector<1x16xi32>
    tpu.vector_store %arg6[%swap3A_566, %swap3A_567], %swap3A_570 {strides = array<i32>} : memref<125x80xi32, #tpu.memory_space<vmem>>, vector<1x16xi32>,
    %get3A_571 = arith.constant 6 : i32
    %get3A_572 = arith.index_cast %get3A_571 : i32 to index
    %get3A_573 = arith.constant 48 : index
    %get3A_574 = tpu.vector_load %arg6[%get3A_572, %get3A_573] {strides = array<i32>} : memref<125x80xi32, #tpu.memory_space<vmem>>, vector<1x16xi32>,
    %get3A_575 = vector.shape_cast %get3A_574 : vector<1x16xi32> to vector<16xi32>
    %mul3A_576 = arith.constant 2 : i32
    %mul3A_577 = vector.broadcast %mul3A_576 : i32 to vector<16xi32>
    %mul3A_578 = arith.muli %get3A_575, %mul3A_577 : vector<16xi32>
    %swap3A_579 = arith.constant 6 : i32
    %swap3A_580 = arith.index_cast %swap3A_579 : i32 to index
    %swap3A_581 = arith.constant 48 : index
    %swap3A_582 = tpu.vector_load %arg6[%swap3A_580, %swap3A_581] {strides = array<i32>} : memref<125x80xi32, #tpu.memory_space<vmem>>, vector<1x16xi32>,
    %swap3A_583 = vector.shape_cast %swap3A_582 : vector<1x16xi32> to vector<16xi32>
    %swap3A_584 = vector.shape_cast %mul3A_578 : vector<16xi32> to vector<1x16xi32>
    tpu.vector_store %arg6[%swap3A_580, %swap3A_581], %swap3A_584 {strides = array<i32>} : memref<125x80xi32, #tpu.memory_space<vmem>>, vector<1x16xi32>,
    %get3A_585 = arith.constant 6 : i32
    %get3A_586 = arith.index_cast %get3A_585 : i32 to index
    %get3A_587 = arith.constant 64 : index
    %get3A_588 = tpu.vector_load %arg6[%get3A_586, %get3A_587] {strides = array<i32>} : memref<125x80xi32, #tpu.memory_space<vmem>>, vector<1x16xi32>,
    %get3A_589 = vector.shape_cast %get3A_588 : vector<1x16xi32> to vector<16xi32>
    %mul3A_590 = arith.constant 2 : i32
    %mul3A_591 = vector.broadcast %mul3A_590 : i32 to vector<16xi32>
    %mul3A_592 = arith.muli %get3A_589, %mul3A_591 : vector<16xi32>
    %swap3A_593 = arith.constant 6 : i32
    %swap3A_594 = arith.index_cast %swap3A_593 : i32 to index
    %swap3A_595 = arith.constant 64 : index
    %swap3A_596 = tpu.vector_load %arg6[%swap3A_594, %swap3A_595] {strides = array<i32>} : memref<125x80xi32, #tpu.memory_space<vmem>>, vector<1x16xi32>,
    %swap3A_597 = vector.shape_cast %swap3A_596 : vector<1x16xi32> to vector<16xi32>
    %swap3A_598 = vector.shape_cast %mul3A_592 : vector<16xi32> to vector<1x16xi32>
    tpu.vector_store %arg6[%swap3A_594, %swap3A_595], %swap3A_598 {strides = array<i32>} : memref<125x80xi32, #tpu.memory_space<vmem>>, vector<1x16xi32>,
    %dma_start3A_599 = arith.constant 6 : i32
    %dma_start3A_600 = arith.constant 6 : i32
    %dma_start3A_601 = arith.constant 0 : i32
    %dma_start3A_602 = arith.constant 0 : i32
    %dma_start3A_603 = tpu.memref_slice %arg8[%dma_start3A_600, %dma_start3A_601, %dma_start3A_602] : memref<8x80x64xf32, #tpu.memory_space<vmem>> -> memref<1x80x64xf32, #tpu.memory_space<vmem>>
    %dma_start3A_604 = tpu.memref_squeeze %dma_start3A_603 : memref<1x80x64xf32, #tpu.memory_space<vmem>> -> memref<80x64xf32, #tpu.memory_space<vmem>>
    %dma_start3A_605 = arith.constant 0 : i32
    %dma_start3A_606 = tpu.memref_slice %arg6[%dma_start3A_599, %dma_start3A_605] : memref<125x80xi32, #tpu.memory_space<vmem>> -> memref<1x80xi32, #tpu.memory_space<vmem>>
    %dma_start3A_607 = tpu.memref_squeeze %dma_start3A_606 : memref<1x80xi32, #tpu.memory_space<vmem>> -> memref<80xi32, #tpu.memory_space<vmem>>
    %dma_start3A_608 = arith.constant 0 : i32
    %dma_start3A_609 = arith.constant 0 : i32
    %dma_start3A_610 = tpu.memref_slice %arg2[%dma_start3A_608, %dma_start3A_609] : memref<20000x64xf32, #tpu.memory_space<hbm>> -> memref<20000x64xf32, #tpu.memory_space<hbm>>
    tpu.enqueue_indirect_dma source(%dma_start3A_610 : memref<20000x64xf32, #tpu.memory_space<hbm>>) target(%dma_start3A_604 : memref<80x64xf32, #tpu.memory_space<vmem>>) offsets(%dma_start3A_607 : memref<80xi32, #tpu.memory_space<vmem>>) semaphore(%arg16 : memref<!tpu.dma_semaphore, #tpu.memory_space<semaphore_mem>>)
    %get3A_611 = arith.constant 7 : i32
    %get3A_612 = arith.index_cast %get3A_611 : i32 to index
    %get3A_613 = arith.constant 0 : index
    %get3A_614 = tpu.vector_load %arg6[%get3A_612, %get3A_613] {strides = array<i32>} : memref<125x80xi32, #tpu.memory_space<vmem>>, vector<1x16xi32>,
    %get3A_615 = vector.shape_cast %get3A_614 : vector<1x16xi32> to vector<16xi32>
    %mul3A_616 = arith.constant 2 : i32
    %mul3A_617 = vector.broadcast %mul3A_616 : i32 to vector<16xi32>
    %mul3A_618 = arith.muli %get3A_615, %mul3A_617 : vector<16xi32>
    %swap3A_619 = arith.constant 7 : i32
    %swap3A_620 = arith.index_cast %swap3A_619 : i32 to index
    %swap3A_621 = arith.constant 0 : index
    %swap3A_622 = tpu.vector_load %arg6[%swap3A_620, %swap3A_621] {strides = array<i32>} : memref<125x80xi32, #tpu.memory_space<vmem>>, vector<1x16xi32>,
    %swap3A_623 = vector.shape_cast %swap3A_622 : vector<1x16xi32> to vector<16xi32>
    %swap3A_624 = vector.shape_cast %mul3A_618 : vector<16xi32> to vector<1x16xi32>
    tpu.vector_store %arg6[%swap3A_620, %swap3A_621], %swap3A_624 {strides = array<i32>} : memref<125x80xi32, #tpu.memory_space<vmem>>, vector<1x16xi32>,
    %get3A_625 = arith.constant 7 : i32
    %get3A_626 = arith.index_cast %get3A_625 : i32 to index
    %get3A_627 = arith.constant 16 : index
    %get3A_628 = tpu.vector_load %arg6[%get3A_626, %get3A_627] {strides = array<i32>} : memref<125x80xi32, #tpu.memory_space<vmem>>, vector<1x16xi32>,
    %get3A_629 = vector.shape_cast %get3A_628 : vector<1x16xi32> to vector<16xi32>
    %mul3A_630 = arith.constant 2 : i32
    %mul3A_631 = vector.broadcast %mul3A_630 : i32 to vector<16xi32>
    %mul3A_632 = arith.muli %get3A_629, %mul3A_631 : vector<16xi32>
    %swap3A_633 = arith.constant 7 : i32
    %swap3A_634 = arith.index_cast %swap3A_633 : i32 to index
    %swap3A_635 = arith.constant 16 : index
    %swap3A_636 = tpu.vector_load %arg6[%swap3A_634, %swap3A_635] {strides = array<i32>} : memref<125x80xi32, #tpu.memory_space<vmem>>, vector<1x16xi32>,
    %swap3A_637 = vector.shape_cast %swap3A_636 : vector<1x16xi32> to vector<16xi32>
    %swap3A_638 = vector.shape_cast %mul3A_632 : vector<16xi32> to vector<1x16xi32>
    tpu.vector_store %arg6[%swap3A_634, %swap3A_635], %swap3A_638 {strides = array<i32>} : memref<125x80xi32, #tpu.memory_space<vmem>>, vector<1x16xi32>,
    %get3A_639 = arith.constant 7 : i32
    %get3A_640 = arith.index_cast %get3A_639 : i32 to index
    %get3A_641 = arith.constant 32 : index
    %get3A_642 = tpu.vector_load %arg6[%get3A_640, %get3A_641] {strides = array<i32>} : memref<125x80xi32, #tpu.memory_space<vmem>>, vector<1x16xi32>,
    %get3A_643 = vector.shape_cast %get3A_642 : vector<1x16xi32> to vector<16xi32>
    %mul3A_644 = arith.constant 2 : i32
    %mul3A_645 = vector.broadcast %mul3A_644 : i32 to vector<16xi32>
    %mul3A_646 = arith.muli %get3A_643, %mul3A_645 : vector<16xi32>
    %swap3A_647 = arith.constant 7 : i32
    %swap3A_648 = arith.index_cast %swap3A_647 : i32 to index
    %swap3A_649 = arith.constant 32 : index
    %swap3A_650 = tpu.vector_load %arg6[%swap3A_648, %swap3A_649] {strides = array<i32>} : memref<125x80xi32, #tpu.memory_space<vmem>>, vector<1x16xi32>,
    %swap3A_651 = vector.shape_cast %swap3A_650 : vector<1x16xi32> to vector<16xi32>
    %swap3A_652 = vector.shape_cast %mul3A_646 : vector<16xi32> to vector<1x16xi32>
    tpu.vector_store %arg6[%swap3A_648, %swap3A_649], %swap3A_652 {strides = array<i32>} : memref<125x80xi32, #tpu.memory_space<vmem>>, vector<1x16xi32>,
    %get3A_653 = arith.constant 7 : i32
    %get3A_654 = arith.index_cast %get3A_653 : i32 to index
    %get3A_655 = arith.constant 48 : index
    %get3A_656 = tpu.vector_load %arg6[%get3A_654, %get3A_655] {strides = array<i32>} : memref<125x80xi32, #tpu.memory_space<vmem>>, vector<1x16xi32>,
    %get3A_657 = vector.shape_cast %get3A_656 : vector<1x16xi32> to vector<16xi32>
    %mul3A_658 = arith.constant 2 : i32
    %mul3A_659 = vector.broadcast %mul3A_658 : i32 to vector<16xi32>
    %mul3A_660 = arith.muli %get3A_657, %mul3A_659 : vector<16xi32>
    %swap3A_661 = arith.constant 7 : i32
    %swap3A_662 = arith.index_cast %swap3A_661 : i32 to index
    %swap3A_663 = arith.constant 48 : index
    %swap3A_664 = tpu.vector_load %arg6[%swap3A_662, %swap3A_663] {strides = array<i32>} : memref<125x80xi32, #tpu.memory_space<vmem>>, vector<1x16xi32>,
    %swap3A_665 = vector.shape_cast %swap3A_664 : vector<1x16xi32> to vector<16xi32>
    %swap3A_666 = vector.shape_cast %mul3A_660 : vector<16xi32> to vector<1x16xi32>
    tpu.vector_store %arg6[%swap3A_662, %swap3A_663], %swap3A_666 {strides = array<i32>} : memref<125x80xi32, #tpu.memory_space<vmem>>, vector<1x16xi32>,
    %get3A_667 = arith.constant 7 : i32
    %get3A_668 = arith.index_cast %get3A_667 : i32 to index
    %get3A_669 = arith.constant 64 : index
    %get3A_670 = tpu.vector_load %arg6[%get3A_668, %get3A_669] {strides = array<i32>} : memref<125x80xi32, #tpu.memory_space<vmem>>, vector<1x16xi32>,
    %get3A_671 = vector.shape_cast %get3A_670 : vector<1x16xi32> to vector<16xi32>
    %mul3A_672 = arith.constant 2 : i32
    %mul3A_673 = vector.broadcast %mul3A_672 : i32 to vector<16xi32>
    %mul3A_674 = arith.muli %get3A_671, %mul3A_673 : vector<16xi32>
    %swap3A_675 = arith.constant 7 : i32
    %swap3A_676 = arith.index_cast %swap3A_675 : i32 to index
    %swap3A_677 = arith.constant 64 : index
    %swap3A_678 = tpu.vector_load %arg6[%swap3A_676, %swap3A_677] {strides = array<i32>} : memref<125x80xi32, #tpu.memory_space<vmem>>, vector<1x16xi32>,
    %swap3A_679 = vector.shape_cast %swap3A_678 : vector<1x16xi32> to vector<16xi32>
    %swap3A_680 = vector.shape_cast %mul3A_674 : vector<16xi32> to vector<1x16xi32>
    tpu.vector_store %arg6[%swap3A_676, %swap3A_677], %swap3A_680 {strides = array<i32>} : memref<125x80xi32, #tpu.memory_space<vmem>>, vector<1x16xi32>,
    %dma_start3A_681 = arith.constant 7 : i32
    %dma_start3A_682 = arith.constant 7 : i32
    %dma_start3A_683 = arith.constant 0 : i32
    %dma_start3A_684 = arith.constant 0 : i32
    %dma_start3A_685 = tpu.memref_slice %arg8[%dma_start3A_682, %dma_start3A_683, %dma_start3A_684] : memref<8x80x64xf32, #tpu.memory_space<vmem>> -> memref<1x80x64xf32, #tpu.memory_space<vmem>>
    %dma_start3A_686 = tpu.memref_squeeze %dma_start3A_685 : memref<1x80x64xf32, #tpu.memory_space<vmem>> -> memref<80x64xf32, #tpu.memory_space<vmem>>
    %dma_start3A_687 = arith.constant 0 : i32
    %dma_start3A_688 = tpu.memref_slice %arg6[%dma_start3A_681, %dma_start3A_687] : memref<125x80xi32, #tpu.memory_space<vmem>> -> memref<1x80xi32, #tpu.memory_space<vmem>>
    %dma_start3A_689 = tpu.memref_squeeze %dma_start3A_688 : memref<1x80xi32, #tpu.memory_space<vmem>> -> memref<80xi32, #tpu.memory_space<vmem>>
    %dma_start3A_690 = arith.constant 0 : i32
    %dma_start3A_691 = arith.constant 0 : i32
    %dma_start3A_692 = tpu.memref_slice %arg2[%dma_start3A_690, %dma_start3A_691] : memref<20000x64xf32, #tpu.memory_space<hbm>> -> memref<20000x64xf32, #tpu.memory_space<hbm>>
    tpu.enqueue_indirect_dma source(%dma_start3A_692 : memref<20000x64xf32, #tpu.memory_space<hbm>>) target(%dma_start3A_686 : memref<80x64xf32, #tpu.memory_space<vmem>>) offsets(%dma_start3A_689 : memref<80xi32, #tpu.memory_space<vmem>>) semaphore(%arg17 : memref<!tpu.dma_semaphore, #tpu.memory_space<semaphore_mem>>)
    %scan3A_693 = arith.constant 0 : i32
    %scan3A_694 = arith.constant 8 : i32
    %scan3A_695 = arith.addi %scan3A_693, %scan3A_694 : i32
    %scan3A_696 = arith.constant 1 : i32
    scf.for %scan3A_810 = %scan3A_693 to %scan3A_695 step %scan3A_696  : i32 {
      %mul3A_811 = arith.constant 1 : i32
      %mul3A_812 = arith.muli %scan3A_810, %mul3A_811 : i32
      %add3A_813 = arith.constant 0 : i32
      %add3A_814 = arith.addi %add3A_813, %mul3A_812 : i32
      %mul3A_815 = arith.constant 16 : i32
      %mul3A_816 = arith.muli %add3A_814, %mul3A_815 : i32
      %add3A_817 = arith.addi %arg1, %mul3A_816 : i32
      %lt3A = arith.constant 125 : i32
      %lt3A_818 = arith.cmpi slt, %add3A_817, %lt3A : i32
      %convert_element_type3A = arith.extui %lt3A_818 : i1 to i32
      %cond3A = arith.constant 0 : i32
      %cond3A_819 = arith.cmpi ne, %convert_element_type3A, %cond3A : i32
      scf.if %cond3A_819 {
        %mul3A_820 = arith.constant 80 : i32
        %mul3A_821 = arith.muli %add3A_817, %mul3A_820 : i32
        %dma_wait3A_822 = arith.constant 0 : i32
        %dma_wait3A_823 = tpu.memref_slice %arg9[%mul3A_821, %dma_wait3A_822] : memref<10000x64xf32, #tpu.memory_space<vmem_shared>> -> memref<80x64xf32, #tpu.memory_space<vmem_shared>>
        tpu.wait_dma2 semaphore(%arg27 : memref<!tpu.dma_semaphore, #tpu.memory_space<semaphore_mem>>) src(%arg4 : memref<80x64xf32, #tpu.memory_space<hbm>>) dst(%dma_wait3A_823 : memref<80x64xf32, #tpu.memory_space<vmem_shared>>)
      } else {
      }
    }
    %scan3A_697 = arith.constant 8 : i32
    %barrier3A = arith.constant 0 : index
    tpu.barrier barrier_id(%barrier3A)
    %scan3A_698 = arith.constant 0 : i32
    %scan3A_699 = arith.constant 16 : i32
    %scan3A_700 = arith.addi %scan3A_698, %scan3A_699 : i32
    %scan3A_701 = arith.constant 1 : i32
    scf.for %scan3A_810 = %scan3A_698 to %scan3A_700 step %scan3A_701  : i32 {
      %mul3A_811 = arith.constant 1 : i32
      %mul3A_812 = arith.muli %scan3A_810, %mul3A_811 : i32
      %add3A_813 = arith.constant 0 : i32
      %add3A_814 = arith.addi %add3A_813, %mul3A_812 : i32
      %mul3A_815 = arith.constant 8 : i32
      %mul3A_816 = arith.muli %add3A_814, %mul3A_815 : i32
      %add3A_817 = arith.constant 0 : i32
      %add3A_818 = arith.addi %mul3A_816, %add3A_817 : i32
      %lt3A = arith.constant 125 : i32
      %lt3A_819 = arith.cmpi slt, %add3A_818, %lt3A : i32
      %convert_element_type3A = arith.extui %lt3A_819 : i1 to i32
      %cond3A = arith.constant 0 : i32
      %cond3A_820 = arith.cmpi ne, %convert_element_type3A, %cond3A : i32
      scf.if %cond3A_820 {
        %dma_wait3A_884 = arith.constant 0 : i32
        %dma_wait3A_885 = arith.constant 0 : i32
        %dma_wait3A_886 = arith.constant 0 : i32
        %dma_wait3A_887 = tpu.memref_slice %arg8[%dma_wait3A_884, %dma_wait3A_885, %dma_wait3A_886] : memref<8x80x64xf32, #tpu.memory_space<vmem>> -> memref<1x80x64xf32, #tpu.memory_space<vmem>>
        %dma_wait3A_888 = tpu.memref_squeeze %dma_wait3A_887 : memref<1x80x64xf32, #tpu.memory_space<vmem>> -> memref<80x64xf32, #tpu.memory_space<vmem>>
        %dma_wait3A_889 = arith.constant 0 : i32
        %dma_wait3A_890 = tpu.memref_slice %arg6[%add3A_818, %dma_wait3A_889] : memref<125x80xi32, #tpu.memory_space<vmem>> -> memref<1x80xi32, #tpu.memory_space<vmem>>
        %dma_wait3A_891 = tpu.memref_squeeze %dma_wait3A_890 : memref<1x80xi32, #tpu.memory_space<vmem>> -> memref<80xi32, #tpu.memory_space<vmem>>
        %dma_wait3A_892 = arith.constant 0 : i32
        %dma_wait3A_893 = arith.constant 0 : i32
        %dma_wait3A_894 = tpu.memref_slice %arg2[%dma_wait3A_892, %dma_wait3A_893] : memref<20000x64xf32, #tpu.memory_space<hbm>> -> memref<20000x64xf32, #tpu.memory_space<hbm>>
        tpu.wait_indirect_dma semaphore(%arg10 : memref<!tpu.dma_semaphore, #tpu.memory_space<semaphore_mem>>) src(%dma_wait3A_894 : memref<20000x64xf32, #tpu.memory_space<hbm>>) dst(%dma_wait3A_888 : memref<80x64xf32, #tpu.memory_space<vmem>>)
        %dma_start3A_895 = arith.constant 0 : i32
        %dma_start3A_896 = arith.constant 0 : i32
        %dma_start3A_897 = arith.constant 0 : i32
        %dma_start3A_898 = tpu.memref_slice %arg8[%dma_start3A_895, %dma_start3A_896, %dma_start3A_897] : memref<8x80x64xf32, #tpu.memory_space<vmem>> -> memref<1x80x64xf32, #tpu.memory_space<vmem>>
        %dma_start3A_899 = tpu.memref_squeeze %dma_start3A_898 : memref<1x80x64xf32, #tpu.memory_space<vmem>> -> memref<80x64xf32, #tpu.memory_space<vmem>>
        %dma_start3A_900 = arith.constant 0 : i32
        %dma_start3A_901 = tpu.memref_slice %arg7[%add3A_818, %dma_start3A_900] : memref<125x80xi32, #tpu.memory_space<vmem>> -> memref<1x80xi32, #tpu.memory_space<vmem>>
        %dma_start3A_902 = tpu.memref_squeeze %dma_start3A_901 : memref<1x80xi32, #tpu.memory_space<vmem>> -> memref<80xi32, #tpu.memory_space<vmem>>
        %dma_start3A_903 = arith.constant 0 : i32
        %dma_start3A_904 = arith.constant 0 : i32
        %dma_start3A_905 = tpu.memref_slice %arg9[%dma_start3A_903, %dma_start3A_904] : memref<10000x64xf32, #tpu.memory_space<vmem_shared>> -> memref<10000x64xf32, #tpu.memory_space<vmem_shared>>
        tpu.enqueue_indirect_dma source(%dma_start3A_899 : memref<80x64xf32, #tpu.memory_space<vmem>>) target(%dma_start3A_905 : memref<10000x64xf32, #tpu.memory_space<vmem_shared>>) offsets(%dma_start3A_902 : memref<80xi32, #tpu.memory_space<vmem>>) semaphore(%arg18 : memref<!tpu.dma_semaphore, #tpu.memory_space<semaphore_mem>>) {add = true}
        %add3A_906 = arith.constant 8 : i32
        %add3A_907 = arith.addi %add3A_818, %add3A_906 : i32
        %sub3A = arith.constant 1 : i32
        %sub3A_908 = arith.subi %add3A_907, %sub3A : i32
        %ge3A = arith.constant 1 : i32
        %ge3A_909 = arith.cmpi sge, %add3A_818, %ge3A : i32
        %lt3A_910 = arith.constant 125 : i32
        %lt3A_911 = arith.cmpi slt, %sub3A_908, %lt3A_910 : i32
        %and3A = arith.andi %ge3A_909, %lt3A_911 : i1
        %convert_element_type3A_912 = arith.extui %and3A : i1 to i32
        %cond3A_913 = arith.constant 0 : i32
        %cond3A_914 = arith.cmpi ne, %convert_element_type3A_912, %cond3A_913 : i32
        scf.if %cond3A_914 {
          %sub3A_915 = arith.constant 1 : i32
          %sub3A_916 = arith.subi %add3A_818, %sub3A_915 : i32
          %dma_wait3A_917 = arith.constant 7 : i32
          %dma_wait3A_918 = arith.constant 0 : i32
          %dma_wait3A_919 = arith.constant 0 : i32
          %dma_wait3A_920 = tpu.memref_slice %arg8[%dma_wait3A_917, %dma_wait3A_918, %dma_wait3A_919] : memref<8x80x64xf32, #tpu.memory_space<vmem>> -> memref<1x80x64xf32, #tpu.memory_space<vmem>>
          %dma_wait3A_921 = tpu.memref_squeeze %dma_wait3A_920 : memref<1x80x64xf32, #tpu.memory_space<vmem>> -> memref<80x64xf32, #tpu.memory_space<vmem>>
          %dma_wait3A_922 = arith.constant 0 : i32
          %dma_wait3A_923 = tpu.memref_slice %arg7[%sub3A_916, %dma_wait3A_922] : memref<125x80xi32, #tpu.memory_space<vmem>> -> memref<1x80xi32, #tpu.memory_space<vmem>>
          %dma_wait3A_924 = tpu.memref_squeeze %dma_wait3A_923 : memref<1x80xi32, #tpu.memory_space<vmem>> -> memref<80xi32, #tpu.memory_space<vmem>>
          %dma_wait3A_925 = arith.constant 0 : i32
          %dma_wait3A_926 = arith.constant 0 : i32
          %dma_wait3A_927 = tpu.memref_slice %arg9[%dma_wait3A_925, %dma_wait3A_926] : memref<10000x64xf32, #tpu.memory_space<vmem_shared>> -> memref<10000x64xf32, #tpu.memory_space<vmem_shared>>
          tpu.wait_indirect_dma semaphore(%arg25 : memref<!tpu.dma_semaphore, #tpu.memory_space<semaphore_mem>>) src(%dma_wait3A_921 : memref<80x64xf32, #tpu.memory_space<vmem>>) dst(%dma_wait3A_927 : memref<10000x64xf32, #tpu.memory_space<vmem_shared>>)
          %get3A_928 = arith.index_cast %sub3A_908 : i32 to index
          %get3A_929 = arith.constant 0 : index
          %get3A_930 = tpu.vector_load %arg6[%get3A_928, %get3A_929] {strides = array<i32>} : memref<125x80xi32, #tpu.memory_space<vmem>>, vector<1x16xi32>,
          %get3A_931 = vector.shape_cast %get3A_930 : vector<1x16xi32> to vector<16xi32>
          %mul3A_932 = arith.constant 2 : i32
          %mul3A_933 = vector.broadcast %mul3A_932 : i32 to vector<16xi32>
          %mul3A_934 = arith.muli %get3A_931, %mul3A_933 : vector<16xi32>
          %swap3A_935 = arith.index_cast %sub3A_908 : i32 to index
          %swap3A_936 = arith.constant 0 : index
          %swap3A_937 = tpu.vector_load %arg6[%swap3A_935, %swap3A_936] {strides = array<i32>} : memref<125x80xi32, #tpu.memory_space<vmem>>, vector<1x16xi32>,
          %swap3A_938 = vector.shape_cast %swap3A_937 : vector<1x16xi32> to vector<16xi32>
          %swap3A_939 = vector.shape_cast %mul3A_934 : vector<16xi32> to vector<1x16xi32>
          tpu.vector_store %arg6[%swap3A_935, %swap3A_936], %swap3A_939 {strides = array<i32>} : memref<125x80xi32, #tpu.memory_space<vmem>>, vector<1x16xi32>,
          %get3A_940 = arith.index_cast %sub3A_908 : i32 to index
          %get3A_941 = arith.constant 16 : index
          %get3A_942 = tpu.vector_load %arg6[%get3A_940, %get3A_941] {strides = array<i32>} : memref<125x80xi32, #tpu.memory_space<vmem>>, vector<1x16xi32>,
          %get3A_943 = vector.shape_cast %get3A_942 : vector<1x16xi32> to vector<16xi32>
          %mul3A_944 = arith.constant 2 : i32
          %mul3A_945 = vector.broadcast %mul3A_944 : i32 to vector<16xi32>
          %mul3A_946 = arith.muli %get3A_943, %mul3A_945 : vector<16xi32>
          %swap3A_947 = arith.index_cast %sub3A_908 : i32 to index
          %swap3A_948 = arith.constant 16 : index
          %swap3A_949 = tpu.vector_load %arg6[%swap3A_947, %swap3A_948] {strides = array<i32>} : memref<125x80xi32, #tpu.memory_space<vmem>>, vector<1x16xi32>,
          %swap3A_950 = vector.shape_cast %swap3A_949 : vector<1x16xi32> to vector<16xi32>
          %swap3A_951 = vector.shape_cast %mul3A_946 : vector<16xi32> to vector<1x16xi32>
          tpu.vector_store %arg6[%swap3A_947, %swap3A_948], %swap3A_951 {strides = array<i32>} : memref<125x80xi32, #tpu.memory_space<vmem>>, vector<1x16xi32>,
          %get3A_952 = arith.index_cast %sub3A_908 : i32 to index
          %get3A_953 = arith.constant 32 : index
          %get3A_954 = tpu.vector_load %arg6[%get3A_952, %get3A_953] {strides = array<i32>} : memref<125x80xi32, #tpu.memory_space<vmem>>, vector<1x16xi32>,
          %get3A_955 = vector.shape_cast %get3A_954 : vector<1x16xi32> to vector<16xi32>
          %mul3A_956 = arith.constant 2 : i32
          %mul3A_957 = vector.broadcast %mul3A_956 : i32 to vector<16xi32>
          %mul3A_958 = arith.muli %get3A_955, %mul3A_957 : vector<16xi32>
          %swap3A_959 = arith.index_cast %sub3A_908 : i32 to index
          %swap3A_960 = arith.constant 32 : index
          %swap3A_961 = tpu.vector_load %arg6[%swap3A_959, %swap3A_960] {strides = array<i32>} : memref<125x80xi32, #tpu.memory_space<vmem>>, vector<1x16xi32>,
          %swap3A_962 = vector.shape_cast %swap3A_961 : vector<1x16xi32> to vector<16xi32>
          %swap3A_963 = vector.shape_cast %mul3A_958 : vector<16xi32> to vector<1x16xi32>
          tpu.vector_store %arg6[%swap3A_959, %swap3A_960], %swap3A_963 {strides = array<i32>} : memref<125x80xi32, #tpu.memory_space<vmem>>, vector<1x16xi32>,
          %get3A_964 = arith.index_cast %sub3A_908 : i32 to index
          %get3A_965 = arith.constant 48 : index
          %get3A_966 = tpu.vector_load %arg6[%get3A_964, %get3A_965] {strides = array<i32>} : memref<125x80xi32, #tpu.memory_space<vmem>>, vector<1x16xi32>,
          %get3A_967 = vector.shape_cast %get3A_966 : vector<1x16xi32> to vector<16xi32>
          %mul3A_968 = arith.constant 2 : i32
          %mul3A_969 = vector.broadcast %mul3A_968 : i32 to vector<16xi32>
          %mul3A_970 = arith.muli %get3A_967, %mul3A_969 : vector<16xi32>
          %swap3A_971 = arith.index_cast %sub3A_908 : i32 to index
          %swap3A_972 = arith.constant 48 : index
          %swap3A_973 = tpu.vector_load %arg6[%swap3A_971, %swap3A_972] {strides = array<i32>} : memref<125x80xi32, #tpu.memory_space<vmem>>, vector<1x16xi32>,
          %swap3A_974 = vector.shape_cast %swap3A_973 : vector<1x16xi32> to vector<16xi32>
          %swap3A_975 = vector.shape_cast %mul3A_970 : vector<16xi32> to vector<1x16xi32>
          tpu.vector_store %arg6[%swap3A_971, %swap3A_972], %swap3A_975 {strides = array<i32>} : memref<125x80xi32, #tpu.memory_space<vmem>>, vector<1x16xi32>,
          %get3A_976 = arith.index_cast %sub3A_908 : i32 to index
          %get3A_977 = arith.constant 64 : index
          %get3A_978 = tpu.vector_load %arg6[%get3A_976, %get3A_977] {strides = array<i32>} : memref<125x80xi32, #tpu.memory_space<vmem>>, vector<1x16xi32>,
          %get3A_979 = vector.shape_cast %get3A_978 : vector<1x16xi32> to vector<16xi32>
          %mul3A_980 = arith.constant 2 : i32
          %mul3A_981 = vector.broadcast %mul3A_980 : i32 to vector<16xi32>
          %mul3A_982 = arith.muli %get3A_979, %mul3A_981 : vector<16xi32>
          %swap3A_983 = arith.index_cast %sub3A_908 : i32 to index
          %swap3A_984 = arith.constant 64 : index
          %swap3A_985 = tpu.vector_load %arg6[%swap3A_983, %swap3A_984] {strides = array<i32>} : memref<125x80xi32, #tpu.memory_space<vmem>>, vector<1x16xi32>,
          %swap3A_986 = vector.shape_cast %swap3A_985 : vector<1x16xi32> to vector<16xi32>
          %swap3A_987 = vector.shape_cast %mul3A_982 : vector<16xi32> to vector<1x16xi32>
          tpu.vector_store %arg6[%swap3A_983, %swap3A_984], %swap3A_987 {strides = array<i32>} : memref<125x80xi32, #tpu.memory_space<vmem>>, vector<1x16xi32>,
          %dma_start3A_988 = arith.constant 7 : i32
          %dma_start3A_989 = arith.constant 0 : i32
          %dma_start3A_990 = arith.constant 0 : i32
          %dma_start3A_991 = tpu.memref_slice %arg8[%dma_start3A_988, %dma_start3A_989, %dma_start3A_990] : memref<8x80x64xf32, #tpu.memory_space<vmem>> -> memref<1x80x64xf32, #tpu.memory_space<vmem>>
          %dma_start3A_992 = tpu.memref_squeeze %dma_start3A_991 : memref<1x80x64xf32, #tpu.memory_space<vmem>> -> memref<80x64xf32, #tpu.memory_space<vmem>>
          %dma_start3A_993 = arith.constant 0 : i32
          %dma_start3A_994 = tpu.memref_slice %arg6[%sub3A_908, %dma_start3A_993] : memref<125x80xi32, #tpu.memory_space<vmem>> -> memref<1x80xi32, #tpu.memory_space<vmem>>
          %dma_start3A_995 = tpu.memref_squeeze %dma_start3A_994 : memref<1x80xi32, #tpu.memory_space<vmem>> -> memref<80xi32, #tpu.memory_space<vmem>>
          %dma_start3A_996 = arith.constant 0 : i32
          %dma_start3A_997 = arith.constant 0 : i32
          %dma_start3A_998 = tpu.memref_slice %arg2[%dma_start3A_996, %dma_start3A_997] : memref<20000x64xf32, #tpu.memory_space<hbm>> -> memref<20000x64xf32, #tpu.memory_space<hbm>>
          tpu.enqueue_indirect_dma source(%dma_start3A_998 : memref<20000x64xf32, #tpu.memory_space<hbm>>) target(%dma_start3A_992 : memref<80x64xf32, #tpu.memory_space<vmem>>) offsets(%dma_start3A_995 : memref<80xi32, #tpu.memory_space<vmem>>) semaphore(%arg17 : memref<!tpu.dma_semaphore, #tpu.memory_space<semaphore_mem>>)
        } else {
        }
      } else {
      }
      %mul3A_821 = arith.constant 8 : i32
      %mul3A_822 = arith.muli %add3A_814, %mul3A_821 : i32
      %add3A_823 = arith.constant 1 : i32
      %add3A_824 = arith.addi %mul3A_822, %add3A_823 : i32
      %lt3A_825 = arith.constant 125 : i32
      %lt3A_826 = arith.cmpi slt, %add3A_824, %lt3A_825 : i32
      %convert_element_type3A_827 = arith.extui %lt3A_826 : i1 to i32
      %cond3A_828 = arith.constant 0 : i32
      %cond3A_829 = arith.cmpi ne, %convert_element_type3A_827, %cond3A_828 : i32
      scf.if %cond3A_829 {
        %dma_wait3A_884 = arith.constant 1 : i32
        %dma_wait3A_885 = arith.constant 0 : i32
        %dma_wait3A_886 = arith.constant 0 : i32
        %dma_wait3A_887 = tpu.memref_slice %arg8[%dma_wait3A_884, %dma_wait3A_885, %dma_wait3A_886] : memref<8x80x64xf32, #tpu.memory_space<vmem>> -> memref<1x80x64xf32, #tpu.memory_space<vmem>>
        %dma_wait3A_888 = tpu.memref_squeeze %dma_wait3A_887 : memref<1x80x64xf32, #tpu.memory_space<vmem>> -> memref<80x64xf32, #tpu.memory_space<vmem>>
        %dma_wait3A_889 = arith.constant 0 : i32
        %dma_wait3A_890 = tpu.memref_slice %arg6[%add3A_824, %dma_wait3A_889] : memref<125x80xi32, #tpu.memory_space<vmem>> -> memref<1x80xi32, #tpu.memory_space<vmem>>
        %dma_wait3A_891 = tpu.memref_squeeze %dma_wait3A_890 : memref<1x80xi32, #tpu.memory_space<vmem>> -> memref<80xi32, #tpu.memory_space<vmem>>
        %dma_wait3A_892 = arith.constant 0 : i32
        %dma_wait3A_893 = arith.constant 0 : i32
        %dma_wait3A_894 = tpu.memref_slice %arg2[%dma_wait3A_892, %dma_wait3A_893] : memref<20000x64xf32, #tpu.memory_space<hbm>> -> memref<20000x64xf32, #tpu.memory_space<hbm>>
        tpu.wait_indirect_dma semaphore(%arg11 : memref<!tpu.dma_semaphore, #tpu.memory_space<semaphore_mem>>) src(%dma_wait3A_894 : memref<20000x64xf32, #tpu.memory_space<hbm>>) dst(%dma_wait3A_888 : memref<80x64xf32, #tpu.memory_space<vmem>>)
        %dma_start3A_895 = arith.constant 1 : i32
        %dma_start3A_896 = arith.constant 0 : i32
        %dma_start3A_897 = arith.constant 0 : i32
        %dma_start3A_898 = tpu.memref_slice %arg8[%dma_start3A_895, %dma_start3A_896, %dma_start3A_897] : memref<8x80x64xf32, #tpu.memory_space<vmem>> -> memref<1x80x64xf32, #tpu.memory_space<vmem>>
        %dma_start3A_899 = tpu.memref_squeeze %dma_start3A_898 : memref<1x80x64xf32, #tpu.memory_space<vmem>> -> memref<80x64xf32, #tpu.memory_space<vmem>>
        %dma_start3A_900 = arith.constant 0 : i32
        %dma_start3A_901 = tpu.memref_slice %arg7[%add3A_824, %dma_start3A_900] : memref<125x80xi32, #tpu.memory_space<vmem>> -> memref<1x80xi32, #tpu.memory_space<vmem>>
        %dma_start3A_902 = tpu.memref_squeeze %dma_start3A_901 : memref<1x80xi32, #tpu.memory_space<vmem>> -> memref<80xi32, #tpu.memory_space<vmem>>
        %dma_start3A_903 = arith.constant 0 : i32
        %dma_start3A_904 = arith.constant 0 : i32
        %dma_start3A_905 = tpu.memref_slice %arg9[%dma_start3A_903, %dma_start3A_904] : memref<10000x64xf32, #tpu.memory_space<vmem_shared>> -> memref<10000x64xf32, #tpu.memory_space<vmem_shared>>
        tpu.enqueue_indirect_dma source(%dma_start3A_899 : memref<80x64xf32, #tpu.memory_space<vmem>>) target(%dma_start3A_905 : memref<10000x64xf32, #tpu.memory_space<vmem_shared>>) offsets(%dma_start3A_902 : memref<80xi32, #tpu.memory_space<vmem>>) semaphore(%arg19 : memref<!tpu.dma_semaphore, #tpu.memory_space<semaphore_mem>>) {add = true}
        %add3A_906 = arith.constant 8 : i32
        %add3A_907 = arith.addi %add3A_824, %add3A_906 : i32
        %sub3A = arith.constant 1 : i32
        %sub3A_908 = arith.subi %add3A_907, %sub3A : i32
        %ge3A = arith.constant 1 : i32
        %ge3A_909 = arith.cmpi sge, %add3A_824, %ge3A : i32
        %lt3A_910 = arith.constant 125 : i32
        %lt3A_911 = arith.cmpi slt, %sub3A_908, %lt3A_910 : i32
        %and3A = arith.andi %ge3A_909, %lt3A_911 : i1
        %convert_element_type3A_912 = arith.extui %and3A : i1 to i32
        %cond3A_913 = arith.constant 0 : i32
        %cond3A_914 = arith.cmpi ne, %convert_element_type3A_912, %cond3A_913 : i32
        scf.if %cond3A_914 {
          %sub3A_915 = arith.constant 1 : i32
          %sub3A_916 = arith.subi %add3A_824, %sub3A_915 : i32
          %dma_wait3A_917 = arith.constant 0 : i32
          %dma_wait3A_918 = arith.constant 0 : i32
          %dma_wait3A_919 = arith.constant 0 : i32
          %dma_wait3A_920 = tpu.memref_slice %arg8[%dma_wait3A_917, %dma_wait3A_918, %dma_wait3A_919] : memref<8x80x64xf32, #tpu.memory_space<vmem>> -> memref<1x80x64xf32, #tpu.memory_space<vmem>>
          %dma_wait3A_921 = tpu.memref_squeeze %dma_wait3A_920 : memref<1x80x64xf32, #tpu.memory_space<vmem>> -> memref<80x64xf32, #tpu.memory_space<vmem>>
          %dma_wait3A_922 = arith.constant 0 : i32
          %dma_wait3A_923 = tpu.memref_slice %arg7[%sub3A_916, %dma_wait3A_922] : memref<125x80xi32, #tpu.memory_space<vmem>> -> memref<1x80xi32, #tpu.memory_space<vmem>>
          %dma_wait3A_924 = tpu.memref_squeeze %dma_wait3A_923 : memref<1x80xi32, #tpu.memory_space<vmem>> -> memref<80xi32, #tpu.memory_space<vmem>>
          %dma_wait3A_925 = arith.constant 0 : i32
          %dma_wait3A_926 = arith.constant 0 : i32
          %dma_wait3A_927 = tpu.memref_slice %arg9[%dma_wait3A_925, %dma_wait3A_926] : memref<10000x64xf32, #tpu.memory_space<vmem_shared>> -> memref<10000x64xf32, #tpu.memory_space<vmem_shared>>
          tpu.wait_indirect_dma semaphore(%arg18 : memref<!tpu.dma_semaphore, #tpu.memory_space<semaphore_mem>>) src(%dma_wait3A_921 : memref<80x64xf32, #tpu.memory_space<vmem>>) dst(%dma_wait3A_927 : memref<10000x64xf32, #tpu.memory_space<vmem_shared>>)
          %get3A_928 = arith.index_cast %sub3A_908 : i32 to index
          %get3A_929 = arith.constant 0 : index
          %get3A_930 = tpu.vector_load %arg6[%get3A_928, %get3A_929] {strides = array<i32>} : memref<125x80xi32, #tpu.memory_space<vmem>>, vector<1x16xi32>,
          %get3A_931 = vector.shape_cast %get3A_930 : vector<1x16xi32> to vector<16xi32>
          %mul3A_932 = arith.constant 2 : i32
          %mul3A_933 = vector.broadcast %mul3A_932 : i32 to vector<16xi32>
          %mul3A_934 = arith.muli %get3A_931, %mul3A_933 : vector<16xi32>
          %swap3A_935 = arith.index_cast %sub3A_908 : i32 to index
          %swap3A_936 = arith.constant 0 : index
          %swap3A_937 = tpu.vector_load %arg6[%swap3A_935, %swap3A_936] {strides = array<i32>} : memref<125x80xi32, #tpu.memory_space<vmem>>, vector<1x16xi32>,
          %swap3A_938 = vector.shape_cast %swap3A_937 : vector<1x16xi32> to vector<16xi32>
          %swap3A_939 = vector.shape_cast %mul3A_934 : vector<16xi32> to vector<1x16xi32>
          tpu.vector_store %arg6[%swap3A_935, %swap3A_936], %swap3A_939 {strides = array<i32>} : memref<125x80xi32, #tpu.memory_space<vmem>>, vector<1x16xi32>,
          %get3A_940 = arith.index_cast %sub3A_908 : i32 to index
          %get3A_941 = arith.constant 16 : index
          %get3A_942 = tpu.vector_load %arg6[%get3A_940, %get3A_941] {strides = array<i32>} : memref<125x80xi32, #tpu.memory_space<vmem>>, vector<1x16xi32>,
          %get3A_943 = vector.shape_cast %get3A_942 : vector<1x16xi32> to vector<16xi32>
          %mul3A_944 = arith.constant 2 : i32
          %mul3A_945 = vector.broadcast %mul3A_944 : i32 to vector<16xi32>
          %mul3A_946 = arith.muli %get3A_943, %mul3A_945 : vector<16xi32>
          %swap3A_947 = arith.index_cast %sub3A_908 : i32 to index
          %swap3A_948 = arith.constant 16 : index
          %swap3A_949 = tpu.vector_load %arg6[%swap3A_947, %swap3A_948] {strides = array<i32>} : memref<125x80xi32, #tpu.memory_space<vmem>>, vector<1x16xi32>,
          %swap3A_950 = vector.shape_cast %swap3A_949 : vector<1x16xi32> to vector<16xi32>
          %swap3A_951 = vector.shape_cast %mul3A_946 : vector<16xi32> to vector<1x16xi32>
          tpu.vector_store %arg6[%swap3A_947, %swap3A_948], %swap3A_951 {strides = array<i32>} : memref<125x80xi32, #tpu.memory_space<vmem>>, vector<1x16xi32>,
          %get3A_952 = arith.index_cast %sub3A_908 : i32 to index
          %get3A_953 = arith.constant 32 : index
          %get3A_954 = tpu.vector_load %arg6[%get3A_952, %get3A_953] {strides = array<i32>} : memref<125x80xi32, #tpu.memory_space<vmem>>, vector<1x16xi32>,
          %get3A_955 = vector.shape_cast %get3A_954 : vector<1x16xi32> to vector<16xi32>
          %mul3A_956 = arith.constant 2 : i32
          %mul3A_957 = vector.broadcast %mul3A_956 : i32 to vector<16xi32>
          %mul3A_958 = arith.muli %get3A_955, %mul3A_957 : vector<16xi32>
          %swap3A_959 = arith.index_cast %sub3A_908 : i32 to index
          %swap3A_960 = arith.constant 32 : index
          %swap3A_961 = tpu.vector_load %arg6[%swap3A_959, %swap3A_960] {strides = array<i32>} : memref<125x80xi32, #tpu.memory_space<vmem>>, vector<1x16xi32>,
          %swap3A_962 = vector.shape_cast %swap3A_961 : vector<1x16xi32> to vector<16xi32>
          %swap3A_963 = vector.shape_cast %mul3A_958 : vector<16xi32> to vector<1x16xi32>
          tpu.vector_store %arg6[%swap3A_959, %swap3A_960], %swap3A_963 {strides = array<i32>} : memref<125x80xi32, #tpu.memory_space<vmem>>, vector<1x16xi32>,
          %get3A_964 = arith.index_cast %sub3A_908 : i32 to index
          %get3A_965 = arith.constant 48 : index
          %get3A_966 = tpu.vector_load %arg6[%get3A_964, %get3A_965] {strides = array<i32>} : memref<125x80xi32, #tpu.memory_space<vmem>>, vector<1x16xi32>,
          %get3A_967 = vector.shape_cast %get3A_966 : vector<1x16xi32> to vector<16xi32>
          %mul3A_968 = arith.constant 2 : i32
          %mul3A_969 = vector.broadcast %mul3A_968 : i32 to vector<16xi32>
          %mul3A_970 = arith.muli %get3A_967, %mul3A_969 : vector<16xi32>
          %swap3A_971 = arith.index_cast %sub3A_908 : i32 to index
          %swap3A_972 = arith.constant 48 : index
          %swap3A_973 = tpu.vector_load %arg6[%swap3A_971, %swap3A_972] {strides = array<i32>} : memref<125x80xi32, #tpu.memory_space<vmem>>, vector<1x16xi32>,
          %swap3A_974 = vector.shape_cast %swap3A_973 : vector<1x16xi32> to vector<16xi32>
          %swap3A_975 = vector.shape_cast %mul3A_970 : vector<16xi32> to vector<1x16xi32>
          tpu.vector_store %arg6[%swap3A_971, %swap3A_972], %swap3A_975 {strides = array<i32>} : memref<125x80xi32, #tpu.memory_space<vmem>>, vector<1x16xi32>,
          %get3A_976 = arith.index_cast %sub3A_908 : i32 to index
          %get3A_977 = arith.constant 64 : index
          %get3A_978 = tpu.vector_load %arg6[%get3A_976, %get3A_977] {strides = array<i32>} : memref<125x80xi32, #tpu.memory_space<vmem>>, vector<1x16xi32>,
          %get3A_979 = vector.shape_cast %get3A_978 : vector<1x16xi32> to vector<16xi32>
          %mul3A_980 = arith.constant 2 : i32
          %mul3A_981 = vector.broadcast %mul3A_980 : i32 to vector<16xi32>
          %mul3A_982 = arith.muli %get3A_979, %mul3A_981 : vector<16xi32>
          %swap3A_983 = arith.index_cast %sub3A_908 : i32 to index
          %swap3A_984 = arith.constant 64 : index
          %swap3A_985 = tpu.vector_load %arg6[%swap3A_983, %swap3A_984] {strides = array<i32>} : memref<125x80xi32, #tpu.memory_space<vmem>>, vector<1x16xi32>,
          %swap3A_986 = vector.shape_cast %swap3A_985 : vector<1x16xi32> to vector<16xi32>
          %swap3A_987 = vector.shape_cast %mul3A_982 : vector<16xi32> to vector<1x16xi32>
          tpu.vector_store %arg6[%swap3A_983, %swap3A_984], %swap3A_987 {strides = array<i32>} : memref<125x80xi32, #tpu.memory_space<vmem>>, vector<1x16xi32>,
          %dma_start3A_988 = arith.constant 0 : i32
          %dma_start3A_989 = arith.constant 0 : i32
          %dma_start3A_990 = arith.constant 0 : i32
          %dma_start3A_991 = tpu.memref_slice %arg8[%dma_start3A_988, %dma_start3A_989, %dma_start3A_990] : memref<8x80x64xf32, #tpu.memory_space<vmem>> -> memref<1x80x64xf32, #tpu.memory_space<vmem>>
          %dma_start3A_992 = tpu.memref_squeeze %dma_start3A_991 : memref<1x80x64xf32, #tpu.memory_space<vmem>> -> memref<80x64xf32, #tpu.memory_space<vmem>>
          %dma_start3A_993 = arith.constant 0 : i32
          %dma_start3A_994 = tpu.memref_slice %arg6[%sub3A_908, %dma_start3A_993] : memref<125x80xi32, #tpu.memory_space<vmem>> -> memref<1x80xi32, #tpu.memory_space<vmem>>
          %dma_start3A_995 = tpu.memref_squeeze %dma_start3A_994 : memref<1x80xi32, #tpu.memory_space<vmem>> -> memref<80xi32, #tpu.memory_space<vmem>>
          %dma_start3A_996 = arith.constant 0 : i32
          %dma_start3A_997 = arith.constant 0 : i32
          %dma_start3A_998 = tpu.memref_slice %arg2[%dma_start3A_996, %dma_start3A_997] : memref<20000x64xf32, #tpu.memory_space<hbm>> -> memref<20000x64xf32, #tpu.memory_space<hbm>>
          tpu.enqueue_indirect_dma source(%dma_start3A_998 : memref<20000x64xf32, #tpu.memory_space<hbm>>) target(%dma_start3A_992 : memref<80x64xf32, #tpu.memory_space<vmem>>) offsets(%dma_start3A_995 : memref<80xi32, #tpu.memory_space<vmem>>) semaphore(%arg10 : memref<!tpu.dma_semaphore, #tpu.memory_space<semaphore_mem>>)
        } else {
        }
      } else {
      }
      %mul3A_830 = arith.constant 8 : i32
      %mul3A_831 = arith.muli %add3A_814, %mul3A_830 : i32
      %add3A_832 = arith.constant 2 : i32
      %add3A_833 = arith.addi %mul3A_831, %add3A_832 : i32
      %lt3A_834 = arith.constant 125 : i32
      %lt3A_835 = arith.cmpi slt, %add3A_833, %lt3A_834 : i32
      %convert_element_type3A_836 = arith.extui %lt3A_835 : i1 to i32
      %cond3A_837 = arith.constant 0 : i32
      %cond3A_838 = arith.cmpi ne, %convert_element_type3A_836, %cond3A_837 : i32
      scf.if %cond3A_838 {
        %dma_wait3A_884 = arith.constant 2 : i32
        %dma_wait3A_885 = arith.constant 0 : i32
        %dma_wait3A_886 = arith.constant 0 : i32
        %dma_wait3A_887 = tpu.memref_slice %arg8[%dma_wait3A_884, %dma_wait3A_885, %dma_wait3A_886] : memref<8x80x64xf32, #tpu.memory_space<vmem>> -> memref<1x80x64xf32, #tpu.memory_space<vmem>>
        %dma_wait3A_888 = tpu.memref_squeeze %dma_wait3A_887 : memref<1x80x64xf32, #tpu.memory_space<vmem>> -> memref<80x64xf32, #tpu.memory_space<vmem>>
        %dma_wait3A_889 = arith.constant 0 : i32
        %dma_wait3A_890 = tpu.memref_slice %arg6[%add3A_833, %dma_wait3A_889] : memref<125x80xi32, #tpu.memory_space<vmem>> -> memref<1x80xi32, #tpu.memory_space<vmem>>
        %dma_wait3A_891 = tpu.memref_squeeze %dma_wait3A_890 : memref<1x80xi32, #tpu.memory_space<vmem>> -> memref<80xi32, #tpu.memory_space<vmem>>
        %dma_wait3A_892 = arith.constant 0 : i32
        %dma_wait3A_893 = arith.constant 0 : i32
        %dma_wait3A_894 = tpu.memref_slice %arg2[%dma_wait3A_892, %dma_wait3A_893] : memref<20000x64xf32, #tpu.memory_space<hbm>> -> memref<20000x64xf32, #tpu.memory_space<hbm>>
        tpu.wait_indirect_dma semaphore(%arg12 : memref<!tpu.dma_semaphore, #tpu.memory_space<semaphore_mem>>) src(%dma_wait3A_894 : memref<20000x64xf32, #tpu.memory_space<hbm>>) dst(%dma_wait3A_888 : memref<80x64xf32, #tpu.memory_space<vmem>>)
        %dma_start3A_895 = arith.constant 2 : i32
        %dma_start3A_896 = arith.constant 0 : i32
        %dma_start3A_897 = arith.constant 0 : i32
        %dma_start3A_898 = tpu.memref_slice %arg8[%dma_start3A_895, %dma_start3A_896, %dma_start3A_897] : memref<8x80x64xf32, #tpu.memory_space<vmem>> -> memref<1x80x64xf32, #tpu.memory_space<vmem>>
        %dma_start3A_899 = tpu.memref_squeeze %dma_start3A_898 : memref<1x80x64xf32, #tpu.memory_space<vmem>> -> memref<80x64xf32, #tpu.memory_space<vmem>>
        %dma_start3A_900 = arith.constant 0 : i32
        %dma_start3A_901 = tpu.memref_slice %arg7[%add3A_833, %dma_start3A_900] : memref<125x80xi32, #tpu.memory_space<vmem>> -> memref<1x80xi32, #tpu.memory_space<vmem>>
        %dma_start3A_902 = tpu.memref_squeeze %dma_start3A_901 : memref<1x80xi32, #tpu.memory_space<vmem>> -> memref<80xi32, #tpu.memory_space<vmem>>
        %dma_start3A_903 = arith.constant 0 : i32
        %dma_start3A_904 = arith.constant 0 : i32
        %dma_start3A_905 = tpu.memref_slice %arg9[%dma_start3A_903, %dma_start3A_904] : memref<10000x64xf32, #tpu.memory_space<vmem_shared>> -> memref<10000x64xf32, #tpu.memory_space<vmem_shared>>
        tpu.enqueue_indirect_dma source(%dma_start3A_899 : memref<80x64xf32, #tpu.memory_space<vmem>>) target(%dma_start3A_905 : memref<10000x64xf32, #tpu.memory_space<vmem_shared>>) offsets(%dma_start3A_902 : memref<80xi32, #tpu.memory_space<vmem>>) semaphore(%arg20 : memref<!tpu.dma_semaphore, #tpu.memory_space<semaphore_mem>>) {add = true}
        %add3A_906 = arith.constant 8 : i32
        %add3A_907 = arith.addi %add3A_833, %add3A_906 : i32
        %sub3A = arith.constant 1 : i32
        %sub3A_908 = arith.subi %add3A_907, %sub3A : i32
        %ge3A = arith.constant 1 : i32
        %ge3A_909 = arith.cmpi sge, %add3A_833, %ge3A : i32
        %lt3A_910 = arith.constant 125 : i32
        %lt3A_911 = arith.cmpi slt, %sub3A_908, %lt3A_910 : i32
        %and3A = arith.andi %ge3A_909, %lt3A_911 : i1
        %convert_element_type3A_912 = arith.extui %and3A : i1 to i32
        %cond3A_913 = arith.constant 0 : i32
        %cond3A_914 = arith.cmpi ne, %convert_element_type3A_912, %cond3A_913 : i32
        scf.if %cond3A_914 {
          %sub3A_915 = arith.constant 1 : i32
          %sub3A_916 = arith.subi %add3A_833, %sub3A_915 : i32
          %dma_wait3A_917 = arith.constant 1 : i32
          %dma_wait3A_918 = arith.constant 0 : i32
          %dma_wait3A_919 = arith.constant 0 : i32
          %dma_wait3A_920 = tpu.memref_slice %arg8[%dma_wait3A_917, %dma_wait3A_918, %dma_wait3A_919] : memref<8x80x64xf32, #tpu.memory_space<vmem>> -> memref<1x80x64xf32, #tpu.memory_space<vmem>>
          %dma_wait3A_921 = tpu.memref_squeeze %dma_wait3A_920 : memref<1x80x64xf32, #tpu.memory_space<vmem>> -> memref<80x64xf32, #tpu.memory_space<vmem>>
          %dma_wait3A_922 = arith.constant 0 : i32
          %dma_wait3A_923 = tpu.memref_slice %arg7[%sub3A_916, %dma_wait3A_922] : memref<125x80xi32, #tpu.memory_space<vmem>> -> memref<1x80xi32, #tpu.memory_space<vmem>>
          %dma_wait3A_924 = tpu.memref_squeeze %dma_wait3A_923 : memref<1x80xi32, #tpu.memory_space<vmem>> -> memref<80xi32, #tpu.memory_space<vmem>>
          %dma_wait3A_925 = arith.constant 0 : i32
          %dma_wait3A_926 = arith.constant 0 : i32
          %dma_wait3A_927 = tpu.memref_slice %arg9[%dma_wait3A_925, %dma_wait3A_926] : memref<10000x64xf32, #tpu.memory_space<vmem_shared>> -> memref<10000x64xf32, #tpu.memory_space<vmem_shared>>
          tpu.wait_indirect_dma semaphore(%arg19 : memref<!tpu.dma_semaphore, #tpu.memory_space<semaphore_mem>>) src(%dma_wait3A_921 : memref<80x64xf32, #tpu.memory_space<vmem>>) dst(%dma_wait3A_927 : memref<10000x64xf32, #tpu.memory_space<vmem_shared>>)
          %get3A_928 = arith.index_cast %sub3A_908 : i32 to index
          %get3A_929 = arith.constant 0 : index
          %get3A_930 = tpu.vector_load %arg6[%get3A_928, %get3A_929] {strides = array<i32>} : memref<125x80xi32, #tpu.memory_space<vmem>>, vector<1x16xi32>,
          %get3A_931 = vector.shape_cast %get3A_930 : vector<1x16xi32> to vector<16xi32>
          %mul3A_932 = arith.constant 2 : i32
          %mul3A_933 = vector.broadcast %mul3A_932 : i32 to vector<16xi32>
          %mul3A_934 = arith.muli %get3A_931, %mul3A_933 : vector<16xi32>
          %swap3A_935 = arith.index_cast %sub3A_908 : i32 to index
          %swap3A_936 = arith.constant 0 : index
          %swap3A_937 = tpu.vector_load %arg6[%swap3A_935, %swap3A_936] {strides = array<i32>} : memref<125x80xi32, #tpu.memory_space<vmem>>, vector<1x16xi32>,
          %swap3A_938 = vector.shape_cast %swap3A_937 : vector<1x16xi32> to vector<16xi32>
          %swap3A_939 = vector.shape_cast %mul3A_934 : vector<16xi32> to vector<1x16xi32>
          tpu.vector_store %arg6[%swap3A_935, %swap3A_936], %swap3A_939 {strides = array<i32>} : memref<125x80xi32, #tpu.memory_space<vmem>>, vector<1x16xi32>,
          %get3A_940 = arith.index_cast %sub3A_908 : i32 to index
          %get3A_941 = arith.constant 16 : index
          %get3A_942 = tpu.vector_load %arg6[%get3A_940, %get3A_941] {strides = array<i32>} : memref<125x80xi32, #tpu.memory_space<vmem>>, vector<1x16xi32>,
          %get3A_943 = vector.shape_cast %get3A_942 : vector<1x16xi32> to vector<16xi32>
          %mul3A_944 = arith.constant 2 : i32
          %mul3A_945 = vector.broadcast %mul3A_944 : i32 to vector<16xi32>
          %mul3A_946 = arith.muli %get3A_943, %mul3A_945 : vector<16xi32>
          %swap3A_947 = arith.index_cast %sub3A_908 : i32 to index
          %swap3A_948 = arith.constant 16 : index
          %swap3A_949 = tpu.vector_load %arg6[%swap3A_947, %swap3A_948] {strides = array<i32>} : memref<125x80xi32, #tpu.memory_space<vmem>>, vector<1x16xi32>,
          %swap3A_950 = vector.shape_cast %swap3A_949 : vector<1x16xi32> to vector<16xi32>
          %swap3A_951 = vector.shape_cast %mul3A_946 : vector<16xi32> to vector<1x16xi32>
          tpu.vector_store %arg6[%swap3A_947, %swap3A_948], %swap3A_951 {strides = array<i32>} : memref<125x80xi32, #tpu.memory_space<vmem>>, vector<1x16xi32>,
          %get3A_952 = arith.index_cast %sub3A_908 : i32 to index
          %get3A_953 = arith.constant 32 : index
          %get3A_954 = tpu.vector_load %arg6[%get3A_952, %get3A_953] {strides = array<i32>} : memref<125x80xi32, #tpu.memory_space<vmem>>, vector<1x16xi32>,
          %get3A_955 = vector.shape_cast %get3A_954 : vector<1x16xi32> to vector<16xi32>
          %mul3A_956 = arith.constant 2 : i32
          %mul3A_957 = vector.broadcast %mul3A_956 : i32 to vector<16xi32>
          %mul3A_958 = arith.muli %get3A_955, %mul3A_957 : vector<16xi32>
          %swap3A_959 = arith.index_cast %sub3A_908 : i32 to index
          %swap3A_960 = arith.constant 32 : index
          %swap3A_961 = tpu.vector_load %arg6[%swap3A_959, %swap3A_960] {strides = array<i32>} : memref<125x80xi32, #tpu.memory_space<vmem>>, vector<1x16xi32>,
          %swap3A_962 = vector.shape_cast %swap3A_961 : vector<1x16xi32> to vector<16xi32>
          %swap3A_963 = vector.shape_cast %mul3A_958 : vector<16xi32> to vector<1x16xi32>
          tpu.vector_store %arg6[%swap3A_959, %swap3A_960], %swap3A_963 {strides = array<i32>} : memref<125x80xi32, #tpu.memory_space<vmem>>, vector<1x16xi32>,
          %get3A_964 = arith.index_cast %sub3A_908 : i32 to index
          %get3A_965 = arith.constant 48 : index
          %get3A_966 = tpu.vector_load %arg6[%get3A_964, %get3A_965] {strides = array<i32>} : memref<125x80xi32, #tpu.memory_space<vmem>>, vector<1x16xi32>,
          %get3A_967 = vector.shape_cast %get3A_966 : vector<1x16xi32> to vector<16xi32>
          %mul3A_968 = arith.constant 2 : i32
          %mul3A_969 = vector.broadcast %mul3A_968 : i32 to vector<16xi32>
          %mul3A_970 = arith.muli %get3A_967, %mul3A_969 : vector<16xi32>
          %swap3A_971 = arith.index_cast %sub3A_908 : i32 to index
          %swap3A_972 = arith.constant 48 : index
          %swap3A_973 = tpu.vector_load %arg6[%swap3A_971, %swap3A_972] {strides = array<i32>} : memref<125x80xi32, #tpu.memory_space<vmem>>, vector<1x16xi32>,
          %swap3A_974 = vector.shape_cast %swap3A_973 : vector<1x16xi32> to vector<16xi32>
          %swap3A_975 = vector.shape_cast %mul3A_970 : vector<16xi32> to vector<1x16xi32>
          tpu.vector_store %arg6[%swap3A_971, %swap3A_972], %swap3A_975 {strides = array<i32>} : memref<125x80xi32, #tpu.memory_space<vmem>>, vector<1x16xi32>,
          %get3A_976 = arith.index_cast %sub3A_908 : i32 to index
          %get3A_977 = arith.constant 64 : index
          %get3A_978 = tpu.vector_load %arg6[%get3A_976, %get3A_977] {strides = array<i32>} : memref<125x80xi32, #tpu.memory_space<vmem>>, vector<1x16xi32>,
          %get3A_979 = vector.shape_cast %get3A_978 : vector<1x16xi32> to vector<16xi32>
          %mul3A_980 = arith.constant 2 : i32
          %mul3A_981 = vector.broadcast %mul3A_980 : i32 to vector<16xi32>
          %mul3A_982 = arith.muli %get3A_979, %mul3A_981 : vector<16xi32>
          %swap3A_983 = arith.index_cast %sub3A_908 : i32 to index
          %swap3A_984 = arith.constant 64 : index
          %swap3A_985 = tpu.vector_load %arg6[%swap3A_983, %swap3A_984] {strides = array<i32>} : memref<125x80xi32, #tpu.memory_space<vmem>>, vector<1x16xi32>,
          %swap3A_986 = vector.shape_cast %swap3A_985 : vector<1x16xi32> to vector<16xi32>
          %swap3A_987 = vector.shape_cast %mul3A_982 : vector<16xi32> to vector<1x16xi32>
          tpu.vector_store %arg6[%swap3A_983, %swap3A_984], %swap3A_987 {strides = array<i32>} : memref<125x80xi32, #tpu.memory_space<vmem>>, vector<1x16xi32>,
          %dma_start3A_988 = arith.constant 1 : i32
          %dma_start3A_989 = arith.constant 0 : i32
          %dma_start3A_990 = arith.constant 0 : i32
          %dma_start3A_991 = tpu.memref_slice %arg8[%dma_start3A_988, %dma_start3A_989, %dma_start3A_990] : memref<8x80x64xf32, #tpu.memory_space<vmem>> -> memref<1x80x64xf32, #tpu.memory_space<vmem>>
          %dma_start3A_992 = tpu.memref_squeeze %dma_start3A_991 : memref<1x80x64xf32, #tpu.memory_space<vmem>> -> memref<80x64xf32, #tpu.memory_space<vmem>>
          %dma_start3A_993 = arith.constant 0 : i32
          %dma_start3A_994 = tpu.memref_slice %arg6[%sub3A_908, %dma_start3A_993] : memref<125x80xi32, #tpu.memory_space<vmem>> -> memref<1x80xi32, #tpu.memory_space<vmem>>
          %dma_start3A_995 = tpu.memref_squeeze %dma_start3A_994 : memref<1x80xi32, #tpu.memory_space<vmem>> -> memref<80xi32, #tpu.memory_space<vmem>>
          %dma_start3A_996 = arith.constant 0 : i32
          %dma_start3A_997 = arith.constant 0 : i32
          %dma_start3A_998 = tpu.memref_slice %arg2[%dma_start3A_996, %dma_start3A_997] : memref<20000x64xf32, #tpu.memory_space<hbm>> -> memref<20000x64xf32, #tpu.memory_space<hbm>>
          tpu.enqueue_indirect_dma source(%dma_start3A_998 : memref<20000x64xf32, #tpu.memory_space<hbm>>) target(%dma_start3A_992 : memref<80x64xf32, #tpu.memory_space<vmem>>) offsets(%dma_start3A_995 : memref<80xi32, #tpu.memory_space<vmem>>) semaphore(%arg11 : memref<!tpu.dma_semaphore, #tpu.memory_space<semaphore_mem>>)
        } else {
        }
      } else {
      }
      %mul3A_839 = arith.constant 8 : i32
      %mul3A_840 = arith.muli %add3A_814, %mul3A_839 : i32
      %add3A_841 = arith.constant 3 : i32
      %add3A_842 = arith.addi %mul3A_840, %add3A_841 : i32
      %lt3A_843 = arith.constant 125 : i32
      %lt3A_844 = arith.cmpi slt, %add3A_842, %lt3A_843 : i32
      %convert_element_type3A_845 = arith.extui %lt3A_844 : i1 to i32
      %cond3A_846 = arith.constant 0 : i32
      %cond3A_847 = arith.cmpi ne, %convert_element_type3A_845, %cond3A_846 : i32
      scf.if %cond3A_847 {
        %dma_wait3A_884 = arith.constant 3 : i32
        %dma_wait3A_885 = arith.constant 0 : i32
        %dma_wait3A_886 = arith.constant 0 : i32
        %dma_wait3A_887 = tpu.memref_slice %arg8[%dma_wait3A_884, %dma_wait3A_885, %dma_wait3A_886] : memref<8x80x64xf32, #tpu.memory_space<vmem>> -> memref<1x80x64xf32, #tpu.memory_space<vmem>>
        %dma_wait3A_888 = tpu.memref_squeeze %dma_wait3A_887 : memref<1x80x64xf32, #tpu.memory_space<vmem>> -> memref<80x64xf32, #tpu.memory_space<vmem>>
        %dma_wait3A_889 = arith.constant 0 : i32
        %dma_wait3A_890 = tpu.memref_slice %arg6[%add3A_842, %dma_wait3A_889] : memref<125x80xi32, #tpu.memory_space<vmem>> -> memref<1x80xi32, #tpu.memory_space<vmem>>
        %dma_wait3A_891 = tpu.memref_squeeze %dma_wait3A_890 : memref<1x80xi32, #tpu.memory_space<vmem>> -> memref<80xi32, #tpu.memory_space<vmem>>
        %dma_wait3A_892 = arith.constant 0 : i32
        %dma_wait3A_893 = arith.constant 0 : i32
        %dma_wait3A_894 = tpu.memref_slice %arg2[%dma_wait3A_892, %dma_wait3A_893] : memref<20000x64xf32, #tpu.memory_space<hbm>> -> memref<20000x64xf32, #tpu.memory_space<hbm>>
        tpu.wait_indirect_dma semaphore(%arg13 : memref<!tpu.dma_semaphore, #tpu.memory_space<semaphore_mem>>) src(%dma_wait3A_894 : memref<20000x64xf32, #tpu.memory_space<hbm>>) dst(%dma_wait3A_888 : memref<80x64xf32, #tpu.memory_space<vmem>>)
        %dma_start3A_895 = arith.constant 3 : i32
        %dma_start3A_896 = arith.constant 0 : i32
        %dma_start3A_897 = arith.constant 0 : i32
        %dma_start3A_898 = tpu.memref_slice %arg8[%dma_start3A_895, %dma_start3A_896, %dma_start3A_897] : memref<8x80x64xf32, #tpu.memory_space<vmem>> -> memref<1x80x64xf32, #tpu.memory_space<vmem>>
        %dma_start3A_899 = tpu.memref_squeeze %dma_start3A_898 : memref<1x80x64xf32, #tpu.memory_space<vmem>> -> memref<80x64xf32, #tpu.memory_space<vmem>>
        %dma_start3A_900 = arith.constant 0 : i32
        %dma_start3A_901 = tpu.memref_slice %arg7[%add3A_842, %dma_start3A_900] : memref<125x80xi32, #tpu.memory_space<vmem>> -> memref<1x80xi32, #tpu.memory_space<vmem>>
        %dma_start3A_902 = tpu.memref_squeeze %dma_start3A_901 : memref<1x80xi32, #tpu.memory_space<vmem>> -> memref<80xi32, #tpu.memory_space<vmem>>
        %dma_start3A_903 = arith.constant 0 : i32
        %dma_start3A_904 = arith.constant 0 : i32
        %dma_start3A_905 = tpu.memref_slice %arg9[%dma_start3A_903, %dma_start3A_904] : memref<10000x64xf32, #tpu.memory_space<vmem_shared>> -> memref<10000x64xf32, #tpu.memory_space<vmem_shared>>
        tpu.enqueue_indirect_dma source(%dma_start3A_899 : memref<80x64xf32, #tpu.memory_space<vmem>>) target(%dma_start3A_905 : memref<10000x64xf32, #tpu.memory_space<vmem_shared>>) offsets(%dma_start3A_902 : memref<80xi32, #tpu.memory_space<vmem>>) semaphore(%arg21 : memref<!tpu.dma_semaphore, #tpu.memory_space<semaphore_mem>>) {add = true}
        %add3A_906 = arith.constant 8 : i32
        %add3A_907 = arith.addi %add3A_842, %add3A_906 : i32
        %sub3A = arith.constant 1 : i32
        %sub3A_908 = arith.subi %add3A_907, %sub3A : i32
        %ge3A = arith.constant 1 : i32
        %ge3A_909 = arith.cmpi sge, %add3A_842, %ge3A : i32
        %lt3A_910 = arith.constant 125 : i32
        %lt3A_911 = arith.cmpi slt, %sub3A_908, %lt3A_910 : i32
        %and3A = arith.andi %ge3A_909, %lt3A_911 : i1
        %convert_element_type3A_912 = arith.extui %and3A : i1 to i32
        %cond3A_913 = arith.constant 0 : i32
        %cond3A_914 = arith.cmpi ne, %convert_element_type3A_912, %cond3A_913 : i32
        scf.if %cond3A_914 {
          %sub3A_915 = arith.constant 1 : i32
          %sub3A_916 = arith.subi %add3A_842, %sub3A_915 : i32
          %dma_wait3A_917 = arith.constant 2 : i32
          %dma_wait3A_918 = arith.constant 0 : i32
          %dma_wait3A_919 = arith.constant 0 : i32
          %dma_wait3A_920 = tpu.memref_slice %arg8[%dma_wait3A_917, %dma_wait3A_918, %dma_wait3A_919] : memref<8x80x64xf32, #tpu.memory_space<vmem>> -> memref<1x80x64xf32, #tpu.memory_space<vmem>>
          %dma_wait3A_921 = tpu.memref_squeeze %dma_wait3A_920 : memref<1x80x64xf32, #tpu.memory_space<vmem>> -> memref<80x64xf32, #tpu.memory_space<vmem>>
          %dma_wait3A_922 = arith.constant 0 : i32
          %dma_wait3A_923 = tpu.memref_slice %arg7[%sub3A_916, %dma_wait3A_922] : memref<125x80xi32, #tpu.memory_space<vmem>> -> memref<1x80xi32, #tpu.memory_space<vmem>>
          %dma_wait3A_924 = tpu.memref_squeeze %dma_wait3A_923 : memref<1x80xi32, #tpu.memory_space<vmem>> -> memref<80xi32, #tpu.memory_space<vmem>>
          %dma_wait3A_925 = arith.constant 0 : i32
          %dma_wait3A_926 = arith.constant 0 : i32
          %dma_wait3A_927 = tpu.memref_slice %arg9[%dma_wait3A_925, %dma_wait3A_926] : memref<10000x64xf32, #tpu.memory_space<vmem_shared>> -> memref<10000x64xf32, #tpu.memory_space<vmem_shared>>
          tpu.wait_indirect_dma semaphore(%arg20 : memref<!tpu.dma_semaphore, #tpu.memory_space<semaphore_mem>>) src(%dma_wait3A_921 : memref<80x64xf32, #tpu.memory_space<vmem>>) dst(%dma_wait3A_927 : memref<10000x64xf32, #tpu.memory_space<vmem_shared>>)
          %get3A_928 = arith.index_cast %sub3A_908 : i32 to index
          %get3A_929 = arith.constant 0 : index
          %get3A_930 = tpu.vector_load %arg6[%get3A_928, %get3A_929] {strides = array<i32>} : memref<125x80xi32, #tpu.memory_space<vmem>>, vector<1x16xi32>,
          %get3A_931 = vector.shape_cast %get3A_930 : vector<1x16xi32> to vector<16xi32>
          %mul3A_932 = arith.constant 2 : i32
          %mul3A_933 = vector.broadcast %mul3A_932 : i32 to vector<16xi32>
          %mul3A_934 = arith.muli %get3A_931, %mul3A_933 : vector<16xi32>
          %swap3A_935 = arith.index_cast %sub3A_908 : i32 to index
          %swap3A_936 = arith.constant 0 : index
          %swap3A_937 = tpu.vector_load %arg6[%swap3A_935, %swap3A_936] {strides = array<i32>} : memref<125x80xi32, #tpu.memory_space<vmem>>, vector<1x16xi32>,
          %swap3A_938 = vector.shape_cast %swap3A_937 : vector<1x16xi32> to vector<16xi32>
          %swap3A_939 = vector.shape_cast %mul3A_934 : vector<16xi32> to vector<1x16xi32>
          tpu.vector_store %arg6[%swap3A_935, %swap3A_936], %swap3A_939 {strides = array<i32>} : memref<125x80xi32, #tpu.memory_space<vmem>>, vector<1x16xi32>,
          %get3A_940 = arith.index_cast %sub3A_908 : i32 to index
          %get3A_941 = arith.constant 16 : index
          %get3A_942 = tpu.vector_load %arg6[%get3A_940, %get3A_941] {strides = array<i32>} : memref<125x80xi32, #tpu.memory_space<vmem>>, vector<1x16xi32>,
          %get3A_943 = vector.shape_cast %get3A_942 : vector<1x16xi32> to vector<16xi32>
          %mul3A_944 = arith.constant 2 : i32
          %mul3A_945 = vector.broadcast %mul3A_944 : i32 to vector<16xi32>
          %mul3A_946 = arith.muli %get3A_943, %mul3A_945 : vector<16xi32>
          %swap3A_947 = arith.index_cast %sub3A_908 : i32 to index
          %swap3A_948 = arith.constant 16 : index
          %swap3A_949 = tpu.vector_load %arg6[%swap3A_947, %swap3A_948] {strides = array<i32>} : memref<125x80xi32, #tpu.memory_space<vmem>>, vector<1x16xi32>,
          %swap3A_950 = vector.shape_cast %swap3A_949 : vector<1x16xi32> to vector<16xi32>
          %swap3A_951 = vector.shape_cast %mul3A_946 : vector<16xi32> to vector<1x16xi32>
          tpu.vector_store %arg6[%swap3A_947, %swap3A_948], %swap3A_951 {strides = array<i32>} : memref<125x80xi32, #tpu.memory_space<vmem>>, vector<1x16xi32>,
          %get3A_952 = arith.index_cast %sub3A_908 : i32 to index
          %get3A_953 = arith.constant 32 : index
          %get3A_954 = tpu.vector_load %arg6[%get3A_952, %get3A_953] {strides = array<i32>} : memref<125x80xi32, #tpu.memory_space<vmem>>, vector<1x16xi32>,
          %get3A_955 = vector.shape_cast %get3A_954 : vector<1x16xi32> to vector<16xi32>
          %mul3A_956 = arith.constant 2 : i32
          %mul3A_957 = vector.broadcast %mul3A_956 : i32 to vector<16xi32>
          %mul3A_958 = arith.muli %get3A_955, %mul3A_957 : vector<16xi32>
          %swap3A_959 = arith.index_cast %sub3A_908 : i32 to index
          %swap3A_960 = arith.constant 32 : index
          %swap3A_961 = tpu.vector_load %arg6[%swap3A_959, %swap3A_960] {strides = array<i32>} : memref<125x80xi32, #tpu.memory_space<vmem>>, vector<1x16xi32>,
          %swap3A_962 = vector.shape_cast %swap3A_961 : vector<1x16xi32> to vector<16xi32>
          %swap3A_963 = vector.shape_cast %mul3A_958 : vector<16xi32> to vector<1x16xi32>
          tpu.vector_store %arg6[%swap3A_959, %swap3A_960], %swap3A_963 {strides = array<i32>} : memref<125x80xi32, #tpu.memory_space<vmem>>, vector<1x16xi32>,
          %get3A_964 = arith.index_cast %sub3A_908 : i32 to index
          %get3A_965 = arith.constant 48 : index
          %get3A_966 = tpu.vector_load %arg6[%get3A_964, %get3A_965] {strides = array<i32>} : memref<125x80xi32, #tpu.memory_space<vmem>>, vector<1x16xi32>,
          %get3A_967 = vector.shape_cast %get3A_966 : vector<1x16xi32> to vector<16xi32>
          %mul3A_968 = arith.constant 2 : i32
          %mul3A_969 = vector.broadcast %mul3A_968 : i32 to vector<16xi32>
          %mul3A_970 = arith.muli %get3A_967, %mul3A_969 : vector<16xi32>
          %swap3A_971 = arith.index_cast %sub3A_908 : i32 to index
          %swap3A_972 = arith.constant 48 : index
          %swap3A_973 = tpu.vector_load %arg6[%swap3A_971, %swap3A_972] {strides = array<i32>} : memref<125x80xi32, #tpu.memory_space<vmem>>, vector<1x16xi32>,
          %swap3A_974 = vector.shape_cast %swap3A_973 : vector<1x16xi32> to vector<16xi32>
          %swap3A_975 = vector.shape_cast %mul3A_970 : vector<16xi32> to vector<1x16xi32>
          tpu.vector_store %arg6[%swap3A_971, %swap3A_972], %swap3A_975 {strides = array<i32>} : memref<125x80xi32, #tpu.memory_space<vmem>>, vector<1x16xi32>,
          %get3A_976 = arith.index_cast %sub3A_908 : i32 to index
          %get3A_977 = arith.constant 64 : index
          %get3A_978 = tpu.vector_load %arg6[%get3A_976, %get3A_977] {strides = array<i32>} : memref<125x80xi32, #tpu.memory_space<vmem>>, vector<1x16xi32>,
          %get3A_979 = vector.shape_cast %get3A_978 : vector<1x16xi32> to vector<16xi32>
          %mul3A_980 = arith.constant 2 : i32
          %mul3A_981 = vector.broadcast %mul3A_980 : i32 to vector<16xi32>
          %mul3A_982 = arith.muli %get3A_979, %mul3A_981 : vector<16xi32>
          %swap3A_983 = arith.index_cast %sub3A_908 : i32 to index
          %swap3A_984 = arith.constant 64 : index
          %swap3A_985 = tpu.vector_load %arg6[%swap3A_983, %swap3A_984] {strides = array<i32>} : memref<125x80xi32, #tpu.memory_space<vmem>>, vector<1x16xi32>,
          %swap3A_986 = vector.shape_cast %swap3A_985 : vector<1x16xi32> to vector<16xi32>
          %swap3A_987 = vector.shape_cast %mul3A_982 : vector<16xi32> to vector<1x16xi32>
          tpu.vector_store %arg6[%swap3A_983, %swap3A_984], %swap3A_987 {strides = array<i32>} : memref<125x80xi32, #tpu.memory_space<vmem>>, vector<1x16xi32>,
          %dma_start3A_988 = arith.constant 2 : i32
          %dma_start3A_989 = arith.constant 0 : i32
          %dma_start3A_990 = arith.constant 0 : i32
          %dma_start3A_991 = tpu.memref_slice %arg8[%dma_start3A_988, %dma_start3A_989, %dma_start3A_990] : memref<8x80x64xf32, #tpu.memory_space<vmem>> -> memref<1x80x64xf32, #tpu.memory_space<vmem>>
          %dma_start3A_992 = tpu.memref_squeeze %dma_start3A_991 : memref<1x80x64xf32, #tpu.memory_space<vmem>> -> memref<80x64xf32, #tpu.memory_space<vmem>>
          %dma_start3A_993 = arith.constant 0 : i32
          %dma_start3A_994 = tpu.memref_slice %arg6[%sub3A_908, %dma_start3A_993] : memref<125x80xi32, #tpu.memory_space<vmem>> -> memref<1x80xi32, #tpu.memory_space<vmem>>
          %dma_start3A_995 = tpu.memref_squeeze %dma_start3A_994 : memref<1x80xi32, #tpu.memory_space<vmem>> -> memref<80xi32, #tpu.memory_space<vmem>>
          %dma_start3A_996 = arith.constant 0 : i32
          %dma_start3A_997 = arith.constant 0 : i32
          %dma_start3A_998 = tpu.memref_slice %arg2[%dma_start3A_996, %dma_start3A_997] : memref<20000x64xf32, #tpu.memory_space<hbm>> -> memref<20000x64xf32, #tpu.memory_space<hbm>>
          tpu.enqueue_indirect_dma source(%dma_start3A_998 : memref<20000x64xf32, #tpu.memory_space<hbm>>) target(%dma_start3A_992 : memref<80x64xf32, #tpu.memory_space<vmem>>) offsets(%dma_start3A_995 : memref<80xi32, #tpu.memory_space<vmem>>) semaphore(%arg12 : memref<!tpu.dma_semaphore, #tpu.memory_space<semaphore_mem>>)
        } else {
        }
      } else {
      }
      %mul3A_848 = arith.constant 8 : i32
      %mul3A_849 = arith.muli %add3A_814, %mul3A_848 : i32
      %add3A_850 = arith.constant 4 : i32
      %add3A_851 = arith.addi %mul3A_849, %add3A_850 : i32
      %lt3A_852 = arith.constant 125 : i32
      %lt3A_853 = arith.cmpi slt, %add3A_851, %lt3A_852 : i32
      %convert_element_type3A_854 = arith.extui %lt3A_853 : i1 to i32
      %cond3A_855 = arith.constant 0 : i32
      %cond3A_856 = arith.cmpi ne, %convert_element_type3A_854, %cond3A_855 : i32
      scf.if %cond3A_856 {
        %dma_wait3A_884 = arith.constant 4 : i32
        %dma_wait3A_885 = arith.constant 0 : i32
        %dma_wait3A_886 = arith.constant 0 : i32
        %dma_wait3A_887 = tpu.memref_slice %arg8[%dma_wait3A_884, %dma_wait3A_885, %dma_wait3A_886] : memref<8x80x64xf32, #tpu.memory_space<vmem>> -> memref<1x80x64xf32, #tpu.memory_space<vmem>>
        %dma_wait3A_888 = tpu.memref_squeeze %dma_wait3A_887 : memref<1x80x64xf32, #tpu.memory_space<vmem>> -> memref<80x64xf32, #tpu.memory_space<vmem>>
        %dma_wait3A_889 = arith.constant 0 : i32
        %dma_wait3A_890 = tpu.memref_slice %arg6[%add3A_851, %dma_wait3A_889] : memref<125x80xi32, #tpu.memory_space<vmem>> -> memref<1x80xi32, #tpu.memory_space<vmem>>
        %dma_wait3A_891 = tpu.memref_squeeze %dma_wait3A_890 : memref<1x80xi32, #tpu.memory_space<vmem>> -> memref<80xi32, #tpu.memory_space<vmem>>
        %dma_wait3A_892 = arith.constant 0 : i32
        %dma_wait3A_893 = arith.constant 0 : i32
        %dma_wait3A_894 = tpu.memref_slice %arg2[%dma_wait3A_892, %dma_wait3A_893] : memref<20000x64xf32, #tpu.memory_space<hbm>> -> memref<20000x64xf32, #tpu.memory_space<hbm>>
        tpu.wait_indirect_dma semaphore(%arg14 : memref<!tpu.dma_semaphore, #tpu.memory_space<semaphore_mem>>) src(%dma_wait3A_894 : memref<20000x64xf32, #tpu.memory_space<hbm>>) dst(%dma_wait3A_888 : memref<80x64xf32, #tpu.memory_space<vmem>>)
        %dma_start3A_895 = arith.constant 4 : i32
        %dma_start3A_896 = arith.constant 0 : i32
        %dma_start3A_897 = arith.constant 0 : i32
        %dma_start3A_898 = tpu.memref_slice %arg8[%dma_start3A_895, %dma_start3A_896, %dma_start3A_897] : memref<8x80x64xf32, #tpu.memory_space<vmem>> -> memref<1x80x64xf32, #tpu.memory_space<vmem>>
        %dma_start3A_899 = tpu.memref_squeeze %dma_start3A_898 : memref<1x80x64xf32, #tpu.memory_space<vmem>> -> memref<80x64xf32, #tpu.memory_space<vmem>>
        %dma_start3A_900 = arith.constant 0 : i32
        %dma_start3A_901 = tpu.memref_slice %arg7[%add3A_851, %dma_start3A_900] : memref<125x80xi32, #tpu.memory_space<vmem>> -> memref<1x80xi32, #tpu.memory_space<vmem>>
        %dma_start3A_902 = tpu.memref_squeeze %dma_start3A_901 : memref<1x80xi32, #tpu.memory_space<vmem>> -> memref<80xi32, #tpu.memory_space<vmem>>
        %dma_start3A_903 = arith.constant 0 : i32
        %dma_start3A_904 = arith.constant 0 : i32
        %dma_start3A_905 = tpu.memref_slice %arg9[%dma_start3A_903, %dma_start3A_904] : memref<10000x64xf32, #tpu.memory_space<vmem_shared>> -> memref<10000x64xf32, #tpu.memory_space<vmem_shared>>
        tpu.enqueue_indirect_dma source(%dma_start3A_899 : memref<80x64xf32, #tpu.memory_space<vmem>>) target(%dma_start3A_905 : memref<10000x64xf32, #tpu.memory_space<vmem_shared>>) offsets(%dma_start3A_902 : memref<80xi32, #tpu.memory_space<vmem>>) semaphore(%arg22 : memref<!tpu.dma_semaphore, #tpu.memory_space<semaphore_mem>>) {add = true}
        %add3A_906 = arith.constant 8 : i32
        %add3A_907 = arith.addi %add3A_851, %add3A_906 : i32
        %sub3A = arith.constant 1 : i32
        %sub3A_908 = arith.subi %add3A_907, %sub3A : i32
        %ge3A = arith.constant 1 : i32
        %ge3A_909 = arith.cmpi sge, %add3A_851, %ge3A : i32
        %lt3A_910 = arith.constant 125 : i32
        %lt3A_911 = arith.cmpi slt, %sub3A_908, %lt3A_910 : i32
        %and3A = arith.andi %ge3A_909, %lt3A_911 : i1
        %convert_element_type3A_912 = arith.extui %and3A : i1 to i32
        %cond3A_913 = arith.constant 0 : i32
        %cond3A_914 = arith.cmpi ne, %convert_element_type3A_912, %cond3A_913 : i32
        scf.if %cond3A_914 {
          %sub3A_915 = arith.constant 1 : i32
          %sub3A_916 = arith.subi %add3A_851, %sub3A_915 : i32
          %dma_wait3A_917 = arith.constant 3 : i32
          %dma_wait3A_918 = arith.constant 0 : i32
          %dma_wait3A_919 = arith.constant 0 : i32
          %dma_wait3A_920 = tpu.memref_slice %arg8[%dma_wait3A_917, %dma_wait3A_918, %dma_wait3A_919] : memref<8x80x64xf32, #tpu.memory_space<vmem>> -> memref<1x80x64xf32, #tpu.memory_space<vmem>>
          %dma_wait3A_921 = tpu.memref_squeeze %dma_wait3A_920 : memref<1x80x64xf32, #tpu.memory_space<vmem>> -> memref<80x64xf32, #tpu.memory_space<vmem>>
          %dma_wait3A_922 = arith.constant 0 : i32
          %dma_wait3A_923 = tpu.memref_slice %arg7[%sub3A_916, %dma_wait3A_922] : memref<125x80xi32, #tpu.memory_space<vmem>> -> memref<1x80xi32, #tpu.memory_space<vmem>>
          %dma_wait3A_924 = tpu.memref_squeeze %dma_wait3A_923 : memref<1x80xi32, #tpu.memory_space<vmem>> -> memref<80xi32, #tpu.memory_space<vmem>>
          %dma_wait3A_925 = arith.constant 0 : i32
          %dma_wait3A_926 = arith.constant 0 : i32
          %dma_wait3A_927 = tpu.memref_slice %arg9[%dma_wait3A_925, %dma_wait3A_926] : memref<10000x64xf32, #tpu.memory_space<vmem_shared>> -> memref<10000x64xf32, #tpu.memory_space<vmem_shared>>
          tpu.wait_indirect_dma semaphore(%arg21 : memref<!tpu.dma_semaphore, #tpu.memory_space<semaphore_mem>>) src(%dma_wait3A_921 : memref<80x64xf32, #tpu.memory_space<vmem>>) dst(%dma_wait3A_927 : memref<10000x64xf32, #tpu.memory_space<vmem_shared>>)
          %get3A_928 = arith.index_cast %sub3A_908 : i32 to index
          %get3A_929 = arith.constant 0 : index
          %get3A_930 = tpu.vector_load %arg6[%get3A_928, %get3A_929] {strides = array<i32>} : memref<125x80xi32, #tpu.memory_space<vmem>>, vector<1x16xi32>,
          %get3A_931 = vector.shape_cast %get3A_930 : vector<1x16xi32> to vector<16xi32>
          %mul3A_932 = arith.constant 2 : i32
          %mul3A_933 = vector.broadcast %mul3A_932 : i32 to vector<16xi32>
          %mul3A_934 = arith.muli %get3A_931, %mul3A_933 : vector<16xi32>
          %swap3A_935 = arith.index_cast %sub3A_908 : i32 to index
          %swap3A_936 = arith.constant 0 : index
          %swap3A_937 = tpu.vector_load %arg6[%swap3A_935, %swap3A_936] {strides = array<i32>} : memref<125x80xi32, #tpu.memory_space<vmem>>, vector<1x16xi32>,
          %swap3A_938 = vector.shape_cast %swap3A_937 : vector<1x16xi32> to vector<16xi32>
          %swap3A_939 = vector.shape_cast %mul3A_934 : vector<16xi32> to vector<1x16xi32>
          tpu.vector_store %arg6[%swap3A_935, %swap3A_936], %swap3A_939 {strides = array<i32>} : memref<125x80xi32, #tpu.memory_space<vmem>>, vector<1x16xi32>,
          %get3A_940 = arith.index_cast %sub3A_908 : i32 to index
          %get3A_941 = arith.constant 16 : index
          %get3A_942 = tpu.vector_load %arg6[%get3A_940, %get3A_941] {strides = array<i32>} : memref<125x80xi32, #tpu.memory_space<vmem>>, vector<1x16xi32>,
          %get3A_943 = vector.shape_cast %get3A_942 : vector<1x16xi32> to vector<16xi32>
          %mul3A_944 = arith.constant 2 : i32
          %mul3A_945 = vector.broadcast %mul3A_944 : i32 to vector<16xi32>
          %mul3A_946 = arith.muli %get3A_943, %mul3A_945 : vector<16xi32>
          %swap3A_947 = arith.index_cast %sub3A_908 : i32 to index
          %swap3A_948 = arith.constant 16 : index
          %swap3A_949 = tpu.vector_load %arg6[%swap3A_947, %swap3A_948] {strides = array<i32>} : memref<125x80xi32, #tpu.memory_space<vmem>>, vector<1x16xi32>,
          %swap3A_950 = vector.shape_cast %swap3A_949 : vector<1x16xi32> to vector<16xi32>
          %swap3A_951 = vector.shape_cast %mul3A_946 : vector<16xi32> to vector<1x16xi32>
          tpu.vector_store %arg6[%swap3A_947, %swap3A_948], %swap3A_951 {strides = array<i32>} : memref<125x80xi32, #tpu.memory_space<vmem>>, vector<1x16xi32>,
          %get3A_952 = arith.index_cast %sub3A_908 : i32 to index
          %get3A_953 = arith.constant 32 : index
          %get3A_954 = tpu.vector_load %arg6[%get3A_952, %get3A_953] {strides = array<i32>} : memref<125x80xi32, #tpu.memory_space<vmem>>, vector<1x16xi32>,
          %get3A_955 = vector.shape_cast %get3A_954 : vector<1x16xi32> to vector<16xi32>
          %mul3A_956 = arith.constant 2 : i32
          %mul3A_957 = vector.broadcast %mul3A_956 : i32 to vector<16xi32>
          %mul3A_958 = arith.muli %get3A_955, %mul3A_957 : vector<16xi32>
          %swap3A_959 = arith.index_cast %sub3A_908 : i32 to index
          %swap3A_960 = arith.constant 32 : index
          %swap3A_961 = tpu.vector_load %arg6[%swap3A_959, %swap3A_960] {strides = array<i32>} : memref<125x80xi32, #tpu.memory_space<vmem>>, vector<1x16xi32>,
          %swap3A_962 = vector.shape_cast %swap3A_961 : vector<1x16xi32> to vector<16xi32>
          %swap3A_963 = vector.shape_cast %mul3A_958 : vector<16xi32> to vector<1x16xi32>
          tpu.vector_store %arg6[%swap3A_959, %swap3A_960], %swap3A_963 {strides = array<i32>} : memref<125x80xi32, #tpu.memory_space<vmem>>, vector<1x16xi32>,
          %get3A_964 = arith.index_cast %sub3A_908 : i32 to index
          %get3A_965 = arith.constant 48 : index
          %get3A_966 = tpu.vector_load %arg6[%get3A_964, %get3A_965] {strides = array<i32>} : memref<125x80xi32, #tpu.memory_space<vmem>>, vector<1x16xi32>,
          %get3A_967 = vector.shape_cast %get3A_966 : vector<1x16xi32> to vector<16xi32>
          %mul3A_968 = arith.constant 2 : i32
          %mul3A_969 = vector.broadcast %mul3A_968 : i32 to vector<16xi32>
          %mul3A_970 = arith.muli %get3A_967, %mul3A_969 : vector<16xi32>
          %swap3A_971 = arith.index_cast %sub3A_908 : i32 to index
          %swap3A_972 = arith.constant 48 : index
          %swap3A_973 = tpu.vector_load %arg6[%swap3A_971, %swap3A_972] {strides = array<i32>} : memref<125x80xi32, #tpu.memory_space<vmem>>, vector<1x16xi32>,
          %swap3A_974 = vector.shape_cast %swap3A_973 : vector<1x16xi32> to vector<16xi32>
          %swap3A_975 = vector.shape_cast %mul3A_970 : vector<16xi32> to vector<1x16xi32>
          tpu.vector_store %arg6[%swap3A_971, %swap3A_972], %swap3A_975 {strides = array<i32>} : memref<125x80xi32, #tpu.memory_space<vmem>>, vector<1x16xi32>,
          %get3A_976 = arith.index_cast %sub3A_908 : i32 to index
          %get3A_977 = arith.constant 64 : index
          %get3A_978 = tpu.vector_load %arg6[%get3A_976, %get3A_977] {strides = array<i32>} : memref<125x80xi32, #tpu.memory_space<vmem>>, vector<1x16xi32>,
          %get3A_979 = vector.shape_cast %get3A_978 : vector<1x16xi32> to vector<16xi32>
          %mul3A_980 = arith.constant 2 : i32
          %mul3A_981 = vector.broadcast %mul3A_980 : i32 to vector<16xi32>
          %mul3A_982 = arith.muli %get3A_979, %mul3A_981 : vector<16xi32>
          %swap3A_983 = arith.index_cast %sub3A_908 : i32 to index
          %swap3A_984 = arith.constant 64 : index
          %swap3A_985 = tpu.vector_load %arg6[%swap3A_983, %swap3A_984] {strides = array<i32>} : memref<125x80xi32, #tpu.memory_space<vmem>>, vector<1x16xi32>,
          %swap3A_986 = vector.shape_cast %swap3A_985 : vector<1x16xi32> to vector<16xi32>
          %swap3A_987 = vector.shape_cast %mul3A_982 : vector<16xi32> to vector<1x16xi32>
          tpu.vector_store %arg6[%swap3A_983, %swap3A_984], %swap3A_987 {strides = array<i32>} : memref<125x80xi32, #tpu.memory_space<vmem>>, vector<1x16xi32>,
          %dma_start3A_988 = arith.constant 3 : i32
          %dma_start3A_989 = arith.constant 0 : i32
          %dma_start3A_990 = arith.constant 0 : i32
          %dma_start3A_991 = tpu.memref_slice %arg8[%dma_start3A_988, %dma_start3A_989, %dma_start3A_990] : memref<8x80x64xf32, #tpu.memory_space<vmem>> -> memref<1x80x64xf32, #tpu.memory_space<vmem>>
          %dma_start3A_992 = tpu.memref_squeeze %dma_start3A_991 : memref<1x80x64xf32, #tpu.memory_space<vmem>> -> memref<80x64xf32, #tpu.memory_space<vmem>>
          %dma_start3A_993 = arith.constant 0 : i32
          %dma_start3A_994 = tpu.memref_slice %arg6[%sub3A_908, %dma_start3A_993] : memref<125x80xi32, #tpu.memory_space<vmem>> -> memref<1x80xi32, #tpu.memory_space<vmem>>
          %dma_start3A_995 = tpu.memref_squeeze %dma_start3A_994 : memref<1x80xi32, #tpu.memory_space<vmem>> -> memref<80xi32, #tpu.memory_space<vmem>>
          %dma_start3A_996 = arith.constant 0 : i32
          %dma_start3A_997 = arith.constant 0 : i32
          %dma_start3A_998 = tpu.memref_slice %arg2[%dma_start3A_996, %dma_start3A_997] : memref<20000x64xf32, #tpu.memory_space<hbm>> -> memref<20000x64xf32, #tpu.memory_space<hbm>>
          tpu.enqueue_indirect_dma source(%dma_start3A_998 : memref<20000x64xf32, #tpu.memory_space<hbm>>) target(%dma_start3A_992 : memref<80x64xf32, #tpu.memory_space<vmem>>) offsets(%dma_start3A_995 : memref<80xi32, #tpu.memory_space<vmem>>) semaphore(%arg13 : memref<!tpu.dma_semaphore, #tpu.memory_space<semaphore_mem>>)
        } else {
        }
      } else {
      }
      %mul3A_857 = arith.constant 8 : i32
      %mul3A_858 = arith.muli %add3A_814, %mul3A_857 : i32
      %add3A_859 = arith.constant 5 : i32
      %add3A_860 = arith.addi %mul3A_858, %add3A_859 : i32
      %lt3A_861 = arith.constant 125 : i32
      %lt3A_862 = arith.cmpi slt, %add3A_860, %lt3A_861 : i32
      %convert_element_type3A_863 = arith.extui %lt3A_862 : i1 to i32
      %cond3A_864 = arith.constant 0 : i32
      %cond3A_865 = arith.cmpi ne, %convert_element_type3A_863, %cond3A_864 : i32
      scf.if %cond3A_865 {
        %dma_wait3A_884 = arith.constant 5 : i32
        %dma_wait3A_885 = arith.constant 0 : i32
        %dma_wait3A_886 = arith.constant 0 : i32
        %dma_wait3A_887 = tpu.memref_slice %arg8[%dma_wait3A_884, %dma_wait3A_885, %dma_wait3A_886] : memref<8x80x64xf32, #tpu.memory_space<vmem>> -> memref<1x80x64xf32, #tpu.memory_space<vmem>>
        %dma_wait3A_888 = tpu.memref_squeeze %dma_wait3A_887 : memref<1x80x64xf32, #tpu.memory_space<vmem>> -> memref<80x64xf32, #tpu.memory_space<vmem>>
        %dma_wait3A_889 = arith.constant 0 : i32
        %dma_wait3A_890 = tpu.memref_slice %arg6[%add3A_860, %dma_wait3A_889] : memref<125x80xi32, #tpu.memory_space<vmem>> -> memref<1x80xi32, #tpu.memory_space<vmem>>
        %dma_wait3A_891 = tpu.memref_squeeze %dma_wait3A_890 : memref<1x80xi32, #tpu.memory_space<vmem>> -> memref<80xi32, #tpu.memory_space<vmem>>
        %dma_wait3A_892 = arith.constant 0 : i32
        %dma_wait3A_893 = arith.constant 0 : i32
        %dma_wait3A_894 = tpu.memref_slice %arg2[%dma_wait3A_892, %dma_wait3A_893] : memref<20000x64xf32, #tpu.memory_space<hbm>> -> memref<20000x64xf32, #tpu.memory_space<hbm>>
        tpu.wait_indirect_dma semaphore(%arg15 : memref<!tpu.dma_semaphore, #tpu.memory_space<semaphore_mem>>) src(%dma_wait3A_894 : memref<20000x64xf32, #tpu.memory_space<hbm>>) dst(%dma_wait3A_888 : memref<80x64xf32, #tpu.memory_space<vmem>>)
        %dma_start3A_895 = arith.constant 5 : i32
        %dma_start3A_896 = arith.constant 0 : i32
        %dma_start3A_897 = arith.constant 0 : i32
        %dma_start3A_898 = tpu.memref_slice %arg8[%dma_start3A_895, %dma_start3A_896, %dma_start3A_897] : memref<8x80x64xf32, #tpu.memory_space<vmem>> -> memref<1x80x64xf32, #tpu.memory_space<vmem>>
        %dma_start3A_899 = tpu.memref_squeeze %dma_start3A_898 : memref<1x80x64xf32, #tpu.memory_space<vmem>> -> memref<80x64xf32, #tpu.memory_space<vmem>>
        %dma_start3A_900 = arith.constant 0 : i32
        %dma_start3A_901 = tpu.memref_slice %arg7[%add3A_860, %dma_start3A_900] : memref<125x80xi32, #tpu.memory_space<vmem>> -> memref<1x80xi32, #tpu.memory_space<vmem>>
        %dma_start3A_902 = tpu.memref_squeeze %dma_start3A_901 : memref<1x80xi32, #tpu.memory_space<vmem>> -> memref<80xi32, #tpu.memory_space<vmem>>
        %dma_start3A_903 = arith.constant 0 : i32
        %dma_start3A_904 = arith.constant 0 : i32
        %dma_start3A_905 = tpu.memref_slice %arg9[%dma_start3A_903, %dma_start3A_904] : memref<10000x64xf32, #tpu.memory_space<vmem_shared>> -> memref<10000x64xf32, #tpu.memory_space<vmem_shared>>
        tpu.enqueue_indirect_dma source(%dma_start3A_899 : memref<80x64xf32, #tpu.memory_space<vmem>>) target(%dma_start3A_905 : memref<10000x64xf32, #tpu.memory_space<vmem_shared>>) offsets(%dma_start3A_902 : memref<80xi32, #tpu.memory_space<vmem>>) semaphore(%arg23 : memref<!tpu.dma_semaphore, #tpu.memory_space<semaphore_mem>>) {add = true}
        %add3A_906 = arith.constant 8 : i32
        %add3A_907 = arith.addi %add3A_860, %add3A_906 : i32
        %sub3A = arith.constant 1 : i32
        %sub3A_908 = arith.subi %add3A_907, %sub3A : i32
        %ge3A = arith.constant 1 : i32
        %ge3A_909 = arith.cmpi sge, %add3A_860, %ge3A : i32
        %lt3A_910 = arith.constant 125 : i32
        %lt3A_911 = arith.cmpi slt, %sub3A_908, %lt3A_910 : i32
        %and3A = arith.andi %ge3A_909, %lt3A_911 : i1
        %convert_element_type3A_912 = arith.extui %and3A : i1 to i32
        %cond3A_913 = arith.constant 0 : i32
        %cond3A_914 = arith.cmpi ne, %convert_element_type3A_912, %cond3A_913 : i32
        scf.if %cond3A_914 {
          %sub3A_915 = arith.constant 1 : i32
          %sub3A_916 = arith.subi %add3A_860, %sub3A_915 : i32
          %dma_wait3A_917 = arith.constant 4 : i32
          %dma_wait3A_918 = arith.constant 0 : i32
          %dma_wait3A_919 = arith.constant 0 : i32
          %dma_wait3A_920 = tpu.memref_slice %arg8[%dma_wait3A_917, %dma_wait3A_918, %dma_wait3A_919] : memref<8x80x64xf32, #tpu.memory_space<vmem>> -> memref<1x80x64xf32, #tpu.memory_space<vmem>>
          %dma_wait3A_921 = tpu.memref_squeeze %dma_wait3A_920 : memref<1x80x64xf32, #tpu.memory_space<vmem>> -> memref<80x64xf32, #tpu.memory_space<vmem>>
          %dma_wait3A_922 = arith.constant 0 : i32
          %dma_wait3A_923 = tpu.memref_slice %arg7[%sub3A_916, %dma_wait3A_922] : memref<125x80xi32, #tpu.memory_space<vmem>> -> memref<1x80xi32, #tpu.memory_space<vmem>>
          %dma_wait3A_924 = tpu.memref_squeeze %dma_wait3A_923 : memref<1x80xi32, #tpu.memory_space<vmem>> -> memref<80xi32, #tpu.memory_space<vmem>>
          %dma_wait3A_925 = arith.constant 0 : i32
          %dma_wait3A_926 = arith.constant 0 : i32
          %dma_wait3A_927 = tpu.memref_slice %arg9[%dma_wait3A_925, %dma_wait3A_926] : memref<10000x64xf32, #tpu.memory_space<vmem_shared>> -> memref<10000x64xf32, #tpu.memory_space<vmem_shared>>
          tpu.wait_indirect_dma semaphore(%arg22 : memref<!tpu.dma_semaphore, #tpu.memory_space<semaphore_mem>>) src(%dma_wait3A_921 : memref<80x64xf32, #tpu.memory_space<vmem>>) dst(%dma_wait3A_927 : memref<10000x64xf32, #tpu.memory_space<vmem_shared>>)
          %get3A_928 = arith.index_cast %sub3A_908 : i32 to index
          %get3A_929 = arith.constant 0 : index
          %get3A_930 = tpu.vector_load %arg6[%get3A_928, %get3A_929] {strides = array<i32>} : memref<125x80xi32, #tpu.memory_space<vmem>>, vector<1x16xi32>,
          %get3A_931 = vector.shape_cast %get3A_930 : vector<1x16xi32> to vector<16xi32>
          %mul3A_932 = arith.constant 2 : i32
          %mul3A_933 = vector.broadcast %mul3A_932 : i32 to vector<16xi32>
          %mul3A_934 = arith.muli %get3A_931, %mul3A_933 : vector<16xi32>
          %swap3A_935 = arith.index_cast %sub3A_908 : i32 to index
          %swap3A_936 = arith.constant 0 : index
          %swap3A_937 = tpu.vector_load %arg6[%swap3A_935, %swap3A_936] {strides = array<i32>} : memref<125x80xi32, #tpu.memory_space<vmem>>, vector<1x16xi32>,
          %swap3A_938 = vector.shape_cast %swap3A_937 : vector<1x16xi32> to vector<16xi32>
          %swap3A_939 = vector.shape_cast %mul3A_934 : vector<16xi32> to vector<1x16xi32>
          tpu.vector_store %arg6[%swap3A_935, %swap3A_936], %swap3A_939 {strides = array<i32>} : memref<125x80xi32, #tpu.memory_space<vmem>>, vector<1x16xi32>,
          %get3A_940 = arith.index_cast %sub3A_908 : i32 to index
          %get3A_941 = arith.constant 16 : index
          %get3A_942 = tpu.vector_load %arg6[%get3A_940, %get3A_941] {strides = array<i32>} : memref<125x80xi32, #tpu.memory_space<vmem>>, vector<1x16xi32>,
          %get3A_943 = vector.shape_cast %get3A_942 : vector<1x16xi32> to vector<16xi32>
          %mul3A_944 = arith.constant 2 : i32
          %mul3A_945 = vector.broadcast %mul3A_944 : i32 to vector<16xi32>
          %mul3A_946 = arith.muli %get3A_943, %mul3A_945 : vector<16xi32>
          %swap3A_947 = arith.index_cast %sub3A_908 : i32 to index
          %swap3A_948 = arith.constant 16 : index
          %swap3A_949 = tpu.vector_load %arg6[%swap3A_947, %swap3A_948] {strides = array<i32>} : memref<125x80xi32, #tpu.memory_space<vmem>>, vector<1x16xi32>,
          %swap3A_950 = vector.shape_cast %swap3A_949 : vector<1x16xi32> to vector<16xi32>
          %swap3A_951 = vector.shape_cast %mul3A_946 : vector<16xi32> to vector<1x16xi32>
          tpu.vector_store %arg6[%swap3A_947, %swap3A_948], %swap3A_951 {strides = array<i32>} : memref<125x80xi32, #tpu.memory_space<vmem>>, vector<1x16xi32>,
          %get3A_952 = arith.index_cast %sub3A_908 : i32 to index
          %get3A_953 = arith.constant 32 : index
          %get3A_954 = tpu.vector_load %arg6[%get3A_952, %get3A_953] {strides = array<i32>} : memref<125x80xi32, #tpu.memory_space<vmem>>, vector<1x16xi32>,
          %get3A_955 = vector.shape_cast %get3A_954 : vector<1x16xi32> to vector<16xi32>
          %mul3A_956 = arith.constant 2 : i32
          %mul3A_957 = vector.broadcast %mul3A_956 : i32 to vector<16xi32>
          %mul3A_958 = arith.muli %get3A_955, %mul3A_957 : vector<16xi32>
          %swap3A_959 = arith.index_cast %sub3A_908 : i32 to index
          %swap3A_960 = arith.constant 32 : index
          %swap3A_961 = tpu.vector_load %arg6[%swap3A_959, %swap3A_960] {strides = array<i32>} : memref<125x80xi32, #tpu.memory_space<vmem>>, vector<1x16xi32>,
          %swap3A_962 = vector.shape_cast %swap3A_961 : vector<1x16xi32> to vector<16xi32>
          %swap3A_963 = vector.shape_cast %mul3A_958 : vector<16xi32> to vector<1x16xi32>
          tpu.vector_store %arg6[%swap3A_959, %swap3A_960], %swap3A_963 {strides = array<i32>} : memref<125x80xi32, #tpu.memory_space<vmem>>, vector<1x16xi32>,
          %get3A_964 = arith.index_cast %sub3A_908 : i32 to index
          %get3A_965 = arith.constant 48 : index
          %get3A_966 = tpu.vector_load %arg6[%get3A_964, %get3A_965] {strides = array<i32>} : memref<125x80xi32, #tpu.memory_space<vmem>>, vector<1x16xi32>,
          %get3A_967 = vector.shape_cast %get3A_966 : vector<1x16xi32> to vector<16xi32>
          %mul3A_968 = arith.constant 2 : i32
          %mul3A_969 = vector.broadcast %mul3A_968 : i32 to vector<16xi32>
          %mul3A_970 = arith.muli %get3A_967, %mul3A_969 : vector<16xi32>
          %swap3A_971 = arith.index_cast %sub3A_908 : i32 to index
          %swap3A_972 = arith.constant 48 : index
          %swap3A_973 = tpu.vector_load %arg6[%swap3A_971, %swap3A_972] {strides = array<i32>} : memref<125x80xi32, #tpu.memory_space<vmem>>, vector<1x16xi32>,
          %swap3A_974 = vector.shape_cast %swap3A_973 : vector<1x16xi32> to vector<16xi32>
          %swap3A_975 = vector.shape_cast %mul3A_970 : vector<16xi32> to vector<1x16xi32>
          tpu.vector_store %arg6[%swap3A_971, %swap3A_972], %swap3A_975 {strides = array<i32>} : memref<125x80xi32, #tpu.memory_space<vmem>>, vector<1x16xi32>,
          %get3A_976 = arith.index_cast %sub3A_908 : i32 to index
          %get3A_977 = arith.constant 64 : index
          %get3A_978 = tpu.vector_load %arg6[%get3A_976, %get3A_977] {strides = array<i32>} : memref<125x80xi32, #tpu.memory_space<vmem>>, vector<1x16xi32>,
          %get3A_979 = vector.shape_cast %get3A_978 : vector<1x16xi32> to vector<16xi32>
          %mul3A_980 = arith.constant 2 : i32
          %mul3A_981 = vector.broadcast %mul3A_980 : i32 to vector<16xi32>
          %mul3A_982 = arith.muli %get3A_979, %mul3A_981 : vector<16xi32>
          %swap3A_983 = arith.index_cast %sub3A_908 : i32 to index
          %swap3A_984 = arith.constant 64 : index
          %swap3A_985 = tpu.vector_load %arg6[%swap3A_983, %swap3A_984] {strides = array<i32>} : memref<125x80xi32, #tpu.memory_space<vmem>>, vector<1x16xi32>,
          %swap3A_986 = vector.shape_cast %swap3A_985 : vector<1x16xi32> to vector<16xi32>
          %swap3A_987 = vector.shape_cast %mul3A_982 : vector<16xi32> to vector<1x16xi32>
          tpu.vector_store %arg6[%swap3A_983, %swap3A_984], %swap3A_987 {strides = array<i32>} : memref<125x80xi32, #tpu.memory_space<vmem>>, vector<1x16xi32>,
          %dma_start3A_988 = arith.constant 4 : i32
          %dma_start3A_989 = arith.constant 0 : i32
          %dma_start3A_990 = arith.constant 0 : i32
          %dma_start3A_991 = tpu.memref_slice %arg8[%dma_start3A_988, %dma_start3A_989, %dma_start3A_990] : memref<8x80x64xf32, #tpu.memory_space<vmem>> -> memref<1x80x64xf32, #tpu.memory_space<vmem>>
          %dma_start3A_992 = tpu.memref_squeeze %dma_start3A_991 : memref<1x80x64xf32, #tpu.memory_space<vmem>> -> memref<80x64xf32, #tpu.memory_space<vmem>>
          %dma_start3A_993 = arith.constant 0 : i32
          %dma_start3A_994 = tpu.memref_slice %arg6[%sub3A_908, %dma_start3A_993] : memref<125x80xi32, #tpu.memory_space<vmem>> -> memref<1x80xi32, #tpu.memory_space<vmem>>
          %dma_start3A_995 = tpu.memref_squeeze %dma_start3A_994 : memref<1x80xi32, #tpu.memory_space<vmem>> -> memref<80xi32, #tpu.memory_space<vmem>>
          %dma_start3A_996 = arith.constant 0 : i32
          %dma_start3A_997 = arith.constant 0 : i32
          %dma_start3A_998 = tpu.memref_slice %arg2[%dma_start3A_996, %dma_start3A_997] : memref<20000x64xf32, #tpu.memory_space<hbm>> -> memref<20000x64xf32, #tpu.memory_space<hbm>>
          tpu.enqueue_indirect_dma source(%dma_start3A_998 : memref<20000x64xf32, #tpu.memory_space<hbm>>) target(%dma_start3A_992 : memref<80x64xf32, #tpu.memory_space<vmem>>) offsets(%dma_start3A_995 : memref<80xi32, #tpu.memory_space<vmem>>) semaphore(%arg14 : memref<!tpu.dma_semaphore, #tpu.memory_space<semaphore_mem>>)
        } else {
        }
      } else {
      }
      %mul3A_866 = arith.constant 8 : i32
      %mul3A_867 = arith.muli %add3A_814, %mul3A_866 : i32
      %add3A_868 = arith.constant 6 : i32
      %add3A_869 = arith.addi %mul3A_867, %add3A_868 : i32
      %lt3A_870 = arith.constant 125 : i32
      %lt3A_871 = arith.cmpi slt, %add3A_869, %lt3A_870 : i32
      %convert_element_type3A_872 = arith.extui %lt3A_871 : i1 to i32
      %cond3A_873 = arith.constant 0 : i32
      %cond3A_874 = arith.cmpi ne, %convert_element_type3A_872, %cond3A_873 : i32
      scf.if %cond3A_874 {
        %dma_wait3A_884 = arith.constant 6 : i32
        %dma_wait3A_885 = arith.constant 0 : i32
        %dma_wait3A_886 = arith.constant 0 : i32
        %dma_wait3A_887 = tpu.memref_slice %arg8[%dma_wait3A_884, %dma_wait3A_885, %dma_wait3A_886] : memref<8x80x64xf32, #tpu.memory_space<vmem>> -> memref<1x80x64xf32, #tpu.memory_space<vmem>>
        %dma_wait3A_888 = tpu.memref_squeeze %dma_wait3A_887 : memref<1x80x64xf32, #tpu.memory_space<vmem>> -> memref<80x64xf32, #tpu.memory_space<vmem>>
        %dma_wait3A_889 = arith.constant 0 : i32
        %dma_wait3A_890 = tpu.memref_slice %arg6[%add3A_869, %dma_wait3A_889] : memref<125x80xi32, #tpu.memory_space<vmem>> -> memref<1x80xi32, #tpu.memory_space<vmem>>
        %dma_wait3A_891 = tpu.memref_squeeze %dma_wait3A_890 : memref<1x80xi32, #tpu.memory_space<vmem>> -> memref<80xi32, #tpu.memory_space<vmem>>
        %dma_wait3A_892 = arith.constant 0 : i32
        %dma_wait3A_893 = arith.constant 0 : i32
        %dma_wait3A_894 = tpu.memref_slice %arg2[%dma_wait3A_892, %dma_wait3A_893] : memref<20000x64xf32, #tpu.memory_space<hbm>> -> memref<20000x64xf32, #tpu.memory_space<hbm>>
        tpu.wait_indirect_dma semaphore(%arg16 : memref<!tpu.dma_semaphore, #tpu.memory_space<semaphore_mem>>) src(%dma_wait3A_894 : memref<20000x64xf32, #tpu.memory_space<hbm>>) dst(%dma_wait3A_888 : memref<80x64xf32, #tpu.memory_space<vmem>>)
        %dma_start3A_895 = arith.constant 6 : i32
        %dma_start3A_896 = arith.constant 0 : i32
        %dma_start3A_897 = arith.constant 0 : i32
        %dma_start3A_898 = tpu.memref_slice %arg8[%dma_start3A_895, %dma_start3A_896, %dma_start3A_897] : memref<8x80x64xf32, #tpu.memory_space<vmem>> -> memref<1x80x64xf32, #tpu.memory_space<vmem>>
        %dma_start3A_899 = tpu.memref_squeeze %dma_start3A_898 : memref<1x80x64xf32, #tpu.memory_space<vmem>> -> memref<80x64xf32, #tpu.memory_space<vmem>>
        %dma_start3A_900 = arith.constant 0 : i32
        %dma_start3A_901 = tpu.memref_slice %arg7[%add3A_869, %dma_start3A_900] : memref<125x80xi32, #tpu.memory_space<vmem>> -> memref<1x80xi32, #tpu.memory_space<vmem>>
        %dma_start3A_902 = tpu.memref_squeeze %dma_start3A_901 : memref<1x80xi32, #tpu.memory_space<vmem>> -> memref<80xi32, #tpu.memory_space<vmem>>
        %dma_start3A_903 = arith.constant 0 : i32
        %dma_start3A_904 = arith.constant 0 : i32
        %dma_start3A_905 = tpu.memref_slice %arg9[%dma_start3A_903, %dma_start3A_904] : memref<10000x64xf32, #tpu.memory_space<vmem_shared>> -> memref<10000x64xf32, #tpu.memory_space<vmem_shared>>
        tpu.enqueue_indirect_dma source(%dma_start3A_899 : memref<80x64xf32, #tpu.memory_space<vmem>>) target(%dma_start3A_905 : memref<10000x64xf32, #tpu.memory_space<vmem_shared>>) offsets(%dma_start3A_902 : memref<80xi32, #tpu.memory_space<vmem>>) semaphore(%arg24 : memref<!tpu.dma_semaphore, #tpu.memory_space<semaphore_mem>>) {add = true}
        %add3A_906 = arith.constant 8 : i32
        %add3A_907 = arith.addi %add3A_869, %add3A_906 : i32
        %sub3A = arith.constant 1 : i32
        %sub3A_908 = arith.subi %add3A_907, %sub3A : i32
        %ge3A = arith.constant 1 : i32
        %ge3A_909 = arith.cmpi sge, %add3A_869, %ge3A : i32
        %lt3A_910 = arith.constant 125 : i32
        %lt3A_911 = arith.cmpi slt, %sub3A_908, %lt3A_910 : i32
        %and3A = arith.andi %ge3A_909, %lt3A_911 : i1
        %convert_element_type3A_912 = arith.extui %and3A : i1 to i32
        %cond3A_913 = arith.constant 0 : i32
        %cond3A_914 = arith.cmpi ne, %convert_element_type3A_912, %cond3A_913 : i32
        scf.if %cond3A_914 {
          %sub3A_915 = arith.constant 1 : i32
          %sub3A_916 = arith.subi %add3A_869, %sub3A_915 : i32
          %dma_wait3A_917 = arith.constant 5 : i32
          %dma_wait3A_918 = arith.constant 0 : i32
          %dma_wait3A_919 = arith.constant 0 : i32
          %dma_wait3A_920 = tpu.memref_slice %arg8[%dma_wait3A_917, %dma_wait3A_918, %dma_wait3A_919] : memref<8x80x64xf32, #tpu.memory_space<vmem>> -> memref<1x80x64xf32, #tpu.memory_space<vmem>>
          %dma_wait3A_921 = tpu.memref_squeeze %dma_wait3A_920 : memref<1x80x64xf32, #tpu.memory_space<vmem>> -> memref<80x64xf32, #tpu.memory_space<vmem>>
          %dma_wait3A_922 = arith.constant 0 : i32
          %dma_wait3A_923 = tpu.memref_slice %arg7[%sub3A_916, %dma_wait3A_922] : memref<125x80xi32, #tpu.memory_space<vmem>> -> memref<1x80xi32, #tpu.memory_space<vmem>>
          %dma_wait3A_924 = tpu.memref_squeeze %dma_wait3A_923 : memref<1x80xi32, #tpu.memory_space<vmem>> -> memref<80xi32, #tpu.memory_space<vmem>>
          %dma_wait3A_925 = arith.constant 0 : i32
          %dma_wait3A_926 = arith.constant 0 : i32
          %dma_wait3A_927 = tpu.memref_slice %arg9[%dma_wait3A_925, %dma_wait3A_926] : memref<10000x64xf32, #tpu.memory_space<vmem_shared>> -> memref<10000x64xf32, #tpu.memory_space<vmem_shared>>
          tpu.wait_indirect_dma semaphore(%arg23 : memref<!tpu.dma_semaphore, #tpu.memory_space<semaphore_mem>>) src(%dma_wait3A_921 : memref<80x64xf32, #tpu.memory_space<vmem>>) dst(%dma_wait3A_927 : memref<10000x64xf32, #tpu.memory_space<vmem_shared>>)
          %get3A_928 = arith.index_cast %sub3A_908 : i32 to index
          %get3A_929 = arith.constant 0 : index
          %get3A_930 = tpu.vector_load %arg6[%get3A_928, %get3A_929] {strides = array<i32>} : memref<125x80xi32, #tpu.memory_space<vmem>>, vector<1x16xi32>,
          %get3A_931 = vector.shape_cast %get3A_930 : vector<1x16xi32> to vector<16xi32>
          %mul3A_932 = arith.constant 2 : i32
          %mul3A_933 = vector.broadcast %mul3A_932 : i32 to vector<16xi32>
          %mul3A_934 = arith.muli %get3A_931, %mul3A_933 : vector<16xi32>
          %swap3A_935 = arith.index_cast %sub3A_908 : i32 to index
          %swap3A_936 = arith.constant 0 : index
          %swap3A_937 = tpu.vector_load %arg6[%swap3A_935, %swap3A_936] {strides = array<i32>} : memref<125x80xi32, #tpu.memory_space<vmem>>, vector<1x16xi32>,
          %swap3A_938 = vector.shape_cast %swap3A_937 : vector<1x16xi32> to vector<16xi32>
          %swap3A_939 = vector.shape_cast %mul3A_934 : vector<16xi32> to vector<1x16xi32>
          tpu.vector_store %arg6[%swap3A_935, %swap3A_936], %swap3A_939 {strides = array<i32>} : memref<125x80xi32, #tpu.memory_space<vmem>>, vector<1x16xi32>,
          %get3A_940 = arith.index_cast %sub3A_908 : i32 to index
          %get3A_941 = arith.constant 16 : index
          %get3A_942 = tpu.vector_load %arg6[%get3A_940, %get3A_941] {strides = array<i32>} : memref<125x80xi32, #tpu.memory_space<vmem>>, vector<1x16xi32>,
          %get3A_943 = vector.shape_cast %get3A_942 : vector<1x16xi32> to vector<16xi32>
          %mul3A_944 = arith.constant 2 : i32
          %mul3A_945 = vector.broadcast %mul3A_944 : i32 to vector<16xi32>
          %mul3A_946 = arith.muli %get3A_943, %mul3A_945 : vector<16xi32>
          %swap3A_947 = arith.index_cast %sub3A_908 : i32 to index
          %swap3A_948 = arith.constant 16 : index
          %swap3A_949 = tpu.vector_load %arg6[%swap3A_947, %swap3A_948] {strides = array<i32>} : memref<125x80xi32, #tpu.memory_space<vmem>>, vector<1x16xi32>,
          %swap3A_950 = vector.shape_cast %swap3A_949 : vector<1x16xi32> to vector<16xi32>
          %swap3A_951 = vector.shape_cast %mul3A_946 : vector<16xi32> to vector<1x16xi32>
          tpu.vector_store %arg6[%swap3A_947, %swap3A_948], %swap3A_951 {strides = array<i32>} : memref<125x80xi32, #tpu.memory_space<vmem>>, vector<1x16xi32>,
          %get3A_952 = arith.index_cast %sub3A_908 : i32 to index
          %get3A_953 = arith.constant 32 : index
          %get3A_954 = tpu.vector_load %arg6[%get3A_952, %get3A_953] {strides = array<i32>} : memref<125x80xi32, #tpu.memory_space<vmem>>, vector<1x16xi32>,
          %get3A_955 = vector.shape_cast %get3A_954 : vector<1x16xi32> to vector<16xi32>
          %mul3A_956 = arith.constant 2 : i32
          %mul3A_957 = vector.broadcast %mul3A_956 : i32 to vector<16xi32>
          %mul3A_958 = arith.muli %get3A_955, %mul3A_957 : vector<16xi32>
          %swap3A_959 = arith.index_cast %sub3A_908 : i32 to index
          %swap3A_960 = arith.constant 32 : index
          %swap3A_961 = tpu.vector_load %arg6[%swap3A_959, %swap3A_960] {strides = array<i32>} : memref<125x80xi32, #tpu.memory_space<vmem>>, vector<1x16xi32>,
          %swap3A_962 = vector.shape_cast %swap3A_961 : vector<1x16xi32> to vector<16xi32>
          %swap3A_963 = vector.shape_cast %mul3A_958 : vector<16xi32> to vector<1x16xi32>
          tpu.vector_store %arg6[%swap3A_959, %swap3A_960], %swap3A_963 {strides = array<i32>} : memref<125x80xi32, #tpu.memory_space<vmem>>, vector<1x16xi32>,
          %get3A_964 = arith.index_cast %sub3A_908 : i32 to index
          %get3A_965 = arith.constant 48 : index
          %get3A_966 = tpu.vector_load %arg6[%get3A_964, %get3A_965] {strides = array<i32>} : memref<125x80xi32, #tpu.memory_space<vmem>>, vector<1x16xi32>,
          %get3A_967 = vector.shape_cast %get3A_966 : vector<1x16xi32> to vector<16xi32>
          %mul3A_968 = arith.constant 2 : i32
          %mul3A_969 = vector.broadcast %mul3A_968 : i32 to vector<16xi32>
          %mul3A_970 = arith.muli %get3A_967, %mul3A_969 : vector<16xi32>
          %swap3A_971 = arith.index_cast %sub3A_908 : i32 to index
          %swap3A_972 = arith.constant 48 : index
          %swap3A_973 = tpu.vector_load %arg6[%swap3A_971, %swap3A_972] {strides = array<i32>} : memref<125x80xi32, #tpu.memory_space<vmem>>, vector<1x16xi32>,
          %swap3A_974 = vector.shape_cast %swap3A_973 : vector<1x16xi32> to vector<16xi32>
          %swap3A_975 = vector.shape_cast %mul3A_970 : vector<16xi32> to vector<1x16xi32>
          tpu.vector_store %arg6[%swap3A_971, %swap3A_972], %swap3A_975 {strides = array<i32>} : memref<125x80xi32, #tpu.memory_space<vmem>>, vector<1x16xi32>,
          %get3A_976 = arith.index_cast %sub3A_908 : i32 to index
          %get3A_977 = arith.constant 64 : index
          %get3A_978 = tpu.vector_load %arg6[%get3A_976, %get3A_977] {strides = array<i32>} : memref<125x80xi32, #tpu.memory_space<vmem>>, vector<1x16xi32>,
          %get3A_979 = vector.shape_cast %get3A_978 : vector<1x16xi32> to vector<16xi32>
          %mul3A_980 = arith.constant 2 : i32
          %mul3A_981 = vector.broadcast %mul3A_980 : i32 to vector<16xi32>
          %mul3A_982 = arith.muli %get3A_979, %mul3A_981 : vector<16xi32>
          %swap3A_983 = arith.index_cast %sub3A_908 : i32 to index
          %swap3A_984 = arith.constant 64 : index
          %swap3A_985 = tpu.vector_load %arg6[%swap3A_983, %swap3A_984] {strides = array<i32>} : memref<125x80xi32, #tpu.memory_space<vmem>>, vector<1x16xi32>,
          %swap3A_986 = vector.shape_cast %swap3A_985 : vector<1x16xi32> to vector<16xi32>
          %swap3A_987 = vector.shape_cast %mul3A_982 : vector<16xi32> to vector<1x16xi32>
          tpu.vector_store %arg6[%swap3A_983, %swap3A_984], %swap3A_987 {strides = array<i32>} : memref<125x80xi32, #tpu.memory_space<vmem>>, vector<1x16xi32>,
          %dma_start3A_988 = arith.constant 5 : i32
          %dma_start3A_989 = arith.constant 0 : i32
          %dma_start3A_990 = arith.constant 0 : i32
          %dma_start3A_991 = tpu.memref_slice %arg8[%dma_start3A_988, %dma_start3A_989, %dma_start3A_990] : memref<8x80x64xf32, #tpu.memory_space<vmem>> -> memref<1x80x64xf32, #tpu.memory_space<vmem>>
          %dma_start3A_992 = tpu.memref_squeeze %dma_start3A_991 : memref<1x80x64xf32, #tpu.memory_space<vmem>> -> memref<80x64xf32, #tpu.memory_space<vmem>>
          %dma_start3A_993 = arith.constant 0 : i32
          %dma_start3A_994 = tpu.memref_slice %arg6[%sub3A_908, %dma_start3A_993] : memref<125x80xi32, #tpu.memory_space<vmem>> -> memref<1x80xi32, #tpu.memory_space<vmem>>
          %dma_start3A_995 = tpu.memref_squeeze %dma_start3A_994 : memref<1x80xi32, #tpu.memory_space<vmem>> -> memref<80xi32, #tpu.memory_space<vmem>>
          %dma_start3A_996 = arith.constant 0 : i32
          %dma_start3A_997 = arith.constant 0 : i32
          %dma_start3A_998 = tpu.memref_slice %arg2[%dma_start3A_996, %dma_start3A_997] : memref<20000x64xf32, #tpu.memory_space<hbm>> -> memref<20000x64xf32, #tpu.memory_space<hbm>>
          tpu.enqueue_indirect_dma source(%dma_start3A_998 : memref<20000x64xf32, #tpu.memory_space<hbm>>) target(%dma_start3A_992 : memref<80x64xf32, #tpu.memory_space<vmem>>) offsets(%dma_start3A_995 : memref<80xi32, #tpu.memory_space<vmem>>) semaphore(%arg15 : memref<!tpu.dma_semaphore, #tpu.memory_space<semaphore_mem>>)
        } else {
        }
      } else {
      }
      %mul3A_875 = arith.constant 8 : i32
      %mul3A_876 = arith.muli %add3A_814, %mul3A_875 : i32
      %add3A_877 = arith.constant 7 : i32
      %add3A_878 = arith.addi %mul3A_876, %add3A_877 : i32
      %lt3A_879 = arith.constant 125 : i32
      %lt3A_880 = arith.cmpi slt, %add3A_878, %lt3A_879 : i32
      %convert_element_type3A_881 = arith.extui %lt3A_880 : i1 to i32
      %cond3A_882 = arith.constant 0 : i32
      %cond3A_883 = arith.cmpi ne, %convert_element_type3A_881, %cond3A_882 : i32
      scf.if %cond3A_883 {
        %dma_wait3A_884 = arith.constant 7 : i32
        %dma_wait3A_885 = arith.constant 0 : i32
        %dma_wait3A_886 = arith.constant 0 : i32
        %dma_wait3A_887 = tpu.memref_slice %arg8[%dma_wait3A_884, %dma_wait3A_885, %dma_wait3A_886] : memref<8x80x64xf32, #tpu.memory_space<vmem>> -> memref<1x80x64xf32, #tpu.memory_space<vmem>>
        %dma_wait3A_888 = tpu.memref_squeeze %dma_wait3A_887 : memref<1x80x64xf32, #tpu.memory_space<vmem>> -> memref<80x64xf32, #tpu.memory_space<vmem>>
        %dma_wait3A_889 = arith.constant 0 : i32
        %dma_wait3A_890 = tpu.memref_slice %arg6[%add3A_878, %dma_wait3A_889] : memref<125x80xi32, #tpu.memory_space<vmem>> -> memref<1x80xi32, #tpu.memory_space<vmem>>
        %dma_wait3A_891 = tpu.memref_squeeze %dma_wait3A_890 : memref<1x80xi32, #tpu.memory_space<vmem>> -> memref<80xi32, #tpu.memory_space<vmem>>
        %dma_wait3A_892 = arith.constant 0 : i32
        %dma_wait3A_893 = arith.constant 0 : i32
        %dma_wait3A_894 = tpu.memref_slice %arg2[%dma_wait3A_892, %dma_wait3A_893] : memref<20000x64xf32, #tpu.memory_space<hbm>> -> memref<20000x64xf32, #tpu.memory_space<hbm>>
        tpu.wait_indirect_dma semaphore(%arg17 : memref<!tpu.dma_semaphore, #tpu.memory_space<semaphore_mem>>) src(%dma_wait3A_894 : memref<20000x64xf32, #tpu.memory_space<hbm>>) dst(%dma_wait3A_888 : memref<80x64xf32, #tpu.memory_space<vmem>>)
        %dma_start3A_895 = arith.constant 7 : i32
        %dma_start3A_896 = arith.constant 0 : i32
        %dma_start3A_897 = arith.constant 0 : i32
        %dma_start3A_898 = tpu.memref_slice %arg8[%dma_start3A_895, %dma_start3A_896, %dma_start3A_897] : memref<8x80x64xf32, #tpu.memory_space<vmem>> -> memref<1x80x64xf32, #tpu.memory_space<vmem>>
        %dma_start3A_899 = tpu.memref_squeeze %dma_start3A_898 : memref<1x80x64xf32, #tpu.memory_space<vmem>> -> memref<80x64xf32, #tpu.memory_space<vmem>>
        %dma_start3A_900 = arith.constant 0 : i32
        %dma_start3A_901 = tpu.memref_slice %arg7[%add3A_878, %dma_start3A_900] : memref<125x80xi32, #tpu.memory_space<vmem>> -> memref<1x80xi32, #tpu.memory_space<vmem>>
        %dma_start3A_902 = tpu.memref_squeeze %dma_start3A_901 : memref<1x80xi32, #tpu.memory_space<vmem>> -> memref<80xi32, #tpu.memory_space<vmem>>
        %dma_start3A_903 = arith.constant 0 : i32
        %dma_start3A_904 = arith.constant 0 : i32
        %dma_start3A_905 = tpu.memref_slice %arg9[%dma_start3A_903, %dma_start3A_904] : memref<10000x64xf32, #tpu.memory_space<vmem_shared>> -> memref<10000x64xf32, #tpu.memory_space<vmem_shared>>
        tpu.enqueue_indirect_dma source(%dma_start3A_899 : memref<80x64xf32, #tpu.memory_space<vmem>>) target(%dma_start3A_905 : memref<10000x64xf32, #tpu.memory_space<vmem_shared>>) offsets(%dma_start3A_902 : memref<80xi32, #tpu.memory_space<vmem>>) semaphore(%arg25 : memref<!tpu.dma_semaphore, #tpu.memory_space<semaphore_mem>>) {add = true}
        %add3A_906 = arith.constant 8 : i32
        %add3A_907 = arith.addi %add3A_878, %add3A_906 : i32
        %sub3A = arith.constant 1 : i32
        %sub3A_908 = arith.subi %add3A_907, %sub3A : i32
        %ge3A = arith.constant 1 : i32
        %ge3A_909 = arith.cmpi sge, %add3A_878, %ge3A : i32
        %lt3A_910 = arith.constant 125 : i32
        %lt3A_911 = arith.cmpi slt, %sub3A_908, %lt3A_910 : i32
        %and3A = arith.andi %ge3A_909, %lt3A_911 : i1
        %convert_element_type3A_912 = arith.extui %and3A : i1 to i32
        %cond3A_913 = arith.constant 0 : i32
        %cond3A_914 = arith.cmpi ne, %convert_element_type3A_912, %cond3A_913 : i32
        scf.if %cond3A_914 {
          %sub3A_915 = arith.constant 1 : i32
          %sub3A_916 = arith.subi %add3A_878, %sub3A_915 : i32
          %dma_wait3A_917 = arith.constant 6 : i32
          %dma_wait3A_918 = arith.constant 0 : i32
          %dma_wait3A_919 = arith.constant 0 : i32
          %dma_wait3A_920 = tpu.memref_slice %arg8[%dma_wait3A_917, %dma_wait3A_918, %dma_wait3A_919] : memref<8x80x64xf32, #tpu.memory_space<vmem>> -> memref<1x80x64xf32, #tpu.memory_space<vmem>>
          %dma_wait3A_921 = tpu.memref_squeeze %dma_wait3A_920 : memref<1x80x64xf32, #tpu.memory_space<vmem>> -> memref<80x64xf32, #tpu.memory_space<vmem>>
          %dma_wait3A_922 = arith.constant 0 : i32
          %dma_wait3A_923 = tpu.memref_slice %arg7[%sub3A_916, %dma_wait3A_922] : memref<125x80xi32, #tpu.memory_space<vmem>> -> memref<1x80xi32, #tpu.memory_space<vmem>>
          %dma_wait3A_924 = tpu.memref_squeeze %dma_wait3A_923 : memref<1x80xi32, #tpu.memory_space<vmem>> -> memref<80xi32, #tpu.memory_space<vmem>>
          %dma_wait3A_925 = arith.constant 0 : i32
          %dma_wait3A_926 = arith.constant 0 : i32
          %dma_wait3A_927 = tpu.memref_slice %arg9[%dma_wait3A_925, %dma_wait3A_926] : memref<10000x64xf32, #tpu.memory_space<vmem_shared>> -> memref<10000x64xf32, #tpu.memory_space<vmem_shared>>
          tpu.wait_indirect_dma semaphore(%arg24 : memref<!tpu.dma_semaphore, #tpu.memory_space<semaphore_mem>>) src(%dma_wait3A_921 : memref<80x64xf32, #tpu.memory_space<vmem>>) dst(%dma_wait3A_927 : memref<10000x64xf32, #tpu.memory_space<vmem_shared>>)
          %get3A_928 = arith.index_cast %sub3A_908 : i32 to index
          %get3A_929 = arith.constant 0 : index
          %get3A_930 = tpu.vector_load %arg6[%get3A_928, %get3A_929] {strides = array<i32>} : memref<125x80xi32, #tpu.memory_space<vmem>>, vector<1x16xi32>,
          %get3A_931 = vector.shape_cast %get3A_930 : vector<1x16xi32> to vector<16xi32>
          %mul3A_932 = arith.constant 2 : i32
          %mul3A_933 = vector.broadcast %mul3A_932 : i32 to vector<16xi32>
          %mul3A_934 = arith.muli %get3A_931, %mul3A_933 : vector<16xi32>
          %swap3A_935 = arith.index_cast %sub3A_908 : i32 to index
          %swap3A_936 = arith.constant 0 : index
          %swap3A_937 = tpu.vector_load %arg6[%swap3A_935, %swap3A_936] {strides = array<i32>} : memref<125x80xi32, #tpu.memory_space<vmem>>, vector<1x16xi32>,
          %swap3A_938 = vector.shape_cast %swap3A_937 : vector<1x16xi32> to vector<16xi32>
          %swap3A_939 = vector.shape_cast %mul3A_934 : vector<16xi32> to vector<1x16xi32>
          tpu.vector_store %arg6[%swap3A_935, %swap3A_936], %swap3A_939 {strides = array<i32>} : memref<125x80xi32, #tpu.memory_space<vmem>>, vector<1x16xi32>,
          %get3A_940 = arith.index_cast %sub3A_908 : i32 to index
          %get3A_941 = arith.constant 16 : index
          %get3A_942 = tpu.vector_load %arg6[%get3A_940, %get3A_941] {strides = array<i32>} : memref<125x80xi32, #tpu.memory_space<vmem>>, vector<1x16xi32>,
          %get3A_943 = vector.shape_cast %get3A_942 : vector<1x16xi32> to vector<16xi32>
          %mul3A_944 = arith.constant 2 : i32
          %mul3A_945 = vector.broadcast %mul3A_944 : i32 to vector<16xi32>
          %mul3A_946 = arith.muli %get3A_943, %mul3A_945 : vector<16xi32>
          %swap3A_947 = arith.index_cast %sub3A_908 : i32 to index
          %swap3A_948 = arith.constant 16 : index
          %swap3A_949 = tpu.vector_load %arg6[%swap3A_947, %swap3A_948] {strides = array<i32>} : memref<125x80xi32, #tpu.memory_space<vmem>>, vector<1x16xi32>,
          %swap3A_950 = vector.shape_cast %swap3A_949 : vector<1x16xi32> to vector<16xi32>
          %swap3A_951 = vector.shape_cast %mul3A_946 : vector<16xi32> to vector<1x16xi32>
          tpu.vector_store %arg6[%swap3A_947, %swap3A_948], %swap3A_951 {strides = array<i32>} : memref<125x80xi32, #tpu.memory_space<vmem>>, vector<1x16xi32>,
          %get3A_952 = arith.index_cast %sub3A_908 : i32 to index
          %get3A_953 = arith.constant 32 : index
          %get3A_954 = tpu.vector_load %arg6[%get3A_952, %get3A_953] {strides = array<i32>} : memref<125x80xi32, #tpu.memory_space<vmem>>, vector<1x16xi32>,
          %get3A_955 = vector.shape_cast %get3A_954 : vector<1x16xi32> to vector<16xi32>
          %mul3A_956 = arith.constant 2 : i32
          %mul3A_957 = vector.broadcast %mul3A_956 : i32 to vector<16xi32>
          %mul3A_958 = arith.muli %get3A_955, %mul3A_957 : vector<16xi32>
          %swap3A_959 = arith.index_cast %sub3A_908 : i32 to index
          %swap3A_960 = arith.constant 32 : index
          %swap3A_961 = tpu.vector_load %arg6[%swap3A_959, %swap3A_960] {strides = array<i32>} : memref<125x80xi32, #tpu.memory_space<vmem>>, vector<1x16xi32>,
          %swap3A_962 = vector.shape_cast %swap3A_961 : vector<1x16xi32> to vector<16xi32>
          %swap3A_963 = vector.shape_cast %mul3A_958 : vector<16xi32> to vector<1x16xi32>
          tpu.vector_store %arg6[%swap3A_959, %swap3A_960], %swap3A_963 {strides = array<i32>} : memref<125x80xi32, #tpu.memory_space<vmem>>, vector<1x16xi32>,
          %get3A_964 = arith.index_cast %sub3A_908 : i32 to index
          %get3A_965 = arith.constant 48 : index
          %get3A_966 = tpu.vector_load %arg6[%get3A_964, %get3A_965] {strides = array<i32>} : memref<125x80xi32, #tpu.memory_space<vmem>>, vector<1x16xi32>,
          %get3A_967 = vector.shape_cast %get3A_966 : vector<1x16xi32> to vector<16xi32>
          %mul3A_968 = arith.constant 2 : i32
          %mul3A_969 = vector.broadcast %mul3A_968 : i32 to vector<16xi32>
          %mul3A_970 = arith.muli %get3A_967, %mul3A_969 : vector<16xi32>
          %swap3A_971 = arith.index_cast %sub3A_908 : i32 to index
          %swap3A_972 = arith.constant 48 : index
          %swap3A_973 = tpu.vector_load %arg6[%swap3A_971, %swap3A_972] {strides = array<i32>} : memref<125x80xi32, #tpu.memory_space<vmem>>, vector<1x16xi32>,
          %swap3A_974 = vector.shape_cast %swap3A_973 : vector<1x16xi32> to vector<16xi32>
          %swap3A_975 = vector.shape_cast %mul3A_970 : vector<16xi32> to vector<1x16xi32>
          tpu.vector_store %arg6[%swap3A_971, %swap3A_972], %swap3A_975 {strides = array<i32>} : memref<125x80xi32, #tpu.memory_space<vmem>>, vector<1x16xi32>,
          %get3A_976 = arith.index_cast %sub3A_908 : i32 to index
          %get3A_977 = arith.constant 64 : index
          %get3A_978 = tpu.vector_load %arg6[%get3A_976, %get3A_977] {strides = array<i32>} : memref<125x80xi32, #tpu.memory_space<vmem>>, vector<1x16xi32>,
          %get3A_979 = vector.shape_cast %get3A_978 : vector<1x16xi32> to vector<16xi32>
          %mul3A_980 = arith.constant 2 : i32
          %mul3A_981 = vector.broadcast %mul3A_980 : i32 to vector<16xi32>
          %mul3A_982 = arith.muli %get3A_979, %mul3A_981 : vector<16xi32>
          %swap3A_983 = arith.index_cast %sub3A_908 : i32 to index
          %swap3A_984 = arith.constant 64 : index
          %swap3A_985 = tpu.vector_load %arg6[%swap3A_983, %swap3A_984] {strides = array<i32>} : memref<125x80xi32, #tpu.memory_space<vmem>>, vector<1x16xi32>,
          %swap3A_986 = vector.shape_cast %swap3A_985 : vector<1x16xi32> to vector<16xi32>
          %swap3A_987 = vector.shape_cast %mul3A_982 : vector<16xi32> to vector<1x16xi32>
          tpu.vector_store %arg6[%swap3A_983, %swap3A_984], %swap3A_987 {strides = array<i32>} : memref<125x80xi32, #tpu.memory_space<vmem>>, vector<1x16xi32>,
          %dma_start3A_988 = arith.constant 6 : i32
          %dma_start3A_989 = arith.constant 0 : i32
          %dma_start3A_990 = arith.constant 0 : i32
          %dma_start3A_991 = tpu.memref_slice %arg8[%dma_start3A_988, %dma_start3A_989, %dma_start3A_990] : memref<8x80x64xf32, #tpu.memory_space<vmem>> -> memref<1x80x64xf32, #tpu.memory_space<vmem>>
          %dma_start3A_992 = tpu.memref_squeeze %dma_start3A_991 : memref<1x80x64xf32, #tpu.memory_space<vmem>> -> memref<80x64xf32, #tpu.memory_space<vmem>>
          %dma_start3A_993 = arith.constant 0 : i32
          %dma_start3A_994 = tpu.memref_slice %arg6[%sub3A_908, %dma_start3A_993] : memref<125x80xi32, #tpu.memory_space<vmem>> -> memref<1x80xi32, #tpu.memory_space<vmem>>
          %dma_start3A_995 = tpu.memref_squeeze %dma_start3A_994 : memref<1x80xi32, #tpu.memory_space<vmem>> -> memref<80xi32, #tpu.memory_space<vmem>>
          %dma_start3A_996 = arith.constant 0 : i32
          %dma_start3A_997 = arith.constant 0 : i32
          %dma_start3A_998 = tpu.memref_slice %arg2[%dma_start3A_996, %dma_start3A_997] : memref<20000x64xf32, #tpu.memory_space<hbm>> -> memref<20000x64xf32, #tpu.memory_space<hbm>>
          tpu.enqueue_indirect_dma source(%dma_start3A_998 : memref<20000x64xf32, #tpu.memory_space<hbm>>) target(%dma_start3A_992 : memref<80x64xf32, #tpu.memory_space<vmem>>) offsets(%dma_start3A_995 : memref<80xi32, #tpu.memory_space<vmem>>) semaphore(%arg16 : memref<!tpu.dma_semaphore, #tpu.memory_space<semaphore_mem>>)
        } else {
        }
      } else {
      }
    }
    %scan3A_702 = arith.constant 16 : i32
    %dma_wait3A_703 = arith.constant 0 : i32
    %dma_wait3A_704 = arith.constant 120 : i32
    %dma_wait3A_705 = arith.constant 0 : i32
    %dma_wait3A_706 = arith.constant 0 : i32
    %dma_wait3A_707 = tpu.memref_slice %arg8[%dma_wait3A_703, %dma_wait3A_705, %dma_wait3A_706] : memref<8x80x64xf32, #tpu.memory_space<vmem>> -> memref<1x80x64xf32, #tpu.memory_space<vmem>>
    %dma_wait3A_708 = tpu.memref_squeeze %dma_wait3A_707 : memref<1x80x64xf32, #tpu.memory_space<vmem>> -> memref<80x64xf32, #tpu.memory_space<vmem>>
    %dma_wait3A_709 = arith.constant 0 : i32
    %dma_wait3A_710 = tpu.memref_slice %arg7[%dma_wait3A_704, %dma_wait3A_709] : memref<125x80xi32, #tpu.memory_space<vmem>> -> memref<1x80xi32, #tpu.memory_space<vmem>>
    %dma_wait3A_711 = tpu.memref_squeeze %dma_wait3A_710 : memref<1x80xi32, #tpu.memory_space<vmem>> -> memref<80xi32, #tpu.memory_space<vmem>>
    %dma_wait3A_712 = arith.constant 0 : i32
    %dma_wait3A_713 = arith.constant 0 : i32
    %dma_wait3A_714 = tpu.memref_slice %arg9[%dma_wait3A_712, %dma_wait3A_713] : memref<10000x64xf32, #tpu.memory_space<vmem_shared>> -> memref<10000x64xf32, #tpu.memory_space<vmem_shared>>
    tpu.wait_indirect_dma semaphore(%arg18 : memref<!tpu.dma_semaphore, #tpu.memory_space<semaphore_mem>>) src(%dma_wait3A_708 : memref<80x64xf32, #tpu.memory_space<vmem>>) dst(%dma_wait3A_714 : memref<10000x64xf32, #tpu.memory_space<vmem_shared>>)
    %dma_wait3A_715 = arith.constant 1 : i32
    %dma_wait3A_716 = arith.constant 121 : i32
    %dma_wait3A_717 = arith.constant 0 : i32
    %dma_wait3A_718 = arith.constant 0 : i32
    %dma_wait3A_719 = tpu.memref_slice %arg8[%dma_wait3A_715, %dma_wait3A_717, %dma_wait3A_718] : memref<8x80x64xf32, #tpu.memory_space<vmem>> -> memref<1x80x64xf32, #tpu.memory_space<vmem>>
    %dma_wait3A_720 = tpu.memref_squeeze %dma_wait3A_719 : memref<1x80x64xf32, #tpu.memory_space<vmem>> -> memref<80x64xf32, #tpu.memory_space<vmem>>
    %dma_wait3A_721 = arith.constant 0 : i32
    %dma_wait3A_722 = tpu.memref_slice %arg7[%dma_wait3A_716, %dma_wait3A_721] : memref<125x80xi32, #tpu.memory_space<vmem>> -> memref<1x80xi32, #tpu.memory_space<vmem>>
    %dma_wait3A_723 = tpu.memref_squeeze %dma_wait3A_722 : memref<1x80xi32, #tpu.memory_space<vmem>> -> memref<80xi32, #tpu.memory_space<vmem>>
    %dma_wait3A_724 = arith.constant 0 : i32
    %dma_wait3A_725 = arith.constant 0 : i32
    %dma_wait3A_726 = tpu.memref_slice %arg9[%dma_wait3A_724, %dma_wait3A_725] : memref<10000x64xf32, #tpu.memory_space<vmem_shared>> -> memref<10000x64xf32, #tpu.memory_space<vmem_shared>>
    tpu.wait_indirect_dma semaphore(%arg19 : memref<!tpu.dma_semaphore, #tpu.memory_space<semaphore_mem>>) src(%dma_wait3A_720 : memref<80x64xf32, #tpu.memory_space<vmem>>) dst(%dma_wait3A_726 : memref<10000x64xf32, #tpu.memory_space<vmem_shared>>)
    %dma_wait3A_727 = arith.constant 2 : i32
    %dma_wait3A_728 = arith.constant 122 : i32
    %dma_wait3A_729 = arith.constant 0 : i32
    %dma_wait3A_730 = arith.constant 0 : i32
    %dma_wait3A_731 = tpu.memref_slice %arg8[%dma_wait3A_727, %dma_wait3A_729, %dma_wait3A_730] : memref<8x80x64xf32, #tpu.memory_space<vmem>> -> memref<1x80x64xf32, #tpu.memory_space<vmem>>
    %dma_wait3A_732 = tpu.memref_squeeze %dma_wait3A_731 : memref<1x80x64xf32, #tpu.memory_space<vmem>> -> memref<80x64xf32, #tpu.memory_space<vmem>>
    %dma_wait3A_733 = arith.constant 0 : i32
    %dma_wait3A_734 = tpu.memref_slice %arg7[%dma_wait3A_728, %dma_wait3A_733] : memref<125x80xi32, #tpu.memory_space<vmem>> -> memref<1x80xi32, #tpu.memory_space<vmem>>
    %dma_wait3A_735 = tpu.memref_squeeze %dma_wait3A_734 : memref<1x80xi32, #tpu.memory_space<vmem>> -> memref<80xi32, #tpu.memory_space<vmem>>
    %dma_wait3A_736 = arith.constant 0 : i32
    %dma_wait3A_737 = arith.constant 0 : i32
    %dma_wait3A_738 = tpu.memref_slice %arg9[%dma_wait3A_736, %dma_wait3A_737] : memref<10000x64xf32, #tpu.memory_space<vmem_shared>> -> memref<10000x64xf32, #tpu.memory_space<vmem_shared>>
    tpu.wait_indirect_dma semaphore(%arg20 : memref<!tpu.dma_semaphore, #tpu.memory_space<semaphore_mem>>) src(%dma_wait3A_732 : memref<80x64xf32, #tpu.memory_space<vmem>>) dst(%dma_wait3A_738 : memref<10000x64xf32, #tpu.memory_space<vmem_shared>>)
    %dma_wait3A_739 = arith.constant 3 : i32
    %dma_wait3A_740 = arith.constant 123 : i32
    %dma_wait3A_741 = arith.constant 0 : i32
    %dma_wait3A_742 = arith.constant 0 : i32
    %dma_wait3A_743 = tpu.memref_slice %arg8[%dma_wait3A_739, %dma_wait3A_741, %dma_wait3A_742] : memref<8x80x64xf32, #tpu.memory_space<vmem>> -> memref<1x80x64xf32, #tpu.memory_space<vmem>>
    %dma_wait3A_744 = tpu.memref_squeeze %dma_wait3A_743 : memref<1x80x64xf32, #tpu.memory_space<vmem>> -> memref<80x64xf32, #tpu.memory_space<vmem>>
    %dma_wait3A_745 = arith.constant 0 : i32
    %dma_wait3A_746 = tpu.memref_slice %arg7[%dma_wait3A_740, %dma_wait3A_745] : memref<125x80xi32, #tpu.memory_space<vmem>> -> memref<1x80xi32, #tpu.memory_space<vmem>>
    %dma_wait3A_747 = tpu.memref_squeeze %dma_wait3A_746 : memref<1x80xi32, #tpu.memory_space<vmem>> -> memref<80xi32, #tpu.memory_space<vmem>>
    %dma_wait3A_748 = arith.constant 0 : i32
    %dma_wait3A_749 = arith.constant 0 : i32
    %dma_wait3A_750 = tpu.memref_slice %arg9[%dma_wait3A_748, %dma_wait3A_749] : memref<10000x64xf32, #tpu.memory_space<vmem_shared>> -> memref<10000x64xf32, #tpu.memory_space<vmem_shared>>
    tpu.wait_indirect_dma semaphore(%arg21 : memref<!tpu.dma_semaphore, #tpu.memory_space<semaphore_mem>>) src(%dma_wait3A_744 : memref<80x64xf32, #tpu.memory_space<vmem>>) dst(%dma_wait3A_750 : memref<10000x64xf32, #tpu.memory_space<vmem_shared>>)
    %dma_wait3A_751 = arith.constant 4 : i32
    %dma_wait3A_752 = arith.constant 124 : i32
    %dma_wait3A_753 = arith.constant 0 : i32
    %dma_wait3A_754 = arith.constant 0 : i32
    %dma_wait3A_755 = tpu.memref_slice %arg8[%dma_wait3A_751, %dma_wait3A_753, %dma_wait3A_754] : memref<8x80x64xf32, #tpu.memory_space<vmem>> -> memref<1x80x64xf32, #tpu.memory_space<vmem>>
    %dma_wait3A_756 = tpu.memref_squeeze %dma_wait3A_755 : memref<1x80x64xf32, #tpu.memory_space<vmem>> -> memref<80x64xf32, #tpu.memory_space<vmem>>
    %dma_wait3A_757 = arith.constant 0 : i32
    %dma_wait3A_758 = tpu.memref_slice %arg7[%dma_wait3A_752, %dma_wait3A_757] : memref<125x80xi32, #tpu.memory_space<vmem>> -> memref<1x80xi32, #tpu.memory_space<vmem>>
    %dma_wait3A_759 = tpu.memref_squeeze %dma_wait3A_758 : memref<1x80xi32, #tpu.memory_space<vmem>> -> memref<80xi32, #tpu.memory_space<vmem>>
    %dma_wait3A_760 = arith.constant 0 : i32
    %dma_wait3A_761 = arith.constant 0 : i32
    %dma_wait3A_762 = tpu.memref_slice %arg9[%dma_wait3A_760, %dma_wait3A_761] : memref<10000x64xf32, #tpu.memory_space<vmem_shared>> -> memref<10000x64xf32, #tpu.memory_space<vmem_shared>>
    tpu.wait_indirect_dma semaphore(%arg22 : memref<!tpu.dma_semaphore, #tpu.memory_space<semaphore_mem>>) src(%dma_wait3A_756 : memref<80x64xf32, #tpu.memory_space<vmem>>) dst(%dma_wait3A_762 : memref<10000x64xf32, #tpu.memory_space<vmem_shared>>)
    %dma_wait3A_763 = arith.constant 5 : i32
    %dma_wait3A_764 = arith.constant 117 : i32
    %dma_wait3A_765 = arith.constant 0 : i32
    %dma_wait3A_766 = arith.constant 0 : i32
    %dma_wait3A_767 = tpu.memref_slice %arg8[%dma_wait3A_763, %dma_wait3A_765, %dma_wait3A_766] : memref<8x80x64xf32, #tpu.memory_space<vmem>> -> memref<1x80x64xf32, #tpu.memory_space<vmem>>
    %dma_wait3A_768 = tpu.memref_squeeze %dma_wait3A_767 : memref<1x80x64xf32, #tpu.memory_space<vmem>> -> memref<80x64xf32, #tpu.memory_space<vmem>>
    %dma_wait3A_769 = arith.constant 0 : i32
    %dma_wait3A_770 = tpu.memref_slice %arg7[%dma_wait3A_764, %dma_wait3A_769] : memref<125x80xi32, #tpu.memory_space<vmem>> -> memref<1x80xi32, #tpu.memory_space<vmem>>
    %dma_wait3A_771 = tpu.memref_squeeze %dma_wait3A_770 : memref<1x80xi32, #tpu.memory_space<vmem>> -> memref<80xi32, #tpu.memory_space<vmem>>
    %dma_wait3A_772 = arith.constant 0 : i32
    %dma_wait3A_773 = arith.constant 0 : i32
    %dma_wait3A_774 = tpu.memref_slice %arg9[%dma_wait3A_772, %dma_wait3A_773] : memref<10000x64xf32, #tpu.memory_space<vmem_shared>> -> memref<10000x64xf32, #tpu.memory_space<vmem_shared>>
    tpu.wait_indirect_dma semaphore(%arg23 : memref<!tpu.dma_semaphore, #tpu.memory_space<semaphore_mem>>) src(%dma_wait3A_768 : memref<80x64xf32, #tpu.memory_space<vmem>>) dst(%dma_wait3A_774 : memref<10000x64xf32, #tpu.memory_space<vmem_shared>>)
    %dma_wait3A_775 = arith.constant 6 : i32
    %dma_wait3A_776 = arith.constant 118 : i32
    %dma_wait3A_777 = arith.constant 0 : i32
    %dma_wait3A_778 = arith.constant 0 : i32
    %dma_wait3A_779 = tpu.memref_slice %arg8[%dma_wait3A_775, %dma_wait3A_777, %dma_wait3A_778] : memref<8x80x64xf32, #tpu.memory_space<vmem>> -> memref<1x80x64xf32, #tpu.memory_space<vmem>>
    %dma_wait3A_780 = tpu.memref_squeeze %dma_wait3A_779 : memref<1x80x64xf32, #tpu.memory_space<vmem>> -> memref<80x64xf32, #tpu.memory_space<vmem>>
    %dma_wait3A_781 = arith.constant 0 : i32
    %dma_wait3A_782 = tpu.memref_slice %arg7[%dma_wait3A_776, %dma_wait3A_781] : memref<125x80xi32, #tpu.memory_space<vmem>> -> memref<1x80xi32, #tpu.memory_space<vmem>>
    %dma_wait3A_783 = tpu.memref_squeeze %dma_wait3A_782 : memref<1x80xi32, #tpu.memory_space<vmem>> -> memref<80xi32, #tpu.memory_space<vmem>>
    %dma_wait3A_784 = arith.constant 0 : i32
    %dma_wait3A_785 = arith.constant 0 : i32
    %dma_wait3A_786 = tpu.memref_slice %arg9[%dma_wait3A_784, %dma_wait3A_785] : memref<10000x64xf32, #tpu.memory_space<vmem_shared>> -> memref<10000x64xf32, #tpu.memory_space<vmem_shared>>
    tpu.wait_indirect_dma semaphore(%arg24 : memref<!tpu.dma_semaphore, #tpu.memory_space<semaphore_mem>>) src(%dma_wait3A_780 : memref<80x64xf32, #tpu.memory_space<vmem>>) dst(%dma_wait3A_786 : memref<10000x64xf32, #tpu.memory_space<vmem_shared>>)
    %dma_wait3A_787 = arith.constant 7 : i32
    %dma_wait3A_788 = arith.constant 119 : i32
    %dma_wait3A_789 = arith.constant 0 : i32
    %dma_wait3A_790 = arith.constant 0 : i32
    %dma_wait3A_791 = tpu.memref_slice %arg8[%dma_wait3A_787, %dma_wait3A_789, %dma_wait3A_790] : memref<8x80x64xf32, #tpu.memory_space<vmem>> -> memref<1x80x64xf32, #tpu.memory_space<vmem>>
    %dma_wait3A_792 = tpu.memref_squeeze %dma_wait3A_791 : memref<1x80x64xf32, #tpu.memory_space<vmem>> -> memref<80x64xf32, #tpu.memory_space<vmem>>
    %dma_wait3A_793 = arith.constant 0 : i32
    %dma_wait3A_794 = tpu.memref_slice %arg7[%dma_wait3A_788, %dma_wait3A_793] : memref<125x80xi32, #tpu.memory_space<vmem>> -> memref<1x80xi32, #tpu.memory_space<vmem>>
    %dma_wait3A_795 = tpu.memref_squeeze %dma_wait3A_794 : memref<1x80xi32, #tpu.memory_space<vmem>> -> memref<80xi32, #tpu.memory_space<vmem>>
    %dma_wait3A_796 = arith.constant 0 : i32
    %dma_wait3A_797 = arith.constant 0 : i32
    %dma_wait3A_798 = tpu.memref_slice %arg9[%dma_wait3A_796, %dma_wait3A_797] : memref<10000x64xf32, #tpu.memory_space<vmem_shared>> -> memref<10000x64xf32, #tpu.memory_space<vmem_shared>>
    tpu.wait_indirect_dma semaphore(%arg25 : memref<!tpu.dma_semaphore, #tpu.memory_space<semaphore_mem>>) src(%dma_wait3A_792 : memref<80x64xf32, #tpu.memory_space<vmem>>) dst(%dma_wait3A_798 : memref<10000x64xf32, #tpu.memory_space<vmem_shared>>)
    %barrier3A_799 = arith.constant 0 : index
    tpu.barrier barrier_id(%barrier3A_799)
    %scan3A_800 = arith.constant 0 : i32
    %scan3A_801 = arith.constant 8 : i32
    %scan3A_802 = arith.addi %scan3A_800, %scan3A_801 : i32
    %scan3A_803 = arith.constant 1 : i32
    scf.for %scan3A_810 = %scan3A_800 to %scan3A_802 step %scan3A_803  : i32 {
      %mul3A_811 = arith.constant 1 : i32
      %mul3A_812 = arith.muli %scan3A_810, %mul3A_811 : i32
      %add3A_813 = arith.constant 0 : i32
      %add3A_814 = arith.addi %add3A_813, %mul3A_812 : i32
      %mul3A_815 = arith.constant 16 : i32
      %mul3A_816 = arith.muli %add3A_814, %mul3A_815 : i32
      %add3A_817 = arith.addi %arg1, %mul3A_816 : i32
      %lt3A = arith.constant 125 : i32
      %lt3A_818 = arith.cmpi slt, %add3A_817, %lt3A : i32
      %convert_element_type3A = arith.extui %lt3A_818 : i1 to i32
      %cond3A = arith.constant 0 : i32
      %cond3A_819 = arith.cmpi ne, %convert_element_type3A, %cond3A : i32
      scf.if %cond3A_819 {
        %mul3A_820 = arith.constant 80 : i32
        %mul3A_821 = arith.muli %add3A_817, %mul3A_820 : i32
        %mul3A_822 = arith.constant 80 : i32
        %mul3A_823 = arith.muli %add3A_817, %mul3A_822 : i32
        %dma_start3A_824 = arith.constant 0 : i32
        %dma_start3A_825 = tpu.memref_slice %arg5[%arg0, %mul3A_823, %dma_start3A_824] : memref<2x10000x128xf32, #tpu.memory_space<hbm>> -> memref<1x80x64xf32, #tpu.memory_space<hbm>>
        %dma_start3A_826 = tpu.memref_squeeze %dma_start3A_825 : memref<1x80x64xf32, #tpu.memory_space<hbm>> -> memref<80x64xf32, #tpu.memory_space<hbm>>
        %dma_start3A_827 = arith.constant 0 : i32
        %dma_start3A_828 = tpu.memref_slice %arg9[%mul3A_821, %dma_start3A_827] : memref<10000x64xf32, #tpu.memory_space<vmem_shared>> -> memref<80x64xf32, #tpu.memory_space<vmem_shared>>
        tpu.enqueue_dma source(%dma_start3A_828 : memref<80x64xf32, #tpu.memory_space<vmem_shared>>) target(%dma_start3A_826 : memref<80x64xf32, #tpu.memory_space<hbm>>) target_semaphore(%arg27 : memref<!tpu.dma_semaphore, #tpu.memory_space<semaphore_mem>>)
      } else {
      }
    }
    %scan3A_804 = arith.constant 8 : i32
    %scan3A_805 = arith.constant 0 : i32
    %scan3A_806 = arith.constant 8 : i32
    %scan3A_807 = arith.addi %scan3A_805, %scan3A_806 : i32
    %scan3A_808 = arith.constant 1 : i32
    scf.for %scan3A_810 = %scan3A_805 to %scan3A_807 step %scan3A_808  : i32 {
      %mul3A_811 = arith.constant 1 : i32
      %mul3A_812 = arith.muli %scan3A_810, %mul3A_811 : i32
      %add3A_813 = arith.constant 0 : i32
      %add3A_814 = arith.addi %add3A_813, %mul3A_812 : i32
      %mul3A_815 = arith.constant 16 : i32
      %mul3A_816 = arith.muli %add3A_814, %mul3A_815 : i32
      %add3A_817 = arith.addi %arg1, %mul3A_816 : i32
      %lt3A = arith.constant 125 : i32
      %lt3A_818 = arith.cmpi slt, %add3A_817, %lt3A : i32
      %convert_element_type3A = arith.extui %lt3A_818 : i1 to i32
      %cond3A = arith.constant 0 : i32
      %cond3A_819 = arith.cmpi ne, %convert_element_type3A, %cond3A : i32
      scf.if %cond3A_819 {
        %mul3A_820 = arith.constant 80 : i32
        %mul3A_821 = arith.muli %add3A_817, %mul3A_820 : i32
        %mul3A_822 = arith.constant 80 : i32
        %mul3A_823 = arith.muli %add3A_817, %mul3A_822 : i32
        %dma_wait3A_824 = arith.constant 0 : i32
        %dma_wait3A_825 = tpu.memref_slice %arg5[%arg0, %mul3A_823, %dma_wait3A_824] : memref<2x10000x128xf32, #tpu.memory_space<hbm>> -> memref<1x80x64xf32, #tpu.memory_space<hbm>>
        %dma_wait3A_826 = tpu.memref_squeeze %dma_wait3A_825 : memref<1x80x64xf32, #tpu.memory_space<hbm>> -> memref<80x64xf32, #tpu.memory_space<hbm>>
        %dma_wait3A_827 = arith.constant 0 : i32
        %dma_wait3A_828 = tpu.memref_slice %arg9[%mul3A_821, %dma_wait3A_827] : memref<10000x64xf32, #tpu.memory_space<vmem_shared>> -> memref<80x64xf32, #tpu.memory_space<vmem_shared>>
        tpu.wait_dma2 semaphore(%arg27 : memref<!tpu.dma_semaphore, #tpu.memory_space<semaphore_mem>>) src(%dma_wait3A_828 : memref<80x64xf32, #tpu.memory_space<vmem_shared>>) dst(%dma_wait3A_826 : memref<80x64xf32, #tpu.memory_space<hbm>>)
      } else {
      }
    }
    %scan3A_809 = arith.constant 8 : i32
    return
  }
}

module attributes {stable_mosaic.version = 14 : i64} {
  func.func @body(%arg0: i32, %arg1: memref<1x2000x128xf32, #tpu.memory_space<vmem>>, %arg2: memref<1x2000x128xf32, #tpu.memory_space<vmem>>, %arg3: memref<1x64xf32, #tpu.memory_space<vmem>>, %arg4: memref<2000x64xf32, #tpu.memory_space<vmem>>) attributes {dimension_semantics = [#tpu.dimension_semantics<arbitrary>], iteration_bounds = array<i64: 5>, scalar_prefetch = 0 : i64, scratch_operands = 0 : i64, tpu.core_type = #tpu.core_type<tc>, window_params = [{transform_indices = @transform_0, window_bounds = array<i64: 1, 2000, 128>}, {transform_indices = @transform_1, window_bounds = array<i64: 1, 2000, 128>}, {pipeline_mode = #tpu.pipeline_mode<synchronous>, transform_indices = @transform_2, window_bounds = array<i64: 1, 64>}, {transform_indices = @transform_3, window_bounds = array<i64: 2000, 64>}]} {
    %get3A = arith.constant 0 : index
    %get3A_0 = arith.constant 0 : index
    %get3A_1 = arith.constant 0 : index
    %get3A_2 = vector.load %arg1[%get3A, %get3A_0, %get3A_1] : memref<1x2000x128xf32, #tpu.memory_space<vmem>>, vector<1x2000x64xf32>
    %get3A_3 = vector.shape_cast %get3A_2 : vector<1x2000x64xf32> to vector<2000x64xf32>
    %get3A_4 = arith.constant 0 : index
    %get3A_5 = arith.constant 0 : index
    %get3A_6 = arith.constant 0 : index
    %get3A_7 = vector.load %arg2[%get3A_4, %get3A_5, %get3A_6] : memref<1x2000x128xf32, #tpu.memory_space<vmem>>, vector<1x2000x64xf32>
    %get3A_8 = vector.shape_cast %get3A_7 : vector<1x2000x64xf32> to vector<2000x64xf32>
    %add3A = arith.addf %get3A_3, %get3A_8 : vector<2000x64xf32>
    %get3A_9 = arith.constant 0 : index
    %get3A_10 = arith.constant 0 : index
    %get3A_11 = vector.load %arg3[%get3A_9, %get3A_10] : memref<1x64xf32, #tpu.memory_space<vmem>>, vector<1x64xf32>
    %add3A_12 = vector.broadcast %get3A_11 : vector<1x64xf32> to vector<2000x64xf32>
    %add3A_13 = arith.addf %add3A, %add3A_12 : vector<2000x64xf32>
    %reduce_max3A = arith.constant dense<0xFF800000> : vector<2000xf32>
    %reduce_max3A_14 = vector.multi_reduction <maximumf>, %add3A_13, %reduce_max3A [1] : vector<2000x64xf32> to vector<2000xf32>
    %broadcast_in_dim3A = vector.shape_cast %reduce_max3A_14 : vector<2000xf32> to vector<2000x1xf32>
    %sub3A = vector.broadcast %broadcast_in_dim3A : vector<2000x1xf32> to vector<2000x64xf32>
    %sub3A_15 = arith.subf %add3A_13, %sub3A : vector<2000x64xf32>
    %exp3A = math.exp %sub3A_15 : vector<2000x64xf32>
    %reduce_sum3A = arith.constant dense<0.000000e+00> : vector<2000xf32>
    %reduce_sum3A_16 = vector.multi_reduction <add>, %exp3A, %reduce_sum3A [1] : vector<2000x64xf32> to vector<2000xf32>
    %broadcast_in_dim3A_17 = vector.shape_cast %reduce_sum3A_16 : vector<2000xf32> to vector<2000x1xf32>
    %log3A = math.log %broadcast_in_dim3A_17 : vector<2000x1xf32>
    %sub3A_18 = vector.broadcast %log3A : vector<2000x1xf32> to vector<2000x64xf32>
    %sub3A_19 = arith.subf %sub3A_15, %sub3A_18 : vector<2000x64xf32>
    %swap3A = arith.constant 0 : index
    %swap3A_20 = arith.constant 0 : index
    %swap3A_21 = vector.load %arg4[%swap3A, %swap3A_20] : memref<2000x64xf32, #tpu.memory_space<vmem>>, vector<2000x64xf32>
    tpu.vector_store %arg4[%swap3A, %swap3A_20], %sub3A_19 {strides = array<i32>} : memref<2000x64xf32, #tpu.memory_space<vmem>>, vector<2000x64xf32>,
    return
  }
  func.func @transform_0(%arg0: i32) -> (i32, i32, i32) {
    %c0_i32 = arith.constant 0 : i32
    %c0_i32_0 = arith.constant 0 : i32
    %c0_i32_1 = arith.constant 0 : i32
    return %c0_i32, %arg0, %c0_i32_0 : i32, i32, i32
  }
  func.func @transform_1(%arg0: i32) -> (i32, i32, i32) {
    %c1_i32 = arith.constant 1 : i32
    %c0_i32 = arith.constant 0 : i32
    %c0_i32_0 = arith.constant 0 : i32
    return %c1_i32, %arg0, %c0_i32 : i32, i32, i32
  }
  func.func @transform_2(%arg0: i32) -> (i32, i32) {
    %c0_i32 = arith.constant 0 : i32
    %c0_i32_0 = arith.constant 0 : i32
    %c0_i32_1 = arith.constant 0 : i32
    return %c0_i32, %c0_i32_0 : i32, i32
  }
  func.func @transform_3(%arg0: i32) -> (i32, i32) {
    %c0_i32 = arith.constant 0 : i32
    %c0_i32_0 = arith.constant 0 : i32
    return %arg0, %c0_i32 : i32, i32
  }
}

module attributes {stable_mosaic.version = 14 : i64} {
  func.func @body(%arg0: i32, %arg1: memref<2000x128xf32, #tpu.memory_space<vmem>>, %arg2: memref<128x128xf32, #tpu.memory_space<vmem>>, %arg3: memref<2000x128xf32, #tpu.memory_space<vmem>>) attributes {dimension_semantics = [#tpu.dimension_semantics<arbitrary>], iteration_bounds = array<i64: 5>, scalar_prefetch = 0 : i64, scratch_operands = 0 : i64, tpu.core_type = #tpu.core_type<tc>, window_params = [{transform_indices = @transform_0, window_bounds = array<i64: 2000, 128>}, {pipeline_mode = #tpu.pipeline_mode<synchronous>, transform_indices = @transform_1, window_bounds = array<i64: 128, 128>}, {transform_indices = @transform_2, window_bounds = array<i64: 2000, 128>}]} {
    %get3A = arith.constant 0 : index
    %get3A_0 = arith.constant 0 : index
    %get3A_1 = vector.load %arg1[%get3A, %get3A_0] : memref<2000x128xf32, #tpu.memory_space<vmem>>, vector<2000x128xf32>
    %get3A_2 = arith.constant 0 : index
    %get3A_3 = arith.constant 0 : index
    %get3A_4 = vector.load %arg2[%get3A_2, %get3A_3] : memref<128x128xf32, #tpu.memory_space<vmem>>, vector<128x128xf32>
    %dot_general3A = arith.constant dense<0.000000e+00> : vector<2000x128xf32>
    %dot_general3A_5 = tpu.matmul %get3A_1, %get3A_4, %dot_general3A {dimension_numbers = #tpu.dot_dimension_numbers<[1], [0], [0], [1], [0, 0, 1, 1], [], []>, transpose_lhs_hint = false} : vector<2000x128xf32>, vector<128x128xf32>, vector<2000x128xf32> -> vector<2000x128xf32>
    %swap3A = arith.constant 0 : index
    %swap3A_6 = arith.constant 0 : index
    %swap3A_7 = vector.load %arg3[%swap3A, %swap3A_6] : memref<2000x128xf32, #tpu.memory_space<vmem>>, vector<2000x128xf32>
    tpu.vector_store %arg3[%swap3A, %swap3A_6], %dot_general3A_5 {strides = array<i32>} : memref<2000x128xf32, #tpu.memory_space<vmem>>, vector<2000x128xf32>,
    return
  }
  func.func @transform_0(%arg0: i32) -> (i32, i32) {
    %c0_i32 = arith.constant 0 : i32
    %c0_i32_0 = arith.constant 0 : i32
    return %arg0, %c0_i32 : i32, i32
  }
  func.func @transform_1(%arg0: i32) -> (i32, i32) {
    %c0_i32 = arith.constant 0 : i32
    %c0_i32_0 = arith.constant 0 : i32
    %c0_i32_1 = arith.constant 0 : i32
    return %c0_i32, %c0_i32_0 : i32, i32
  }
  func.func @transform_2(%arg0: i32) -> (i32, i32) {
    %c0_i32 = arith.constant 0 : i32
    %c0_i32_0 = arith.constant 0 : i32
    return %arg0, %c0_i32 : i32, i32
  }
}

module attributes {stable_mosaic.version = 14 : i64} {
  func.func @body(%arg0: i32, %arg1: memref<1x2000x128xf32, #tpu.memory_space<vmem>>, %arg2: memref<1x2000x128xf32, #tpu.memory_space<vmem>>, %arg3: memref<1x128xf32, #tpu.memory_space<vmem>>, %arg4: memref<128x64xf32, #tpu.memory_space<vmem>>, %arg5: memref<2000x128xf32, #tpu.memory_space<vmem>>) attributes {dimension_semantics = [#tpu.dimension_semantics<arbitrary>], iteration_bounds = array<i64: 5>, scalar_prefetch = 0 : i64, scratch_operands = 0 : i64, tpu.core_type = #tpu.core_type<tc>, window_params = [{transform_indices = @transform_0, window_bounds = array<i64: 1, 2000, 128>}, {transform_indices = @transform_1, window_bounds = array<i64: 1, 2000, 128>}, {pipeline_mode = #tpu.pipeline_mode<synchronous>, transform_indices = @transform_2, window_bounds = array<i64: 1, 128>}, {pipeline_mode = #tpu.pipeline_mode<synchronous>, transform_indices = @transform_3, window_bounds = array<i64: 128, 64>}, {transform_indices = @transform_4, window_bounds = array<i64: 2000, 128>}]} {
    %get3A = arith.constant 0 : index
    %get3A_0 = arith.constant 0 : index
    %get3A_1 = arith.constant 0 : index
    %get3A_2 = vector.load %arg1[%get3A, %get3A_0, %get3A_1] : memref<1x2000x128xf32, #tpu.memory_space<vmem>>, vector<1x2000x128xf32>
    %get3A_3 = vector.shape_cast %get3A_2 : vector<1x2000x128xf32> to vector<2000x128xf32>
    %get3A_4 = arith.constant 0 : index
    %get3A_5 = arith.constant 0 : index
    %get3A_6 = arith.constant 0 : index
    %get3A_7 = vector.load %arg2[%get3A_4, %get3A_5, %get3A_6] : memref<1x2000x128xf32, #tpu.memory_space<vmem>>, vector<1x2000x128xf32>
    %get3A_8 = vector.shape_cast %get3A_7 : vector<1x2000x128xf32> to vector<2000x128xf32>
    %add3A = arith.addf %get3A_3, %get3A_8 : vector<2000x128xf32>
    %get3A_9 = arith.constant 0 : index
    %get3A_10 = arith.constant 0 : index
    %get3A_11 = vector.load %arg3[%get3A_9, %get3A_10] : memref<1x128xf32, #tpu.memory_space<vmem>>, vector<1x128xf32>
    %add3A_12 = vector.broadcast %get3A_11 : vector<1x128xf32> to vector<2000x128xf32>
    %add3A_13 = arith.addf %add3A, %add3A_12 : vector<2000x128xf32>
    %max3A = arith.constant 0.000000e+00 : f32
    %max3A_14 = vector.broadcast %max3A : f32 to vector<2000x128xf32>
    %max3A_15 = arith.maximumf %add3A_13, %max3A_14 : vector<2000x128xf32>
    %get3A_16 = arith.constant 0 : index
    %get3A_17 = arith.constant 0 : index
    %get3A_18 = vector.load %arg4[%get3A_16, %get3A_17] : memref<128x64xf32, #tpu.memory_space<vmem>>, vector<128x64xf32>
    %dot_general3A = arith.constant dense<0.000000e+00> : vector<2000x64xf32>
    %dot_general3A_19 = tpu.matmul %max3A_15, %get3A_18, %dot_general3A {dimension_numbers = #tpu.dot_dimension_numbers<[1], [0], [0], [1], [0, 0, 1, 1], [], []>, transpose_lhs_hint = false} : vector<2000x128xf32>, vector<128x64xf32>, vector<2000x64xf32> -> vector<2000x64xf32>
    %swap3A = arith.constant 0 : index
    %swap3A_20 = arith.constant 0 : index
    %swap3A_21 = vector.load %arg5[%swap3A, %swap3A_20] : memref<2000x128xf32, #tpu.memory_space<vmem>>, vector<2000x64xf32>
    tpu.vector_store %arg5[%swap3A, %swap3A_20], %dot_general3A_19 {strides = array<i32>} : memref<2000x128xf32, #tpu.memory_space<vmem>>, vector<2000x64xf32>,
    return
  }
  func.func @transform_0(%arg0: i32) -> (i32, i32, i32) {
    %c0_i32 = arith.constant 0 : i32
    %c0_i32_0 = arith.constant 0 : i32
    %c0_i32_1 = arith.constant 0 : i32
    return %c0_i32, %arg0, %c0_i32_0 : i32, i32, i32
  }
  func.func @transform_1(%arg0: i32) -> (i32, i32, i32) {
    %c1_i32 = arith.constant 1 : i32
    %c0_i32 = arith.constant 0 : i32
    %c0_i32_0 = arith.constant 0 : i32
    return %c1_i32, %arg0, %c0_i32 : i32, i32, i32
  }
  func.func @transform_2(%arg0: i32) -> (i32, i32) {
    %c0_i32 = arith.constant 0 : i32
    %c0_i32_0 = arith.constant 0 : i32
    %c0_i32_1 = arith.constant 0 : i32
    return %c0_i32, %c0_i32_0 : i32, i32
  }
  func.func @transform_3(%arg0: i32) -> (i32, i32) {
    %c0_i32 = arith.constant 0 : i32
    %c0_i32_0 = arith.constant 0 : i32
    %c0_i32_1 = arith.constant 0 : i32
    return %c0_i32, %c0_i32_0 : i32, i32
  }
  func.func @transform_4(%arg0: i32) -> (i32, i32) {
    %c0_i32 = arith.constant 0 : i32
    %c0_i32_0 = arith.constant 0 : i32
    return %arg0, %c0_i32 : i32, i32
  }
}

</mosaic_0001>

<sc_bundles>
// kernel: kernel.10.cloned.1.call-start
scs
__scs_entry_jumppad:
0x0: {  	(pc) =	sbr.rel $0x88, $3  }
0x1: {  	(tag) =	ssettag $0x0;
	lr =	simm.s32 $0x1  }
0x2: {  	[smem:$0x3F9B] =	sst lr;
	_ =	strace $0xD0000000  }
0x3: {  	_ = 	snop  }
0x4: {  	_ = 	snop  }
0x5: {  	_ = 	snop  }
0x6: {  	_ = 	snop  }
0x7: {  	_ = 	snop  }
__scs_overlays_trampoline_lowered:
0x8: {  	[smem:$0x3FAA] =	sst s0  }
0x9: {  	[smem:$0x3FAB] =	sst s1  }
0xa: {  	[smem:$0x3FAC] =	sst s2  }
0xb: {  	[smem:$0x3FAD] =	sst s3  }
0xc: {  	[smem:$0x3FAE] =	sst s4  }
0xd: {  	[smem:$0x3FAF] =	sst s5  }
0xe: {  	[smem:$0x3FB0] =	sst s6  }
0xf: {  	[smem:$0x3FB1] =	sst s7  }
0x10: {  	[smem:$0x3FB2] =	sst s8  }
0x11: {  	[smem:$0x3FB3] =	sst s9;
	s0 =	simm.s32 @!p0 $0x0  }
0x12: {  	s1 =	sld [smem:$0x3F99];
	s0 =	simm.s32 @p0 $0x1  }
0x13: {  	[smem:$0x3FB4] =	sst s0;
	s0 =	simm.s32 @!p1 $0x0  }
0x14: {  	s2 =	sld [smem:$0x3F98];
	s0 =	simm.s32 @p1 $0x1  }
0x15: {  	[smem:$0x3FB5] =	sst s0;
	s0 =	simm.s32 @!p2 $0x0  }
0x16: {  	s3 =	sld [smem:$0x3FDB];
	s0 =	simm.s32 @p2 $0x1  }
0x17: {  	s4 =	simm.s32 $0x1BF5;
	[smem:$0x3FB7] =	sst s0  }
0x18: {  	s0 =	sld [smem:$0x3F9A];
	_ =	swait.ge [sflag:s4], $0x0  }
0x19: {  	s7 =	sld [smem:$0x3F9B]  }
0x1a: {  	s8 =	sadd.s32 $0xFFFFE003, lr  }
0x1b: {  	s9 =	sadd.s32 $0xFFFFFEF7, lr;
	s5 =	simm.s32 $0xFFFFFFFF;
	p2 =	slt.u32 s8, $0xFFFFF086  }
0x1c: {  	p1 =	slt.u32 s9, $0xF7A;
	s5 =	simm.s32 @!p2 $0x0  }
0x1d: {  	s5 =	simm.s32 @p1 $0x1;
	p0 =	seq.s32 s7, s2  }
0x1e: {  	s7 =	smul.u32 @!p0 $0xF7A, s2;
	p2 =	seq.s32 @!p0 s5, $0x0  }
0x1f: {  	s9 =	smul.u32 $0xF7A, s1;
	s8 =	simm.s32 @!p0 $0x1BF5;
	p2 =	por !p2, p0  }
0x20: {  	[sflag:s8] =	ssyncset.s32 @!p0 $0xFFFFF086;
	s6 =	sadd.s32 @!p0 s3, s7;
	s7 =	simm.s32 @!p0 $0x108  }
0x21: {  	s3 =	sadd.s32 s3, s9;
	s6 =	sadd.s32 @!p0 $0x88, s6;
	s7 =	simm.s32 @p2 $0x1082  }
0x22: {  	[simem:s7], [sflag:s8] =	dma.local @!p0 [hbm:s6], $0xF7A  }
0x23: {  	s9 =	sor.u32 $0xD0000000, s2;
	s6 =	simm.s32 $0x108;
	_ =	swait.ge @!p0 [sflag:s8], $0x0  }
0x24: {  	s3 =	sadd.s32 $0x88, s3;
	s6 =	simm.s32 @!p1 $0x1082;
	[sflag:s4] =	ssyncset.s32 $0xFFFFF086  }
0x25: {  	[simem:s6], [sflag:s4] =	dma.local [hbm:s3], $0xF7A  }
0x26: {  	[smem:$0x3F9B] =	sst s1;
	(tag) =	ssettag s2;
	_ =	strace s9  }
0x27: {  	s1 =	sld [smem:$0x3FAB]  }
0x28: {  	s2 =	sld [smem:$0x3FAC]  }
0x29: {  	s4 =	sld [smem:$0x3FAE]  }
0x2a: {  	p0 =	seq.s32 s5, $0x0;
	s5 =	sld [smem:$0x3FAF]  }
0x2b: {  	s6 =	sld [smem:$0x3FB0]  }
0x2c: {  	s7 =	sld [smem:$0x3FB1]  }
0x2d: {  	s3 =	simm.s32 $0x108;
	s8 =	sld [smem:$0x3FB2]  }
0x2e: {  	s3 =	simm.s32 @!p0 $0x1082;
	s9 =	sld [smem:$0x3FB3]  }
0x2f: {  	lr =	sadd.s32 s0, s3;
	s0 =	sld [smem:$0x3FAA]  }
0x30: {  	s3 =	sld [smem:$0x3FAD]  }
0x31: {  	[smem:$0x3FB6] =	sst s10  }
0x32: {  	s10 =	sld [smem:$0x3FB4];
	_ =	sdelay $0x3  }
0x33: {  	p0 =	seq.s32 s10, $0x1;
	s10 =	sld [smem:$0x3FB6];
	_ =	sdelay $0x3  }
0x34: {  	[smem:$0x3FB6] =	sst s10  }
0x35: {  	s10 =	sld [smem:$0x3FB5];
	_ =	sdelay $0x3  }
0x36: {  	p1 =	seq.s32 s10, $0x1;
	s10 =	sld [smem:$0x3FB6];
	_ =	sdelay $0x3  }
0x37: {  	[smem:$0x3FB6] =	sst s10  }
0x38: {  	s10 =	sld [smem:$0x3FB7]  }
0x39: {  	_ = 	snop;
	(pc) =	sbr.ind lr, $3  }
0x3a: {  	_ = 	snop  }
0x3b: {  	_ = 	snop  }
0x3c: {  	p2 =	seq.s32 s10, $0x1;
	s10 =	sld [smem:$0x3FB6]  }
0x3d: {  	_ =	shalt  }
0x3e: {  	_ =	shalt  }
0x3f: {  	_ =	shalt  }
0x40: {  	_ =	shalt  }
0x41: {  	_ =	shalt  }
0x42: {  	_ =	shalt  }
0x43: {  	_ =	shalt  }
0x44: {  	_ =	shalt  }
0x45: {  	_ =	shalt  }
0x46: {  	_ =	shalt  }
0x47: {  	_ =	shalt  }
0x48: {  	_ =	shalt  }
0x49: {  	_ =	shalt  }
0x4a: {  	_ =	shalt  }
0x4b: {  	_ =	shalt  }
0x4c: {  	_ =	shalt  }
0x4d: {  	_ =	shalt  }
0x4e: {  	_ =	shalt  }
0x4f: {  	_ =	shalt  }
0x50: {  	_ =	shalt  }
0x51: {  	_ =	shalt  }
0x52: {  	_ =	shalt  }
0x53: {  	_ =	shalt  }
0x54: {  	_ =	shalt  }
0x55: {  	_ =	shalt  }
0x56: {  	_ =	shalt  }
0x57: {  	_ =	shalt  }
0x58: {  	_ =	shalt  }
0x59: {  	_ =	shalt  }
0x5a: {  	_ =	shalt  }
0x5b: {  	_ =	shalt  }
0x5c: {  	_ =	shalt  }
0x5d: {  	_ =	shalt  }
0x5e: {  	_ =	shalt  }
0x5f: {  	_ =	shalt  }
0x60: {  	_ =	shalt  }
0x61: {  	_ =	shalt  }
0x62: {  	_ =	shalt  }
0x63: {  	_ =	shalt  }
0x64: {  	_ =	shalt  }
0x65: {  	_ =	shalt  }
0x66: {  	_ =	shalt  }
0x67: {  	_ =	shalt  }
0x68: {  	_ =	shalt  }
0x69: {  	_ =	shalt  }
0x6a: {  	_ =	shalt  }
0x6b: {  	_ =	shalt  }
0x6c: {  	_ =	shalt  }
0x6d: {  	_ =	shalt  }
0x6e: {  	_ =	shalt  }
0x6f: {  	_ =	shalt  }
0x70: {  	_ =	shalt  }
0x71: {  	_ =	shalt  }
0x72: {  	_ =	shalt  }
0x73: {  	_ =	shalt  }
0x74: {  	_ =	shalt  }
0x75: {  	_ =	shalt  }
0x76: {  	_ =	shalt  }
0x77: {  	_ =	shalt  }
0x78: {  	_ =	shalt  }
0x79: {  	_ =	shalt  }
0x7a: {  	_ =	shalt  }
0x7b: {  	_ =	shalt  }
0x7c: {  	_ =	shalt  }
0x7d: {  	_ =	shalt  }
0x7e: {  	_ =	shalt  }
0x7f: {  	_ =	shalt  }
0x80: {  	_ =	shalt  }
0x81: {  	_ =	shalt  }
0x82: {  	_ =	shalt  }
0x83: {  	_ =	shalt  }
0x84: {  	_ =	shalt  }
0x85: {  	_ =	shalt  }
0x86: {  	_ =	shalt  }
0x87: {  	_ =	shalt  }
.Lfunc_end0:
.L_simem_size_0:
called_computation.1_lowered:
.L_overlay_start_0:
0x88: {  	s2 =	sld [smem:$0x3FD9]  }
0x89: {  	s3 =	sld [smem:$0x3FFE];
	_ =	sdelay $0x1  }
0x8a: {  	s1 =	srdreg.scid  }
0x8b: {  	s0 =	sand.u32 $0x1, s1  }
0x8c: {  	s17 =	sshll.u32 s0, $0xA;
	s2 =	sadd.s32 s3, s2  }
0x8d: {  	s2 =	sadd.s32 s2, s17  }
0x8e: {  	[smem:$0x3FC2] =	sst s2  }
0x8f: {  	_ = 	snop  }
0x90: {  	s2 =	sld [smem:$0x3FD0];
	(tm) =	ssettm $0x1  }
0x91: {  	s18 =	sld [smem:$0x3FFB];
	_ =	sdelay $0x3  }
0x92: {  	_ =	strace s18  }
0x93: {  	s3 =	sld [smem:$0x3FFC];
	_ =	sdelay $0x3  }
0x94: {  	_ =	strace s3  }
0x95: {  	s3 =	sld [smem:$0x3FFD];
	_ =	sdelay $0x3  }
0x96: {  	_ =	strace s3  }
0x97: {  	_ =	strace $0x8FFFFFFF  }
0x98: {  	s19 =	sld [smem:$0x3FDB];
	_ =	sdelay $0x1  }
0x99: {  	s4 =	simm.s32 $_scs_section_size  }
0x9a: {  	s5 =	simm.s32 $_size__tile_overlayer_lowered;
	s6 =	simm.s32 $_tile_overlayer_lowered  }
0x9b: {  	s22 =	simm.s32 $0x1BFF;
	s21 =	sshll.u32 s6, $0x1;
	s3 =	sadd.s32 s4, s19  }
0x9c: {  	s7 =	simm.s32 $0x0;
	s20 =	sshll.u32 s5, $0x1;
	s5 =	sadd.s32 s21, s3  }
0x9d: {  	[timem:s7], [sflag:s22] =	dma.local [hbm:s5], s20  }
0x9e: {  	_ =	swait.ge [sflag:s22], s20  }
0x9f: {  	s4 =	ssub.s32 $0x0, s20;
	[sflag:s22] =	ssyncset.done $0x0  }
0xa0: {  	[sflag:s22] =	ssyncadd.s32 s4;
	_ =	sdelay $0x1  }
0xa1: {  	s23 =	simm.s32 $0x1B8B  }
0xa2: {  	_ =	swait.ge [sflag:s23], $0x1  }
0xa3: {  	[sflag:s23] =	ssyncset.done $0x0  }
0xa4: {  	s25 =	simm.s32 $0x1B8E;
	s24 =	sld [smem:$0x3FFE];
	[sflag:s23] =	ssyncadd.s32 $0xFFFFFFFF  }
0xa5: {  	s26 =	simm.s32 $execute0_lowered;
	[smem:$0x3FD2] =	sst s25  }
0xa6: {  	s5 =	sshll.u32 s26, $0x1;
	_ =	strace $0x80000049;
	[dreg:$0x1] =	wrdreg $0xFFFFFFFF  }
0xa7: {  	s28 =	simm.s32 $_size_execute0_lowered;
	s3 =	sadd.s32 s3, s5;
	[dreg:$0x0] =	wrdreg $0x0  }
0xa8: {  	s5 =	sshll.u32 s28, $0x1;
	[dreg:$0x2] =	wrdreg s3  }
0xa9: {  	[dreg:$0x3] =	wrdreg s5  }
0xaa: {  	[dreg:$0x4] =	wrdreg $0xC0  }
0xab: {  	_ =	task [dreg:s7], $0x5FFFF  }
0xac: {  	[dreg:$0x1] =	wrdreg $0xFFFFFFFF  }
0xad: {  	[dreg:$0x0] =	wrdreg $0x60  }
0xae: {  	[dreg:$0x2] =	wrdreg s24  }
0xaf: {  	[dreg:$0x3] =	wrdreg s2  }
0xb0: {  	[dreg:$0x4] =	wrdreg $0xEE200  }
0xb1: {  	[dreg:$0x5] =	wrdreg $0x9  }
0xb2: {  	_ =	task.clear_ibuf [dreg:s7], $0x6FFFF;
	_ =	strace $0x90000049  }
0xb3: {  	s29 =	simm.s32 $0x9;
	_ =	strace $0x8000004B  }
0xb4: {  	_ =	swait.ge [sflag:s29], $0x1  }
0xb5: {  	[sflag:s29] =	ssyncadd.s32 $0xFFFFFFFF  }
0xb6: {  	_ =	strace $0x9000004B  }
0xb7: {  	_ =	sfence  }
0xb8: {  	s30 =	sld [smem:$0x0];
	_ =	sdelay $0x2  }
0xb9: {  	s31 =	sshll.u32 s1, $0xD;
	s1 =	sshrl.u32 s1, $0x2  }
0xba: {  	s3 =	sand.u32 $0x4000, s31;
	s1 =	sadd.s32 s1, s30  }
0xbb: {  	s0 =	sor.u32 s3, s0;
	s1 =	sshll.u32 s1, $0x11  }
0xbc: {  	s0 =	sor.u32 s1, s0  }
0xbd: {  	s0 =	sadd.s32 $0x8F2B, s0  }
0xbe: {  	[sflag:s0] =	ssyncadd.remote.s32 $0x1  }
0xbf: {  	_ =	sfence.sel $0xFFFF  }
0xc0: {  	[dreg:$0x0] =	wrdreg $0xFFFFFFFF;
	(pc) =	sbr.abs _section_cstart, $3  }
0xc1: {  	[dreg:$0x1] =	wrdreg $0xFFFFFFFF  }
0xc2: {  	_ =	task.clear_ibuf [dreg:s7], $0x2FFFF;
	_ =	strace $0x9FFFFFFF  }
0xc3: {  	(tm) =	ssettm $0x7FFFFFFF  }
tec
execute0_lowered:
.L_overlay_start_1:
0x0: {  	(tag) =	ssettag $0x1  }
0x1: {  	s0 =	rddreg [dreg:$0x0];
	s1 =	srdreg.scid  }
0x2: {  	s22 =	stileid.u32;
	s3 =	rddreg [dreg:$0x1]  }
0x3: {  	s2 =	rddreg [dreg:$0x2];
	s5 =	simm.s32 $0x0;
	s8 =	smul.u32 $0x5000, s22  }
0x4: {  	s29 =	simm.s32 $0x50;
	s1 =	sand.u32 $0x1, s1;
	s10 =	smul.u32 $0x2800, s22  }
0x5: {  	s30 =	simm.s32 $0x4E20;
	s9 =	sor.u32 $0x10, s22;
	s7 =	smul.u32 $0x138800, s1  }
0x6: {  	s31 =	simm.s32 $0x6220;
	s11 =	sor.u32 $0x20, s22;
	s12 =	smul.u32 $0x2800, s9  }
0x7: {  	s4 =	sshll.u32 s22, $0x1;
	s13 =	sor.u32 $0x30, s22;
	s14 =	smul.u32 $0x2800, s11  }
0x8: {  	[smem:$0x7FF] =	sst s5;
	s16 =	sor.u32 $0x40, s22;
	s17 =	smul.u32 $0x2800, s13  }
0x9: {  	s5 =	sadd.s32 $0x28C00, s0;
	s19 =	sor.u32 $0x60, s22;
	s18 =	smul.u32 $0x2800, s16  }
0xa: {  	p1 =	sgt.u32 s22, $0xC;
	s4 =	sor.u32 s1, s4;
	s26 =	smul.u32 $0x2800, s19  }
0xb: {  	_ =	strace $0x8000004A;
	s1 =	ssub.s32 $0x2, s1;
	s6 =	smul.u32 $0x2710, s4  }
0xc: {  	s4 =	sadd.s32 $0x1A00, s0;
	s0 =	sadd.s32 $0x29000, s0;
	s15 =	sshrl.u32 s1, $0x1  }
0xd: {  	s8 =	sshrl.u32 s8, $0x2;
	s1 =	ssub.s32 s1, s15;
	s15 =	sor.u32 $0x50, s22  }
0xe: {  	s10 =	sadd.s32 s7, s10;
	s12 =	sadd.s32 s7, s12;
	s14 =	sadd.s32 s7, s14  }
0xf: {  	s17 =	sadd.s32 s7, s17;
	s18 =	sadd.s32 s7, s18;
	s6 =	sshrl.u32 s6, $0x3  }
0x10: {  	s20 =	smul.u32 $0x2800, s15;
	s1 =	smax.u32 s1, $0x1;
	s10 =	sshrl.u32 s10, $0x3  }
0x11: {  	s24 =	sshrl.u32 s17, $0x3;
	s17 =	smul.u32 $0x5000, s15;
	s15 =	simm.s32 $0xC  }
0x12: {  	s23 =	sadd.s32 s3, s6;
	s3 =	sor.u32 $0x70, s22;
	s6 =	sadd.s32 s7, s26  }
0x13: {  	[dreg:$0x6] =	wrdreg s1;
	s1 =	sadd.s32 s8, s2;
	s8 =	sadd.s32 s0, s10  }
0x14: {  	s25 =	sadd.s32 s0, s24;
	s26 =	sshrl.u32 s18, $0x3;
	[dreg:$0x4] =	wrdreg s23  }
0x15: {  	s21 =	smul.u32 $0x2800, s3;
	s20 =	sadd.s32 s7, s20;
	[dreg:$0x7] =	wrdreg s1  }
0x16: {  	s28 =	sadd.s32 $0x9C40, s23;
	s1 =	smul.u32 $0x5000, s9;
	[dreg:$0x8] =	wrdreg s8  }
0x17: {  	s9 =	smul.u32 $0x5000, s11;
	s23 =	sshrl.u32 s14, $0x3;
	[dreg:$0xb] =	wrdreg s25  }
0x18: {  	s6 =	sshrl.u32 s6, $0x3;
	s11 =	sshll.u32 s22, $0x6;
	s14 =	smul.u32 $0x5000, s16  }
0x19: {  	p0 =	sgt.u32 s3, $0x7C;
	s3 =	smul.u32 $0x5000, s3;
	s24 =	sshrl.u32 s17, $0x2  }
0x1a: {  	s22 =	simm.s32 $0x0;
	[dreg:$0x5] =	wrdreg s28;
	s28 =	sshrl.u32 s20, $0x3  }
0x1b: {  	s6 =	sadd.s32 s0, s6;
	s18 =	sor.u32 $0x1C12, s11;
	s11 =	simm.s32 $0x4DD0  }
0x1c: {  	s7 =	sadd.s32 s7, s21;
	s21 =	sshrl.u32 s12, $0x3;
	[dreg:$0xe] =	wrdreg s6  }
0x1d: {  	s12 =	smul.u32 $0x5000, s13;
	s13 =	sshrl.u32 s1, $0x2;
	s16 =	sshrl.u32 s9, $0x2  }
0x1e: {  	s1 =	sshrl.u32 s14, $0x2;
	s9 =	simm.s32 $0x2;
	s6 =	simm.s32 $0x4  }
0x1f: {  	s14 =	simm.s32 $0xB;
	s8 =	sadd.s32 s0, s21;
	s10 =	sshrl.u32 s7, $0x3  }
0x20: {  	s21 =	smul.u32 $0x5000, s19;
	[dreg:$0x9] =	wrdreg s8;
	s8 =	sadd.s32 s0, s23  }
0x21: {  	s7 =	simm.s32 $0x12;
	s23 =	sadd.s32 s1, s2;
	[dreg:$0xa] =	wrdreg s8  }
0x22: {  	s20 =	sshrl.u32 s12, $0x2;
	s8 =	sadd.s32 s0, s26;
	[dreg:$0x13] =	wrdreg s23  }
0x23: {  	s1 =	simm.s32 $0x8A20;
	[dreg:$0xc] =	wrdreg s8;
	s8 =	sadd.s32 s0, s28  }
0x24: {  	s26 =	sshrl.u32 s3, $0x2;
	s0 =	sadd.s32 s0, s10;
	[dreg:$0xd] =	wrdreg s8  }
0x25: {  	s25 =	sshrl.u32 s21, $0x2;
	s28 =	sadd.s32 s26, s2;
	[dreg:$0xf] =	wrdreg s0  }
0x26: {  	s21 =	simm.s32 $0x8;
	s0 =	sadd.s32 s13, s2;
	[dreg:$0x16] =	wrdreg s28  }
.Ltmp0:
0x27: {  	[dreg:$0x10] =	wrdreg s0;
	s0 =	sadd.s32 s16, s2;
	(pc) =	sbr.rel .LBB2_1-.Ltmp0, $4  }
0x28: {  	s26 =	simm.s32 $0x9E20;
	[dreg:$0x11] =	wrdreg s0;
	s0 =	sadd.s32 s20, s2  }
0x29: {  	s10 =	simm.s32 $0x5;
	[dreg:$0x12] =	wrdreg s0;
	s0 =	sadd.s32 s24, s2  }
0x2a: {  	s8 =	simm.s32 $0x1;
	[dreg:$0x14] =	wrdreg s0;
	s0 =	sadd.s32 s25, s2  }
0x2b: {  	s20 =	simm.s32 $0x10;
	[dreg:$0x15] =	wrdreg s0;
	s0 =	simm.s32 $0x7620  }
.LBB2_6:
0x2c: {  	s3 =	simm.s32 $0x9  }
0x2d: {  	_ =	swait.ge [sflag:s3], $0x1400  }
0x2e: {  	[sflag:s3] =	ssyncset.done $0x0  }
0x2f: {  	s13 =	simm.s32 $0xA;
	[sflag:s3] =	ssyncadd.s32 $0xFFFFEC00  }
0x30: {  	_ =	swait.ge [sflag:s13], $0x1400  }
0x31: {  	[sflag:s13] =	ssyncset.done $0x0  }
0x32: {  	[sflag:s13] =	ssyncadd.s32 $0xFFFFEC00  }
0x33: {  	_ =	swait.ge [sflag:s14], $0x1400  }
0x34: {  	[sflag:s14] =	ssyncset.done $0x0  }
0x35: {  	[sflag:s14] =	ssyncadd.s32 $0xFFFFEC00  }
0x36: {  	_ =	swait.ge [sflag:s15], $0x1400  }
0x37: {  	[sflag:s15] =	ssyncset.done $0x0  }
0x38: {  	s19 =	simm.s32 $0xD;
	[sflag:s15] =	ssyncadd.s32 $0xFFFFEC00  }
0x39: {  	_ =	swait.ge [sflag:s19], $0x1400  }
0x3a: {  	[sflag:s19] =	ssyncset.done $0x0  }
0x3b: {  	s23 =	simm.s32 $0xE;
	[sflag:s19] =	ssyncadd.s32 $0xFFFFEC00  }
0x3c: {  	_ =	swait.ge [sflag:s23], $0x1400  }
0x3d: {  	[sflag:s23] =	ssyncset.done $0x0  }
0x3e: {  	s24 =	simm.s32 $0xF;
	[sflag:s23] =	ssyncadd.s32 $0xFFFFEC00  }
0x3f: {  	_ =	swait.ge [sflag:s24], $0x1400  }
0x40: {  	[sflag:s24] =	ssyncset.done $0x0  }
0x41: {  	[sflag:s24] =	ssyncadd.s32 $0xFFFFEC00  }
0x42: {  	_ =	swait.ge [sflag:s20], $0x1400  }
0x43: {  	[sflag:s20] =	ssyncset.done $0x0  }
0x44: {  	[sflag:s20] =	ssyncadd.s32 $0xFFFFEC00  }
0x45: {  	[bflag:$0x0] =	sbarrier.arrive $0xFFFF  }
0x46: {  	s25 =	rddreg [dreg:$0x8]  }
0x47: {  	s12 =	rddreg [dreg:$0x17]  }
0x48: {  	[hbm:s25@s20], [sflag:s18] =	dma.strided [spmem:s12@s21], $0x280, s8, $0x8   }
0x49: {  	s3 =	rddreg [dreg:$0x9]  }
0x4a: {  	s12 =	rddreg [dreg:$0x18]  }
0x4b: {  	[hbm:s3@s20], [sflag:s18] =	dma.strided [spmem:s12@s21], $0x280, s8, $0x8   }
0x4c: {  	s3 =	rddreg [dreg:$0xa]  }
0x4d: {  	s12 =	rddreg [dreg:$0x19]  }
0x4e: {  	[hbm:s3@s20], [sflag:s18] =	dma.strided [spmem:s12@s21], $0x280, s8, $0x8   }
0x4f: {  	s3 =	rddreg [dreg:$0xb]  }
0x50: {  	s12 =	rddreg [dreg:$0x1a]  }
0x51: {  	[hbm:s3@s20], [sflag:s18] =	dma.strided [spmem:s12@s21], $0x280, s8, $0x8   }
0x52: {  	s3 =	rddreg [dreg:$0xc]  }
0x53: {  	s12 =	rddreg [dreg:$0x1b]  }
0x54: {  	[hbm:s3@s20], [sflag:s18] =	dma.strided [spmem:s12@s21], $0x280, s8, $0x8   }
0x55: {  	s3 =	rddreg [dreg:$0xd]  }
0x56: {  	[hbm:s3@s20], [sflag:s18] =	dma.strided [spmem:s16@s21], $0x280, s8, $0x8   }
0x57: {  	s3 =	rddreg [dreg:$0xe]  }
0x58: {  	[hbm:s3@s20], [sflag:s18] =	dma.strided [spmem:s17@s21], $0x280, s8, $0x8   }
0x59: {  	s13 =	simm.s32 @!p0 $0x8;
	s16 =	rddreg [dreg:$0xf]  }
0x5a: {  	s12 =	simm.s32 @!p0 $0x10;
	s3 =	simm.s32 @!p0 $0x1;
	s17 =	rddreg [dreg:$0x1c]  }
0x5b: {  	[hbm:s16@s12], [sflag:s18] =	dma.strided @!p0 [spmem:s17@s13], $0x280, s3, $0x8   }
0x5c: {  	_ =	swait.ge [sflag:s7], $0x280  }
0x5d: {  	[sflag:s7] =	ssyncset.done $0x0  }
0x5e: {  	[sflag:s7] =	ssyncadd.s32 $0xFFFFFD80  }
0x5f: {  	_ =	swait.ge [sflag:s7], $0x280  }
0x60: {  	[sflag:s7] =	ssyncset.done $0x0  }
0x61: {  	[sflag:s7] =	ssyncadd.s32 $0xFFFFFD80  }
0x62: {  	_ =	swait.ge [sflag:s7], $0x280  }
0x63: {  	[sflag:s7] =	ssyncset.done $0x0  }
0x64: {  	[sflag:s7] =	ssyncadd.s32 $0xFFFFFD80  }
0x65: {  	_ =	swait.ge [sflag:s7], $0x280  }
0x66: {  	[sflag:s7] =	ssyncset.done $0x0  }
0x67: {  	[sflag:s7] =	ssyncadd.s32 $0xFFFFFD80  }
0x68: {  	_ =	swait.ge [sflag:s7], $0x280  }
0x69: {  	[sflag:s7] =	ssyncset.done $0x0  }
0x6a: {  	[sflag:s7] =	ssyncadd.s32 $0xFFFFFD80  }
0x6b: {  	_ =	swait.ge [sflag:s7], $0x280  }
0x6c: {  	[sflag:s7] =	ssyncset.done $0x0  }
0x6d: {  	[sflag:s7] =	ssyncadd.s32 $0xFFFFFD80  }
0x6e: {  	_ =	swait.ge [sflag:s7], $0x280  }
0x6f: {  	[sflag:s7] =	ssyncset.done $0x0  }
0x70: {  	s3 =	simm.s32 @!p1 $0x12;
	[sflag:s7] =	ssyncadd.s32 $0xFFFFFD80  }
0x71: {  	_ =	swait.ge @!p1 [sflag:s3], $0x280  }
0x72: {  	s22 =	sadd.s32 $0x1, s22;
	s28 =	rddreg [dreg:$0x6]  }
0x73: {  	p2 =	sne.s32 s22, s28  }
.Ltmp1:
0x74: {  	_ = 	snop;
	(pc) =	sbr.rel @!p2 .LBB2_7-.Ltmp1, $3  }
0x75: {  	_ =	sdelay $0x1  }
0x76: {  	[sflag:s3] =	ssyncset.done @!p1 $0x0  }
0x77: {  	[sflag:s3] =	ssyncadd.s32 @!p1 $0xFFFFFD80  }
.LBB2_1:
0x78: {  	s12 =	rddreg [dreg:$0x4]  }
0x79: {  	s3 =	simm.s32 $0x0;
	s16 =	rddreg [dreg:$0x7]  }
0x7a: {  	[tilespmem:s3], [sflag:$0x11] =	stream.linear.gather [hbm4b:s12+s3], $0x2710, $0x38;
	[tilespmem:$0x18A60] =	vst v63  }
0x7b: {  	s25 =	rddreg [dreg:$0x5];
	s12 =	sshrl.u32 s16, $0x3  }
0x7c: {  	s13 =	simm.s32 $0x2710;
	[dreg:$0x17] =	wrdreg s12  }
0x7d: {  	[tilespmem:s13], [sflag:$0x11] =	stream.linear.gather [hbm4b:s25+s3], $0x2710, $0x38;
	[tilespmem:$0x18A60] =	vst v63  }
0x7e: {  	[spmem:s12], [sflag:s18] =	dma.local [hbm:s5], $0x280  }
0x7f: {  	s12 =	rddreg [dreg:$0x10]  }
0x80: {  	s12 =	sshrl.u32 s12, $0x3  }
0x81: {  	[dreg:$0x18] =	wrdreg s12  }
0x82: {  	[spmem:s12], [sflag:s18] =	dma.local [hbm:s5], $0x280  }
0x83: {  	s12 =	rddreg [dreg:$0x11]  }
0x84: {  	s12 =	sshrl.u32 s12, $0x3  }
0x85: {  	[dreg:$0x19] =	wrdreg s12  }
0x86: {  	[spmem:s12], [sflag:s18] =	dma.local [hbm:s5], $0x280  }
0x87: {  	s12 =	rddreg [dreg:$0x12]  }
0x88: {  	s12 =	sshrl.u32 s12, $0x3  }
0x89: {  	[dreg:$0x1a] =	wrdreg s12  }
0x8a: {  	[spmem:s12], [sflag:s18] =	dma.local [hbm:s5], $0x280  }
0x8b: {  	s12 =	rddreg [dreg:$0x13]  }
0x8c: {  	s12 =	sshrl.u32 s12, $0x3  }
0x8d: {  	[dreg:$0x1b] =	wrdreg s12  }
0x8e: {  	[spmem:s12], [sflag:s18] =	dma.local [hbm:s5], $0x280  }
0x8f: {  	s12 =	rddreg [dreg:$0x14]  }
0x90: {  	s16 =	sshrl.u32 s12, $0x3  }
0x91: {  	[spmem:s16], [sflag:s18] =	dma.local [hbm:s5], $0x280  }
0x92: {  	s17 =	rddreg [dreg:$0x15]  }
0x93: {  	s17 =	sshrl.u32 s17, $0x3  }
0x94: {  	[spmem:s17], [sflag:s18] =	dma.local [hbm:s5], $0x280  }
0x95: {  	s12 =	rddreg [dreg:$0x16]  }
0x96: {  	s12 =	sshrl.u32 @!p0 s12, $0x3  }
0x97: {  	s19 =	simm.s32 $0x11;
	[dreg:$0x1c] =	wrdreg s12  }
0x98: {  	[spmem:s12], [sflag:s18] =	dma.local @!p0 [hbm:s5], $0x280  }
0x99: {  	_ =	swait.ge [sflag:s19], $0x2710  }
0x9a: {  	[sflag:s19] =	ssyncset.done $0x0  }
0x9b: {  	[sflag:s19] =	ssyncadd.s32 $0xFFFFD8F0  }
0x9c: {  	_ =	swait.ge [sflag:s19], $0x2710  }
0x9d: {  	[sflag:s19] =	ssyncset.done $0x0  }
0x9e: {  	[sflag:s19] =	ssyncadd.s32 $0xFFFFD8F0  }
0x9f: {  	v0 =	vld [tilespmem:$0x0]  }
0xa0: {  	v1 =	vld [tilespmem:$0x10]  }
0xa1: {  	v2 =	vld [tilespmem:$0x20]  }
0xa2: {  	v3 =	vld [tilespmem:$0x30]  }
0xa3: {  	v4 =	vld [tilespmem:$0x40]  }
0xa4: {  	v0 =	vshll.u32 v0, $0x1  }
0xa5: {  	v55 =	vshll.u32 v1, $0x1;
	[tilespmem:$0x0] =	vst v0  }
0xa6: {  	v56 =	vshll.u32 v2, $0x1;
	[tilespmem:$0x10] =	vst v55  }
0xa7: {  	v57 =	vshll.u32 v3, $0x1;
	[tilespmem:$0x20] =	vst v56  }
0xa8: {  	v58 =	vshll.u32 v4, $0x1;
	[tilespmem:$0x30] =	vst v57  }
0xa9: {  	[tilespmem:$0x40] =	vst v58  }
0xaa: {  	[tilespmem:s30], [sflag:$0x1] =	stream.indirect.gather [hbm4b:s4+s29], $0x40, s3, s29, $0xb8;
	[tilespmem:$0x18A60] =	vst v63  }
0xab: {  	v59 =	vld [tilespmem:$0x50]  }
0xac: {  	v60 =	vld [tilespmem:$0x60]  }
0xad: {  	v61 =	vld [tilespmem:$0x70]  }
0xae: {  	v62 =	vld [tilespmem:$0x80]  }
0xaf: {  	v63 =	vld [tilespmem:$0x90]  }
0xb0: {  	v0 =	vshll.u32 v59, $0x1  }
0xb1: {  	v6 =	vshll.u32 v60, $0x1;
	[tilespmem:$0x50] =	vst v0  }
0xb2: {  	v7 =	vshll.u32 v61, $0x1;
	[tilespmem:$0x60] =	vst v6  }
0xb3: {  	v8 =	vshll.u32 v62, $0x1;
	[tilespmem:$0x70] =	vst v7  }
0xb4: {  	v9 =	vshll.u32 v63, $0x1;
	[tilespmem:$0x80] =	vst v8  }
0xb5: {  	[tilespmem:$0x90] =	vst v9  }
0xb6: {  	[tilespmem:s31], [sflag:$0x2] =	stream.indirect.gather [hbm4b:s4+s29], $0x40, s29, s29, $0xb8;
	[tilespmem:$0x18A60] =	vst v63  }
0xb7: {  	v10 =	vld [tilespmem:$0xA0]  }
0xb8: {  	v11 =	vld [tilespmem:$0xB0]  }
0xb9: {  	v12 =	vld [tilespmem:$0xC0]  }
0xba: {  	v13 =	vld [tilespmem:$0xD0]  }
0xbb: {  	v14 =	vld [tilespmem:$0xE0]  }
0xbc: {  	v0 =	vshll.u32 v10, $0x1  }
0xbd: {  	v15 =	vshll.u32 v11, $0x1;
	[tilespmem:$0xA0] =	vst v0  }
0xbe: {  	v16 =	vshll.u32 v12, $0x1;
	[tilespmem:$0xB0] =	vst v15  }
0xbf: {  	v17 =	vshll.u32 v13, $0x1;
	[tilespmem:$0xC0] =	vst v16  }
0xc0: {  	v18 =	vshll.u32 v14, $0x1;
	[tilespmem:$0xD0] =	vst v17  }
0xc1: {  	s23 =	simm.s32 $0xA0;
	[tilespmem:$0xE0] =	vst v18  }
0xc2: {  	[tilespmem:s0], [sflag:$0x3] =	stream.indirect.gather [hbm4b:s4+s29], $0x40, s23, s29, $0xb8;
	[tilespmem:$0x18A60] =	vst v63  }
0xc3: {  	v19 =	vld [tilespmem:$0xF0]  }
0xc4: {  	v20 =	vld [tilespmem:$0x100]  }
0xc5: {  	v21 =	vld [tilespmem:$0x110]  }
0xc6: {  	v22 =	vld [tilespmem:$0x120]  }
0xc7: {  	v23 =	vld [tilespmem:$0x130]  }
0xc8: {  	v0 =	vshll.u32 v19, $0x1  }
0xc9: {  	v24 =	vshll.u32 v20, $0x1;
	[tilespmem:$0xF0] =	vst v0  }
0xca: {  	v25 =	vshll.u32 v21, $0x1;
	[tilespmem:$0x100] =	vst v24  }
0xcb: {  	v26 =	vshll.u32 v22, $0x1;
	[tilespmem:$0x110] =	vst v25  }
0xcc: {  	v27 =	vshll.u32 v23, $0x1;
	[tilespmem:$0x120] =	vst v26  }
0xcd: {  	s24 =	simm.s32 $0xF0;
	[tilespmem:$0x130] =	vst v27  }
0xce: {  	[tilespmem:s1], [sflag:$0x4] =	stream.indirect.gather [hbm4b:s4+s29], $0x40, s24, s29, $0xb8;
	[tilespmem:$0x18A60] =	vst v63  }
0xcf: {  	v28 =	vld [tilespmem:$0x140]  }
0xd0: {  	v29 =	vld [tilespmem:$0x150]  }
0xd1: {  	v30 =	vld [tilespmem:$0x160]  }
0xd2: {  	v31 =	vld [tilespmem:$0x170]  }
0xd3: {  	v32 =	vld [tilespmem:$0x180]  }
0xd4: {  	v0 =	vshll.u32 v28, $0x1  }
0xd5: {  	v33 =	vshll.u32 v29, $0x1;
	[tilespmem:$0x140] =	vst v0  }
0xd6: {  	v34 =	vshll.u32 v30, $0x1;
	[tilespmem:$0x150] =	vst v33  }
0xd7: {  	v35 =	vshll.u32 v31, $0x1;
	[tilespmem:$0x160] =	vst v34  }
0xd8: {  	v36 =	vshll.u32 v32, $0x1;
	[tilespmem:$0x170] =	vst v35  }
0xd9: {  	s25 =	simm.s32 $0x140;
	[tilespmem:$0x180] =	vst v36  }
0xda: {  	[tilespmem:s26], [sflag:$0x5] =	stream.indirect.gather [hbm4b:s4+s29], $0x40, s25, s29, $0xb8;
	[tilespmem:$0x18A60] =	vst v63  }
0xdb: {  	v37 =	vld [tilespmem:$0x190]  }
0xdc: {  	v38 =	vld [tilespmem:$0x1A0]  }
0xdd: {  	v39 =	vld [tilespmem:$0x1B0]  }
0xde: {  	v40 =	vld [tilespmem:$0x1C0]  }
0xdf: {  	v41 =	vld [tilespmem:$0x1D0]  }
0xe0: {  	v0 =	vshll.u32 v37, $0x1  }
0xe1: {  	v42 =	vshll.u32 v38, $0x1;
	[tilespmem:$0x190] =	vst v0  }
0xe2: {  	v43 =	vshll.u32 v39, $0x1;
	[tilespmem:$0x1A0] =	vst v42  }
0xe3: {  	v44 =	vshll.u32 v40, $0x1;
	[tilespmem:$0x1B0] =	vst v43  }
0xe4: {  	v45 =	vshll.u32 v41, $0x1;
	[tilespmem:$0x1C0] =	vst v44  }
0xe5: {  	s13 =	simm.s32 $0xB220;
	s12 =	simm.s32 $0x190;
	[tilespmem:$0x1D0] =	vst v45  }
0xe6: {  	[tilespmem:s13], [sflag:$0x6] =	stream.indirect.gather [hbm4b:s4+s29], $0x40, s12, s29, $0xb8;
	[tilespmem:$0x18A60] =	vst v63  }
0xe7: {  	v46 =	vld [tilespmem:$0x1E0]  }
0xe8: {  	v47 =	vld [tilespmem:$0x1F0]  }
0xe9: {  	v48 =	vld [tilespmem:$0x200]  }
0xea: {  	v49 =	vld [tilespmem:$0x210]  }
0xeb: {  	v50 =	vld [tilespmem:$0x220]  }
0xec: {  	v0 =	vshll.u32 v46, $0x1  }
0xed: {  	v51 =	vshll.u32 v47, $0x1;
	[tilespmem:$0x1E0] =	vst v0  }
0xee: {  	v52 =	vshll.u32 v48, $0x1;
	[tilespmem:$0x1F0] =	vst v51  }
0xef: {  	v53 =	vshll.u32 v49, $0x1;
	[tilespmem:$0x200] =	vst v52  }
0xf0: {  	v54 =	vshll.u32 v50, $0x1;
	[tilespmem:$0x210] =	vst v53  }
0xf1: {  	s19 =	simm.s32 $0x1E0;
	s23 =	simm.s32 $0xC620;
	[tilespmem:$0x220] =	vst v54  }
0xf2: {  	[tilespmem:s23], [sflag:$0x7] =	stream.indirect.gather [hbm4b:s4+s29], $0x40, s19, s29, $0xb8;
	[tilespmem:$0x18A60] =	vst v63  }
0xf3: {  	v55 =	vld [tilespmem:$0x230]  }
0xf4: {  	v56 =	vld [tilespmem:$0x240]  }
0xf5: {  	v57 =	vld [tilespmem:$0x250]  }
0xf6: {  	v58 =	vld [tilespmem:$0x260]  }
0xf7: {  	v59 =	vld [tilespmem:$0x270]  }
0xf8: {  	v0 =	vshll.u32 v55, $0x1  }
0xf9: {  	v60 =	vshll.u32 v56, $0x1;
	[tilespmem:$0x230] =	vst v0  }
0xfa: {  	v61 =	vshll.u32 v57, $0x1;
	[tilespmem:$0x240] =	vst v60  }
0xfb: {  	v62 =	vshll.u32 v58, $0x1;
	[tilespmem:$0x250] =	vst v61  }
0xfc: {  	v63 =	vshll.u32 v59, $0x1;
	[tilespmem:$0x260] =	vst v62  }
0xfd: {  	s24 =	simm.s32 $0x230;
	s25 =	simm.s32 $0xDA20;
	[tilespmem:$0x270] =	vst v63  }
0xfe: {  	[tilespmem:s25], [sflag:$0x8] =	stream.indirect.gather [hbm4b:s4+s29], $0x40, s24, s29, $0xb8;
	[tilespmem:$0x18A60] =	vst v63  }
0xff: {  	_ =	swait.ge [sflag:s7], $0x280  }
0x100: {  	[sflag:s7] =	ssyncset.done $0x0  }
0x101: {  	[sflag:s7] =	ssyncadd.s32 $0xFFFFFD80  }
0x102: {  	_ =	swait.ge [sflag:s7], $0x280  }
0x103: {  	[sflag:s7] =	ssyncset.done $0x0  }
0x104: {  	[sflag:s7] =	ssyncadd.s32 $0xFFFFFD80  }
0x105: {  	_ =	swait.ge [sflag:s7], $0x280  }
0x106: {  	[sflag:s7] =	ssyncset.done $0x0  }
0x107: {  	[sflag:s7] =	ssyncadd.s32 $0xFFFFFD80  }
0x108: {  	_ =	swait.ge [sflag:s7], $0x280  }
0x109: {  	[sflag:s7] =	ssyncset.done $0x0  }
0x10a: {  	[sflag:s7] =	ssyncadd.s32 $0xFFFFFD80  }
0x10b: {  	_ =	swait.ge [sflag:s7], $0x280  }
0x10c: {  	[sflag:s7] =	ssyncset.done $0x0  }
0x10d: {  	[sflag:s7] =	ssyncadd.s32 $0xFFFFFD80  }
0x10e: {  	_ =	swait.ge [sflag:s7], $0x280  }
0x10f: {  	[sflag:s7] =	ssyncset.done $0x0  }
0x110: {  	[sflag:s7] =	ssyncadd.s32 $0xFFFFFD80  }
0x111: {  	_ =	swait.ge [sflag:s7], $0x280  }
0x112: {  	[sflag:s7] =	ssyncset.done $0x0  }
0x113: {  	s19 =	simm.s32 @!p1 $0x12;
	[sflag:s7] =	ssyncadd.s32 $0xFFFFFD80  }
.Ltmp2:
0x114: {  	_ =	swait.ge @!p1 [sflag:s19], $0x280;
	(pc) =	sbr.rel .LBB2_2-.Ltmp2, $4  }
0x115: {  	[sflag:s19] =	ssyncset.done @!p1 $0x0  }
0x116: {  	[sflag:s19] =	ssyncadd.s32 @!p1 $0xFFFFFD80  }
0x117: {  	[bflag:$0x0] =	sbarrier.arrive $0xFFFF  }
0x118: {  	s28 =	simm.s32 $0x0;
	s23 =	simm.s32 $0x0;
	s19 =	simm.s32 $0x7  }
.LBB2_4:
0x119: {  	_ =	swait.ge [sflag:s10], $0x1400  }
0x11a: {  	[sflag:s10] =	ssyncset.done $0x0  }
0x11b: {  	[sflag:s10] =	ssyncadd.s32 $0xFFFFEC00  }
0x11c: {  	[spmem:s2] =	stream.indirect.scatter.add.f32 [tilespmem:s26], [sflag:$0xD], $0x40, s11, s29, $0xb8;
	[tilespmem:$0x18A60] =	vst v63  }
.LBB2_5:
0x11d: {  	p2 =	sgt.u32 s19, $0x7C  }
0x11e: {  	s3 =	simm.s32 @!p2 $0x8  }
0x11f: {  	_ =	swait.ge @!p2 [sflag:s3], $0x1400  }
0x120: {  	[sflag:s3] =	ssyncset.done @!p2 $0x0  }
0x121: {  	s12 =	simm.s32 @!p2 $0x50;
	[sflag:s3] =	ssyncadd.s32 @!p2 $0xFFFFEC00;
	s3 =	sshra.s32 @!p2 s28, $0x2  }
0x122: {  	s13 =	simm.s32 @!p2 $0xDA20;
	p3 =	sgt.u32 @!p2 s23, $0xD;
	s3 =	sadd.s32 @!p2 $0x2940, s3  }
0x123: {  	[spmem:s2] =	stream.indirect.scatter.add.f32 @!p2 [tilespmem:s13], [sflag:$0x10], $0x40, s3, s12, $0xb8;
	[tilespmem:$0x18A60] =	vst v63  }
0x124: {  	p2 =	por p3, p2  }
0x125: {  	s3 =	simm.s32 @!p2 $0xF  }
0x126: {  	_ =	swait.ge @!p2 [sflag:s3], $0x1400  }
0x127: {  	[sflag:s3] =	ssyncset.done @!p2 $0x0  }
0x128: {  	[sflag:s3] =	ssyncadd.s32 @!p2 $0xFFFFEC00;
	s3 =	sshra.s32 @!p2 s28, $0x2  }
0x129: {  	v0 =	vld @!p2 [tilespmem:s3+$0x460]  }
0x12a: {  	v1 =	vld @!p2 [tilespmem:s3+$0x470]  }
0x12b: {  	v2 =	vld @!p2 [tilespmem:s3+$0x480]  }
0x12c: {  	v3 =	vld @!p2 [tilespmem:s3+$0x490]  }
0x12d: {  	v4 =	vld @!p2 [tilespmem:s3+$0x4A0]  }
0x12e: {  	v0 =	vshll.u32 @!p2 v0, $0x1  }
0x12f: {  	[tilespmem:s3+$0x460] =	vst @!p2 v0;
	v0 =	vshll.u32 @!p2 v1, $0x1  }
0x130: {  	[tilespmem:s3+$0x470] =	vst @!p2 v0;
	v0 =	vshll.u32 @!p2 v2, $0x1  }
0x131: {  	[tilespmem:s3+$0x480] =	vst @!p2 v0;
	v0 =	vshll.u32 @!p2 v3, $0x1  }
0x132: {  	s13 =	simm.s32 @!p2 $0xC620;
	[tilespmem:s3+$0x490] =	vst @!p2 v0;
	v0 =	vshll.u32 @!p2 v4, $0x1  }
0x133: {  	s28 =	sadd.s32 $0xA00, s28;
	s12 =	sadd.s32 @!p2 $0x460, s3;
	[tilespmem:s3+$0x4A0] =	vst @!p2 v0;
	s3 =	simm.s32 @!p2 $0x50  }
0x134: {  	[tilespmem:s13], [sflag:$0x7] =	stream.indirect.gather @!p2 [hbm4b:s4+s3], $0x40, s12, s3, $0xb8;
	[tilespmem:$0x18A60] =	vst v63  }
0x135: {  	p2 =	sne.s32 s28, $0xA000  }
.Ltmp3:
0x136: {  	_ = 	snop;
	(pc) =	sbr.rel @!p2 .LBB2_6-.Ltmp3, $2  }
0x137: {  	_ =	sdelay $0x2  }
0x138: {  	s19 =	sadd.s32 $0x8, s19;
	s23 =	sadd.s32 $0x1, s23  }
.LBB2_2:
0x139: {  	_ =	swait.ge [sflag:s8], $0x1400;
	p2 =	seq.s32 s28, $0x0  }
0x13a: {  	s24 =	sshra.s32 s28, $0x2;
	[sflag:s8] =	ssyncset.done $0x0;
	p3 =	sgt.u32 @!p2 s19, $0x7C  }
0x13b: {  	s25 =	sadd.s32 $0x2710, s24;
	[sflag:s8] =	ssyncadd.s32 $0xFFFFEC00;
	p2 =	por p3, p2  }
0x13c: {  	[spmem:s2] =	stream.indirect.scatter.add.f32 [tilespmem:s30], [sflag:$0x9], $0x40, s25, s29, $0xb8;
	[tilespmem:$0x18A60] =	vst v63  }
0x13d: {  	s25 =	simm.s32 @!p2 $0x10  }
0x13e: {  	_ =	swait.ge @!p2 [sflag:s25], $0x1400  }
0x13f: {  	[sflag:s25] =	ssyncset.done @!p2 $0x0  }
0x140: {  	[sflag:s25] =	ssyncadd.s32 @!p2 $0xFFFFEC00;
	s25 =	sshra.s32 @!p2 s28, $0x2  }
0x141: {  	v0 =	vld @!p2 [tilespmem:s25+$0x230]  }
0x142: {  	v1 =	vld @!p2 [tilespmem:s25+$0x240]  }
0x143: {  	v2 =	vld @!p2 [tilespmem:s25+$0x250]  }
0x144: {  	v3 =	vld @!p2 [tilespmem:s25+$0x260]  }
0x145: {  	v4 =	vld @!p2 [tilespmem:s25+$0x270]  }
0x146: {  	v0 =	vshll.u32 @!p2 v0, $0x1  }
0x147: {  	[tilespmem:s25+$0x230] =	vst @!p2 v0;
	v0 =	vshll.u32 @!p2 v1, $0x1  }
0x148: {  	[tilespmem:s25+$0x240] =	vst @!p2 v0;
	v0 =	vshll.u32 @!p2 v2, $0x1  }
0x149: {  	[tilespmem:s25+$0x250] =	vst @!p2 v0;
	v0 =	vshll.u32 @!p2 v3, $0x1  }
0x14a: {  	[tilespmem:s25+$0x260] =	vst @!p2 v0;
	v0 =	vshll.u32 @!p2 v4, $0x1  }
0x14b: {  	s12 =	simm.s32 @!p2 $0xDA20;
	s3 =	sadd.s32 @!p2 $0x230, s25;
	[tilespmem:s25+$0x270] =	vst @!p2 v0;
	s25 =	simm.s32 @!p2 $0x50  }
0x14c: {  	[tilespmem:s12], [sflag:$0x8] =	stream.indirect.gather @!p2 [hbm4b:s4+s25], $0x40, s3, s25, $0xb8;
	[tilespmem:$0x18A60] =	vst v63  }
0x14d: {  	_ =	swait.ge [sflag:s9], $0x1400  }
0x14e: {  	p2 =	seq.s32 s28, $0x9600;
	[sflag:s9] =	ssyncset.done $0x0  }
0x14f: {  	s25 =	sadd.s32 $0x2760, s24;
	s3 =	simm.s32 @p2 $0x3;
	[sflag:s9] =	ssyncadd.s32 $0xFFFFEC00  }
0x150: {  	[spmem:s2] =	stream.indirect.scatter.add.f32 [tilespmem:s31], [sflag:$0xA], $0x40, s25, s29, $0xb8;
	[tilespmem:$0x18A60] =	vst v63  }
0x151: {  	_ =	swait.ge @p2 [sflag:s3], $0x1400  }
0x152: {  	s12 =	simm.s32 @p2 $0x4D30;
	[sflag:s3] =	ssyncset.done @p2 $0x0  }
0x153: {  	s25 =	simm.s32 @p2 $0x7620;
	[sflag:s3] =	ssyncadd.s32 @p2 $0xFFFFEC00;
	s3 =	simm.s32 @p2 $0x50  }
0x154: {  	[spmem:s2] =	stream.indirect.scatter.add.f32 @p2 [tilespmem:s25], [sflag:$0xB], $0x40, s12, s3, $0xb8;
	[tilespmem:$0x18A60] =	vst v63  }
0x155: {  	s3 =	simm.s32 @!p2 $0x9  }
0x156: {  	_ =	swait.ge @!p2 [sflag:s3], $0x1400  }
0x157: {  	[sflag:s3] =	ssyncset.done @!p2 $0x0  }
0x158: {  	[sflag:s3] =	ssyncadd.s32 @!p2 $0xFFFFEC00;
	s3 =	sshra.s32 @!p2 s28, $0x2  }
0x159: {  	v0 =	vld @!p2 [tilespmem:s3+$0x280]  }
0x15a: {  	v1 =	vld @!p2 [tilespmem:s3+$0x290]  }
0x15b: {  	v2 =	vld @!p2 [tilespmem:s3+$0x2A0]  }
0x15c: {  	v3 =	vld @!p2 [tilespmem:s3+$0x2B0]  }
0x15d: {  	v4 =	vld @!p2 [tilespmem:s3+$0x2C0]  }
0x15e: {  	v0 =	vshll.u32 @!p2 v0, $0x1  }
0x15f: {  	[tilespmem:s3+$0x280] =	vst @!p2 v0;
	v0 =	vshll.u32 @!p2 v1, $0x1  }
0x160: {  	[tilespmem:s3+$0x290] =	vst @!p2 v0;
	v0 =	vshll.u32 @!p2 v2, $0x1  }
0x161: {  	[tilespmem:s3+$0x2A0] =	vst @!p2 v0;
	v0 =	vshll.u32 @!p2 v3, $0x1  }
0x162: {  	[tilespmem:s3+$0x2B0] =	vst @!p2 v0;
	v0 =	vshll.u32 @!p2 v4, $0x1  }
0x163: {  	s13 =	simm.s32 @!p2 $0x4E20;
	s25 =	simm.s32 @!p2 $0x50;
	s12 =	sadd.s32 @!p2 $0x280, s3;
	[tilespmem:s3+$0x2C0] =	vst @!p2 v0  }
0x164: {  	[tilespmem:s13], [sflag:$0x1] =	stream.indirect.gather @!p2 [hbm4b:s4+s25], $0x40, s12, s25, $0xb8;
	[tilespmem:$0x18A60] =	vst v63  }
0x165: {  	s12 =	simm.s32 @!p2 $0x3  }
0x166: {  	_ =	swait.ge @!p2 [sflag:s12], $0x1400  }
0x167: {  	[sflag:s12] =	ssyncset.done @!p2 $0x0  }
0x168: {  	s13 =	simm.s32 @!p2 $0x7620;
	[sflag:s12] =	ssyncadd.s32 @!p2 $0xFFFFEC00;
	s12 =	sadd.s32 @!p2 $0x27B0, s3  }
0x169: {  	[spmem:s2] =	stream.indirect.scatter.add.f32 @!p2 [tilespmem:s13], [sflag:$0xB], $0x40, s12, s25, $0xb8;
	[tilespmem:$0x18A60] =	vst v63  }
0x16a: {  	s12 =	simm.s32 @!p2 $0xA  }
0x16b: {  	_ =	swait.ge @!p2 [sflag:s12], $0x1400  }
0x16c: {  	[sflag:s12] =	ssyncset.done @!p2 $0x0  }
0x16d: {  	[sflag:s12] =	ssyncadd.s32 @!p2 $0xFFFFEC00  }
0x16e: {  	v0 =	vld @!p2 [tilespmem:s3+$0x2D0]  }
0x16f: {  	v1 =	vld @!p2 [tilespmem:s3+$0x2E0]  }
0x170: {  	v2 =	vld @!p2 [tilespmem:s3+$0x2F0]  }
0x171: {  	v3 =	vld @!p2 [tilespmem:s3+$0x300]  }
0x172: {  	v4 =	vld @!p2 [tilespmem:s3+$0x310]  }
0x173: {  	v0 =	vshll.u32 @!p2 v0, $0x1  }
0x174: {  	[tilespmem:s3+$0x2D0] =	vst @!p2 v0;
	v0 =	vshll.u32 @!p2 v1, $0x1  }
0x175: {  	[tilespmem:s3+$0x2E0] =	vst @!p2 v0;
	v0 =	vshll.u32 @!p2 v2, $0x1  }
0x176: {  	[tilespmem:s3+$0x2F0] =	vst @!p2 v0;
	v0 =	vshll.u32 @!p2 v3, $0x1  }
0x177: {  	[tilespmem:s3+$0x300] =	vst @!p2 v0;
	v0 =	vshll.u32 @!p2 v4, $0x1  }
0x178: {  	s12 =	sadd.s32 @!p2 $0x2D0, s3;
	[tilespmem:s3+$0x310] =	vst @!p2 v0;
	s3 =	simm.s32 @!p2 $0x6220  }
0x179: {  	[tilespmem:s3], [sflag:$0x2] =	stream.indirect.gather @!p2 [hbm4b:s4+s25], $0x40, s12, s25, $0xb8;
	[tilespmem:$0x18A60] =	vst v63  }
.Ltmp4:
0x17a: {  	s3 =	sadd.s32 @!p2 $0x3C0, s28;
	(pc) =	sbr.rel @p2 .LBB2_4-.Ltmp4, $4  }
0x17b: {  	s3 =	simm.s32 @p2 $0x99C0;
	_ =	swait.ge [sflag:s6], $0x1400  }
0x17c: {  	[sflag:s6] =	ssyncset.done $0x0;
	s3 =	sshra.s32 s3, $0x2  }
0x17d: {  	[sflag:s6] =	ssyncadd.s32 $0xFFFFEC00;
	s3 =	sadd.s32 $0x2710, s3  }
0x17e: {  	[spmem:s2] =	stream.indirect.scatter.add.f32 [tilespmem:s1], [sflag:$0xC], $0x40, s3, s29, $0xb8;
	[tilespmem:$0x18A60] =	vst v63  }
0x17f: {  	_ =	swait.ge [sflag:s14], $0x1400  }
0x180: {  	[sflag:s14] =	ssyncset.done $0x0  }
0x181: {  	[sflag:s14] =	ssyncadd.s32 $0xFFFFEC00  }
0x182: {  	v0 =	vld [tilespmem:s24+$0x320]  }
0x183: {  	v1 =	vld [tilespmem:s24+$0x330]  }
0x184: {  	v2 =	vld [tilespmem:s24+$0x340]  }
0x185: {  	v3 =	vld [tilespmem:s24+$0x350]  }
0x186: {  	v4 =	vld [tilespmem:s24+$0x360]  }
0x187: {  	v0 =	vshll.u32 v0, $0x1  }
0x188: {  	v51 =	vshll.u32 v1, $0x1;
	[tilespmem:s24+$0x320] =	vst v0  }
0x189: {  	v52 =	vshll.u32 v2, $0x1;
	[tilespmem:s24+$0x330] =	vst v51  }
0x18a: {  	v53 =	vshll.u32 v3, $0x1;
	[tilespmem:s24+$0x340] =	vst v52  }
0x18b: {  	v54 =	vshll.u32 v4, $0x1;
	[tilespmem:s24+$0x350] =	vst v53  }
0x18c: {  	s3 =	sadd.s32 $0x320, s24;
	[tilespmem:s24+$0x360] =	vst v54  }
0x18d: {  	[tilespmem:s0], [sflag:$0x3] =	stream.indirect.gather [hbm4b:s4+s29], $0x40, s3, s29, $0xb8;
	[tilespmem:$0x18A60] =	vst v63  }
0x18e: {  	_ =	swait.ge [sflag:s10], $0x1400  }
0x18f: {  	[sflag:s10] =	ssyncset.done $0x0  }
0x190: {  	s12 =	sadd.s32 $0x2850, s24;
	[sflag:s10] =	ssyncadd.s32 $0xFFFFEC00  }
0x191: {  	[spmem:s2] =	stream.indirect.scatter.add.f32 [tilespmem:s26], [sflag:$0xD], $0x40, s12, s29, $0xb8;
	[tilespmem:$0x18A60] =	vst v63  }
0x192: {  	_ =	swait.ge [sflag:s15], $0x1400  }
0x193: {  	[sflag:s15] =	ssyncset.done $0x0  }
0x194: {  	[sflag:s15] =	ssyncadd.s32 $0xFFFFEC00  }
0x195: {  	v55 =	vld [tilespmem:s24+$0x370]  }
0x196: {  	v56 =	vld [tilespmem:s24+$0x380]  }
0x197: {  	v57 =	vld [tilespmem:s24+$0x390]  }
0x198: {  	v58 =	vld [tilespmem:s24+$0x3A0]  }
0x199: {  	v59 =	vld [tilespmem:s24+$0x3B0]  }
0x19a: {  	v0 =	vshll.u32 v55, $0x1  }
0x19b: {  	v60 =	vshll.u32 v56, $0x1;
	[tilespmem:s24+$0x370] =	vst v0  }
0x19c: {  	v61 =	vshll.u32 v57, $0x1;
	[tilespmem:s24+$0x380] =	vst v60  }
0x19d: {  	s25 =	sadd.s32 $0xFFFFFFFE, s19;
	v62 =	vshll.u32 v58, $0x1;
	[tilespmem:s24+$0x390] =	vst v61  }
0x19e: {  	p2 =	sgt.u32 s25, $0x7C;
	v63 =	vshll.u32 v59, $0x1;
	[tilespmem:s24+$0x3A0] =	vst v62  }
0x19f: {  	s13 =	sadd.s32 $0x370, s24;
	s3 =	simm.s32 @!p2 $0x6;
	[tilespmem:s24+$0x3B0] =	vst v63  }
0x1a0: {  	[tilespmem:s1], [sflag:$0x4] =	stream.indirect.gather [hbm4b:s4+s29], $0x40, s13, s29, $0xb8;
	[tilespmem:$0x18A60] =	vst v63  }
0x1a1: {  	_ =	swait.ge @!p2 [sflag:s3], $0x1400  }
0x1a2: {  	[sflag:s3] =	ssyncset.done @!p2 $0x0  }
0x1a3: {  	[sflag:s3] =	ssyncadd.s32 @!p2 $0xFFFFEC00;
	s3 =	sshra.s32 @!p2 s28, $0x2  }
0x1a4: {  	s24 =	simm.s32 @!p2 $0xB220;
	s13 =	simm.s32 @!p2 $0x50;
	s12 =	sadd.s32 @!p2 $0x28A0, s3  }
0x1a5: {  	[spmem:s2] =	stream.indirect.scatter.add.f32 @!p2 [tilespmem:s24], [sflag:$0xE], $0x40, s12, s13, $0xb8;
	[tilespmem:$0x18A60] =	vst v63  }
0x1a6: {  	s12 =	simm.s32 @!p2 $0xD  }
0x1a7: {  	_ =	swait.ge @!p2 [sflag:s12], $0x1400  }
0x1a8: {  	[sflag:s12] =	ssyncset.done @!p2 $0x0  }
0x1a9: {  	[sflag:s12] =	ssyncadd.s32 @!p2 $0xFFFFEC00  }
0x1aa: {  	v0 =	vld @!p2 [tilespmem:s3+$0x3C0]  }
0x1ab: {  	v1 =	vld @!p2 [tilespmem:s3+$0x3D0]  }
0x1ac: {  	v2 =	vld @!p2 [tilespmem:s3+$0x3E0]  }
0x1ad: {  	v3 =	vld @!p2 [tilespmem:s3+$0x3F0]  }
0x1ae: {  	v4 =	vld @!p2 [tilespmem:s3+$0x400]  }
0x1af: {  	v0 =	vshll.u32 @!p2 v0, $0x1  }
0x1b0: {  	[tilespmem:s3+$0x3C0] =	vst @!p2 v0;
	v0 =	vshll.u32 @!p2 v1, $0x1  }
0x1b1: {  	[tilespmem:s3+$0x3D0] =	vst @!p2 v0;
	v0 =	vshll.u32 @!p2 v2, $0x1  }
0x1b2: {  	[tilespmem:s3+$0x3E0] =	vst @!p2 v0;
	v0 =	vshll.u32 @!p2 v3, $0x1  }
0x1b3: {  	[tilespmem:s3+$0x3F0] =	vst @!p2 v0;
	v0 =	vshll.u32 @!p2 v4, $0x1  }
0x1b4: {  	s24 =	simm.s32 @!p2 $0x9E20;
	s12 =	sadd.s32 @!p2 $0x3C0, s3;
	[tilespmem:s3+$0x400] =	vst @!p2 v0  }
0x1b5: {  	[tilespmem:s24], [sflag:$0x5] =	stream.indirect.gather @!p2 [hbm4b:s4+s13], $0x40, s12, s13, $0xb8;
	[tilespmem:$0x18A60] =	vst v63  }
0x1b6: {  	s12 =	simm.s32 @!p2 $0x7  }
0x1b7: {  	_ =	swait.ge @!p2 [sflag:s12], $0x1400  }
0x1b8: {  	p3 =	sgt.u32 @!p2 s23, $0xD;
	[sflag:s12] =	ssyncset.done @!p2 $0x0  }
0x1b9: {  	s3 =	sadd.s32 @!p2 $0x28F0, s3;
	[sflag:s12] =	ssyncadd.s32 @!p2 $0xFFFFEC00;
	s12 =	simm.s32 @!p2 $0xC620  }
0x1ba: {  	[spmem:s2] =	stream.indirect.scatter.add.f32 @!p2 [tilespmem:s12], [sflag:$0xF], $0x40, s3, s13, $0xb8;
	[tilespmem:$0x18A60] =	vst v63  }
0x1bb: {  	p2 =	por p3, p2  }
0x1bc: {  	s3 =	simm.s32 @!p2 $0xE  }
0x1bd: {  	_ =	swait.ge @!p2 [sflag:s3], $0x1400  }
0x1be: {  	[sflag:s3] =	ssyncset.done @!p2 $0x0  }
0x1bf: {  	[sflag:s3] =	ssyncadd.s32 @!p2 $0xFFFFEC00;
	s3 =	sshra.s32 @!p2 s28, $0x2  }
0x1c0: {  	v0 =	vld @!p2 [tilespmem:s3+$0x410]  }
0x1c1: {  	v1 =	vld @!p2 [tilespmem:s3+$0x420]  }
0x1c2: {  	v2 =	vld @!p2 [tilespmem:s3+$0x430]  }
0x1c3: {  	v3 =	vld @!p2 [tilespmem:s3+$0x440]  }
0x1c4: {  	v4 =	vld @!p2 [tilespmem:s3+$0x450]  }
0x1c5: {  	v0 =	vshll.u32 @!p2 v0, $0x1  }
0x1c6: {  	[tilespmem:s3+$0x410] =	vst @!p2 v0;
	v0 =	vshll.u32 @!p2 v1, $0x1  }
.Ltmp5:
0x1c7: {  	[tilespmem:s3+$0x420] =	vst @!p2 v0;
	v0 =	vshll.u32 @!p2 v2, $0x1;
	(pc) =	sbr.rel .LBB2_5-.Ltmp5, $4  }
0x1c8: {  	[tilespmem:s3+$0x430] =	vst @!p2 v0;
	v0 =	vshll.u32 @!p2 v3, $0x1  }
0x1c9: {  	[tilespmem:s3+$0x440] =	vst @!p2 v0;
	v0 =	vshll.u32 @!p2 v4, $0x1  }
0x1ca: {  	s13 =	simm.s32 @!p2 $0xB220;
	s12 =	sadd.s32 @!p2 $0x410, s3;
	[tilespmem:s3+$0x450] =	vst @!p2 v0;
	s3 =	simm.s32 @!p2 $0x50  }
0x1cb: {  	[tilespmem:s13], [sflag:$0x6] =	stream.indirect.gather @!p2 [hbm4b:s4+s3], $0x40, s12, s3, $0xb8;
	[tilespmem:$0x18A60] =	vst v63  }
.LBB2_7:
0x1cc: {  	_ =	sfence.sel $0x180000  }
0x1cd: {  	[bflag:$0x0] =	sbarrier.arrive $0xFFFF  }
0x1ce: {  	_ =	strace $0x9000004A  }
0x1cf: {  	s0 =	stileid.u32;
	[bflag:$0x2] =	sbarrier.arrive $0xFFFF  }
0x1d0: {  	p0 =	sne.s32 s0, $0x0;
	s0 =	rddreg [dreg:$0x3]  }
0x1d1: {  	s0 =	sadd.s32 @!p0 $0x100000, s0  }
0x1d2: {  	[sflag:s0] =	ssyncadd.tile.s32 @!p0 $0x1;
	_ =	shalt  }
.Lfunc_end2:
_tile_overlayer_lowered:
.L_overlay_start_2:
0x1d3: {  	(tag) =	ssettag $0x2  }
0x1d4: {  	s0 =	rddreg [dreg:$0x0];
	s2 =	stileid.u32  }
0x1d5: {  	s1 =	rddreg [dreg:$0x1];
	p0 =	sne.s32 s2, $0x0  }
0x1d6: {  	s3 =	rddreg [dreg:$0x2];
	[bflag:$0x3] =	sbarrier.arrive $0xFFFF;
	s2 =	simm.s32 @!p0 $0x1C13  }
0x1d7: {  	[timem:s3], [sflag:s2] =	dma.local @!p0 [hbm:s0], s1  }
0x1d8: {  	s0 =	simm.s32 @!p0 $0x13  }
0x1d9: {  	_ =	swait.ge @!p0 [sflag:s0], s1  }
0x1da: {  	s1 =	ssub.s32 @!p0 $0x0, s1;
	[sflag:s0] =	ssyncset.done @!p0 $0x0  }
0x1db: {  	[sflag:s0] =	ssyncadd.s32 @!p0 s1  }
0x1dc: {  	[bflag:$0x3] =	sbarrier.arrive $0xFFFF  }
0x1dd: {  	_ =	shalt  }

// kernel: kernel.7.cloned.1.call-start
scs
__scs_entry_jumppad:
0x0: {  	(pc) =	sbr.rel $0x88, $3  }
0x1: {  	(tag) =	ssettag $0x0;
	lr =	simm.s32 $0x1  }
0x2: {  	[smem:$0x3F9B] =	sst lr;
	_ =	strace $0xD0000000  }
0x3: {  	_ = 	snop  }
0x4: {  	_ = 	snop  }
0x5: {  	_ = 	snop  }
0x6: {  	_ = 	snop  }
0x7: {  	_ = 	snop  }
__scs_overlays_trampoline_lowered:
0x8: {  	[smem:$0x3FAA] =	sst s0  }
0x9: {  	[smem:$0x3FAB] =	sst s1  }
0xa: {  	[smem:$0x3FAC] =	sst s2  }
0xb: {  	[smem:$0x3FAD] =	sst s3  }
0xc: {  	[smem:$0x3FAE] =	sst s4  }
0xd: {  	[smem:$0x3FAF] =	sst s5  }
0xe: {  	[smem:$0x3FB0] =	sst s6  }
0xf: {  	[smem:$0x3FB1] =	sst s7  }
0x10: {  	[smem:$0x3FB2] =	sst s8  }
0x11: {  	[smem:$0x3FB3] =	sst s9;
	s0 =	simm.s32 @!p0 $0x0  }
0x12: {  	s1 =	sld [smem:$0x3F99];
	s0 =	simm.s32 @p0 $0x1  }
0x13: {  	[smem:$0x3FB4] =	sst s0;
	s0 =	simm.s32 @!p1 $0x0  }
0x14: {  	s2 =	sld [smem:$0x3F98];
	s0 =	simm.s32 @p1 $0x1  }
0x15: {  	[smem:$0x3FB5] =	sst s0;
	s0 =	simm.s32 @!p2 $0x0  }
0x16: {  	s3 =	sld [smem:$0x3FDB];
	s0 =	simm.s32 @p2 $0x1  }
0x17: {  	s4 =	simm.s32 $0x1BF5;
	[smem:$0x3FB7] =	sst s0  }
0x18: {  	s0 =	sld [smem:$0x3F9A];
	_ =	swait.ge [sflag:s4], $0x0  }
0x19: {  	s7 =	sld [smem:$0x3F9B]  }
0x1a: {  	s8 =	sadd.s32 $0xFFFFE003, lr  }
0x1b: {  	s9 =	sadd.s32 $0xFFFFFEF7, lr;
	s5 =	simm.s32 $0xFFFFFFFF;
	p2 =	slt.u32 s8, $0xFFFFF086  }
0x1c: {  	p1 =	slt.u32 s9, $0xF7A;
	s5 =	simm.s32 @!p2 $0x0  }
0x1d: {  	s5 =	simm.s32 @p1 $0x1;
	p0 =	seq.s32 s7, s2  }
0x1e: {  	s7 =	smul.u32 @!p0 $0xF7A, s2;
	p2 =	seq.s32 @!p0 s5, $0x0  }
0x1f: {  	s9 =	smul.u32 $0xF7A, s1;
	s8 =	simm.s32 @!p0 $0x1BF5;
	p2 =	por !p2, p0  }
0x20: {  	[sflag:s8] =	ssyncset.s32 @!p0 $0xFFFFF086;
	s6 =	sadd.s32 @!p0 s3, s7;
	s7 =	simm.s32 @!p0 $0x108  }
0x21: {  	s3 =	sadd.s32 s3, s9;
	s6 =	sadd.s32 @!p0 $0x88, s6;
	s7 =	simm.s32 @p2 $0x1082  }
0x22: {  	[simem:s7], [sflag:s8] =	dma.local @!p0 [hbm:s6], $0xF7A  }
0x23: {  	s9 =	sor.u32 $0xD0000000, s2;
	s6 =	simm.s32 $0x108;
	_ =	swait.ge @!p0 [sflag:s8], $0x0  }
0x24: {  	s3 =	sadd.s32 $0x88, s3;
	s6 =	simm.s32 @!p1 $0x1082;
	[sflag:s4] =	ssyncset.s32 $0xFFFFF086  }
0x25: {  	[simem:s6], [sflag:s4] =	dma.local [hbm:s3], $0xF7A  }
0x26: {  	[smem:$0x3F9B] =	sst s1;
	(tag) =	ssettag s2;
	_ =	strace s9  }
0x27: {  	s1 =	sld [smem:$0x3FAB]  }
0x28: {  	s2 =	sld [smem:$0x3FAC]  }
0x29: {  	s4 =	sld [smem:$0x3FAE]  }
0x2a: {  	p0 =	seq.s32 s5, $0x0;
	s5 =	sld [smem:$0x3FAF]  }
0x2b: {  	s6 =	sld [smem:$0x3FB0]  }
0x2c: {  	s7 =	sld [smem:$0x3FB1]  }
0x2d: {  	s3 =	simm.s32 $0x108;
	s8 =	sld [smem:$0x3FB2]  }
0x2e: {  	s3 =	simm.s32 @!p0 $0x1082;
	s9 =	sld [smem:$0x3FB3]  }
0x2f: {  	lr =	sadd.s32 s0, s3;
	s0 =	sld [smem:$0x3FAA]  }
0x30: {  	s3 =	sld [smem:$0x3FAD]  }
0x31: {  	[smem:$0x3FB6] =	sst s10  }
0x32: {  	s10 =	sld [smem:$0x3FB4];
	_ =	sdelay $0x3  }
0x33: {  	p0 =	seq.s32 s10, $0x1;
	s10 =	sld [smem:$0x3FB6];
	_ =	sdelay $0x3  }
0x34: {  	[smem:$0x3FB6] =	sst s10  }
0x35: {  	s10 =	sld [smem:$0x3FB5];
	_ =	sdelay $0x3  }
0x36: {  	p1 =	seq.s32 s10, $0x1;
	s10 =	sld [smem:$0x3FB6];
	_ =	sdelay $0x3  }
0x37: {  	[smem:$0x3FB6] =	sst s10  }
0x38: {  	s10 =	sld [smem:$0x3FB7]  }
0x39: {  	_ = 	snop;
	(pc) =	sbr.ind lr, $3  }
0x3a: {  	_ = 	snop  }
0x3b: {  	_ = 	snop  }
0x3c: {  	p2 =	seq.s32 s10, $0x1;
	s10 =	sld [smem:$0x3FB6]  }
0x3d: {  	_ =	shalt  }
0x3e: {  	_ =	shalt  }
0x3f: {  	_ =	shalt  }
0x40: {  	_ =	shalt  }
0x41: {  	_ =	shalt  }
0x42: {  	_ =	shalt  }
0x43: {  	_ =	shalt  }
0x44: {  	_ =	shalt  }
0x45: {  	_ =	shalt  }
0x46: {  	_ =	shalt  }
0x47: {  	_ =	shalt  }
0x48: {  	_ =	shalt  }
0x49: {  	_ =	shalt  }
0x4a: {  	_ =	shalt  }
0x4b: {  	_ =	shalt  }
0x4c: {  	_ =	shalt  }
0x4d: {  	_ =	shalt  }
0x4e: {  	_ =	shalt  }
0x4f: {  	_ =	shalt  }
0x50: {  	_ =	shalt  }
0x51: {  	_ =	shalt  }
0x52: {  	_ =	shalt  }
0x53: {  	_ =	shalt  }
0x54: {  	_ =	shalt  }
0x55: {  	_ =	shalt  }
0x56: {  	_ =	shalt  }
0x57: {  	_ =	shalt  }
0x58: {  	_ =	shalt  }
0x59: {  	_ =	shalt  }
0x5a: {  	_ =	shalt  }
0x5b: {  	_ =	shalt  }
0x5c: {  	_ =	shalt  }
0x5d: {  	_ =	shalt  }
0x5e: {  	_ =	shalt  }
0x5f: {  	_ =	shalt  }
0x60: {  	_ =	shalt  }
0x61: {  	_ =	shalt  }
0x62: {  	_ =	shalt  }
0x63: {  	_ =	shalt  }
0x64: {  	_ =	shalt  }
0x65: {  	_ =	shalt  }
0x66: {  	_ =	shalt  }
0x67: {  	_ =	shalt  }
0x68: {  	_ =	shalt  }
0x69: {  	_ =	shalt  }
0x6a: {  	_ =	shalt  }
0x6b: {  	_ =	shalt  }
0x6c: {  	_ =	shalt  }
0x6d: {  	_ =	shalt  }
0x6e: {  	_ =	shalt  }
0x6f: {  	_ =	shalt  }
0x70: {  	_ =	shalt  }
0x71: {  	_ =	shalt  }
0x72: {  	_ =	shalt  }
0x73: {  	_ =	shalt  }
0x74: {  	_ =	shalt  }
0x75: {  	_ =	shalt  }
0x76: {  	_ =	shalt  }
0x77: {  	_ =	shalt  }
0x78: {  	_ =	shalt  }
0x79: {  	_ =	shalt  }
0x7a: {  	_ =	shalt  }
0x7b: {  	_ =	shalt  }
0x7c: {  	_ =	shalt  }
0x7d: {  	_ =	shalt  }
0x7e: {  	_ =	shalt  }
0x7f: {  	_ =	shalt  }
0x80: {  	_ =	shalt  }
0x81: {  	_ =	shalt  }
0x82: {  	_ =	shalt  }
0x83: {  	_ =	shalt  }
0x84: {  	_ =	shalt  }
0x85: {  	_ =	shalt  }
0x86: {  	_ =	shalt  }
0x87: {  	_ =	shalt  }
.Lfunc_end0:
.L_simem_size_0:
called_computation_lowered:
.L_overlay_start_0:
0x88: {  	s2 =	sld [smem:$0x3FD9]  }
0x89: {  	s3 =	sld [smem:$0x3FFE];
	_ =	sdelay $0x1  }
0x8a: {  	s1 =	srdreg.scid  }
0x8b: {  	s0 =	sand.u32 $0x1, s1  }
0x8c: {  	s17 =	sshll.u32 s0, $0xA;
	s2 =	sadd.s32 s3, s2  }
0x8d: {  	s2 =	sadd.s32 s2, s17  }
0x8e: {  	[smem:$0x3FC2] =	sst s2  }
0x8f: {  	_ = 	snop  }
0x90: {  	s2 =	sld [smem:$0x3FD0];
	(tm) =	ssettm $0x1  }
0x91: {  	s18 =	sld [smem:$0x3FFB];
	_ =	sdelay $0x3  }
0x92: {  	_ =	strace s18  }
0x93: {  	s3 =	sld [smem:$0x3FFC];
	_ =	sdelay $0x3  }
0x94: {  	_ =	strace s3  }
0x95: {  	s3 =	sld [smem:$0x3FFD];
	_ =	sdelay $0x3  }
0x96: {  	_ =	strace s3  }
0x97: {  	_ =	strace $0x8FFFFFFF  }
0x98: {  	s19 =	sld [smem:$0x3FDB];
	_ =	sdelay $0x1  }
0x99: {  	s4 =	simm.s32 $_scs_section_size  }
0x9a: {  	s5 =	simm.s32 $_size__tile_overlayer_lowered;
	s6 =	simm.s32 $_tile_overlayer_lowered  }
0x9b: {  	s22 =	simm.s32 $0x1BFF;
	s21 =	sshll.u32 s6, $0x1;
	s3 =	sadd.s32 s4, s19  }
0x9c: {  	s7 =	simm.s32 $0x0;
	s20 =	sshll.u32 s5, $0x1;
	s5 =	sadd.s32 s21, s3  }
0x9d: {  	[timem:s7], [sflag:s22] =	dma.local [hbm:s5], s20  }
0x9e: {  	_ =	swait.ge [sflag:s22], s20  }
0x9f: {  	s4 =	ssub.s32 $0x0, s20;
	[sflag:s22] =	ssyncset.done $0x0  }
0xa0: {  	[sflag:s22] =	ssyncadd.s32 s4;
	_ =	sdelay $0x1  }
0xa1: {  	s23 =	simm.s32 $0x1B8B  }
0xa2: {  	_ =	swait.ge [sflag:s23], $0x1  }
0xa3: {  	[sflag:s23] =	ssyncset.done $0x0  }
0xa4: {  	s25 =	simm.s32 $0x1B8E;
	s24 =	sld [smem:$0x3FFE];
	[sflag:s23] =	ssyncadd.s32 $0xFFFFFFFF  }
0xa5: {  	s26 =	simm.s32 $execute0_lowered;
	[smem:$0x3FD2] =	sst s25  }
0xa6: {  	s5 =	sshll.u32 s26, $0x1;
	_ =	strace $0x80000046;
	[dreg:$0x1] =	wrdreg $0xFFFFFFFF  }
0xa7: {  	s28 =	simm.s32 $_size_execute0_lowered;
	s3 =	sadd.s32 s3, s5;
	[dreg:$0x0] =	wrdreg $0x0  }
0xa8: {  	s5 =	sshll.u32 s28, $0x1;
	[dreg:$0x2] =	wrdreg s3  }
0xa9: {  	[dreg:$0x3] =	wrdreg s5  }
0xaa: {  	[dreg:$0x4] =	wrdreg $0xC0  }
0xab: {  	_ =	task [dreg:s7], $0x5FFFF  }
0xac: {  	[dreg:$0x1] =	wrdreg $0xFFFFFFFF  }
0xad: {  	[dreg:$0x0] =	wrdreg $0x60  }
0xae: {  	[dreg:$0x2] =	wrdreg s24  }
0xaf: {  	[dreg:$0x3] =	wrdreg s2  }
0xb0: {  	[dreg:$0x4] =	wrdreg $0xC6200  }
0xb1: {  	[dreg:$0x5] =	wrdreg $0x9  }
0xb2: {  	_ =	task.clear_ibuf [dreg:s7], $0x6FFFF;
	_ =	strace $0x90000046  }
0xb3: {  	s29 =	simm.s32 $0x9;
	_ =	strace $0x80000048  }
0xb4: {  	_ =	swait.ge [sflag:s29], $0x1  }
0xb5: {  	[sflag:s29] =	ssyncadd.s32 $0xFFFFFFFF  }
0xb6: {  	_ =	strace $0x90000048  }
0xb7: {  	_ =	sfence  }
0xb8: {  	s30 =	sld [smem:$0x0];
	_ =	sdelay $0x2  }
0xb9: {  	s31 =	sshll.u32 s1, $0xD;
	s1 =	sshrl.u32 s1, $0x2  }
0xba: {  	s3 =	sand.u32 $0x4000, s31;
	s1 =	sadd.s32 s1, s30  }
0xbb: {  	s0 =	sor.u32 s3, s0;
	s1 =	sshll.u32 s1, $0x11  }
0xbc: {  	s0 =	sor.u32 s1, s0  }
0xbd: {  	s0 =	sadd.s32 $0x8F2B, s0  }
0xbe: {  	[sflag:s0] =	ssyncadd.remote.s32 $0x1  }
0xbf: {  	_ =	sfence.sel $0xFFFF  }
0xc0: {  	[dreg:$0x0] =	wrdreg $0xFFFFFFFF;
	(pc) =	sbr.abs _section_cstart, $3  }
0xc1: {  	[dreg:$0x1] =	wrdreg $0xFFFFFFFF  }
0xc2: {  	_ =	task.clear_ibuf [dreg:s7], $0x2FFFF;
	_ =	strace $0x9FFFFFFF  }
0xc3: {  	(tm) =	ssettm $0x7FFFFFFF  }
tec
execute0_lowered:
.L_overlay_start_1:
0x0: {  	(tag) =	ssettag $0x1  }
0x1: {  	s0 =	srdreg.scid;
	s5 =	rddreg [dreg:$0x0]  }
0x2: {  	s24 =	stileid.u32;
	s2 =	rddreg [dreg:$0x1];
	s0 =	sand.u32 $0x1, s0  }
0x3: {  	s1 =	sshll.u32 s24, $0x1;
	s7 =	sadd.s32 $0x29200, s5;
	s9 =	sor.u32 $0x10, s24  }
0x4: {  	s11 =	sor.u32 $0x20, s24;
	s12 =	sor.u32 $0x30, s24;
	s15 =	sor.u32 $0x40, s24  }
0x5: {  	s17 =	sor.u32 $0x50, s24;
	s18 =	sor.u32 $0x60, s24;
	s8 =	smul.u32 $0x138800, s0  }
0x6: {  	s3 =	sor.u32 s0, s1;
	s4 =	ssub.s32 $0x2, s0;
	s0 =	smul.u32 $0x2800, s24  }
0x7: {  	s19 =	sor.u32 $0x70, s24;
	p1 =	sgt.u32 s24, $0xC;
	s20 =	smul.u32 $0x2800, s15  }
0x8: {  	s1 =	simm.s32 $0x0;
	s15 =	smul.u32 $0xA000, s15;
	p0 =	sgt.u32 s19, $0x7C  }
0x9: {  	s3 =	smul.u32 $0x2710, s3;
	[smem:$0x7FF] =	sst s1;
	s6 =	sshrl.u32 s4, $0x1  }
0xa: {  	s6 =	ssub.s32 s4, s6;
	s14 =	sadd.s32 s8, s0;
	s4 =	smul.u32 $0x2800, s12  }
0xb: {  	s26 =	sadd.s32 s8, s20;
	s3 =	sshrl.u32 s3, $0x3;
	s10 =	sshrl.u32 s14, $0x3  }
0xc: {  	s6 =	smax.u32 s6, $0x1;
	s25 =	sadd.s32 s2, s3;
	s2 =	smul.u32 $0x2800, s9  }
0xd: {  	s3 =	smul.u32 $0x2800, s11;
	s10 =	sadd.s32 s7, s10;
	s14 =	sadd.s32 s8, s4  }
0xe: {  	[dreg:$0x4] =	wrdreg s10;
	s14 =	sshrl.u32 s14, $0x3;
	s29 =	smov.u32 s25  }
0xf: {  	s13 =	sadd.s32 s8, s2;
	s21 =	sadd.s32 s8, s3;
	s23 =	sadd.s32 s7, s14  }
0x10: {  	s16 =	sshrl.u32 s13, $0x3;
	s13 =	sshrl.u32 s21, $0x3;
	s21 =	smul.u32 $0x2800, s17  }
0x11: {  	[dreg:$0x7] =	wrdreg s23;
	s23 =	smul.u32 $0x2800, s19;
	s10 =	sadd.s32 s7, s16  }
0x12: {  	s17 =	smul.u32 $0xA000, s17;
	s22 =	sadd.s32 s7, s13;
	[dreg:$0x5] =	wrdreg s10  }
0x13: {  	[dreg:$0x6] =	wrdreg s22;
	s22 =	smul.u32 $0x2800, s18;
	s10 =	sshrl.u32 s26, $0x3  }
0x14: {  	s28 =	sadd.s32 s8, s21;
	s26 =	smul.u32 $0xA000, s24;
	s10 =	sadd.s32 s7, s10  }
0x15: {  	s13 =	sshrl.u32 s28, $0x3;
	s28 =	smul.u32 $0xA000, s9;
	[dreg:$0x8] =	wrdreg s10  }
0x16: {  	s9 =	sshrl.u32 s15, $0x2;
	s13 =	sadd.s32 s7, s13;
	s10 =	rddreg [dreg:$0x2]  }
0x17: {  	s14 =	sadd.s32 s8, s22;
	s8 =	sadd.s32 s8, s23;
	[dreg:$0x9] =	wrdreg s13  }
0x18: {  	s16 =	sshrl.u32 s14, $0x3;
	s8 =	sshrl.u32 s8, $0x3;
	s14 =	sadd.s32 $0x28C00, s5  }
0x19: {  	s9 =	sadd.s32 s9, s10;
	s0 =	sadd.s32 s0, s10;
	s2 =	sadd.s32 s2, s10  }
0x1a: {  	s13 =	sadd.s32 s7, s16;
	s7 =	sadd.s32 s7, s8;
	s8 =	smul.u32 $0xA000, s11  }
0x1b: {  	s3 =	sadd.s32 s3, s10;
	s4 =	sadd.s32 s4, s10;
	s11 =	smul.u32 $0xA000, s12  }
0x1c: {  	s12 =	sshll.u32 s24, $0x6;
	s0 =	sshrl.u32 s0, $0x3;
	[dreg:$0xa] =	wrdreg s13  }
0x1d: {  	s24 =	sshrl.u32 s2, $0x3;
	s2 =	sadd.s32 $0x9C40, s25;
	[dreg:$0xb] =	wrdreg s7  }
0x1e: {  	s13 =	sadd.s32 $0x1A00, s5;
	s7 =	sshrl.u32 s26, $0x2;
	s26 =	smul.u32 $0xA000, s18  }
0x1f: {  	s16 =	sor.u32 $0x1C08, s12;
	s5 =	sshrl.u32 s28, $0x2;
	s28 =	smul.u32 $0xA000, s19  }
0x20: {  	s18 =	sadd.s32 s21, s10;
	s19 =	sadd.s32 s22, s10;
	s21 =	sshrl.u32 s9, $0x3  }
0x21: {  	_ =	strace $0x80000047;
	[dreg:$0xc] =	wrdreg s6;
	s6 =	sadd.s32 s7, s10  }
0x22: {  	s5 =	sadd.s32 s5, s10;
	s7 =	sshrl.u32 s8, $0x2;
	[dreg:$0x11] =	wrdreg s21  }
0x23: {  	s8 =	sshrl.u32 s11, $0x2;
	s11 =	sshrl.u32 s17, $0x2;
	[dreg:$0x15] =	wrdreg s0  }
0x24: {  	s17 =	sadd.s32 s20, s10;
	s20 =	sadd.s32 s23, s10;
	[dreg:$0x16] =	wrdreg s24  }
0x25: {  	s31 =	sshrl.u32 s18, $0x3;
	s9 =	sshrl.u32 s19, $0x3;
	s18 =	simm.s32 $0x5  }
0x26: {  	s19 =	simm.s32 $0x6;
	s7 =	sadd.s32 s7, s10;
	s8 =	sadd.s32 s8, s10  }
0x27: {  	s11 =	sadd.s32 s11, s10;
	s12 =	sshrl.u32 s26, $0x2;
	s15 =	sshrl.u32 s28, $0x2  }
0x28: {  	s6 =	sshrl.u32 s6, $0x3;
	s5 =	sshrl.u32 s5, $0x3;
	s26 =	sshrl.u32 s3, $0x3  }
0x29: {  	s28 =	sshrl.u32 s4, $0x3;
	s30 =	sshrl.u32 s17, $0x3;
	[dreg:$0xd] =	wrdreg s6  }
0x2a: {  	s0 =	sshrl.u32 @!p0 s20, $0x3;
	s3 =	simm.s32 $0x7;
	[dreg:$0xe] =	wrdreg s5  }
0x2b: {  	s4 =	simm.s32 $0x50;
	s17 =	simm.s32 $0x3;
	[dreg:$0x17] =	wrdreg s26  }
0x2c: {  	s20 =	simm.s32 $0x0;
	s7 =	sshrl.u32 s7, $0x3;
	[dreg:$0x18] =	wrdreg s28  }
0x2d: {  	s12 =	sadd.s32 s12, s10;
	s8 =	sshrl.u32 s8, $0x3;
	[dreg:$0xf] =	wrdreg s7  }
0x2e: {  	s15 =	sadd.s32 s15, s10;
	s22 =	sshrl.u32 s11, $0x3;
	[dreg:$0x10] =	wrdreg s8  }
0x2f: {  	s6 =	simm.s32 $0x7620;
	s11 =	simm.s32 $0x1;
	[dreg:$0x12] =	wrdreg s22  }
0x30: {  	s23 =	sshrl.u32 s12, $0x3;
	s5 =	sshrl.u32 @!p0 s15, $0x3;
	s7 =	simm.s32 $0x9E20  }
0x31: {  	s8 =	simm.s32 $0x8;
	s12 =	simm.s32 $0x2;
	[dreg:$0x13] =	wrdreg s23  }
0x32: {  	s15 =	simm.s32 $0x4;
	[dreg:$0x14] =	wrdreg s5;
	s5 =	simm.s32 $0x4E20  }
.LBB2_1:
0x33: {  	[tilespmem:s1], [sflag:$0x7] =	stream.linear.gather [hbm4b:s29+s1], $0x2710, $0x38;
	[tilespmem:$0x1FEA0] =	vst v63  }
0x34: {  	s21 =	simm.s32 $0x2710;
	s22 =	rddreg [dreg:$0xd]  }
0x35: {  	[tilespmem:s21], [sflag:$0x7] =	stream.linear.gather [hbm4b:s2+s1], $0x2710, $0x38;
	[tilespmem:$0x1FEA0] =	vst v63  }
0x36: {  	[spmem:s22], [sflag:s16] =	dma.local [hbm:s14], $0x500  }
0x37: {  	s21 =	rddreg [dreg:$0xe]  }
0x38: {  	[spmem:s21], [sflag:s16] =	dma.local [hbm:s14], $0x500  }
0x39: {  	s21 =	rddreg [dreg:$0xf]  }
0x3a: {  	[spmem:s21], [sflag:s16] =	dma.local [hbm:s14], $0x500  }
0x3b: {  	s21 =	rddreg [dreg:$0x10]  }
0x3c: {  	[spmem:s21], [sflag:s16] =	dma.local [hbm:s14], $0x500  }
0x3d: {  	s21 =	rddreg [dreg:$0x11]  }
0x3e: {  	[spmem:s21], [sflag:s16] =	dma.local [hbm:s14], $0x500  }
0x3f: {  	s21 =	rddreg [dreg:$0x12]  }
0x40: {  	[spmem:s21], [sflag:s16] =	dma.local [hbm:s14], $0x500  }
0x41: {  	s21 =	rddreg [dreg:$0x13]  }
0x42: {  	[spmem:s21], [sflag:s16] =	dma.local [hbm:s14], $0x500  }
0x43: {  	s21 =	rddreg [dreg:$0x14]  }
0x44: {  	[spmem:s21], [sflag:s16] =	dma.local @!p0 [hbm:s14], $0x500  }
0x45: {  	_ =	swait.ge [sflag:s3], $0x2710  }
0x46: {  	[sflag:s3] =	ssyncset.done $0x0  }
0x47: {  	[sflag:s3] =	ssyncadd.s32 $0xFFFFD8F0  }
0x48: {  	_ =	swait.ge [sflag:s3], $0x2710  }
0x49: {  	[sflag:s3] =	ssyncset.done $0x0  }
0x4a: {  	[sflag:s3] =	ssyncadd.s32 $0xFFFFD8F0  }
0x4b: {  	[tilespmem:s5], [sflag:$0x1] =	stream.indirect.gather [hbm4b:s13+s4], $0x80, s1, s4, $0xb8;
	[tilespmem:$0x1FEA0] =	vst v63  }
0x4c: {  	_ = 	snop  }
0x4d: {  	[tilespmem:s6], [sflag:$0x2] =	stream.indirect.gather [hbm4b:s13+s4], $0x80, s4, s4, $0xb8;
	[tilespmem:$0x1FEA0] =	vst v63  }
0x4e: {  	s23 =	simm.s32 $0xA0  }
0x4f: {  	[tilespmem:s7], [sflag:$0x3] =	stream.indirect.gather [hbm4b:s13+s4], $0x80, s23, s4, $0xb8;
	[tilespmem:$0x1FEA0] =	vst v63  }
0x50: {  	_ =	swait.ge [sflag:s8], $0x500  }
0x51: {  	[sflag:s8] =	ssyncset.done $0x0  }
0x52: {  	[sflag:s8] =	ssyncadd.s32 $0xFFFFFB00  }
0x53: {  	_ =	swait.ge [sflag:s8], $0x500  }
0x54: {  	[sflag:s8] =	ssyncset.done $0x0  }
0x55: {  	[sflag:s8] =	ssyncadd.s32 $0xFFFFFB00  }
0x56: {  	_ =	swait.ge [sflag:s8], $0x500  }
0x57: {  	[sflag:s8] =	ssyncset.done $0x0  }
0x58: {  	[sflag:s8] =	ssyncadd.s32 $0xFFFFFB00  }
0x59: {  	_ =	swait.ge [sflag:s8], $0x500  }
0x5a: {  	[sflag:s8] =	ssyncset.done $0x0  }
0x5b: {  	[sflag:s8] =	ssyncadd.s32 $0xFFFFFB00  }
0x5c: {  	_ =	swait.ge [sflag:s8], $0x500  }
0x5d: {  	[sflag:s8] =	ssyncset.done $0x0  }
0x5e: {  	[sflag:s8] =	ssyncadd.s32 $0xFFFFFB00  }
0x5f: {  	_ =	swait.ge [sflag:s8], $0x500  }
0x60: {  	[sflag:s8] =	ssyncset.done $0x0  }
0x61: {  	[sflag:s8] =	ssyncadd.s32 $0xFFFFFB00  }
0x62: {  	_ =	swait.ge [sflag:s8], $0x500  }
0x63: {  	[sflag:s8] =	ssyncset.done $0x0  }
0x64: {  	s21 =	simm.s32 @!p1 $0x8;
	[sflag:s8] =	ssyncadd.s32 $0xFFFFFB00  }
0x65: {  	_ =	swait.ge @!p1 [sflag:s21], $0x500  }
0x66: {  	[sflag:s21] =	ssyncset.done @!p1 $0x0  }
0x67: {  	[sflag:s21] =	ssyncadd.s32 @!p1 $0xFFFFFB00  }
0x68: {  	p2 =	por $0x1, $0x1;
	[bflag:$0x0] =	sbarrier.arrive $0xFFFF  }
0x69: {  	p3 =	por @!p2 $0x0, $0x0;
	_ =	swait.ge [sflag:s11], $0x2800  }
0x6a: {  	p2 =	por p3, p2;
	[sflag:s11] =	ssyncset.done $0x0  }
0x6b: {  	s24 =	simm.s32 $0x2710;
	s22 =	simm.s32 @!p2 $0x6;
	[sflag:s11] =	ssyncadd.s32 $0xFFFFD800  }
0x6c: {  	[spmem:s10] =	stream.indirect.scatter.add.f32 [tilespmem:s5], [sflag:$0x4], $0x80, s24, s4, $0xb8;
	[tilespmem:$0x1FEA0] =	vst v63  }
0x6d: {  	_ =	swait.ge @!p2 [sflag:s22], $0x2800  }
0x6e: {  	s23 =	simm.s32 @!p2 $0x50;
	[sflag:s22] =	ssyncset.done @!p2 $0x0  }
0x6f: {  	s21 =	simm.s32 @!p2 $0xA0;
	[sflag:s22] =	ssyncadd.s32 @!p2 $0xFFFFD800;
	s22 =	simm.s32 @!p2 $0x9E20  }
0x70: {  	[tilespmem:s22], [sflag:$0x3] =	stream.indirect.gather @!p2 [hbm4b:s13+s23], $0x80, s21, s23, $0xb8;
	[tilespmem:$0x1FEA0] =	vst v63  }
0x71: {  	_ =	swait.ge [sflag:s12], $0x2800  }
0x72: {  	[sflag:s12] =	ssyncset.done $0x0  }
0x73: {  	s25 =	simm.s32 $0x2760;
	[sflag:s12] =	ssyncadd.s32 $0xFFFFD800  }
0x74: {  	[spmem:s10] =	stream.indirect.scatter.add.f32 [tilespmem:s6], [sflag:$0x5], $0x80, s25, s4, $0xb8;
	[tilespmem:$0x1FEA0] =	vst v63  }
0x75: {  	_ =	swait.ge [sflag:s15], $0x2800  }
0x76: {  	[sflag:s15] =	ssyncset.done $0x0  }
0x77: {  	s26 =	simm.s32 $0xF0;
	[sflag:s15] =	ssyncadd.s32 $0xFFFFD800  }
0x78: {  	[tilespmem:s5], [sflag:$0x1] =	stream.indirect.gather [hbm4b:s13+s4], $0x80, s26, s4, $0xb8;
	[tilespmem:$0x1FEA0] =	vst v63  }
0x79: {  	_ =	swait.ge [sflag:s17], $0x2800  }
0x7a: {  	[sflag:s17] =	ssyncset.done $0x0  }
0x7b: {  	s28 =	simm.s32 $0x27B0;
	[sflag:s17] =	ssyncadd.s32 $0xFFFFD800  }
0x7c: {  	[spmem:s10] =	stream.indirect.scatter.add.f32 [tilespmem:s7], [sflag:$0x6], $0x80, s28, s4, $0xb8;
	[tilespmem:$0x1FEA0] =	vst v63  }
0x7d: {  	s21 =	simm.s32 $0x3C0;
	_ =	swait.ge [sflag:s18], $0x2800  }
0x7e: {  	s23 =	simm.s32 $0x140;
	s22 =	simm.s32 $0x1;
	[sflag:s18] =	ssyncset.done $0x0  }
.LBB2_2:
0x7f: {  	p2 =	seq.s32 s22, $0x0  }
0x80: {  	[sflag:s18] =	ssyncadd.s32 $0xFFFFD800;
	s24 =	smov.u32 s21;
	s21 =	sadd.s32 $0x3C0, s21  }
0x81: {  	[tilespmem:s6], [sflag:$0x2] =	stream.indirect.gather [hbm4b:s13+s4], $0x80, s23, s4, $0xb8;
	[tilespmem:$0x1FEA0] =	vst v63  }
0x82: {  	s23 =	sshra.s32 s24, $0x2;
	p3 =	seq.s32 @!p2 s22, $0x29;
	_ =	swait.ge [sflag:s11], $0x2800  }
0x83: {  	s25 =	sadd.s32 $0x2710, s23;
	p3 =	por p3, p2;
	[sflag:s11] =	ssyncset.done $0x0  }
0x84: {  	s26 =	simm.s32 @!p3 $0x6;
	s24 =	sshra.s32 @!p3 s24, $0x2;
	[sflag:s11] =	ssyncadd.s32 $0xFFFFD800  }
0x85: {  	[spmem:s10] =	stream.indirect.scatter.add.f32 [tilespmem:s5], [sflag:$0x4], $0x80, s25, s4, $0xb8;
	[tilespmem:$0x1FEA0] =	vst v63  }
0x86: {  	p2 =	sne.s32 s21, $0x99C0;
	s24 =	sadd.s32 @!p3 $0xA0, s24;
	_ =	swait.ge @!p3 [sflag:s26], $0x2800  }
0x87: {  	s28 =	simm.s32 @!p3 $0x9E20;
	s25 =	simm.s32 @!p3 $0x50;
	[sflag:s26] =	ssyncset.done @!p3 $0x0  }
0x88: {  	[sflag:s26] =	ssyncadd.s32 @!p3 $0xFFFFD800  }
0x89: {  	[tilespmem:s28], [sflag:$0x3] =	stream.indirect.gather @!p3 [hbm4b:s13+s25], $0x80, s24, s25, $0xb8;
	[tilespmem:$0x1FEA0] =	vst v63  }
0x8a: {  	_ =	swait.ge [sflag:s12], $0x2800  }
0x8b: {  	s24 =	sadd.s32 $0x2760, s23;
	[sflag:s12] =	ssyncset.done $0x0  }
0x8c: {  	[sflag:s12] =	ssyncadd.s32 $0xFFFFD800  }
0x8d: {  	[spmem:s10] =	stream.indirect.scatter.add.f32 [tilespmem:s6], [sflag:$0x5], $0x80, s24, s4, $0xb8;
	[tilespmem:$0x1FEA0] =	vst v63  }
0x8e: {  	_ =	swait.ge [sflag:s15], $0x2800  }
0x8f: {  	s24 =	sadd.s32 $0xF0, s23;
	[sflag:s15] =	ssyncset.done $0x0  }
0x90: {  	[sflag:s15] =	ssyncadd.s32 $0xFFFFD800  }
0x91: {  	[tilespmem:s5], [sflag:$0x1] =	stream.indirect.gather [hbm4b:s13+s4], $0x80, s24, s4, $0xb8;
	[tilespmem:$0x1FEA0] =	vst v63  }
0x92: {  	_ =	swait.ge [sflag:s17], $0x2800  }
.Ltmp0:
0x93: {  	s24 =	sadd.s32 $0x27B0, s23;
	[sflag:s17] =	ssyncset.done $0x0;
	(pc) =	sbr.rel @p2 .LBB2_2-.Ltmp0, $4  }
0x94: {  	[sflag:s17] =	ssyncadd.s32 $0xFFFFD800  }
0x95: {  	[spmem:s10] =	stream.indirect.scatter.add.f32 [tilespmem:s7], [sflag:$0x6], $0x80, s24, s4, $0xb8;
	[tilespmem:$0x1FEA0] =	vst v63  }
0x96: {  	_ =	swait.ge [sflag:s18], $0x2800  }
0x97: {  	s22 =	sadd.s32 $0x1, s22;
	s23 =	sadd.s32 $0x140, s23;
	[sflag:s18] =	ssyncset.done $0x0  }
0x98: {  	[sflag:s18] =	ssyncadd.s32 $0xFFFFD800  }
0x99: {  	[tilespmem:s6], [sflag:$0x2] =	stream.indirect.gather [hbm4b:s13+s4], $0x80, s23, s4, $0xb8;
	[tilespmem:$0x1FEA0] =	vst v63  }
0x9a: {  	_ =	swait.ge [sflag:s11], $0x2800  }
0x9b: {  	[sflag:s11] =	ssyncset.done $0x0  }
0x9c: {  	s21 =	simm.s32 $0x4D80;
	[sflag:s11] =	ssyncadd.s32 $0xFFFFD800  }
0x9d: {  	[spmem:s10] =	stream.indirect.scatter.add.f32 [tilespmem:s5], [sflag:$0x4], $0x80, s21, s4, $0xb8;
	[tilespmem:$0x1FEA0] =	vst v63  }
0x9e: {  	_ =	swait.ge [sflag:s12], $0x2800  }
0x9f: {  	[sflag:s12] =	ssyncset.done $0x0  }
0xa0: {  	s25 =	simm.s32 $0x4DD0;
	[sflag:s12] =	ssyncadd.s32 $0xFFFFD800  }
0xa1: {  	[spmem:s10] =	stream.indirect.scatter.add.f32 [tilespmem:s6], [sflag:$0x5], $0x80, s25, s4, $0xb8;
	[tilespmem:$0x1FEA0] =	vst v63  }
0xa2: {  	_ =	swait.ge [sflag:s15], $0x2800  }
0xa3: {  	[sflag:s15] =	ssyncset.done $0x0  }
0xa4: {  	[sflag:s15] =	ssyncadd.s32 $0xFFFFD800  }
0xa5: {  	_ =	swait.ge [sflag:s18], $0x2800  }
0xa6: {  	[sflag:s18] =	ssyncset.done $0x0  }
0xa7: {  	[sflag:s18] =	ssyncadd.s32 $0xFFFFD800  }
0xa8: {  	_ =	swait.ge [sflag:s19], $0x2800  }
0xa9: {  	[sflag:s19] =	ssyncset.done $0x0  }
0xaa: {  	[sflag:s19] =	ssyncadd.s32 $0xFFFFD800  }
0xab: {  	[bflag:$0x0] =	sbarrier.arrive $0xFFFF  }
0xac: {  	s26 =	rddreg [dreg:$0x4]  }
0xad: {  	s22 =	rddreg [dreg:$0x15]  }
0xae: {  	[hbm:s26], [sflag:s16] =	dma.local [spmem:s22], $0x500  }
0xaf: {  	s21 =	rddreg [dreg:$0x5]  }
0xb0: {  	s22 =	rddreg [dreg:$0x16]  }
0xb1: {  	[hbm:s21], [sflag:s16] =	dma.local [spmem:s22], $0x500  }
0xb2: {  	s21 =	rddreg [dreg:$0x6]  }
0xb3: {  	s22 =	rddreg [dreg:$0x17]  }
0xb4: {  	[hbm:s21], [sflag:s16] =	dma.local [spmem:s22], $0x500  }
0xb5: {  	s21 =	rddreg [dreg:$0x7]  }
0xb6: {  	s22 =	rddreg [dreg:$0x18]  }
0xb7: {  	[hbm:s21], [sflag:s16] =	dma.local [spmem:s22], $0x500  }
0xb8: {  	s21 =	rddreg [dreg:$0x8]  }
0xb9: {  	[hbm:s21], [sflag:s16] =	dma.local [spmem:s30], $0x500  }
0xba: {  	s21 =	rddreg [dreg:$0x9]  }
0xbb: {  	[hbm:s21], [sflag:s16] =	dma.local [spmem:s31], $0x500  }
0xbc: {  	s21 =	rddreg [dreg:$0xa]  }
0xbd: {  	[hbm:s21], [sflag:s16] =	dma.local [spmem:s9], $0x500  }
0xbe: {  	s21 =	rddreg [dreg:$0xb]  }
0xbf: {  	[hbm:s21], [sflag:s16] =	dma.local @!p0 [spmem:s0], $0x500  }
0xc0: {  	_ =	swait.ge [sflag:s8], $0x500  }
0xc1: {  	[sflag:s8] =	ssyncset.done $0x0  }
0xc2: {  	[sflag:s8] =	ssyncadd.s32 $0xFFFFFB00  }
0xc3: {  	_ =	swait.ge [sflag:s8], $0x500  }
0xc4: {  	[sflag:s8] =	ssyncset.done $0x0  }
0xc5: {  	[sflag:s8] =	ssyncadd.s32 $0xFFFFFB00  }
0xc6: {  	_ =	swait.ge [sflag:s8], $0x500  }
0xc7: {  	[sflag:s8] =	ssyncset.done $0x0  }
0xc8: {  	[sflag:s8] =	ssyncadd.s32 $0xFFFFFB00  }
0xc9: {  	_ =	swait.ge [sflag:s8], $0x500  }
0xca: {  	[sflag:s8] =	ssyncset.done $0x0  }
0xcb: {  	[sflag:s8] =	ssyncadd.s32 $0xFFFFFB00  }
0xcc: {  	_ =	swait.ge [sflag:s8], $0x500  }
0xcd: {  	[sflag:s8] =	ssyncset.done $0x0  }
0xce: {  	[sflag:s8] =	ssyncadd.s32 $0xFFFFFB00  }
0xcf: {  	_ =	swait.ge [sflag:s8], $0x500  }
0xd0: {  	[sflag:s8] =	ssyncset.done $0x0  }
0xd1: {  	[sflag:s8] =	ssyncadd.s32 $0xFFFFFB00  }
0xd2: {  	_ =	swait.ge [sflag:s8], $0x500  }
0xd3: {  	[sflag:s8] =	ssyncset.done $0x0  }
0xd4: {  	s21 =	simm.s32 @!p1 $0x8;
	[sflag:s8] =	ssyncadd.s32 $0xFFFFFB00  }
0xd5: {  	_ =	swait.ge @!p1 [sflag:s21], $0x500  }
0xd6: {  	s20 =	sadd.s32 $0x1, s20;
	s28 =	rddreg [dreg:$0xc]  }
0xd7: {  	p2 =	sne.s32 s20, s28  }
.Ltmp1:
0xd8: {  	_ = 	snop;
	(pc) =	sbr.rel @p2 .LBB2_1-.Ltmp1, $3  }
0xd9: {  	_ =	sdelay $0x1  }
0xda: {  	[sflag:s21] =	ssyncset.done @!p1 $0x0  }
0xdb: {  	[sflag:s21] =	ssyncadd.s32 @!p1 $0xFFFFFB00  }
0xdc: {  	_ =	sfence.sel $0x180000  }
0xdd: {  	[bflag:$0x0] =	sbarrier.arrive $0xFFFF  }
0xde: {  	_ =	strace $0x90000047  }
0xdf: {  	s0 =	stileid.u32;
	[bflag:$0x2] =	sbarrier.arrive $0xFFFF  }
0xe0: {  	p0 =	sne.s32 s0, $0x0;
	s0 =	rddreg [dreg:$0x3]  }
0xe1: {  	s0 =	sadd.s32 @!p0 $0x100000, s0  }
0xe2: {  	[sflag:s0] =	ssyncadd.tile.s32 @!p0 $0x1;
	_ =	shalt  }
.Lfunc_end2:
_tile_overlayer_lowered:
.L_overlay_start_2:
0xe3: {  	(tag) =	ssettag $0x2  }
0xe4: {  	s0 =	rddreg [dreg:$0x0];
	s2 =	stileid.u32  }
0xe5: {  	s1 =	rddreg [dreg:$0x1];
	p0 =	sne.s32 s2, $0x0  }
0xe6: {  	s3 =	rddreg [dreg:$0x2];
	[bflag:$0x3] =	sbarrier.arrive $0xFFFF;
	s2 =	simm.s32 @!p0 $0x1C09  }
0xe7: {  	[timem:s3], [sflag:s2] =	dma.local @!p0 [hbm:s0], s1  }
0xe8: {  	s0 =	simm.s32 @!p0 $0x9  }
0xe9: {  	_ =	swait.ge @!p0 [sflag:s0], s1  }
0xea: {  	s1 =	ssub.s32 @!p0 $0x0, s1;
	[sflag:s0] =	ssyncset.done @!p0 $0x0  }
0xeb: {  	[sflag:s0] =	ssyncadd.s32 @!p0 s1  }
0xec: {  	[bflag:$0x3] =	sbarrier.arrive $0xFFFF  }
0xed: {  	_ =	shalt  }

</sc_bundles>
